<compile_context>
chip_gen: v7x
topology: tpu7x:2x2x1
jax: 0.10.2.dev20260603
libtpu: 0.0.44.dev20260713+nightly
codegen_flags: <defaults>
</compile_context>

<pallas_src>
import jax
import jax.numpy as jnp
from jax import lax
from jax.experimental import pallas as pl
from jax.experimental.pallas import tpu as pltpu
from jax.experimental.pallas import tpu_sc as plsc

NW_SPIXELS = 32
NH_SPIXELS = 32
K = NW_SPIXELS * NH_SPIXELS
LANES = 16
NUM_CORES = 2
NUM_SUBCORES = 16
NUM_WORKERS = NUM_CORES * NUM_SUBCORES

TILE_R = 8
TILE_C = 128
TPX = TILE_R * TILE_C


def _sc_calc_assoc(pf_hbm, ptab_hbm, im_hbm, out_hbm, ptab_v, idx_v, pix_v,
                   out_v, isem0, isem1, psem0, psem1, osem0, osem1):
  B, C, NT = pf_hbm.shape[0], pf_hbm.shape[1], pf_hbm.shape[2]
  workers_per_batch = NUM_WORKERS // B
  n_chunks = NT // workers_per_batch

  isems = (isem0, isem1)
  psems = (psem0, psem1)
  osems = (osem0, osem1)

  wid = lax.axis_index("s") * NUM_CORES + lax.axis_index("c")
  b = wid // workers_per_batch
  base_t = (wid % workers_per_batch) * n_chunks

  pltpu.sync_copy(ptab_hbm.at[b], ptab_v)

  def in_copies(ci, k):
    t = base_t + ci
    return (
        pltpu.make_async_copy(im_hbm.at[b, t], idx_v.at[k], isems[k]),
        pltpu.make_async_copy(pf_hbm.at[b, :, t], pix_v.at[k], psems[k]),
    )

  def out_copy(ci, k):
    t = base_t + ci
    return pltpu.make_async_copy(out_v.at[k], out_hbm.at[b, :, t], osems[k])

  def start_in(ci, k):
    for cp in in_copies(ci, k):
      cp.start()

  start_in(0, 0)

  def compute(ci, k):
    idx_b, pix_b, out_b = idx_v.at[k], pix_v.at[k], out_v.at[k]
    n_vecs = TPX // LANES

    def addr(i):
      r = jnp.right_shift(i, 3)
      col = pl.multiple_of(
          jnp.left_shift(jnp.bitwise_and(i, 7), 4), LANES)
      return r, col

    def prefetch(i):
      r, col = addr(i)
      idx = idx_b[r, pl.ds(col, LANES)]
      sx = jnp.bitwise_and(idx, NW_SPIXELS - 1)
      sy = jnp.right_shift(idx, 5)
      nys = (jnp.maximum(sy - 1, 0), sy, jnp.minimum(sy + 1, NH_SPIXELS - 1))
      nxs = (jnp.maximum(sx - 1, 0), sx, jnp.minimum(sx + 1, NW_SPIXELS - 1))
      rows = [jnp.left_shift(ny, 5) for ny in nys]
      nidx = [row + nx for row in rows for nx in nxs]
      pp = []
      for cp in range(C // 2):
        a = pix_b[2 * cp, r, pl.ds(col, LANES)]
        bb = pix_b[2 * cp + 1, r, pl.ds(col, LANES)]
        pp.append(plsc.pack(a, bb, format=plsc.PackFormat.INTERLEAVED))
      return tuple(nidx), tuple(pp)

    def vec_body(i, carry2):
      r, col = addr(i)
      nidx, pp = carry2
      nxt = prefetch(jnp.minimum(i + 1, n_vecs - 1))
      acc = [None] * 9
      for cp in range(C // 2):
        row_ref = ptab_v.at[cp]
        for n in range(9):
          g = plsc.bitcast(plsc.load_gather(row_ref, [nidx[n]]), jnp.bfloat16)
          t = pp[cp] - g
          t = t * t
          acc[n] = t if acc[n] is None else acc[n] + t
      for n in range(9):
        ua, ub = plsc.unpack(acc[n], format=plsc.PackFormat.INTERLEAVED)
        out_b[n, r, pl.ds(col, LANES)] = ua + ub
      return nxt

    lax.fori_loop(0, n_vecs, vec_body, prefetch(0))

  def outer(j, carry):
    ci0 = 2 * j
    for k in (0, 1):
      ci = ci0 + k

      @pl.when(ci + 1 < n_chunks)
      def _():
        start_in(ci + 1, 1 - k)

      for cp in in_copies(ci, k):
        cp.wait()

      @pl.when(ci >= 2)
      def _():
        out_copy(ci - 2, k).wait()

      compute(ci, k)
      out_copy(ci, k).start()
    return carry

  lax.fori_loop(0, n_chunks // 2, outer, 0)
  out_copy(n_chunks - 2, 0).wait()
  out_copy(n_chunks - 1, 1).wait()


def kernel(pixel_feats, spixel_feats, index_map):
  B, C, H, W = pixel_feats.shape
  NT = (H // TILE_R) * (W // TILE_C)

  HB, WT = H // TILE_R, W // TILE_C
  pf = (pixel_feats.reshape(B, C, HB, TILE_R, WT, TILE_C)
        .transpose(0, 1, 2, 4, 3, 5).reshape(B, C, NT, TILE_R, TILE_C))
  im = (index_map.reshape(B, HB, TILE_R, WT, TILE_C)
        .transpose(0, 1, 3, 2, 4).reshape(B, NT, TILE_R, TILE_C))

  sb = spixel_feats.astype(jnp.bfloat16)
  lo = lax.bitcast_convert_type(sb[:, 0::2, :], jnp.uint16).astype(jnp.uint32)
  hi = lax.bitcast_convert_type(sb[:, 1::2, :], jnp.uint16).astype(jnp.uint32)
  ptab = lax.bitcast_convert_type(lo | (hi << 16), jnp.int32)

  mesh = plsc.VectorSubcoreMesh(
      core_axis_name="c", subcore_axis_name="s",
      num_cores=NUM_CORES, num_subcores=NUM_SUBCORES)
  run = pl.kernel(
      _sc_calc_assoc,
      out_type=jax.ShapeDtypeStruct((B, 9, NT, TILE_R, TILE_C), jnp.float32),
      mesh=mesh,
      compiler_params=pltpu.CompilerParams(use_tc_tiling_on_sc=False,
                                           needs_layout_passes=False),
      scratch_types=[
          pltpu.VMEM((C // 2, K), jnp.int32),
          pltpu.VMEM((2, TILE_R, TILE_C), jnp.int32),
          pltpu.VMEM((2, C, TILE_R, TILE_C), jnp.float32),
          pltpu.VMEM((2, 9, TILE_R, TILE_C), jnp.float32),
      ] + [pltpu.SemaphoreType.DMA] * 6,
  )
  out = run(pf, ptab, im)
  out = (out.reshape(B, 9, HB, WT, TILE_R, TILE_C)
         .transpose(0, 1, 2, 4, 3, 5).reshape(B, 9, H, W))
  return out

# --- scband reference (transcript-rebuilt; emitter-appended) ---
"""Pipeline reference for scband-calc-assoc-53145925321404 (READ-ONLY COPY).

The authoritative reference and input builder live on the scoring server;
editing this copy changes nothing except your own understanding.
"""

import jax, jax.numpy as jnp
import numpy as np

NW_SPIXELS = 32
NH_SPIXELS = 32


def setup_inputs(seed: int = 0) -> dict:
    key = jax.random.key(seed)
    k1, k2, k3 = jax.random.split(key, 3)
    B, C, H, W = 4, 20, 512, 512
    K = NW_SPIXELS * NH_SPIXELS
    pixel_feats = jax.random.normal(k1, (B, C, H, W), dtype=jnp.float32)
    spixel_feats = jax.random.normal(k2, (B, C, K), dtype=jnp.float32)
    index_map = jax.random.randint(k3, (B, H, W), 0, K, dtype=jnp.int32)
    return {"pixel_feats": pixel_feats, "spixel_feats": spixel_feats, "index_map": index_map}


def reference(pixel_feats, spixel_feats, index_map):
    # SSN-style calc_assoc: for each pixel, gather the 3x3 neighborhood of
    # superpixel centers around the superpixel that the pixel currently
    # belongs to (via index_map), and compute the squared Euclidean distance
    # between the pixel feature and each of the 9 gathered superpixel features.
    # Output: [B, 9, H, W]. Out-of-range neighbor grid coords are clamped.
    B, C, H, W = pixel_feats.shape
    spix_x = index_map % NW_SPIXELS  # [B, H, W]
    spix_y = index_map // NW_SPIXELS  # [B, H, W]
    outs = []
    for dy in (-1, 0, 1):
        for dx in (-1, 0, 1):
            nx = jnp.clip(spix_x + dx, 0, NW_SPIXELS - 1)
            ny = jnp.clip(spix_y + dy, 0, NH_SPIXELS - 1)
            nidx = (ny * NW_SPIXELS + nx).reshape(B, 1, H * W)  # [B, 1, H*W]
            # gather neighbor superpixel features per batch: [B, C, H*W]
            sf = jnp.take_along_axis(spixel_feats, nidx, axis=2)
            sf = sf.reshape(B, C, H, W)
            d = jnp.sum((pixel_feats - sf) ** 2, axis=1)  # [B, H, W]
            outs.append(d)
    return jnp.stack(outs, axis=1)  # [B, 9, H, W]

if __name__ == "__main__":
    import jax
    _d = setup_inputs()
    print(jax.jit(kernel)(*tuple(_d.values())))

</pallas_src>

<mosaic_0001>
#map = affine_map<(d0, d1) -> (0, 0, 0, 0, 0)>
#map1 = affine_map<(d0, d1) -> (0, 0, 0)>
#map2 = affine_map<(d0, d1) -> (0, 0, 0, 0)>
module attributes {stable_mosaic.version = 14 : i64} {
  func.func @_sc_calc_assoc(%arg0: i32, %arg1: i32, %arg2: memref<4x20x256x8x128xf32, #tpu.memory_space<hbm>>, %arg3: memref<4x10x1024xi32, #tpu.memory_space<hbm>>, %arg4: memref<4x256x8x128xi32, #tpu.memory_space<hbm>>, %arg5: memref<4x9x256x8x128xf32, #tpu.memory_space<hbm>>, %arg6: memref<10x1024xi32, #tpu.memory_space<vmem>>, %arg7: memref<2x8x128xi32, #tpu.memory_space<vmem>>, %arg8: memref<2x20x8x128xf32, #tpu.memory_space<vmem>>, %arg9: memref<2x9x8x128xf32, #tpu.memory_space<vmem>>, %arg10: memref<!tpu.dma_semaphore, #tpu.memory_space<semaphore_mem>>, %arg11: memref<!tpu.dma_semaphore, #tpu.memory_space<semaphore_mem>>, %arg12: memref<!tpu.dma_semaphore, #tpu.memory_space<semaphore_mem>>, %arg13: memref<!tpu.dma_semaphore, #tpu.memory_space<semaphore_mem>>, %arg14: memref<!tpu.dma_semaphore, #tpu.memory_space<semaphore_mem>>, %arg15: memref<!tpu.dma_semaphore, #tpu.memory_space<semaphore_mem>>) attributes {dimension_semantics = [#tpu.dimension_semantics<core_parallel>, #tpu.dimension_semantics<subcore_parallel>], iteration_bounds = array<i64: 2, 16>, scalar_prefetch = 0 : i64, scratch_operands = 10 : i64, tpu.core_type = #tpu.core_type<sc_vector_subcore>, window_params = [{transform_indices = #map}, {transform_indices = #map1}, {transform_indices = #map2}, {transform_indices = #map}]} {
    %mul3A = arith.constant 2 : i32
    %mul3A_0 = arith.muli %arg1, %mul3A : i32
    %add3A = arith.addi %mul3A_0, %arg0 : i32
    %jit3A = arith.constant 8 : i32
    %div3A = arith.divsi %add3A, %jit3A : i32
    %sign3A = arith.constant 0 : i32
    %sign3A_1 = arith.cmpi sgt, %add3A, %sign3A : i32
    %sign3A_2 = arith.extui %sign3A_1 : i1 to i32
    %sign3A_3 = arith.constant 0 : i32
    %sign3A_4 = arith.cmpi slt, %add3A, %sign3A_3 : i32
    %sign3A_5 = arith.extui %sign3A_4 : i1 to i32
    %sign3A_6 = arith.subi %sign3A_2, %sign3A_5 : i32
    %sign3A_7 = arith.constant 0 : i32
    %sign3A_8 = arith.cmpi sgt, %jit3A, %sign3A_7 : i32
    %sign3A_9 = arith.extui %sign3A_8 : i1 to i32
    %sign3A_10 = arith.constant 0 : i32
    %sign3A_11 = arith.cmpi slt, %jit3A, %sign3A_10 : i32
    %sign3A_12 = arith.extui %sign3A_11 : i1 to i32
    %sign3A_13 = arith.subi %sign3A_9, %sign3A_12 : i32
    %ne3A = arith.cmpi ne, %sign3A_6, %sign3A_13 : i32
    %rem3A = arith.remsi %add3A, %jit3A : i32
    %ne3A_14 = arith.constant 0 : i32
    %ne3A_15 = arith.cmpi ne, %rem3A, %ne3A_14 : i32
    %and3A = arith.andi %ne3A, %ne3A_15 : i1
    %sub3A = arith.constant 1 : i32
    %sub3A_16 = arith.subi %div3A, %sub3A : i32
    %select_n3A = arith.select %and3A, %sub3A_16, %div3A : i32
    %jit3A_17 = arith.constant 8 : i32
    %eq3A = arith.constant 0 : i32
    %eq3A_18 = arith.cmpi eq, %jit3A_17, %eq3A : i32
    %jit3A_19 = arith.constant 1 : i32
    %select_n3A_20 = arith.select %eq3A_18, %jit3A_19, %jit3A_17 : i32
    %rem3A_21 = arith.remsi %add3A, %select_n3A_20 : i32
    %ne3A_22 = arith.constant 0 : i32
    %ne3A_23 = arith.cmpi ne, %rem3A_21, %ne3A_22 : i32
    %lt3A = arith.constant 0 : i32
    %lt3A_24 = arith.cmpi slt, %rem3A_21, %lt3A : i32
    %lt3A_25 = arith.constant 0 : i32
    %lt3A_26 = arith.cmpi slt, %select_n3A_20, %lt3A_25 : i32
    %ne3A_27 = arith.xori %lt3A_24, %lt3A_26 : i1
    %and3A_28 = arith.andi %ne3A_27, %ne3A_23 : i1
    %add3A_29 = arith.addi %rem3A_21, %select_n3A_20 : i32
    %select_n3A_30 = arith.select %and3A_28, %add3A_29, %rem3A_21 : i32
    %mul3A_31 = arith.constant 32 : i32
    %mul3A_32 = arith.muli %select_n3A_30, %mul3A_31 : i32
    "tpu.region"() ({
      %run_scoped3A = tpu.sem_alloc : memref<!tpu.dma_semaphore, #tpu.memory_space<semaphore_mem>>
      %dma_start3A_122 = arith.constant 0 : i32
      %dma_start3A_123 = arith.constant 0 : i32
      %dma_start3A_124 = tpu.memref_slice %arg3[%select_n3A, %dma_start3A_122, %dma_start3A_123] : memref<4x10x1024xi32, #tpu.memory_space<hbm>> -> memref<1x10x1024xi32, #tpu.memory_space<hbm>>
      %dma_start3A_125 = tpu.memref_squeeze %dma_start3A_124 : memref<1x10x1024xi32, #tpu.memory_space<hbm>> -> memref<10x1024xi32, #tpu.memory_space<hbm>>
      %dma_start3A_126 = arith.constant 0 : i32
      %dma_start3A_127 = arith.constant 0 : i32
      %dma_start3A_128 = tpu.memref_slice %arg3[%select_n3A, %dma_start3A_126, %dma_start3A_127] : memref<4x10x1024xi32, #tpu.memory_space<hbm>> -> memref<1x10x1024xi32, #tpu.memory_space<hbm>>
      %dma_start3A_129 = tpu.memref_squeeze %dma_start3A_128 : memref<1x10x1024xi32, #tpu.memory_space<hbm>> -> memref<10x1024xi32, #tpu.memory_space<hbm>>
      tpu.enqueue_dma source(%dma_start3A_129 : memref<10x1024xi32, #tpu.memory_space<hbm>>) target(%arg6 : memref<10x1024xi32, #tpu.memory_space<vmem>>) target_semaphore(%run_scoped3A : memref<!tpu.dma_semaphore, #tpu.memory_space<semaphore_mem>>)
      %dma_wait3A_130 = arith.constant 0 : i32
      %dma_wait3A_131 = arith.constant 0 : i32
      %dma_wait3A_132 = tpu.memref_slice %arg3[%select_n3A, %dma_wait3A_130, %dma_wait3A_131] : memref<4x10x1024xi32, #tpu.memory_space<hbm>> -> memref<1x10x1024xi32, #tpu.memory_space<hbm>>
      %dma_wait3A_133 = tpu.memref_squeeze %dma_wait3A_132 : memref<1x10x1024xi32, #tpu.memory_space<hbm>> -> memref<10x1024xi32, #tpu.memory_space<hbm>>
      %dma_wait3A_134 = arith.constant 0 : i32
      %dma_wait3A_135 = arith.constant 0 : i32
      %dma_wait3A_136 = tpu.memref_slice %arg3[%select_n3A, %dma_wait3A_134, %dma_wait3A_135] : memref<4x10x1024xi32, #tpu.memory_space<hbm>> -> memref<1x10x1024xi32, #tpu.memory_space<hbm>>
      %dma_wait3A_137 = tpu.memref_squeeze %dma_wait3A_136 : memref<1x10x1024xi32, #tpu.memory_space<hbm>> -> memref<10x1024xi32, #tpu.memory_space<hbm>>
      tpu.wait_dma2 semaphore(%run_scoped3A : memref<!tpu.dma_semaphore, #tpu.memory_space<semaphore_mem>>) src(%dma_wait3A_137 : memref<10x1024xi32, #tpu.memory_space<hbm>>) dst(%arg6 : memref<10x1024xi32, #tpu.memory_space<vmem>>)
      tpu.yield
    }) : () -> ()
    %add3A_33 = arith.constant 0 : i32
    %add3A_34 = arith.addi %mul3A_32, %add3A_33 : i32
    %dma_start3A = arith.constant 0 : i32
    %dma_start3A_35 = arith.constant 0 : i32
    %dma_start3A_36 = arith.constant 0 : i32
    %dma_start3A_37 = tpu.memref_slice %arg7[%dma_start3A, %dma_start3A_35, %dma_start3A_36] : memref<2x8x128xi32, #tpu.memory_space<vmem>> -> memref<1x8x128xi32, #tpu.memory_space<vmem>>
    %dma_start3A_38 = tpu.memref_squeeze %dma_start3A_37 : memref<1x8x128xi32, #tpu.memory_space<vmem>> -> memref<8x128xi32, #tpu.memory_space<vmem>>
    %dma_start3A_39 = arith.constant 0 : i32
    %dma_start3A_40 = arith.constant 0 : i32
    %dma_start3A_41 = tpu.memref_slice %arg4[%select_n3A, %add3A_34, %dma_start3A_39, %dma_start3A_40] : memref<4x256x8x128xi32, #tpu.memory_space<hbm>> -> memref<1x1x8x128xi32, #tpu.memory_space<hbm>>
    %dma_start3A_42 = tpu.memref_squeeze %dma_start3A_41 : memref<1x1x8x128xi32, #tpu.memory_space<hbm>> -> memref<8x128xi32, #tpu.memory_space<hbm>>
    %dma_start3A_43 = arith.constant 0 : i32
    %dma_start3A_44 = arith.constant 0 : i32
    %dma_start3A_45 = tpu.memref_slice %arg7[%dma_start3A, %dma_start3A_43, %dma_start3A_44] : memref<2x8x128xi32, #tpu.memory_space<vmem>> -> memref<1x8x128xi32, #tpu.memory_space<vmem>>
    %dma_start3A_46 = tpu.memref_squeeze %dma_start3A_45 : memref<1x8x128xi32, #tpu.memory_space<vmem>> -> memref<8x128xi32, #tpu.memory_space<vmem>>
    %dma_start3A_47 = arith.constant 0 : i32
    %dma_start3A_48 = arith.constant 0 : i32
    %dma_start3A_49 = tpu.memref_slice %arg4[%select_n3A, %add3A_34, %dma_start3A_47, %dma_start3A_48] : memref<4x256x8x128xi32, #tpu.memory_space<hbm>> -> memref<1x1x8x128xi32, #tpu.memory_space<hbm>>
    %dma_start3A_50 = tpu.memref_squeeze %dma_start3A_49 : memref<1x1x8x128xi32, #tpu.memory_space<hbm>> -> memref<8x128xi32, #tpu.memory_space<hbm>>
    tpu.enqueue_dma source(%dma_start3A_50 : memref<8x128xi32, #tpu.memory_space<hbm>>) target(%dma_start3A_46 : memref<8x128xi32, #tpu.memory_space<vmem>>) target_semaphore(%arg10 : memref<!tpu.dma_semaphore, #tpu.memory_space<semaphore_mem>>)
    %dma_start3A_51 = arith.constant 0 : i32
    %dma_start3A_52 = arith.constant 0 : i32
    %dma_start3A_53 = arith.constant 0 : i32
    %dma_start3A_54 = arith.constant 0 : i32
    %dma_start3A_55 = tpu.memref_slice %arg8[%dma_start3A_51, %dma_start3A_52, %dma_start3A_53, %dma_start3A_54] : memref<2x20x8x128xf32, #tpu.memory_space<vmem>> -> memref<1x20x8x128xf32, #tpu.memory_space<vmem>>
    %dma_start3A_56 = tpu.memref_squeeze %dma_start3A_55 : memref<1x20x8x128xf32, #tpu.memory_space<vmem>> -> memref<20x8x128xf32, #tpu.memory_space<vmem>>
    %dma_start3A_57 = arith.constant 0 : i32
    %dma_start3A_58 = arith.constant 0 : i32
    %dma_start3A_59 = arith.constant 0 : i32
    %dma_start3A_60 = tpu.memref_slice %arg2[%select_n3A, %dma_start3A_57, %add3A_34, %dma_start3A_58, %dma_start3A_59] : memref<4x20x256x8x128xf32, #tpu.memory_space<hbm>> -> memref<1x20x1x8x128xf32, #tpu.memory_space<hbm>>
    %dma_start3A_61 = tpu.memref_squeeze %dma_start3A_60 : memref<1x20x1x8x128xf32, #tpu.memory_space<hbm>> -> memref<20x8x128xf32, #tpu.memory_space<hbm>>
    %dma_start3A_62 = arith.constant 0 : i32
    %dma_start3A_63 = arith.constant 0 : i32
    %dma_start3A_64 = arith.constant 0 : i32
    %dma_start3A_65 = tpu.memref_slice %arg8[%dma_start3A_51, %dma_start3A_62, %dma_start3A_63, %dma_start3A_64] : memref<2x20x8x128xf32, #tpu.memory_space<vmem>> -> memref<1x20x8x128xf32, #tpu.memory_space<vmem>>
    %dma_start3A_66 = tpu.memref_squeeze %dma_start3A_65 : memref<1x20x8x128xf32, #tpu.memory_space<vmem>> -> memref<20x8x128xf32, #tpu.memory_space<vmem>>
    %dma_start3A_67 = arith.constant 0 : i32
    %dma_start3A_68 = arith.constant 0 : i32
    %dma_start3A_69 = arith.constant 0 : i32
    %dma_start3A_70 = tpu.memref_slice %arg2[%select_n3A, %dma_start3A_67, %add3A_34, %dma_start3A_68, %dma_start3A_69] : memref<4x20x256x8x128xf32, #tpu.memory_space<hbm>> -> memref<1x20x1x8x128xf32, #tpu.memory_space<hbm>>
    %dma_start3A_71 = tpu.memref_squeeze %dma_start3A_70 : memref<1x20x1x8x128xf32, #tpu.memory_space<hbm>> -> memref<20x8x128xf32, #tpu.memory_space<hbm>>
    tpu.enqueue_dma source(%dma_start3A_71 : memref<20x8x128xf32, #tpu.memory_space<hbm>>) target(%dma_start3A_66 : memref<20x8x128xf32, #tpu.memory_space<vmem>>) target_semaphore(%arg12 : memref<!tpu.dma_semaphore, #tpu.memory_space<semaphore_mem>>)
    %scan3A = arith.constant 0 : i32
    %scan3A_72 = arith.constant 0 : i32
    %scan3A_73 = arith.constant 16 : i32
    %scan3A_74 = arith.addi %scan3A_72, %scan3A_73 : i32
    %scan3A_75 = arith.constant 1 : i32
    scf.for %scan3A_122 = %scan3A_72 to %scan3A_74 step %scan3A_75  : i32 {
      %mul3A_123 = arith.constant 2 : i32
      %mul3A_124 = arith.muli %mul3A_123, %scan3A_122 : i32
      %add3A_125 = arith.constant 0 : i32
      %add3A_126 = arith.addi %mul3A_124, %add3A_125 : i32
      %add3A_127 = arith.constant 1 : i32
      %add3A_128 = arith.addi %add3A_126, %add3A_127 : i32
      %lt3A_129 = arith.constant 32 : i32
      %lt3A_130 = arith.cmpi slt, %add3A_128, %lt3A_129 : i32
      %convert_element_type3A = arith.extui %lt3A_130 : i1 to i32
      %cond3A = arith.constant 0 : i32
      %cond3A_131 = arith.cmpi ne, %convert_element_type3A, %cond3A : i32
      scf.if %cond3A_131 {
        %add3A_873 = arith.constant 1 : i32
        %add3A_874 = arith.addi %add3A_126, %add3A_873 : i32
        %add3A_875 = arith.addi %mul3A_32, %add3A_874 : i32
        %dma_start3A_876 = arith.constant 1 : i32
        %dma_start3A_877 = arith.constant 0 : i32
        %dma_start3A_878 = arith.constant 0 : i32
        %dma_start3A_879 = tpu.memref_slice %arg7[%dma_start3A_876, %dma_start3A_877, %dma_start3A_878] : memref<2x8x128xi32, #tpu.memory_space<vmem>> -> memref<1x8x128xi32, #tpu.memory_space<vmem>>
        %dma_start3A_880 = tpu.memref_squeeze %dma_start3A_879 : memref<1x8x128xi32, #tpu.memory_space<vmem>> -> memref<8x128xi32, #tpu.memory_space<vmem>>
        %dma_start3A_881 = arith.constant 0 : i32
        %dma_start3A_882 = arith.constant 0 : i32
        %dma_start3A_883 = tpu.memref_slice %arg4[%select_n3A, %add3A_875, %dma_start3A_881, %dma_start3A_882] : memref<4x256x8x128xi32, #tpu.memory_space<hbm>> -> memref<1x1x8x128xi32, #tpu.memory_space<hbm>>
        %dma_start3A_884 = tpu.memref_squeeze %dma_start3A_883 : memref<1x1x8x128xi32, #tpu.memory_space<hbm>> -> memref<8x128xi32, #tpu.memory_space<hbm>>
        %dma_start3A_885 = arith.constant 0 : i32
        %dma_start3A_886 = arith.constant 0 : i32
        %dma_start3A_887 = tpu.memref_slice %arg7[%dma_start3A_876, %dma_start3A_885, %dma_start3A_886] : memref<2x8x128xi32, #tpu.memory_space<vmem>> -> memref<1x8x128xi32, #tpu.memory_space<vmem>>
        %dma_start3A_888 = tpu.memref_squeeze %dma_start3A_887 : memref<1x8x128xi32, #tpu.memory_space<vmem>> -> memref<8x128xi32, #tpu.memory_space<vmem>>
        %dma_start3A_889 = arith.constant 0 : i32
        %dma_start3A_890 = arith.constant 0 : i32
        %dma_start3A_891 = tpu.memref_slice %arg4[%select_n3A, %add3A_875, %dma_start3A_889, %dma_start3A_890] : memref<4x256x8x128xi32, #tpu.memory_space<hbm>> -> memref<1x1x8x128xi32, #tpu.memory_space<hbm>>
        %dma_start3A_892 = tpu.memref_squeeze %dma_start3A_891 : memref<1x1x8x128xi32, #tpu.memory_space<hbm>> -> memref<8x128xi32, #tpu.memory_space<hbm>>
        tpu.enqueue_dma source(%dma_start3A_892 : memref<8x128xi32, #tpu.memory_space<hbm>>) target(%dma_start3A_888 : memref<8x128xi32, #tpu.memory_space<vmem>>) target_semaphore(%arg11 : memref<!tpu.dma_semaphore, #tpu.memory_space<semaphore_mem>>)
        %dma_start3A_893 = arith.constant 1 : i32
        %dma_start3A_894 = arith.constant 0 : i32
        %dma_start3A_895 = arith.constant 0 : i32
        %dma_start3A_896 = arith.constant 0 : i32
        %dma_start3A_897 = tpu.memref_slice %arg8[%dma_start3A_893, %dma_start3A_894, %dma_start3A_895, %dma_start3A_896] : memref<2x20x8x128xf32, #tpu.memory_space<vmem>> -> memref<1x20x8x128xf32, #tpu.memory_space<vmem>>
        %dma_start3A_898 = tpu.memref_squeeze %dma_start3A_897 : memref<1x20x8x128xf32, #tpu.memory_space<vmem>> -> memref<20x8x128xf32, #tpu.memory_space<vmem>>
        %dma_start3A_899 = arith.constant 0 : i32
        %dma_start3A_900 = arith.constant 0 : i32
        %dma_start3A_901 = arith.constant 0 : i32
        %dma_start3A_902 = tpu.memref_slice %arg2[%select_n3A, %dma_start3A_899, %add3A_875, %dma_start3A_900, %dma_start3A_901] : memref<4x20x256x8x128xf32, #tpu.memory_space<hbm>> -> memref<1x20x1x8x128xf32, #tpu.memory_space<hbm>>
        %dma_start3A_903 = tpu.memref_squeeze %dma_start3A_902 : memref<1x20x1x8x128xf32, #tpu.memory_space<hbm>> -> memref<20x8x128xf32, #tpu.memory_space<hbm>>
        %dma_start3A_904 = arith.constant 0 : i32
        %dma_start3A_905 = arith.constant 0 : i32
        %dma_start3A_906 = arith.constant 0 : i32
        %dma_start3A_907 = tpu.memref_slice %arg8[%dma_start3A_893, %dma_start3A_904, %dma_start3A_905, %dma_start3A_906] : memref<2x20x8x128xf32, #tpu.memory_space<vmem>> -> memref<1x20x8x128xf32, #tpu.memory_space<vmem>>
        %dma_start3A_908 = tpu.memref_squeeze %dma_start3A_907 : memref<1x20x8x128xf32, #tpu.memory_space<vmem>> -> memref<20x8x128xf32, #tpu.memory_space<vmem>>
        %dma_start3A_909 = arith.constant 0 : i32
        %dma_start3A_910 = arith.constant 0 : i32
        %dma_start3A_911 = arith.constant 0 : i32
        %dma_start3A_912 = tpu.memref_slice %arg2[%select_n3A, %dma_start3A_909, %add3A_875, %dma_start3A_910, %dma_start3A_911] : memref<4x20x256x8x128xf32, #tpu.memory_space<hbm>> -> memref<1x20x1x8x128xf32, #tpu.memory_space<hbm>>
        %dma_start3A_913 = tpu.memref_squeeze %dma_start3A_912 : memref<1x20x1x8x128xf32, #tpu.memory_space<hbm>> -> memref<20x8x128xf32, #tpu.memory_space<hbm>>
        tpu.enqueue_dma source(%dma_start3A_913 : memref<20x8x128xf32, #tpu.memory_space<hbm>>) target(%dma_start3A_908 : memref<20x8x128xf32, #tpu.memory_space<vmem>>) target_semaphore(%arg13 : memref<!tpu.dma_semaphore, #tpu.memory_space<semaphore_mem>>)
      } else {
      }
      %add3A_132 = arith.addi %mul3A_32, %add3A_126 : i32
      %dma_wait3A_133 = arith.constant 0 : i32
      %dma_wait3A_134 = arith.constant 0 : i32
      %dma_wait3A_135 = arith.constant 0 : i32
      %dma_wait3A_136 = tpu.memref_slice %arg7[%dma_wait3A_133, %dma_wait3A_134, %dma_wait3A_135] : memref<2x8x128xi32, #tpu.memory_space<vmem>> -> memref<1x8x128xi32, #tpu.memory_space<vmem>>
      %dma_wait3A_137 = tpu.memref_squeeze %dma_wait3A_136 : memref<1x8x128xi32, #tpu.memory_space<vmem>> -> memref<8x128xi32, #tpu.memory_space<vmem>>
      %dma_wait3A_138 = arith.constant 0 : i32
      %dma_wait3A_139 = arith.constant 0 : i32
      %dma_wait3A_140 = tpu.memref_slice %arg4[%select_n3A, %add3A_132, %dma_wait3A_138, %dma_wait3A_139] : memref<4x256x8x128xi32, #tpu.memory_space<hbm>> -> memref<1x1x8x128xi32, #tpu.memory_space<hbm>>
      %dma_wait3A_141 = tpu.memref_squeeze %dma_wait3A_140 : memref<1x1x8x128xi32, #tpu.memory_space<hbm>> -> memref<8x128xi32, #tpu.memory_space<hbm>>
      %dma_wait3A_142 = arith.constant 0 : i32
      %dma_wait3A_143 = arith.constant 0 : i32
      %dma_wait3A_144 = tpu.memref_slice %arg7[%dma_wait3A_133, %dma_wait3A_142, %dma_wait3A_143] : memref<2x8x128xi32, #tpu.memory_space<vmem>> -> memref<1x8x128xi32, #tpu.memory_space<vmem>>
      %dma_wait3A_145 = tpu.memref_squeeze %dma_wait3A_144 : memref<1x8x128xi32, #tpu.memory_space<vmem>> -> memref<8x128xi32, #tpu.memory_space<vmem>>
      %dma_wait3A_146 = arith.constant 0 : i32
      %dma_wait3A_147 = arith.constant 0 : i32
      %dma_wait3A_148 = tpu.memref_slice %arg4[%select_n3A, %add3A_132, %dma_wait3A_146, %dma_wait3A_147] : memref<4x256x8x128xi32, #tpu.memory_space<hbm>> -> memref<1x1x8x128xi32, #tpu.memory_space<hbm>>
      %dma_wait3A_149 = tpu.memref_squeeze %dma_wait3A_148 : memref<1x1x8x128xi32, #tpu.memory_space<hbm>> -> memref<8x128xi32, #tpu.memory_space<hbm>>
      tpu.wait_dma2 semaphore(%arg10 : memref<!tpu.dma_semaphore, #tpu.memory_space<semaphore_mem>>) src(%dma_wait3A_149 : memref<8x128xi32, #tpu.memory_space<hbm>>) dst(%dma_wait3A_145 : memref<8x128xi32, #tpu.memory_space<vmem>>)
      %dma_wait3A_150 = arith.constant 0 : i32
      %dma_wait3A_151 = arith.constant 0 : i32
      %dma_wait3A_152 = arith.constant 0 : i32
      %dma_wait3A_153 = arith.constant 0 : i32
      %dma_wait3A_154 = tpu.memref_slice %arg8[%dma_wait3A_150, %dma_wait3A_151, %dma_wait3A_152, %dma_wait3A_153] : memref<2x20x8x128xf32, #tpu.memory_space<vmem>> -> memref<1x20x8x128xf32, #tpu.memory_space<vmem>>
      %dma_wait3A_155 = tpu.memref_squeeze %dma_wait3A_154 : memref<1x20x8x128xf32, #tpu.memory_space<vmem>> -> memref<20x8x128xf32, #tpu.memory_space<vmem>>
      %dma_wait3A_156 = arith.constant 0 : i32
      %dma_wait3A_157 = arith.constant 0 : i32
      %dma_wait3A_158 = arith.constant 0 : i32
      %dma_wait3A_159 = tpu.memref_slice %arg2[%select_n3A, %dma_wait3A_156, %add3A_132, %dma_wait3A_157, %dma_wait3A_158] : memref<4x20x256x8x128xf32, #tpu.memory_space<hbm>> -> memref<1x20x1x8x128xf32, #tpu.memory_space<hbm>>
      %dma_wait3A_160 = tpu.memref_squeeze %dma_wait3A_159 : memref<1x20x1x8x128xf32, #tpu.memory_space<hbm>> -> memref<20x8x128xf32, #tpu.memory_space<hbm>>
      %dma_wait3A_161 = arith.constant 0 : i32
      %dma_wait3A_162 = arith.constant 0 : i32
      %dma_wait3A_163 = arith.constant 0 : i32
      %dma_wait3A_164 = tpu.memref_slice %arg8[%dma_wait3A_150, %dma_wait3A_161, %dma_wait3A_162, %dma_wait3A_163] : memref<2x20x8x128xf32, #tpu.memory_space<vmem>> -> memref<1x20x8x128xf32, #tpu.memory_space<vmem>>
      %dma_wait3A_165 = tpu.memref_squeeze %dma_wait3A_164 : memref<1x20x8x128xf32, #tpu.memory_space<vmem>> -> memref<20x8x128xf32, #tpu.memory_space<vmem>>
      %dma_wait3A_166 = arith.constant 0 : i32
      %dma_wait3A_167 = arith.constant 0 : i32
      %dma_wait3A_168 = arith.constant 0 : i32
      %dma_wait3A_169 = tpu.memref_slice %arg2[%select_n3A, %dma_wait3A_166, %add3A_132, %dma_wait3A_167, %dma_wait3A_168] : memref<4x20x256x8x128xf32, #tpu.memory_space<hbm>> -> memref<1x20x1x8x128xf32, #tpu.memory_space<hbm>>
      %dma_wait3A_170 = tpu.memref_squeeze %dma_wait3A_169 : memref<1x20x1x8x128xf32, #tpu.memory_space<hbm>> -> memref<20x8x128xf32, #tpu.memory_space<hbm>>
      tpu.wait_dma2 semaphore(%arg12 : memref<!tpu.dma_semaphore, #tpu.memory_space<semaphore_mem>>) src(%dma_wait3A_170 : memref<20x8x128xf32, #tpu.memory_space<hbm>>) dst(%dma_wait3A_165 : memref<20x8x128xf32, #tpu.memory_space<vmem>>)
      %ge3A = arith.constant 2 : i32
      %ge3A_171 = arith.cmpi sge, %add3A_126, %ge3A : i32
      %convert_element_type3A_172 = arith.extui %ge3A_171 : i1 to i32
      %cond3A_173 = arith.constant 0 : i32
      %cond3A_174 = arith.cmpi ne, %convert_element_type3A_172, %cond3A_173 : i32
      scf.if %cond3A_174 {
        %sub3A_873 = arith.constant 2 : i32
        %sub3A_874 = arith.subi %add3A_126, %sub3A_873 : i32
        %add3A_875 = arith.addi %mul3A_32, %sub3A_874 : i32
        %dma_wait3A_876 = arith.constant 0 : i32
        %dma_wait3A_877 = arith.constant 0 : i32
        %dma_wait3A_878 = arith.constant 0 : i32
        %dma_wait3A_879 = arith.constant 0 : i32
        %dma_wait3A_880 = tpu.memref_slice %arg9[%dma_wait3A_876, %dma_wait3A_877, %dma_wait3A_878, %dma_wait3A_879] : memref<2x9x8x128xf32, #tpu.memory_space<vmem>> -> memref<1x9x8x128xf32, #tpu.memory_space<vmem>>
        %dma_wait3A_881 = tpu.memref_squeeze %dma_wait3A_880 : memref<1x9x8x128xf32, #tpu.memory_space<vmem>> -> memref<9x8x128xf32, #tpu.memory_space<vmem>>
        %dma_wait3A_882 = arith.constant 0 : i32
        %dma_wait3A_883 = arith.constant 0 : i32
        %dma_wait3A_884 = arith.constant 0 : i32
        %dma_wait3A_885 = tpu.memref_slice %arg5[%select_n3A, %dma_wait3A_882, %add3A_875, %dma_wait3A_883, %dma_wait3A_884] : memref<4x9x256x8x128xf32, #tpu.memory_space<hbm>> -> memref<1x9x1x8x128xf32, #tpu.memory_space<hbm>>
        %dma_wait3A_886 = tpu.memref_squeeze %dma_wait3A_885 : memref<1x9x1x8x128xf32, #tpu.memory_space<hbm>> -> memref<9x8x128xf32, #tpu.memory_space<hbm>>
        %dma_wait3A_887 = arith.constant 0 : i32
        %dma_wait3A_888 = arith.constant 0 : i32
        %dma_wait3A_889 = arith.constant 0 : i32
        %dma_wait3A_890 = tpu.memref_slice %arg5[%select_n3A, %dma_wait3A_887, %add3A_875, %dma_wait3A_888, %dma_wait3A_889] : memref<4x9x256x8x128xf32, #tpu.memory_space<hbm>> -> memref<1x9x1x8x128xf32, #tpu.memory_space<hbm>>
        %dma_wait3A_891 = tpu.memref_squeeze %dma_wait3A_890 : memref<1x9x1x8x128xf32, #tpu.memory_space<hbm>> -> memref<9x8x128xf32, #tpu.memory_space<hbm>>
        %dma_wait3A_892 = arith.constant 0 : i32
        %dma_wait3A_893 = arith.constant 0 : i32
        %dma_wait3A_894 = arith.constant 0 : i32
        %dma_wait3A_895 = tpu.memref_slice %arg9[%dma_wait3A_876, %dma_wait3A_892, %dma_wait3A_893, %dma_wait3A_894] : memref<2x9x8x128xf32, #tpu.memory_space<vmem>> -> memref<1x9x8x128xf32, #tpu.memory_space<vmem>>
        %dma_wait3A_896 = tpu.memref_squeeze %dma_wait3A_895 : memref<1x9x8x128xf32, #tpu.memory_space<vmem>> -> memref<9x8x128xf32, #tpu.memory_space<vmem>>
        tpu.wait_dma2 semaphore(%arg14 : memref<!tpu.dma_semaphore, #tpu.memory_space<semaphore_mem>>) src(%dma_wait3A_896 : memref<9x8x128xf32, #tpu.memory_space<vmem>>) dst(%dma_wait3A_891 : memref<9x8x128xf32, #tpu.memory_space<hbm>>)
      } else {
      }
      %shift_right_arithmetic3A = arith.constant 0 : i32
      %shift_right_arithmetic3A_175 = arith.constant 3 : i32
      %shift_right_arithmetic3A_176 = arith.shrsi %shift_right_arithmetic3A, %shift_right_arithmetic3A_175 : i32
      %and3A_177 = arith.constant 0 : i32
      %and3A_178 = arith.constant 7 : i32
      %and3A_179 = arith.andi %and3A_177, %and3A_178 : i32
      %shift_left3A = arith.constant 4 : i32
      %shift_left3A_180 = arith.shli %and3A_179, %shift_left3A : i32
      %multiple_of3A = tpu.assume_multiple %shift_left3A_180, 16 : i32
      %get3A = arith.constant 0 : i32
      %get3A_181 = arith.constant 0 : i32
      %get3A_182 = arith.constant 0 : i32
      %get3A_183 = tpu.memref_slice %arg7[%get3A, %get3A_181, %get3A_182] : memref<2x8x128xi32, #tpu.memory_space<vmem>> -> memref<1x8x128xi32, #tpu.memory_space<vmem>>
      %get3A_184 = tpu.memref_squeeze %get3A_183 : memref<1x8x128xi32, #tpu.memory_space<vmem>> -> memref<8x128xi32, #tpu.memory_space<vmem>>
      %get3A_185 = arith.index_cast %shift_right_arithmetic3A_176 : i32 to index
      %get3A_186 = arith.index_cast %multiple_of3A : i32 to index
      %get3A_187 = tpu.vector_load %get3A_184[%get3A_185, %get3A_186] {strides = array<i32>} : memref<8x128xi32, #tpu.memory_space<vmem>>, vector<16xi32>,
      %and3A_188 = arith.constant 31 : i32
      %and3A_189 = vector.broadcast %and3A_188 : i32 to vector<16xi32>
      %and3A_190 = arith.andi %get3A_187, %and3A_189 : vector<16xi32>
      %shift_right_arithmetic3A_191 = arith.constant 5 : i32
      %shift_right_arithmetic3A_192 = vector.broadcast %shift_right_arithmetic3A_191 : i32 to vector<16xi32>
      %shift_right_arithmetic3A_193 = arith.shrsi %get3A_187, %shift_right_arithmetic3A_192 : vector<16xi32>
      %sub3A_194 = arith.constant 1 : i32
      %sub3A_195 = vector.broadcast %sub3A_194 : i32 to vector<16xi32>
      %sub3A_196 = arith.subi %shift_right_arithmetic3A_193, %sub3A_195 : vector<16xi32>
      %max3A = arith.constant 0 : i32
      %max3A_197 = vector.broadcast %max3A : i32 to vector<16xi32>
      %max3A_198 = arith.maxsi %sub3A_196, %max3A_197 : vector<16xi32>
      %add3A_199 = arith.constant 1 : i32
      %add3A_200 = vector.broadcast %add3A_199 : i32 to vector<16xi32>
      %add3A_201 = arith.addi %shift_right_arithmetic3A_193, %add3A_200 : vector<16xi32>
      %min3A = arith.constant 31 : i32
      %min3A_202 = vector.broadcast %min3A : i32 to vector<16xi32>
      %min3A_203 = arith.minsi %add3A_201, %min3A_202 : vector<16xi32>
      %sub3A_204 = arith.constant 1 : i32
      %sub3A_205 = vector.broadcast %sub3A_204 : i32 to vector<16xi32>
      %sub3A_206 = arith.subi %and3A_190, %sub3A_205 : vector<16xi32>
      %max3A_207 = arith.constant 0 : i32
      %max3A_208 = vector.broadcast %max3A_207 : i32 to vector<16xi32>
      %max3A_209 = arith.maxsi %sub3A_206, %max3A_208 : vector<16xi32>
      %add3A_210 = arith.constant 1 : i32
      %add3A_211 = vector.broadcast %add3A_210 : i32 to vector<16xi32>
      %add3A_212 = arith.addi %and3A_190, %add3A_211 : vector<16xi32>
      %min3A_213 = arith.constant 31 : i32
      %min3A_214 = vector.broadcast %min3A_213 : i32 to vector<16xi32>
      %min3A_215 = arith.minsi %add3A_212, %min3A_214 : vector<16xi32>
      %shift_left3A_216 = arith.constant 5 : i32
      %shift_left3A_217 = vector.broadcast %shift_left3A_216 : i32 to vector<16xi32>
      %shift_left3A_218 = arith.shli %max3A_198, %shift_left3A_217 : vector<16xi32>
      %shift_left3A_219 = arith.constant 5 : i32
      %shift_left3A_220 = vector.broadcast %shift_left3A_219 : i32 to vector<16xi32>
      %shift_left3A_221 = arith.shli %shift_right_arithmetic3A_193, %shift_left3A_220 : vector<16xi32>
      %shift_left3A_222 = arith.constant 5 : i32
      %shift_left3A_223 = vector.broadcast %shift_left3A_222 : i32 to vector<16xi32>
      %shift_left3A_224 = arith.shli %min3A_203, %shift_left3A_223 : vector<16xi32>
      %add3A_225 = arith.addi %shift_left3A_218, %max3A_209 : vector<16xi32>
      %add3A_226 = arith.addi %shift_left3A_218, %and3A_190 : vector<16xi32>
      %add3A_227 = arith.addi %shift_left3A_218, %min3A_215 : vector<16xi32>
      %add3A_228 = arith.addi %shift_left3A_221, %max3A_209 : vector<16xi32>
      %add3A_229 = arith.addi %shift_left3A_221, %and3A_190 : vector<16xi32>
      %add3A_230 = arith.addi %shift_left3A_221, %min3A_215 : vector<16xi32>
      %add3A_231 = arith.addi %shift_left3A_224, %max3A_209 : vector<16xi32>
      %add3A_232 = arith.addi %shift_left3A_224, %and3A_190 : vector<16xi32>
      %add3A_233 = arith.addi %shift_left3A_224, %min3A_215 : vector<16xi32>
      %get3A_234 = arith.constant 0 : i32
      %get3A_235 = arith.constant 0 : i32
      %get3A_236 = arith.constant 0 : i32
      %get3A_237 = arith.constant 0 : i32
      %get3A_238 = arith.constant 0 : i32
      %get3A_239 = tpu.memref_slice %arg8[%get3A_234, %get3A_236, %get3A_237, %get3A_238] : memref<2x20x8x128xf32, #tpu.memory_space<vmem>> -> memref<1x20x8x128xf32, #tpu.memory_space<vmem>>
      %get3A_240 = tpu.memref_squeeze %get3A_239 : memref<1x20x8x128xf32, #tpu.memory_space<vmem>> -> memref<20x8x128xf32, #tpu.memory_space<vmem>>
      %get3A_241 = arith.index_cast %get3A_235 : i32 to index
      %get3A_242 = arith.index_cast %shift_right_arithmetic3A_176 : i32 to index
      %get3A_243 = arith.index_cast %multiple_of3A : i32 to index
      %get3A_244 = tpu.vector_load %get3A_240[%get3A_241, %get3A_242, %get3A_243] {strides = array<i32>} : memref<20x8x128xf32, #tpu.memory_space<vmem>>, vector<16xf32>,
      %get3A_245 = arith.constant 0 : i32
      %get3A_246 = arith.constant 1 : i32
      %get3A_247 = arith.constant 0 : i32
      %get3A_248 = arith.constant 0 : i32
      %get3A_249 = arith.constant 0 : i32
      %get3A_250 = tpu.memref_slice %arg8[%get3A_245, %get3A_247, %get3A_248, %get3A_249] : memref<2x20x8x128xf32, #tpu.memory_space<vmem>> -> memref<1x20x8x128xf32, #tpu.memory_space<vmem>>
      %get3A_251 = tpu.memref_squeeze %get3A_250 : memref<1x20x8x128xf32, #tpu.memory_space<vmem>> -> memref<20x8x128xf32, #tpu.memory_space<vmem>>
      %get3A_252 = arith.index_cast %get3A_246 : i32 to index
      %get3A_253 = arith.index_cast %shift_right_arithmetic3A_176 : i32 to index
      %get3A_254 = arith.index_cast %multiple_of3A : i32 to index
      %get3A_255 = tpu.vector_load %get3A_251[%get3A_252, %get3A_253, %get3A_254] {strides = array<i32>} : memref<20x8x128xf32, #tpu.memory_space<vmem>>, vector<16xf32>,
      %pack3A = tpu.pack_subelements %get3A_244, %get3A_255 {pack_format = #tpu.pack_format<interleaved>, positions = array<i32: 0, 1>} : vector<16xf32>, vector<16xf32> -> vector<32xbf16>
      %get3A_256 = arith.constant 0 : i32
      %get3A_257 = arith.constant 2 : i32
      %get3A_258 = arith.constant 0 : i32
      %get3A_259 = arith.constant 0 : i32
      %get3A_260 = arith.constant 0 : i32
      %get3A_261 = tpu.memref_slice %arg8[%get3A_256, %get3A_258, %get3A_259, %get3A_260] : memref<2x20x8x128xf32, #tpu.memory_space<vmem>> -> memref<1x20x8x128xf32, #tpu.memory_space<vmem>>
      %get3A_262 = tpu.memref_squeeze %get3A_261 : memref<1x20x8x128xf32, #tpu.memory_space<vmem>> -> memref<20x8x128xf32, #tpu.memory_space<vmem>>
      %get3A_263 = arith.index_cast %get3A_257 : i32 to index
      %get3A_264 = arith.index_cast %shift_right_arithmetic3A_176 : i32 to index
      %get3A_265 = arith.index_cast %multiple_of3A : i32 to index
      %get3A_266 = tpu.vector_load %get3A_262[%get3A_263, %get3A_264, %get3A_265] {strides = array<i32>} : memref<20x8x128xf32, #tpu.memory_space<vmem>>, vector<16xf32>,
      %get3A_267 = arith.constant 0 : i32
      %get3A_268 = arith.constant 3 : i32
      %get3A_269 = arith.constant 0 : i32
      %get3A_270 = arith.constant 0 : i32
      %get3A_271 = arith.constant 0 : i32
      %get3A_272 = tpu.memref_slice %arg8[%get3A_267, %get3A_269, %get3A_270, %get3A_271] : memref<2x20x8x128xf32, #tpu.memory_space<vmem>> -> memref<1x20x8x128xf32, #tpu.memory_space<vmem>>
      %get3A_273 = tpu.memref_squeeze %get3A_272 : memref<1x20x8x128xf32, #tpu.memory_space<vmem>> -> memref<20x8x128xf32, #tpu.memory_space<vmem>>
      %get3A_274 = arith.index_cast %get3A_268 : i32 to index
      %get3A_275 = arith.index_cast %shift_right_arithmetic3A_176 : i32 to index
      %get3A_276 = arith.index_cast %multiple_of3A : i32 to index
      %get3A_277 = tpu.vector_load %get3A_273[%get3A_274, %get3A_275, %get3A_276] {strides = array<i32>} : memref<20x8x128xf32, #tpu.memory_space<vmem>>, vector<16xf32>,
      %pack3A_278 = tpu.pack_subelements %get3A_266, %get3A_277 {pack_format = #tpu.pack_format<interleaved>, positions = array<i32: 0, 1>} : vector<16xf32>, vector<16xf32> -> vector<32xbf16>
      %get3A_279 = arith.constant 0 : i32
      %get3A_280 = arith.constant 4 : i32
      %get3A_281 = arith.constant 0 : i32
      %get3A_282 = arith.constant 0 : i32
      %get3A_283 = arith.constant 0 : i32
      %get3A_284 = tpu.memref_slice %arg8[%get3A_279, %get3A_281, %get3A_282, %get3A_283] : memref<2x20x8x128xf32, #tpu.memory_space<vmem>> -> memref<1x20x8x128xf32, #tpu.memory_space<vmem>>
      %get3A_285 = tpu.memref_squeeze %get3A_284 : memref<1x20x8x128xf32, #tpu.memory_space<vmem>> -> memref<20x8x128xf32, #tpu.memory_space<vmem>>
      %get3A_286 = arith.index_cast %get3A_280 : i32 to index
      %get3A_287 = arith.index_cast %shift_right_arithmetic3A_176 : i32 to index
      %get3A_288 = arith.index_cast %multiple_of3A : i32 to index
      %get3A_289 = tpu.vector_load %get3A_285[%get3A_286, %get3A_287, %get3A_288] {strides = array<i32>} : memref<20x8x128xf32, #tpu.memory_space<vmem>>, vector<16xf32>,
      %get3A_290 = arith.constant 0 : i32
      %get3A_291 = arith.constant 5 : i32
      %get3A_292 = arith.constant 0 : i32
      %get3A_293 = arith.constant 0 : i32
      %get3A_294 = arith.constant 0 : i32
      %get3A_295 = tpu.memref_slice %arg8[%get3A_290, %get3A_292, %get3A_293, %get3A_294] : memref<2x20x8x128xf32, #tpu.memory_space<vmem>> -> memref<1x20x8x128xf32, #tpu.memory_space<vmem>>
      %get3A_296 = tpu.memref_squeeze %get3A_295 : memref<1x20x8x128xf32, #tpu.memory_space<vmem>> -> memref<20x8x128xf32, #tpu.memory_space<vmem>>
      %get3A_297 = arith.index_cast %get3A_291 : i32 to index
      %get3A_298 = arith.index_cast %shift_right_arithmetic3A_176 : i32 to index
      %get3A_299 = arith.index_cast %multiple_of3A : i32 to index
      %get3A_300 = tpu.vector_load %get3A_296[%get3A_297, %get3A_298, %get3A_299] {strides = array<i32>} : memref<20x8x128xf32, #tpu.memory_space<vmem>>, vector<16xf32>,
      %pack3A_301 = tpu.pack_subelements %get3A_289, %get3A_300 {pack_format = #tpu.pack_format<interleaved>, positions = array<i32: 0, 1>} : vector<16xf32>, vector<16xf32> -> vector<32xbf16>
      %get3A_302 = arith.constant 0 : i32
      %get3A_303 = arith.constant 6 : i32
      %get3A_304 = arith.constant 0 : i32
      %get3A_305 = arith.constant 0 : i32
      %get3A_306 = arith.constant 0 : i32
      %get3A_307 = tpu.memref_slice %arg8[%get3A_302, %get3A_304, %get3A_305, %get3A_306] : memref<2x20x8x128xf32, #tpu.memory_space<vmem>> -> memref<1x20x8x128xf32, #tpu.memory_space<vmem>>
      %get3A_308 = tpu.memref_squeeze %get3A_307 : memref<1x20x8x128xf32, #tpu.memory_space<vmem>> -> memref<20x8x128xf32, #tpu.memory_space<vmem>>
      %get3A_309 = arith.index_cast %get3A_303 : i32 to index
      %get3A_310 = arith.index_cast %shift_right_arithmetic3A_176 : i32 to index
      %get3A_311 = arith.index_cast %multiple_of3A : i32 to index
      %get3A_312 = tpu.vector_load %get3A_308[%get3A_309, %get3A_310, %get3A_311] {strides = array<i32>} : memref<20x8x128xf32, #tpu.memory_space<vmem>>, vector<16xf32>,
      %get3A_313 = arith.constant 0 : i32
      %get3A_314 = arith.constant 7 : i32
      %get3A_315 = arith.constant 0 : i32
      %get3A_316 = arith.constant 0 : i32
      %get3A_317 = arith.constant 0 : i32
      %get3A_318 = tpu.memref_slice %arg8[%get3A_313, %get3A_315, %get3A_316, %get3A_317] : memref<2x20x8x128xf32, #tpu.memory_space<vmem>> -> memref<1x20x8x128xf32, #tpu.memory_space<vmem>>
      %get3A_319 = tpu.memref_squeeze %get3A_318 : memref<1x20x8x128xf32, #tpu.memory_space<vmem>> -> memref<20x8x128xf32, #tpu.memory_space<vmem>>
      %get3A_320 = arith.index_cast %get3A_314 : i32 to index
      %get3A_321 = arith.index_cast %shift_right_arithmetic3A_176 : i32 to index
      %get3A_322 = arith.index_cast %multiple_of3A : i32 to index
      %get3A_323 = tpu.vector_load %get3A_319[%get3A_320, %get3A_321, %get3A_322] {strides = array<i32>} : memref<20x8x128xf32, #tpu.memory_space<vmem>>, vector<16xf32>,
      %pack3A_324 = tpu.pack_subelements %get3A_312, %get3A_323 {pack_format = #tpu.pack_format<interleaved>, positions = array<i32: 0, 1>} : vector<16xf32>, vector<16xf32> -> vector<32xbf16>
      %get3A_325 = arith.constant 0 : i32
      %get3A_326 = arith.constant 8 : i32
      %get3A_327 = arith.constant 0 : i32
      %get3A_328 = arith.constant 0 : i32
      %get3A_329 = arith.constant 0 : i32
      %get3A_330 = tpu.memref_slice %arg8[%get3A_325, %get3A_327, %get3A_328, %get3A_329] : memref<2x20x8x128xf32, #tpu.memory_space<vmem>> -> memref<1x20x8x128xf32, #tpu.memory_space<vmem>>
      %get3A_331 = tpu.memref_squeeze %get3A_330 : memref<1x20x8x128xf32, #tpu.memory_space<vmem>> -> memref<20x8x128xf32, #tpu.memory_space<vmem>>
      %get3A_332 = arith.index_cast %get3A_326 : i32 to index
      %get3A_333 = arith.index_cast %shift_right_arithmetic3A_176 : i32 to index
      %get3A_334 = arith.index_cast %multiple_of3A : i32 to index
      %get3A_335 = tpu.vector_load %get3A_331[%get3A_332, %get3A_333, %get3A_334] {strides = array<i32>} : memref<20x8x128xf32, #tpu.memory_space<vmem>>, vector<16xf32>,
      %get3A_336 = arith.constant 0 : i32
      %get3A_337 = arith.constant 9 : i32
      %get3A_338 = arith.constant 0 : i32
      %get3A_339 = arith.constant 0 : i32
      %get3A_340 = arith.constant 0 : i32
      %get3A_341 = tpu.memref_slice %arg8[%get3A_336, %get3A_338, %get3A_339, %get3A_340] : memref<2x20x8x128xf32, #tpu.memory_space<vmem>> -> memref<1x20x8x128xf32, #tpu.memory_space<vmem>>
      %get3A_342 = tpu.memref_squeeze %get3A_341 : memref<1x20x8x128xf32, #tpu.memory_space<vmem>> -> memref<20x8x128xf32, #tpu.memory_space<vmem>>
      %get3A_343 = arith.index_cast %get3A_337 : i32 to index
      %get3A_344 = arith.index_cast %shift_right_arithmetic3A_176 : i32 to index
      %get3A_345 = arith.index_cast %multiple_of3A : i32 to index
      %get3A_346 = tpu.vector_load %get3A_342[%get3A_343, %get3A_344, %get3A_345] {strides = array<i32>} : memref<20x8x128xf32, #tpu.memory_space<vmem>>, vector<16xf32>,
      %pack3A_347 = tpu.pack_subelements %get3A_335, %get3A_346 {pack_format = #tpu.pack_format<interleaved>, positions = array<i32: 0, 1>} : vector<16xf32>, vector<16xf32> -> vector<32xbf16>
      %get3A_348 = arith.constant 0 : i32
      %get3A_349 = arith.constant 10 : i32
      %get3A_350 = arith.constant 0 : i32
      %get3A_351 = arith.constant 0 : i32
      %get3A_352 = arith.constant 0 : i32
      %get3A_353 = tpu.memref_slice %arg8[%get3A_348, %get3A_350, %get3A_351, %get3A_352] : memref<2x20x8x128xf32, #tpu.memory_space<vmem>> -> memref<1x20x8x128xf32, #tpu.memory_space<vmem>>
      %get3A_354 = tpu.memref_squeeze %get3A_353 : memref<1x20x8x128xf32, #tpu.memory_space<vmem>> -> memref<20x8x128xf32, #tpu.memory_space<vmem>>
      %get3A_355 = arith.index_cast %get3A_349 : i32 to index
      %get3A_356 = arith.index_cast %shift_right_arithmetic3A_176 : i32 to index
      %get3A_357 = arith.index_cast %multiple_of3A : i32 to index
      %get3A_358 = tpu.vector_load %get3A_354[%get3A_355, %get3A_356, %get3A_357] {strides = array<i32>} : memref<20x8x128xf32, #tpu.memory_space<vmem>>, vector<16xf32>,
      %get3A_359 = arith.constant 0 : i32
      %get3A_360 = arith.constant 11 : i32
      %get3A_361 = arith.constant 0 : i32
      %get3A_362 = arith.constant 0 : i32
      %get3A_363 = arith.constant 0 : i32
      %get3A_364 = tpu.memref_slice %arg8[%get3A_359, %get3A_361, %get3A_362, %get3A_363] : memref<2x20x8x128xf32, #tpu.memory_space<vmem>> -> memref<1x20x8x128xf32, #tpu.memory_space<vmem>>
      %get3A_365 = tpu.memref_squeeze %get3A_364 : memref<1x20x8x128xf32, #tpu.memory_space<vmem>> -> memref<20x8x128xf32, #tpu.memory_space<vmem>>
      %get3A_366 = arith.index_cast %get3A_360 : i32 to index
      %get3A_367 = arith.index_cast %shift_right_arithmetic3A_176 : i32 to index
      %get3A_368 = arith.index_cast %multiple_of3A : i32 to index
      %get3A_369 = tpu.vector_load %get3A_365[%get3A_366, %get3A_367, %get3A_368] {strides = array<i32>} : memref<20x8x128xf32, #tpu.memory_space<vmem>>, vector<16xf32>,
      %pack3A_370 = tpu.pack_subelements %get3A_358, %get3A_369 {pack_format = #tpu.pack_format<interleaved>, positions = array<i32: 0, 1>} : vector<16xf32>, vector<16xf32> -> vector<32xbf16>
      %get3A_371 = arith.constant 0 : i32
      %get3A_372 = arith.constant 12 : i32
      %get3A_373 = arith.constant 0 : i32
      %get3A_374 = arith.constant 0 : i32
      %get3A_375 = arith.constant 0 : i32
      %get3A_376 = tpu.memref_slice %arg8[%get3A_371, %get3A_373, %get3A_374, %get3A_375] : memref<2x20x8x128xf32, #tpu.memory_space<vmem>> -> memref<1x20x8x128xf32, #tpu.memory_space<vmem>>
      %get3A_377 = tpu.memref_squeeze %get3A_376 : memref<1x20x8x128xf32, #tpu.memory_space<vmem>> -> memref<20x8x128xf32, #tpu.memory_space<vmem>>
      %get3A_378 = arith.index_cast %get3A_372 : i32 to index
      %get3A_379 = arith.index_cast %shift_right_arithmetic3A_176 : i32 to index
      %get3A_380 = arith.index_cast %multiple_of3A : i32 to index
      %get3A_381 = tpu.vector_load %get3A_377[%get3A_378, %get3A_379, %get3A_380] {strides = array<i32>} : memref<20x8x128xf32, #tpu.memory_space<vmem>>, vector<16xf32>,
      %get3A_382 = arith.constant 0 : i32
      %get3A_383 = arith.constant 13 : i32
      %get3A_384 = arith.constant 0 : i32
      %get3A_385 = arith.constant 0 : i32
      %get3A_386 = arith.constant 0 : i32
      %get3A_387 = tpu.memref_slice %arg8[%get3A_382, %get3A_384, %get3A_385, %get3A_386] : memref<2x20x8x128xf32, #tpu.memory_space<vmem>> -> memref<1x20x8x128xf32, #tpu.memory_space<vmem>>
      %get3A_388 = tpu.memref_squeeze %get3A_387 : memref<1x20x8x128xf32, #tpu.memory_space<vmem>> -> memref<20x8x128xf32, #tpu.memory_space<vmem>>
      %get3A_389 = arith.index_cast %get3A_383 : i32 to index
      %get3A_390 = arith.index_cast %shift_right_arithmetic3A_176 : i32 to index
      %get3A_391 = arith.index_cast %multiple_of3A : i32 to index
      %get3A_392 = tpu.vector_load %get3A_388[%get3A_389, %get3A_390, %get3A_391] {strides = array<i32>} : memref<20x8x128xf32, #tpu.memory_space<vmem>>, vector<16xf32>,
      %pack3A_393 = tpu.pack_subelements %get3A_381, %get3A_392 {pack_format = #tpu.pack_format<interleaved>, positions = array<i32: 0, 1>} : vector<16xf32>, vector<16xf32> -> vector<32xbf16>
      %get3A_394 = arith.constant 0 : i32
      %get3A_395 = arith.constant 14 : i32
      %get3A_396 = arith.constant 0 : i32
      %get3A_397 = arith.constant 0 : i32
      %get3A_398 = arith.constant 0 : i32
      %get3A_399 = tpu.memref_slice %arg8[%get3A_394, %get3A_396, %get3A_397, %get3A_398] : memref<2x20x8x128xf32, #tpu.memory_space<vmem>> -> memref<1x20x8x128xf32, #tpu.memory_space<vmem>>
      %get3A_400 = tpu.memref_squeeze %get3A_399 : memref<1x20x8x128xf32, #tpu.memory_space<vmem>> -> memref<20x8x128xf32, #tpu.memory_space<vmem>>
      %get3A_401 = arith.index_cast %get3A_395 : i32 to index
      %get3A_402 = arith.index_cast %shift_right_arithmetic3A_176 : i32 to index
      %get3A_403 = arith.index_cast %multiple_of3A : i32 to index
      %get3A_404 = tpu.vector_load %get3A_400[%get3A_401, %get3A_402, %get3A_403] {strides = array<i32>} : memref<20x8x128xf32, #tpu.memory_space<vmem>>, vector<16xf32>,
      %get3A_405 = arith.constant 0 : i32
      %get3A_406 = arith.constant 15 : i32
      %get3A_407 = arith.constant 0 : i32
      %get3A_408 = arith.constant 0 : i32
      %get3A_409 = arith.constant 0 : i32
      %get3A_410 = tpu.memref_slice %arg8[%get3A_405, %get3A_407, %get3A_408, %get3A_409] : memref<2x20x8x128xf32, #tpu.memory_space<vmem>> -> memref<1x20x8x128xf32, #tpu.memory_space<vmem>>
      %get3A_411 = tpu.memref_squeeze %get3A_410 : memref<1x20x8x128xf32, #tpu.memory_space<vmem>> -> memref<20x8x128xf32, #tpu.memory_space<vmem>>
      %get3A_412 = arith.index_cast %get3A_406 : i32 to index
      %get3A_413 = arith.index_cast %shift_right_arithmetic3A_176 : i32 to index
      %get3A_414 = arith.index_cast %multiple_of3A : i32 to index
      %get3A_415 = tpu.vector_load %get3A_411[%get3A_412, %get3A_413, %get3A_414] {strides = array<i32>} : memref<20x8x128xf32, #tpu.memory_space<vmem>>, vector<16xf32>,
      %pack3A_416 = tpu.pack_subelements %get3A_404, %get3A_415 {pack_format = #tpu.pack_format<interleaved>, positions = array<i32: 0, 1>} : vector<16xf32>, vector<16xf32> -> vector<32xbf16>
      %get3A_417 = arith.constant 0 : i32
      %get3A_418 = arith.constant 16 : i32
      %get3A_419 = arith.constant 0 : i32
      %get3A_420 = arith.constant 0 : i32
      %get3A_421 = arith.constant 0 : i32
      %get3A_422 = tpu.memref_slice %arg8[%get3A_417, %get3A_419, %get3A_420, %get3A_421] : memref<2x20x8x128xf32, #tpu.memory_space<vmem>> -> memref<1x20x8x128xf32, #tpu.memory_space<vmem>>
      %get3A_423 = tpu.memref_squeeze %get3A_422 : memref<1x20x8x128xf32, #tpu.memory_space<vmem>> -> memref<20x8x128xf32, #tpu.memory_space<vmem>>
      %get3A_424 = arith.index_cast %get3A_418 : i32 to index
      %get3A_425 = arith.index_cast %shift_right_arithmetic3A_176 : i32 to index
      %get3A_426 = arith.index_cast %multiple_of3A : i32 to index
      %get3A_427 = tpu.vector_load %get3A_423[%get3A_424, %get3A_425, %get3A_426] {strides = array<i32>} : memref<20x8x128xf32, #tpu.memory_space<vmem>>, vector<16xf32>,
      %get3A_428 = arith.constant 0 : i32
      %get3A_429 = arith.constant 17 : i32
      %get3A_430 = arith.constant 0 : i32
      %get3A_431 = arith.constant 0 : i32
      %get3A_432 = arith.constant 0 : i32
      %get3A_433 = tpu.memref_slice %arg8[%get3A_428, %get3A_430, %get3A_431, %get3A_432] : memref<2x20x8x128xf32, #tpu.memory_space<vmem>> -> memref<1x20x8x128xf32, #tpu.memory_space<vmem>>
      %get3A_434 = tpu.memref_squeeze %get3A_433 : memref<1x20x8x128xf32, #tpu.memory_space<vmem>> -> memref<20x8x128xf32, #tpu.memory_space<vmem>>
      %get3A_435 = arith.index_cast %get3A_429 : i32 to index
      %get3A_436 = arith.index_cast %shift_right_arithmetic3A_176 : i32 to index
      %get3A_437 = arith.index_cast %multiple_of3A : i32 to index
      %get3A_438 = tpu.vector_load %get3A_434[%get3A_435, %get3A_436, %get3A_437] {strides = array<i32>} : memref<20x8x128xf32, #tpu.memory_space<vmem>>, vector<16xf32>,
      %pack3A_439 = tpu.pack_subelements %get3A_427, %get3A_438 {pack_format = #tpu.pack_format<interleaved>, positions = array<i32: 0, 1>} : vector<16xf32>, vector<16xf32> -> vector<32xbf16>
      %get3A_440 = arith.constant 0 : i32
      %get3A_441 = arith.constant 18 : i32
      %get3A_442 = arith.constant 0 : i32
      %get3A_443 = arith.constant 0 : i32
      %get3A_444 = arith.constant 0 : i32
      %get3A_445 = tpu.memref_slice %arg8[%get3A_440, %get3A_442, %get3A_443, %get3A_444] : memref<2x20x8x128xf32, #tpu.memory_space<vmem>> -> memref<1x20x8x128xf32, #tpu.memory_space<vmem>>
      %get3A_446 = tpu.memref_squeeze %get3A_445 : memref<1x20x8x128xf32, #tpu.memory_space<vmem>> -> memref<20x8x128xf32, #tpu.memory_space<vmem>>
      %get3A_447 = arith.index_cast %get3A_441 : i32 to index
      %get3A_448 = arith.index_cast %shift_right_arithmetic3A_176 : i32 to index
      %get3A_449 = arith.index_cast %multiple_of3A : i32 to index
      %get3A_450 = tpu.vector_load %get3A_446[%get3A_447, %get3A_448, %get3A_449] {strides = array<i32>} : memref<20x8x128xf32, #tpu.memory_space<vmem>>, vector<16xf32>,
      %get3A_451 = arith.constant 0 : i32
      %get3A_452 = arith.constant 19 : i32
      %get3A_453 = arith.constant 0 : i32
      %get3A_454 = arith.constant 0 : i32
      %get3A_455 = arith.constant 0 : i32
      %get3A_456 = tpu.memref_slice %arg8[%get3A_451, %get3A_453, %get3A_454, %get3A_455] : memref<2x20x8x128xf32, #tpu.memory_space<vmem>> -> memref<1x20x8x128xf32, #tpu.memory_space<vmem>>
      %get3A_457 = tpu.memref_squeeze %get3A_456 : memref<1x20x8x128xf32, #tpu.memory_space<vmem>> -> memref<20x8x128xf32, #tpu.memory_space<vmem>>
      %get3A_458 = arith.index_cast %get3A_452 : i32 to index
      %get3A_459 = arith.index_cast %shift_right_arithmetic3A_176 : i32 to index
      %get3A_460 = arith.index_cast %multiple_of3A : i32 to index
      %get3A_461 = tpu.vector_load %get3A_457[%get3A_458, %get3A_459, %get3A_460] {strides = array<i32>} : memref<20x8x128xf32, #tpu.memory_space<vmem>>, vector<16xf32>,
      %pack3A_462 = tpu.pack_subelements %get3A_450, %get3A_461 {pack_format = #tpu.pack_format<interleaved>, positions = array<i32: 0, 1>} : vector<16xf32>, vector<16xf32> -> vector<32xbf16>
      %scan3A_463 = arith.constant 0 : i32
      %scan3A_464 = arith.constant 0 : i32
      %scan3A_465 = arith.constant 0 : i32
      %scan3A_466 = arith.constant 0 : i32
      %scan3A_467 = arith.constant 64 : i32
      %scan3A_468 = arith.addi %scan3A_466, %scan3A_467 : i32
      %scan3A_469 = arith.constant 1 : i32
      %scan3A_470:19 = scf.for %scan3A_873 = %scan3A_466 to %scan3A_468 step %scan3A_469 iter_args(%scan3A_874 = %add3A_225, %scan3A_875 = %add3A_226, %scan3A_876 = %add3A_227, %scan3A_877 = %add3A_228, %scan3A_878 = %add3A_229, %scan3A_879 = %add3A_230, %scan3A_880 = %add3A_231, %scan3A_881 = %add3A_232, %scan3A_882 = %add3A_233, %scan3A_883 = %pack3A, %scan3A_884 = %pack3A_278, %scan3A_885 = %pack3A_301, %scan3A_886 = %pack3A_324, %scan3A_887 = %pack3A_347, %scan3A_888 = %pack3A_370, %scan3A_889 = %pack3A_393, %scan3A_890 = %pack3A_416, %scan3A_891 = %pack3A_439, %scan3A_892 = %pack3A_462) -> (vector<16xi32>, vector<16xi32>, vector<16xi32>, vector<16xi32>, vector<16xi32>, vector<16xi32>, vector<16xi32>, vector<16xi32>, vector<16xi32>, vector<32xbf16>, vector<32xbf16>, vector<32xbf16>, vector<32xbf16>, vector<32xbf16>, vector<32xbf16>, vector<32xbf16>, vector<32xbf16>, vector<32xbf16>, vector<32xbf16>)  : i32 {
        %shift_right_arithmetic3A_893 = arith.constant 3 : i32
        %shift_right_arithmetic3A_894 = arith.shrsi %scan3A_873, %shift_right_arithmetic3A_893 : i32
        %and3A_895 = arith.constant 7 : i32
        %and3A_896 = arith.andi %scan3A_873, %and3A_895 : i32
        %shift_left3A_897 = arith.constant 4 : i32
        %shift_left3A_898 = arith.shli %and3A_896, %shift_left3A_897 : i32
        %multiple_of3A_899 = tpu.assume_multiple %shift_left3A_898, 16 : i32
        %add3A_900 = arith.constant 1 : i32
        %add3A_901 = arith.addi %scan3A_873, %add3A_900 : i32
        %min3A_902 = arith.constant 63 : i32
        %min3A_903 = arith.minsi %add3A_901, %min3A_902 : i32
        %shift_right_arithmetic3A_904 = arith.constant 3 : i32
        %shift_right_arithmetic3A_905 = arith.shrsi %min3A_903, %shift_right_arithmetic3A_904 : i32
        %and3A_906 = arith.constant 7 : i32
        %and3A_907 = arith.andi %min3A_903, %and3A_906 : i32
        %shift_left3A_908 = arith.constant 4 : i32
        %shift_left3A_909 = arith.shli %and3A_907, %shift_left3A_908 : i32
        %multiple_of3A_910 = tpu.assume_multiple %shift_left3A_909, 16 : i32
        %get3A_911 = arith.constant 0 : i32
        %get3A_912 = arith.constant 0 : i32
        %get3A_913 = tpu.memref_slice %arg7[%scan3A_463, %get3A_911, %get3A_912] : memref<2x8x128xi32, #tpu.memory_space<vmem>> -> memref<1x8x128xi32, #tpu.memory_space<vmem>>
        %get3A_914 = tpu.memref_squeeze %get3A_913 : memref<1x8x128xi32, #tpu.memory_space<vmem>> -> memref<8x128xi32, #tpu.memory_space<vmem>>
        %get3A_915 = arith.index_cast %shift_right_arithmetic3A_905 : i32 to index
        %get3A_916 = arith.index_cast %multiple_of3A_910 : i32 to index
        %get3A_917 = tpu.vector_load %get3A_914[%get3A_915, %get3A_916] {strides = array<i32>} : memref<8x128xi32, #tpu.memory_space<vmem>>, vector<16xi32>,
        %and3A_918 = arith.constant 31 : i32
        %and3A_919 = vector.broadcast %and3A_918 : i32 to vector<16xi32>
        %and3A_920 = arith.andi %get3A_917, %and3A_919 : vector<16xi32>
        %shift_right_arithmetic3A_921 = arith.constant 5 : i32
        %shift_right_arithmetic3A_922 = vector.broadcast %shift_right_arithmetic3A_921 : i32 to vector<16xi32>
        %shift_right_arithmetic3A_923 = arith.shrsi %get3A_917, %shift_right_arithmetic3A_922 : vector<16xi32>
        %sub3A_924 = arith.constant 1 : i32
        %sub3A_925 = vector.broadcast %sub3A_924 : i32 to vector<16xi32>
        %sub3A_926 = arith.subi %shift_right_arithmetic3A_923, %sub3A_925 : vector<16xi32>
        %max3A_927 = arith.constant 0 : i32
        %max3A_928 = vector.broadcast %max3A_927 : i32 to vector<16xi32>
        %max3A_929 = arith.maxsi %sub3A_926, %max3A_928 : vector<16xi32>
        %add3A_930 = arith.constant 1 : i32
        %add3A_931 = vector.broadcast %add3A_930 : i32 to vector<16xi32>
        %add3A_932 = arith.addi %shift_right_arithmetic3A_923, %add3A_931 : vector<16xi32>
        %min3A_933 = arith.constant 31 : i32
        %min3A_934 = vector.broadcast %min3A_933 : i32 to vector<16xi32>
        %min3A_935 = arith.minsi %add3A_932, %min3A_934 : vector<16xi32>
        %sub3A_936 = arith.constant 1 : i32
        %sub3A_937 = vector.broadcast %sub3A_936 : i32 to vector<16xi32>
        %sub3A_938 = arith.subi %and3A_920, %sub3A_937 : vector<16xi32>
        %max3A_939 = arith.constant 0 : i32
        %max3A_940 = vector.broadcast %max3A_939 : i32 to vector<16xi32>
        %max3A_941 = arith.maxsi %sub3A_938, %max3A_940 : vector<16xi32>
        %add3A_942 = arith.constant 1 : i32
        %add3A_943 = vector.broadcast %add3A_942 : i32 to vector<16xi32>
        %add3A_944 = arith.addi %and3A_920, %add3A_943 : vector<16xi32>
        %min3A_945 = arith.constant 31 : i32
        %min3A_946 = vector.broadcast %min3A_945 : i32 to vector<16xi32>
        %min3A_947 = arith.minsi %add3A_944, %min3A_946 : vector<16xi32>
        %shift_left3A_948 = arith.constant 5 : i32
        %shift_left3A_949 = vector.broadcast %shift_left3A_948 : i32 to vector<16xi32>
        %shift_left3A_950 = arith.shli %max3A_929, %shift_left3A_949 : vector<16xi32>
        %shift_left3A_951 = arith.constant 5 : i32
        %shift_left3A_952 = vector.broadcast %shift_left3A_951 : i32 to vector<16xi32>
        %shift_left3A_953 = arith.shli %shift_right_arithmetic3A_923, %shift_left3A_952 : vector<16xi32>
        %shift_left3A_954 = arith.constant 5 : i32
        %shift_left3A_955 = vector.broadcast %shift_left3A_954 : i32 to vector<16xi32>
        %shift_left3A_956 = arith.shli %min3A_935, %shift_left3A_955 : vector<16xi32>
        %add3A_957 = arith.addi %shift_left3A_950, %max3A_941 : vector<16xi32>
        %add3A_958 = arith.addi %shift_left3A_950, %and3A_920 : vector<16xi32>
        %add3A_959 = arith.addi %shift_left3A_950, %min3A_947 : vector<16xi32>
        %add3A_960 = arith.addi %shift_left3A_953, %max3A_941 : vector<16xi32>
        %add3A_961 = arith.addi %shift_left3A_953, %and3A_920 : vector<16xi32>
        %add3A_962 = arith.addi %shift_left3A_953, %min3A_947 : vector<16xi32>
        %add3A_963 = arith.addi %shift_left3A_956, %max3A_941 : vector<16xi32>
        %add3A_964 = arith.addi %shift_left3A_956, %and3A_920 : vector<16xi32>
        %add3A_965 = arith.addi %shift_left3A_956, %min3A_947 : vector<16xi32>
        %get3A_966 = arith.constant 0 : i32
        %get3A_967 = arith.constant 0 : i32
        %get3A_968 = arith.constant 0 : i32
        %get3A_969 = arith.constant 0 : i32
        %get3A_970 = tpu.memref_slice %arg8[%scan3A_464, %get3A_967, %get3A_968, %get3A_969] : memref<2x20x8x128xf32, #tpu.memory_space<vmem>> -> memref<1x20x8x128xf32, #tpu.memory_space<vmem>>
        %get3A_971 = tpu.memref_squeeze %get3A_970 : memref<1x20x8x128xf32, #tpu.memory_space<vmem>> -> memref<20x8x128xf32, #tpu.memory_space<vmem>>
        %get3A_972 = arith.index_cast %get3A_966 : i32 to index
        %get3A_973 = arith.index_cast %shift_right_arithmetic3A_905 : i32 to index
        %get3A_974 = arith.index_cast %multiple_of3A_910 : i32 to index
        %get3A_975 = tpu.vector_load %get3A_971[%get3A_972, %get3A_973, %get3A_974] {strides = array<i32>} : memref<20x8x128xf32, #tpu.memory_space<vmem>>, vector<16xf32>,
        %get3A_976 = arith.constant 1 : i32
        %get3A_977 = arith.constant 0 : i32
        %get3A_978 = arith.constant 0 : i32
        %get3A_979 = arith.constant 0 : i32
        %get3A_980 = tpu.memref_slice %arg8[%scan3A_464, %get3A_977, %get3A_978, %get3A_979] : memref<2x20x8x128xf32, #tpu.memory_space<vmem>> -> memref<1x20x8x128xf32, #tpu.memory_space<vmem>>
        %get3A_981 = tpu.memref_squeeze %get3A_980 : memref<1x20x8x128xf32, #tpu.memory_space<vmem>> -> memref<20x8x128xf32, #tpu.memory_space<vmem>>
        %get3A_982 = arith.index_cast %get3A_976 : i32 to index
        %get3A_983 = arith.index_cast %shift_right_arithmetic3A_905 : i32 to index
        %get3A_984 = arith.index_cast %multiple_of3A_910 : i32 to index
        %get3A_985 = tpu.vector_load %get3A_981[%get3A_982, %get3A_983, %get3A_984] {strides = array<i32>} : memref<20x8x128xf32, #tpu.memory_space<vmem>>, vector<16xf32>,
        %pack3A_986 = tpu.pack_subelements %get3A_975, %get3A_985 {pack_format = #tpu.pack_format<interleaved>, positions = array<i32: 0, 1>} : vector<16xf32>, vector<16xf32> -> vector<32xbf16>
        %get3A_987 = arith.constant 2 : i32
        %get3A_988 = arith.constant 0 : i32
        %get3A_989 = arith.constant 0 : i32
        %get3A_990 = arith.constant 0 : i32
        %get3A_991 = tpu.memref_slice %arg8[%scan3A_464, %get3A_988, %get3A_989, %get3A_990] : memref<2x20x8x128xf32, #tpu.memory_space<vmem>> -> memref<1x20x8x128xf32, #tpu.memory_space<vmem>>
        %get3A_992 = tpu.memref_squeeze %get3A_991 : memref<1x20x8x128xf32, #tpu.memory_space<vmem>> -> memref<20x8x128xf32, #tpu.memory_space<vmem>>
        %get3A_993 = arith.index_cast %get3A_987 : i32 to index
        %get3A_994 = arith.index_cast %shift_right_arithmetic3A_905 : i32 to index
        %get3A_995 = arith.index_cast %multiple_of3A_910 : i32 to index
        %get3A_996 = tpu.vector_load %get3A_992[%get3A_993, %get3A_994, %get3A_995] {strides = array<i32>} : memref<20x8x128xf32, #tpu.memory_space<vmem>>, vector<16xf32>,
        %get3A_997 = arith.constant 3 : i32
        %get3A_998 = arith.constant 0 : i32
        %get3A_999 = arith.constant 0 : i32
        %get3A_1000 = arith.constant 0 : i32
        %get3A_1001 = tpu.memref_slice %arg8[%scan3A_464, %get3A_998, %get3A_999, %get3A_1000] : memref<2x20x8x128xf32, #tpu.memory_space<vmem>> -> memref<1x20x8x128xf32, #tpu.memory_space<vmem>>
        %get3A_1002 = tpu.memref_squeeze %get3A_1001 : memref<1x20x8x128xf32, #tpu.memory_space<vmem>> -> memref<20x8x128xf32, #tpu.memory_space<vmem>>
        %get3A_1003 = arith.index_cast %get3A_997 : i32 to index
        %get3A_1004 = arith.index_cast %shift_right_arithmetic3A_905 : i32 to index
        %get3A_1005 = arith.index_cast %multiple_of3A_910 : i32 to index
        %get3A_1006 = tpu.vector_load %get3A_1002[%get3A_1003, %get3A_1004, %get3A_1005] {strides = array<i32>} : memref<20x8x128xf32, #tpu.memory_space<vmem>>, vector<16xf32>,
        %pack3A_1007 = tpu.pack_subelements %get3A_996, %get3A_1006 {pack_format = #tpu.pack_format<interleaved>, positions = array<i32: 0, 1>} : vector<16xf32>, vector<16xf32> -> vector<32xbf16>
        %get3A_1008 = arith.constant 4 : i32
        %get3A_1009 = arith.constant 0 : i32
        %get3A_1010 = arith.constant 0 : i32
        %get3A_1011 = arith.constant 0 : i32
        %get3A_1012 = tpu.memref_slice %arg8[%scan3A_464, %get3A_1009, %get3A_1010, %get3A_1011] : memref<2x20x8x128xf32, #tpu.memory_space<vmem>> -> memref<1x20x8x128xf32, #tpu.memory_space<vmem>>
        %get3A_1013 = tpu.memref_squeeze %get3A_1012 : memref<1x20x8x128xf32, #tpu.memory_space<vmem>> -> memref<20x8x128xf32, #tpu.memory_space<vmem>>
        %get3A_1014 = arith.index_cast %get3A_1008 : i32 to index
        %get3A_1015 = arith.index_cast %shift_right_arithmetic3A_905 : i32 to index
        %get3A_1016 = arith.index_cast %multiple_of3A_910 : i32 to index
        %get3A_1017 = tpu.vector_load %get3A_1013[%get3A_1014, %get3A_1015, %get3A_1016] {strides = array<i32>} : memref<20x8x128xf32, #tpu.memory_space<vmem>>, vector<16xf32>,
        %get3A_1018 = arith.constant 5 : i32
        %get3A_1019 = arith.constant 0 : i32
        %get3A_1020 = arith.constant 0 : i32
        %get3A_1021 = arith.constant 0 : i32
        %get3A_1022 = tpu.memref_slice %arg8[%scan3A_464, %get3A_1019, %get3A_1020, %get3A_1021] : memref<2x20x8x128xf32, #tpu.memory_space<vmem>> -> memref<1x20x8x128xf32, #tpu.memory_space<vmem>>
        %get3A_1023 = tpu.memref_squeeze %get3A_1022 : memref<1x20x8x128xf32, #tpu.memory_space<vmem>> -> memref<20x8x128xf32, #tpu.memory_space<vmem>>
        %get3A_1024 = arith.index_cast %get3A_1018 : i32 to index
        %get3A_1025 = arith.index_cast %shift_right_arithmetic3A_905 : i32 to index
        %get3A_1026 = arith.index_cast %multiple_of3A_910 : i32 to index
        %get3A_1027 = tpu.vector_load %get3A_1023[%get3A_1024, %get3A_1025, %get3A_1026] {strides = array<i32>} : memref<20x8x128xf32, #tpu.memory_space<vmem>>, vector<16xf32>,
        %pack3A_1028 = tpu.pack_subelements %get3A_1017, %get3A_1027 {pack_format = #tpu.pack_format<interleaved>, positions = array<i32: 0, 1>} : vector<16xf32>, vector<16xf32> -> vector<32xbf16>
        %get3A_1029 = arith.constant 6 : i32
        %get3A_1030 = arith.constant 0 : i32
        %get3A_1031 = arith.constant 0 : i32
        %get3A_1032 = arith.constant 0 : i32
        %get3A_1033 = tpu.memref_slice %arg8[%scan3A_464, %get3A_1030, %get3A_1031, %get3A_1032] : memref<2x20x8x128xf32, #tpu.memory_space<vmem>> -> memref<1x20x8x128xf32, #tpu.memory_space<vmem>>
        %get3A_1034 = tpu.memref_squeeze %get3A_1033 : memref<1x20x8x128xf32, #tpu.memory_space<vmem>> -> memref<20x8x128xf32, #tpu.memory_space<vmem>>
        %get3A_1035 = arith.index_cast %get3A_1029 : i32 to index
        %get3A_1036 = arith.index_cast %shift_right_arithmetic3A_905 : i32 to index
        %get3A_1037 = arith.index_cast %multiple_of3A_910 : i32 to index
        %get3A_1038 = tpu.vector_load %get3A_1034[%get3A_1035, %get3A_1036, %get3A_1037] {strides = array<i32>} : memref<20x8x128xf32, #tpu.memory_space<vmem>>, vector<16xf32>,
        %get3A_1039 = arith.constant 7 : i32
        %get3A_1040 = arith.constant 0 : i32
        %get3A_1041 = arith.constant 0 : i32
        %get3A_1042 = arith.constant 0 : i32
        %get3A_1043 = tpu.memref_slice %arg8[%scan3A_464, %get3A_1040, %get3A_1041, %get3A_1042] : memref<2x20x8x128xf32, #tpu.memory_space<vmem>> -> memref<1x20x8x128xf32, #tpu.memory_space<vmem>>
        %get3A_1044 = tpu.memref_squeeze %get3A_1043 : memref<1x20x8x128xf32, #tpu.memory_space<vmem>> -> memref<20x8x128xf32, #tpu.memory_space<vmem>>
        %get3A_1045 = arith.index_cast %get3A_1039 : i32 to index
        %get3A_1046 = arith.index_cast %shift_right_arithmetic3A_905 : i32 to index
        %get3A_1047 = arith.index_cast %multiple_of3A_910 : i32 to index
        %get3A_1048 = tpu.vector_load %get3A_1044[%get3A_1045, %get3A_1046, %get3A_1047] {strides = array<i32>} : memref<20x8x128xf32, #tpu.memory_space<vmem>>, vector<16xf32>,
        %pack3A_1049 = tpu.pack_subelements %get3A_1038, %get3A_1048 {pack_format = #tpu.pack_format<interleaved>, positions = array<i32: 0, 1>} : vector<16xf32>, vector<16xf32> -> vector<32xbf16>
        %get3A_1050 = arith.constant 8 : i32
        %get3A_1051 = arith.constant 0 : i32
        %get3A_1052 = arith.constant 0 : i32
        %get3A_1053 = arith.constant 0 : i32
        %get3A_1054 = tpu.memref_slice %arg8[%scan3A_464, %get3A_1051, %get3A_1052, %get3A_1053] : memref<2x20x8x128xf32, #tpu.memory_space<vmem>> -> memref<1x20x8x128xf32, #tpu.memory_space<vmem>>
        %get3A_1055 = tpu.memref_squeeze %get3A_1054 : memref<1x20x8x128xf32, #tpu.memory_space<vmem>> -> memref<20x8x128xf32, #tpu.memory_space<vmem>>
        %get3A_1056 = arith.index_cast %get3A_1050 : i32 to index
        %get3A_1057 = arith.index_cast %shift_right_arithmetic3A_905 : i32 to index
        %get3A_1058 = arith.index_cast %multiple_of3A_910 : i32 to index
        %get3A_1059 = tpu.vector_load %get3A_1055[%get3A_1056, %get3A_1057, %get3A_1058] {strides = array<i32>} : memref<20x8x128xf32, #tpu.memory_space<vmem>>, vector<16xf32>,
        %get3A_1060 = arith.constant 9 : i32
        %get3A_1061 = arith.constant 0 : i32
        %get3A_1062 = arith.constant 0 : i32
        %get3A_1063 = arith.constant 0 : i32
        %get3A_1064 = tpu.memref_slice %arg8[%scan3A_464, %get3A_1061, %get3A_1062, %get3A_1063] : memref<2x20x8x128xf32, #tpu.memory_space<vmem>> -> memref<1x20x8x128xf32, #tpu.memory_space<vmem>>
        %get3A_1065 = tpu.memref_squeeze %get3A_1064 : memref<1x20x8x128xf32, #tpu.memory_space<vmem>> -> memref<20x8x128xf32, #tpu.memory_space<vmem>>
        %get3A_1066 = arith.index_cast %get3A_1060 : i32 to index
        %get3A_1067 = arith.index_cast %shift_right_arithmetic3A_905 : i32 to index
        %get3A_1068 = arith.index_cast %multiple_of3A_910 : i32 to index
        %get3A_1069 = tpu.vector_load %get3A_1065[%get3A_1066, %get3A_1067, %get3A_1068] {strides = array<i32>} : memref<20x8x128xf32, #tpu.memory_space<vmem>>, vector<16xf32>,
        %pack3A_1070 = tpu.pack_subelements %get3A_1059, %get3A_1069 {pack_format = #tpu.pack_format<interleaved>, positions = array<i32: 0, 1>} : vector<16xf32>, vector<16xf32> -> vector<32xbf16>
        %get3A_1071 = arith.constant 10 : i32
        %get3A_1072 = arith.constant 0 : i32
        %get3A_1073 = arith.constant 0 : i32
        %get3A_1074 = arith.constant 0 : i32
        %get3A_1075 = tpu.memref_slice %arg8[%scan3A_464, %get3A_1072, %get3A_1073, %get3A_1074] : memref<2x20x8x128xf32, #tpu.memory_space<vmem>> -> memref<1x20x8x128xf32, #tpu.memory_space<vmem>>
        %get3A_1076 = tpu.memref_squeeze %get3A_1075 : memref<1x20x8x128xf32, #tpu.memory_space<vmem>> -> memref<20x8x128xf32, #tpu.memory_space<vmem>>
        %get3A_1077 = arith.index_cast %get3A_1071 : i32 to index
        %get3A_1078 = arith.index_cast %shift_right_arithmetic3A_905 : i32 to index
        %get3A_1079 = arith.index_cast %multiple_of3A_910 : i32 to index
        %get3A_1080 = tpu.vector_load %get3A_1076[%get3A_1077, %get3A_1078, %get3A_1079] {strides = array<i32>} : memref<20x8x128xf32, #tpu.memory_space<vmem>>, vector<16xf32>,
        %get3A_1081 = arith.constant 11 : i32
        %get3A_1082 = arith.constant 0 : i32
        %get3A_1083 = arith.constant 0 : i32
        %get3A_1084 = arith.constant 0 : i32
        %get3A_1085 = tpu.memref_slice %arg8[%scan3A_464, %get3A_1082, %get3A_1083, %get3A_1084] : memref<2x20x8x128xf32, #tpu.memory_space<vmem>> -> memref<1x20x8x128xf32, #tpu.memory_space<vmem>>
        %get3A_1086 = tpu.memref_squeeze %get3A_1085 : memref<1x20x8x128xf32, #tpu.memory_space<vmem>> -> memref<20x8x128xf32, #tpu.memory_space<vmem>>
        %get3A_1087 = arith.index_cast %get3A_1081 : i32 to index
        %get3A_1088 = arith.index_cast %shift_right_arithmetic3A_905 : i32 to index
        %get3A_1089 = arith.index_cast %multiple_of3A_910 : i32 to index
        %get3A_1090 = tpu.vector_load %get3A_1086[%get3A_1087, %get3A_1088, %get3A_1089] {strides = array<i32>} : memref<20x8x128xf32, #tpu.memory_space<vmem>>, vector<16xf32>,
        %pack3A_1091 = tpu.pack_subelements %get3A_1080, %get3A_1090 {pack_format = #tpu.pack_format<interleaved>, positions = array<i32: 0, 1>} : vector<16xf32>, vector<16xf32> -> vector<32xbf16>
        %get3A_1092 = arith.constant 12 : i32
        %get3A_1093 = arith.constant 0 : i32
        %get3A_1094 = arith.constant 0 : i32
        %get3A_1095 = arith.constant 0 : i32
        %get3A_1096 = tpu.memref_slice %arg8[%scan3A_464, %get3A_1093, %get3A_1094, %get3A_1095] : memref<2x20x8x128xf32, #tpu.memory_space<vmem>> -> memref<1x20x8x128xf32, #tpu.memory_space<vmem>>
        %get3A_1097 = tpu.memref_squeeze %get3A_1096 : memref<1x20x8x128xf32, #tpu.memory_space<vmem>> -> memref<20x8x128xf32, #tpu.memory_space<vmem>>
        %get3A_1098 = arith.index_cast %get3A_1092 : i32 to index
        %get3A_1099 = arith.index_cast %shift_right_arithmetic3A_905 : i32 to index
        %get3A_1100 = arith.index_cast %multiple_of3A_910 : i32 to index
        %get3A_1101 = tpu.vector_load %get3A_1097[%get3A_1098, %get3A_1099, %get3A_1100] {strides = array<i32>} : memref<20x8x128xf32, #tpu.memory_space<vmem>>, vector<16xf32>,
        %get3A_1102 = arith.constant 13 : i32
        %get3A_1103 = arith.constant 0 : i32
        %get3A_1104 = arith.constant 0 : i32
        %get3A_1105 = arith.constant 0 : i32
        %get3A_1106 = tpu.memref_slice %arg8[%scan3A_464, %get3A_1103, %get3A_1104, %get3A_1105] : memref<2x20x8x128xf32, #tpu.memory_space<vmem>> -> memref<1x20x8x128xf32, #tpu.memory_space<vmem>>
        %get3A_1107 = tpu.memref_squeeze %get3A_1106 : memref<1x20x8x128xf32, #tpu.memory_space<vmem>> -> memref<20x8x128xf32, #tpu.memory_space<vmem>>
        %get3A_1108 = arith.index_cast %get3A_1102 : i32 to index
        %get3A_1109 = arith.index_cast %shift_right_arithmetic3A_905 : i32 to index
        %get3A_1110 = arith.index_cast %multiple_of3A_910 : i32 to index
        %get3A_1111 = tpu.vector_load %get3A_1107[%get3A_1108, %get3A_1109, %get3A_1110] {strides = array<i32>} : memref<20x8x128xf32, #tpu.memory_space<vmem>>, vector<16xf32>,
        %pack3A_1112 = tpu.pack_subelements %get3A_1101, %get3A_1111 {pack_format = #tpu.pack_format<interleaved>, positions = array<i32: 0, 1>} : vector<16xf32>, vector<16xf32> -> vector<32xbf16>
        %get3A_1113 = arith.constant 14 : i32
        %get3A_1114 = arith.constant 0 : i32
        %get3A_1115 = arith.constant 0 : i32
        %get3A_1116 = arith.constant 0 : i32
        %get3A_1117 = tpu.memref_slice %arg8[%scan3A_464, %get3A_1114, %get3A_1115, %get3A_1116] : memref<2x20x8x128xf32, #tpu.memory_space<vmem>> -> memref<1x20x8x128xf32, #tpu.memory_space<vmem>>
        %get3A_1118 = tpu.memref_squeeze %get3A_1117 : memref<1x20x8x128xf32, #tpu.memory_space<vmem>> -> memref<20x8x128xf32, #tpu.memory_space<vmem>>
        %get3A_1119 = arith.index_cast %get3A_1113 : i32 to index
        %get3A_1120 = arith.index_cast %shift_right_arithmetic3A_905 : i32 to index
        %get3A_1121 = arith.index_cast %multiple_of3A_910 : i32 to index
        %get3A_1122 = tpu.vector_load %get3A_1118[%get3A_1119, %get3A_1120, %get3A_1121] {strides = array<i32>} : memref<20x8x128xf32, #tpu.memory_space<vmem>>, vector<16xf32>,
        %get3A_1123 = arith.constant 15 : i32
        %get3A_1124 = arith.constant 0 : i32
        %get3A_1125 = arith.constant 0 : i32
        %get3A_1126 = arith.constant 0 : i32
        %get3A_1127 = tpu.memref_slice %arg8[%scan3A_464, %get3A_1124, %get3A_1125, %get3A_1126] : memref<2x20x8x128xf32, #tpu.memory_space<vmem>> -> memref<1x20x8x128xf32, #tpu.memory_space<vmem>>
        %get3A_1128 = tpu.memref_squeeze %get3A_1127 : memref<1x20x8x128xf32, #tpu.memory_space<vmem>> -> memref<20x8x128xf32, #tpu.memory_space<vmem>>
        %get3A_1129 = arith.index_cast %get3A_1123 : i32 to index
        %get3A_1130 = arith.index_cast %shift_right_arithmetic3A_905 : i32 to index
        %get3A_1131 = arith.index_cast %multiple_of3A_910 : i32 to index
        %get3A_1132 = tpu.vector_load %get3A_1128[%get3A_1129, %get3A_1130, %get3A_1131] {strides = array<i32>} : memref<20x8x128xf32, #tpu.memory_space<vmem>>, vector<16xf32>,
        %pack3A_1133 = tpu.pack_subelements %get3A_1122, %get3A_1132 {pack_format = #tpu.pack_format<interleaved>, positions = array<i32: 0, 1>} : vector<16xf32>, vector<16xf32> -> vector<32xbf16>
        %get3A_1134 = arith.constant 16 : i32
        %get3A_1135 = arith.constant 0 : i32
        %get3A_1136 = arith.constant 0 : i32
        %get3A_1137 = arith.constant 0 : i32
        %get3A_1138 = tpu.memref_slice %arg8[%scan3A_464, %get3A_1135, %get3A_1136, %get3A_1137] : memref<2x20x8x128xf32, #tpu.memory_space<vmem>> -> memref<1x20x8x128xf32, #tpu.memory_space<vmem>>
        %get3A_1139 = tpu.memref_squeeze %get3A_1138 : memref<1x20x8x128xf32, #tpu.memory_space<vmem>> -> memref<20x8x128xf32, #tpu.memory_space<vmem>>
        %get3A_1140 = arith.index_cast %get3A_1134 : i32 to index
        %get3A_1141 = arith.index_cast %shift_right_arithmetic3A_905 : i32 to index
        %get3A_1142 = arith.index_cast %multiple_of3A_910 : i32 to index
        %get3A_1143 = tpu.vector_load %get3A_1139[%get3A_1140, %get3A_1141, %get3A_1142] {strides = array<i32>} : memref<20x8x128xf32, #tpu.memory_space<vmem>>, vector<16xf32>,
        %get3A_1144 = arith.constant 17 : i32
        %get3A_1145 = arith.constant 0 : i32
        %get3A_1146 = arith.constant 0 : i32
        %get3A_1147 = arith.constant 0 : i32
        %get3A_1148 = tpu.memref_slice %arg8[%scan3A_464, %get3A_1145, %get3A_1146, %get3A_1147] : memref<2x20x8x128xf32, #tpu.memory_space<vmem>> -> memref<1x20x8x128xf32, #tpu.memory_space<vmem>>
        %get3A_1149 = tpu.memref_squeeze %get3A_1148 : memref<1x20x8x128xf32, #tpu.memory_space<vmem>> -> memref<20x8x128xf32, #tpu.memory_space<vmem>>
        %get3A_1150 = arith.index_cast %get3A_1144 : i32 to index
        %get3A_1151 = arith.index_cast %shift_right_arithmetic3A_905 : i32 to index
        %get3A_1152 = arith.index_cast %multiple_of3A_910 : i32 to index
        %get3A_1153 = tpu.vector_load %get3A_1149[%get3A_1150, %get3A_1151, %get3A_1152] {strides = array<i32>} : memref<20x8x128xf32, #tpu.memory_space<vmem>>, vector<16xf32>,
        %pack3A_1154 = tpu.pack_subelements %get3A_1143, %get3A_1153 {pack_format = #tpu.pack_format<interleaved>, positions = array<i32: 0, 1>} : vector<16xf32>, vector<16xf32> -> vector<32xbf16>
        %get3A_1155 = arith.constant 18 : i32
        %get3A_1156 = arith.constant 0 : i32
        %get3A_1157 = arith.constant 0 : i32
        %get3A_1158 = arith.constant 0 : i32
        %get3A_1159 = tpu.memref_slice %arg8[%scan3A_464, %get3A_1156, %get3A_1157, %get3A_1158] : memref<2x20x8x128xf32, #tpu.memory_space<vmem>> -> memref<1x20x8x128xf32, #tpu.memory_space<vmem>>
        %get3A_1160 = tpu.memref_squeeze %get3A_1159 : memref<1x20x8x128xf32, #tpu.memory_space<vmem>> -> memref<20x8x128xf32, #tpu.memory_space<vmem>>
        %get3A_1161 = arith.index_cast %get3A_1155 : i32 to index
        %get3A_1162 = arith.index_cast %shift_right_arithmetic3A_905 : i32 to index
        %get3A_1163 = arith.index_cast %multiple_of3A_910 : i32 to index
        %get3A_1164 = tpu.vector_load %get3A_1160[%get3A_1161, %get3A_1162, %get3A_1163] {strides = array<i32>} : memref<20x8x128xf32, #tpu.memory_space<vmem>>, vector<16xf32>,
        %get3A_1165 = arith.constant 19 : i32
        %get3A_1166 = arith.constant 0 : i32
        %get3A_1167 = arith.constant 0 : i32
        %get3A_1168 = arith.constant 0 : i32
        %get3A_1169 = tpu.memref_slice %arg8[%scan3A_464, %get3A_1166, %get3A_1167, %get3A_1168] : memref<2x20x8x128xf32, #tpu.memory_space<vmem>> -> memref<1x20x8x128xf32, #tpu.memory_space<vmem>>
        %get3A_1170 = tpu.memref_squeeze %get3A_1169 : memref<1x20x8x128xf32, #tpu.memory_space<vmem>> -> memref<20x8x128xf32, #tpu.memory_space<vmem>>
        %get3A_1171 = arith.index_cast %get3A_1165 : i32 to index
        %get3A_1172 = arith.index_cast %shift_right_arithmetic3A_905 : i32 to index
        %get3A_1173 = arith.index_cast %multiple_of3A_910 : i32 to index
        %get3A_1174 = tpu.vector_load %get3A_1170[%get3A_1171, %get3A_1172, %get3A_1173] {strides = array<i32>} : memref<20x8x128xf32, #tpu.memory_space<vmem>>, vector<16xf32>,
        %pack3A_1175 = tpu.pack_subelements %get3A_1164, %get3A_1174 {pack_format = #tpu.pack_format<interleaved>, positions = array<i32: 0, 1>} : vector<16xf32>, vector<16xf32> -> vector<32xbf16>
        %gather3A = arith.constant 0 : i32
        %gather3A_1176 = arith.constant 0 : i32
        %gather3A_1177 = tpu.memref_slice %arg6[%gather3A, %gather3A_1176] : memref<10x1024xi32, #tpu.memory_space<vmem>> -> memref<1x1024xi32, #tpu.memory_space<vmem>>
        %gather3A_1178 = tpu.memref_squeeze %gather3A_1177 : memref<1x1024xi32, #tpu.memory_space<vmem>> -> memref<1024xi32, #tpu.memory_space<vmem>>
        %gather3A_1179 = tpu.vector_load_idx %gather3A_1178[%scan3A_874] : memref<1024xi32, #tpu.memory_space<vmem>>[vector<16xi32>], vector<16xi32>,
        %bitcast3A = vector.bitcast %gather3A_1179 : vector<16xi32> to vector<32xbf16>
        %sub3A_1180 = arith.subf %scan3A_883, %bitcast3A : vector<32xbf16>
        %mul3A_1181 = arith.mulf %sub3A_1180, %sub3A_1180 : vector<32xbf16>
        %gather3A_1182 = arith.constant 0 : i32
        %gather3A_1183 = arith.constant 0 : i32
        %gather3A_1184 = tpu.memref_slice %arg6[%gather3A_1182, %gather3A_1183] : memref<10x1024xi32, #tpu.memory_space<vmem>> -> memref<1x1024xi32, #tpu.memory_space<vmem>>
        %gather3A_1185 = tpu.memref_squeeze %gather3A_1184 : memref<1x1024xi32, #tpu.memory_space<vmem>> -> memref<1024xi32, #tpu.memory_space<vmem>>
        %gather3A_1186 = tpu.vector_load_idx %gather3A_1185[%scan3A_875] : memref<1024xi32, #tpu.memory_space<vmem>>[vector<16xi32>], vector<16xi32>,
        %bitcast3A_1187 = vector.bitcast %gather3A_1186 : vector<16xi32> to vector<32xbf16>
        %sub3A_1188 = arith.subf %scan3A_883, %bitcast3A_1187 : vector<32xbf16>
        %mul3A_1189 = arith.mulf %sub3A_1188, %sub3A_1188 : vector<32xbf16>
        %gather3A_1190 = arith.constant 0 : i32
        %gather3A_1191 = arith.constant 0 : i32
        %gather3A_1192 = tpu.memref_slice %arg6[%gather3A_1190, %gather3A_1191] : memref<10x1024xi32, #tpu.memory_space<vmem>> -> memref<1x1024xi32, #tpu.memory_space<vmem>>
        %gather3A_1193 = tpu.memref_squeeze %gather3A_1192 : memref<1x1024xi32, #tpu.memory_space<vmem>> -> memref<1024xi32, #tpu.memory_space<vmem>>
        %gather3A_1194 = tpu.vector_load_idx %gather3A_1193[%scan3A_876] : memref<1024xi32, #tpu.memory_space<vmem>>[vector<16xi32>], vector<16xi32>,
        %bitcast3A_1195 = vector.bitcast %gather3A_1194 : vector<16xi32> to vector<32xbf16>
        %sub3A_1196 = arith.subf %scan3A_883, %bitcast3A_1195 : vector<32xbf16>
        %mul3A_1197 = arith.mulf %sub3A_1196, %sub3A_1196 : vector<32xbf16>
        %gather3A_1198 = arith.constant 0 : i32
        %gather3A_1199 = arith.constant 0 : i32
        %gather3A_1200 = tpu.memref_slice %arg6[%gather3A_1198, %gather3A_1199] : memref<10x1024xi32, #tpu.memory_space<vmem>> -> memref<1x1024xi32, #tpu.memory_space<vmem>>
        %gather3A_1201 = tpu.memref_squeeze %gather3A_1200 : memref<1x1024xi32, #tpu.memory_space<vmem>> -> memref<1024xi32, #tpu.memory_space<vmem>>
        %gather3A_1202 = tpu.vector_load_idx %gather3A_1201[%scan3A_877] : memref<1024xi32, #tpu.memory_space<vmem>>[vector<16xi32>], vector<16xi32>,
        %bitcast3A_1203 = vector.bitcast %gather3A_1202 : vector<16xi32> to vector<32xbf16>
        %sub3A_1204 = arith.subf %scan3A_883, %bitcast3A_1203 : vector<32xbf16>
        %mul3A_1205 = arith.mulf %sub3A_1204, %sub3A_1204 : vector<32xbf16>
        %gather3A_1206 = arith.constant 0 : i32
        %gather3A_1207 = arith.constant 0 : i32
        %gather3A_1208 = tpu.memref_slice %arg6[%gather3A_1206, %gather3A_1207] : memref<10x1024xi32, #tpu.memory_space<vmem>> -> memref<1x1024xi32, #tpu.memory_space<vmem>>
        %gather3A_1209 = tpu.memref_squeeze %gather3A_1208 : memref<1x1024xi32, #tpu.memory_space<vmem>> -> memref<1024xi32, #tpu.memory_space<vmem>>
        %gather3A_1210 = tpu.vector_load_idx %gather3A_1209[%scan3A_878] : memref<1024xi32, #tpu.memory_space<vmem>>[vector<16xi32>], vector<16xi32>,
        %bitcast3A_1211 = vector.bitcast %gather3A_1210 : vector<16xi32> to vector<32xbf16>
        %sub3A_1212 = arith.subf %scan3A_883, %bitcast3A_1211 : vector<32xbf16>
        %mul3A_1213 = arith.mulf %sub3A_1212, %sub3A_1212 : vector<32xbf16>
        %gather3A_1214 = arith.constant 0 : i32
        %gather3A_1215 = arith.constant 0 : i32
        %gather3A_1216 = tpu.memref_slice %arg6[%gather3A_1214, %gather3A_1215] : memref<10x1024xi32, #tpu.memory_space<vmem>> -> memref<1x1024xi32, #tpu.memory_space<vmem>>
        %gather3A_1217 = tpu.memref_squeeze %gather3A_1216 : memref<1x1024xi32, #tpu.memory_space<vmem>> -> memref<1024xi32, #tpu.memory_space<vmem>>
        %gather3A_1218 = tpu.vector_load_idx %gather3A_1217[%scan3A_879] : memref<1024xi32, #tpu.memory_space<vmem>>[vector<16xi32>], vector<16xi32>,
        %bitcast3A_1219 = vector.bitcast %gather3A_1218 : vector<16xi32> to vector<32xbf16>
        %sub3A_1220 = arith.subf %scan3A_883, %bitcast3A_1219 : vector<32xbf16>
        %mul3A_1221 = arith.mulf %sub3A_1220, %sub3A_1220 : vector<32xbf16>
        %gather3A_1222 = arith.constant 0 : i32
        %gather3A_1223 = arith.constant 0 : i32
        %gather3A_1224 = tpu.memref_slice %arg6[%gather3A_1222, %gather3A_1223] : memref<10x1024xi32, #tpu.memory_space<vmem>> -> memref<1x1024xi32, #tpu.memory_space<vmem>>
        %gather3A_1225 = tpu.memref_squeeze %gather3A_1224 : memref<1x1024xi32, #tpu.memory_space<vmem>> -> memref<1024xi32, #tpu.memory_space<vmem>>
        %gather3A_1226 = tpu.vector_load_idx %gather3A_1225[%scan3A_880] : memref<1024xi32, #tpu.memory_space<vmem>>[vector<16xi32>], vector<16xi32>,
        %bitcast3A_1227 = vector.bitcast %gather3A_1226 : vector<16xi32> to vector<32xbf16>
        %sub3A_1228 = arith.subf %scan3A_883, %bitcast3A_1227 : vector<32xbf16>
        %mul3A_1229 = arith.mulf %sub3A_1228, %sub3A_1228 : vector<32xbf16>
        %gather3A_1230 = arith.constant 0 : i32
        %gather3A_1231 = arith.constant 0 : i32
        %gather3A_1232 = tpu.memref_slice %arg6[%gather3A_1230, %gather3A_1231] : memref<10x1024xi32, #tpu.memory_space<vmem>> -> memref<1x1024xi32, #tpu.memory_space<vmem>>
        %gather3A_1233 = tpu.memref_squeeze %gather3A_1232 : memref<1x1024xi32, #tpu.memory_space<vmem>> -> memref<1024xi32, #tpu.memory_space<vmem>>
        %gather3A_1234 = tpu.vector_load_idx %gather3A_1233[%scan3A_881] : memref<1024xi32, #tpu.memory_space<vmem>>[vector<16xi32>], vector<16xi32>,
        %bitcast3A_1235 = vector.bitcast %gather3A_1234 : vector<16xi32> to vector<32xbf16>
        %sub3A_1236 = arith.subf %scan3A_883, %bitcast3A_1235 : vector<32xbf16>
        %mul3A_1237 = arith.mulf %sub3A_1236, %sub3A_1236 : vector<32xbf16>
        %gather3A_1238 = arith.constant 0 : i32
        %gather3A_1239 = arith.constant 0 : i32
        %gather3A_1240 = tpu.memref_slice %arg6[%gather3A_1238, %gather3A_1239] : memref<10x1024xi32, #tpu.memory_space<vmem>> -> memref<1x1024xi32, #tpu.memory_space<vmem>>
        %gather3A_1241 = tpu.memref_squeeze %gather3A_1240 : memref<1x1024xi32, #tpu.memory_space<vmem>> -> memref<1024xi32, #tpu.memory_space<vmem>>
        %gather3A_1242 = tpu.vector_load_idx %gather3A_1241[%scan3A_882] : memref<1024xi32, #tpu.memory_space<vmem>>[vector<16xi32>], vector<16xi32>,
        %bitcast3A_1243 = vector.bitcast %gather3A_1242 : vector<16xi32> to vector<32xbf16>
        %sub3A_1244 = arith.subf %scan3A_883, %bitcast3A_1243 : vector<32xbf16>
        %mul3A_1245 = arith.mulf %sub3A_1244, %sub3A_1244 : vector<32xbf16>
        %gather3A_1246 = arith.constant 1 : i32
        %gather3A_1247 = arith.constant 0 : i32
        %gather3A_1248 = tpu.memref_slice %arg6[%gather3A_1246, %gather3A_1247] : memref<10x1024xi32, #tpu.memory_space<vmem>> -> memref<1x1024xi32, #tpu.memory_space<vmem>>
        %gather3A_1249 = tpu.memref_squeeze %gather3A_1248 : memref<1x1024xi32, #tpu.memory_space<vmem>> -> memref<1024xi32, #tpu.memory_space<vmem>>
        %gather3A_1250 = tpu.vector_load_idx %gather3A_1249[%scan3A_874] : memref<1024xi32, #tpu.memory_space<vmem>>[vector<16xi32>], vector<16xi32>,
        %bitcast3A_1251 = vector.bitcast %gather3A_1250 : vector<16xi32> to vector<32xbf16>
        %sub3A_1252 = arith.subf %scan3A_884, %bitcast3A_1251 : vector<32xbf16>
        %mul3A_1253 = arith.mulf %sub3A_1252, %sub3A_1252 : vector<32xbf16>
        %add3A_1254 = arith.addf %mul3A_1181, %mul3A_1253 : vector<32xbf16>
        %gather3A_1255 = arith.constant 1 : i32
        %gather3A_1256 = arith.constant 0 : i32
        %gather3A_1257 = tpu.memref_slice %arg6[%gather3A_1255, %gather3A_1256] : memref<10x1024xi32, #tpu.memory_space<vmem>> -> memref<1x1024xi32, #tpu.memory_space<vmem>>
        %gather3A_1258 = tpu.memref_squeeze %gather3A_1257 : memref<1x1024xi32, #tpu.memory_space<vmem>> -> memref<1024xi32, #tpu.memory_space<vmem>>
        %gather3A_1259 = tpu.vector_load_idx %gather3A_1258[%scan3A_875] : memref<1024xi32, #tpu.memory_space<vmem>>[vector<16xi32>], vector<16xi32>,
        %bitcast3A_1260 = vector.bitcast %gather3A_1259 : vector<16xi32> to vector<32xbf16>
        %sub3A_1261 = arith.subf %scan3A_884, %bitcast3A_1260 : vector<32xbf16>
        %mul3A_1262 = arith.mulf %sub3A_1261, %sub3A_1261 : vector<32xbf16>
        %add3A_1263 = arith.addf %mul3A_1189, %mul3A_1262 : vector<32xbf16>
        %gather3A_1264 = arith.constant 1 : i32
        %gather3A_1265 = arith.constant 0 : i32
        %gather3A_1266 = tpu.memref_slice %arg6[%gather3A_1264, %gather3A_1265] : memref<10x1024xi32, #tpu.memory_space<vmem>> -> memref<1x1024xi32, #tpu.memory_space<vmem>>
        %gather3A_1267 = tpu.memref_squeeze %gather3A_1266 : memref<1x1024xi32, #tpu.memory_space<vmem>> -> memref<1024xi32, #tpu.memory_space<vmem>>
        %gather3A_1268 = tpu.vector_load_idx %gather3A_1267[%scan3A_876] : memref<1024xi32, #tpu.memory_space<vmem>>[vector<16xi32>], vector<16xi32>,
        %bitcast3A_1269 = vector.bitcast %gather3A_1268 : vector<16xi32> to vector<32xbf16>
        %sub3A_1270 = arith.subf %scan3A_884, %bitcast3A_1269 : vector<32xbf16>
        %mul3A_1271 = arith.mulf %sub3A_1270, %sub3A_1270 : vector<32xbf16>
        %add3A_1272 = arith.addf %mul3A_1197, %mul3A_1271 : vector<32xbf16>
        %gather3A_1273 = arith.constant 1 : i32
        %gather3A_1274 = arith.constant 0 : i32
        %gather3A_1275 = tpu.memref_slice %arg6[%gather3A_1273, %gather3A_1274] : memref<10x1024xi32, #tpu.memory_space<vmem>> -> memref<1x1024xi32, #tpu.memory_space<vmem>>
        %gather3A_1276 = tpu.memref_squeeze %gather3A_1275 : memref<1x1024xi32, #tpu.memory_space<vmem>> -> memref<1024xi32, #tpu.memory_space<vmem>>
        %gather3A_1277 = tpu.vector_load_idx %gather3A_1276[%scan3A_877] : memref<1024xi32, #tpu.memory_space<vmem>>[vector<16xi32>], vector<16xi32>,
        %bitcast3A_1278 = vector.bitcast %gather3A_1277 : vector<16xi32> to vector<32xbf16>
        %sub3A_1279 = arith.subf %scan3A_884, %bitcast3A_1278 : vector<32xbf16>
        %mul3A_1280 = arith.mulf %sub3A_1279, %sub3A_1279 : vector<32xbf16>
        %add3A_1281 = arith.addf %mul3A_1205, %mul3A_1280 : vector<32xbf16>
        %gather3A_1282 = arith.constant 1 : i32
        %gather3A_1283 = arith.constant 0 : i32
        %gather3A_1284 = tpu.memref_slice %arg6[%gather3A_1282, %gather3A_1283] : memref<10x1024xi32, #tpu.memory_space<vmem>> -> memref<1x1024xi32, #tpu.memory_space<vmem>>
        %gather3A_1285 = tpu.memref_squeeze %gather3A_1284 : memref<1x1024xi32, #tpu.memory_space<vmem>> -> memref<1024xi32, #tpu.memory_space<vmem>>
        %gather3A_1286 = tpu.vector_load_idx %gather3A_1285[%scan3A_878] : memref<1024xi32, #tpu.memory_space<vmem>>[vector<16xi32>], vector<16xi32>,
        %bitcast3A_1287 = vector.bitcast %gather3A_1286 : vector<16xi32> to vector<32xbf16>
        %sub3A_1288 = arith.subf %scan3A_884, %bitcast3A_1287 : vector<32xbf16>
        %mul3A_1289 = arith.mulf %sub3A_1288, %sub3A_1288 : vector<32xbf16>
        %add3A_1290 = arith.addf %mul3A_1213, %mul3A_1289 : vector<32xbf16>
        %gather3A_1291 = arith.constant 1 : i32
        %gather3A_1292 = arith.constant 0 : i32
        %gather3A_1293 = tpu.memref_slice %arg6[%gather3A_1291, %gather3A_1292] : memref<10x1024xi32, #tpu.memory_space<vmem>> -> memref<1x1024xi32, #tpu.memory_space<vmem>>
        %gather3A_1294 = tpu.memref_squeeze %gather3A_1293 : memref<1x1024xi32, #tpu.memory_space<vmem>> -> memref<1024xi32, #tpu.memory_space<vmem>>
        %gather3A_1295 = tpu.vector_load_idx %gather3A_1294[%scan3A_879] : memref<1024xi32, #tpu.memory_space<vmem>>[vector<16xi32>], vector<16xi32>,
        %bitcast3A_1296 = vector.bitcast %gather3A_1295 : vector<16xi32> to vector<32xbf16>
        %sub3A_1297 = arith.subf %scan3A_884, %bitcast3A_1296 : vector<32xbf16>
        %mul3A_1298 = arith.mulf %sub3A_1297, %sub3A_1297 : vector<32xbf16>
        %add3A_1299 = arith.addf %mul3A_1221, %mul3A_1298 : vector<32xbf16>
        %gather3A_1300 = arith.constant 1 : i32
        %gather3A_1301 = arith.constant 0 : i32
        %gather3A_1302 = tpu.memref_slice %arg6[%gather3A_1300, %gather3A_1301] : memref<10x1024xi32, #tpu.memory_space<vmem>> -> memref<1x1024xi32, #tpu.memory_space<vmem>>
        %gather3A_1303 = tpu.memref_squeeze %gather3A_1302 : memref<1x1024xi32, #tpu.memory_space<vmem>> -> memref<1024xi32, #tpu.memory_space<vmem>>
        %gather3A_1304 = tpu.vector_load_idx %gather3A_1303[%scan3A_880] : memref<1024xi32, #tpu.memory_space<vmem>>[vector<16xi32>], vector<16xi32>,
        %bitcast3A_1305 = vector.bitcast %gather3A_1304 : vector<16xi32> to vector<32xbf16>
        %sub3A_1306 = arith.subf %scan3A_884, %bitcast3A_1305 : vector<32xbf16>
        %mul3A_1307 = arith.mulf %sub3A_1306, %sub3A_1306 : vector<32xbf16>
        %add3A_1308 = arith.addf %mul3A_1229, %mul3A_1307 : vector<32xbf16>
        %gather3A_1309 = arith.constant 1 : i32
        %gather3A_1310 = arith.constant 0 : i32
        %gather3A_1311 = tpu.memref_slice %arg6[%gather3A_1309, %gather3A_1310] : memref<10x1024xi32, #tpu.memory_space<vmem>> -> memref<1x1024xi32, #tpu.memory_space<vmem>>
        %gather3A_1312 = tpu.memref_squeeze %gather3A_1311 : memref<1x1024xi32, #tpu.memory_space<vmem>> -> memref<1024xi32, #tpu.memory_space<vmem>>
        %gather3A_1313 = tpu.vector_load_idx %gather3A_1312[%scan3A_881] : memref<1024xi32, #tpu.memory_space<vmem>>[vector<16xi32>], vector<16xi32>,
        %bitcast3A_1314 = vector.bitcast %gather3A_1313 : vector<16xi32> to vector<32xbf16>
        %sub3A_1315 = arith.subf %scan3A_884, %bitcast3A_1314 : vector<32xbf16>
        %mul3A_1316 = arith.mulf %sub3A_1315, %sub3A_1315 : vector<32xbf16>
        %add3A_1317 = arith.addf %mul3A_1237, %mul3A_1316 : vector<32xbf16>
        %gather3A_1318 = arith.constant 1 : i32
        %gather3A_1319 = arith.constant 0 : i32
        %gather3A_1320 = tpu.memref_slice %arg6[%gather3A_1318, %gather3A_1319] : memref<10x1024xi32, #tpu.memory_space<vmem>> -> memref<1x1024xi32, #tpu.memory_space<vmem>>
        %gather3A_1321 = tpu.memref_squeeze %gather3A_1320 : memref<1x1024xi32, #tpu.memory_space<vmem>> -> memref<1024xi32, #tpu.memory_space<vmem>>
        %gather3A_1322 = tpu.vector_load_idx %gather3A_1321[%scan3A_882] : memref<1024xi32, #tpu.memory_space<vmem>>[vector<16xi32>], vector<16xi32>,
        %bitcast3A_1323 = vector.bitcast %gather3A_1322 : vector<16xi32> to vector<32xbf16>
        %sub3A_1324 = arith.subf %scan3A_884, %bitcast3A_1323 : vector<32xbf16>
        %mul3A_1325 = arith.mulf %sub3A_1324, %sub3A_1324 : vector<32xbf16>
        %add3A_1326 = arith.addf %mul3A_1245, %mul3A_1325 : vector<32xbf16>
        %gather3A_1327 = arith.constant 2 : i32
        %gather3A_1328 = arith.constant 0 : i32
        %gather3A_1329 = tpu.memref_slice %arg6[%gather3A_1327, %gather3A_1328] : memref<10x1024xi32, #tpu.memory_space<vmem>> -> memref<1x1024xi32, #tpu.memory_space<vmem>>
        %gather3A_1330 = tpu.memref_squeeze %gather3A_1329 : memref<1x1024xi32, #tpu.memory_space<vmem>> -> memref<1024xi32, #tpu.memory_space<vmem>>
        %gather3A_1331 = tpu.vector_load_idx %gather3A_1330[%scan3A_874] : memref<1024xi32, #tpu.memory_space<vmem>>[vector<16xi32>], vector<16xi32>,
        %bitcast3A_1332 = vector.bitcast %gather3A_1331 : vector<16xi32> to vector<32xbf16>
        %sub3A_1333 = arith.subf %scan3A_885, %bitcast3A_1332 : vector<32xbf16>
        %mul3A_1334 = arith.mulf %sub3A_1333, %sub3A_1333 : vector<32xbf16>
        %add3A_1335 = arith.addf %add3A_1254, %mul3A_1334 : vector<32xbf16>
        %gather3A_1336 = arith.constant 2 : i32
        %gather3A_1337 = arith.constant 0 : i32
        %gather3A_1338 = tpu.memref_slice %arg6[%gather3A_1336, %gather3A_1337] : memref<10x1024xi32, #tpu.memory_space<vmem>> -> memref<1x1024xi32, #tpu.memory_space<vmem>>
        %gather3A_1339 = tpu.memref_squeeze %gather3A_1338 : memref<1x1024xi32, #tpu.memory_space<vmem>> -> memref<1024xi32, #tpu.memory_space<vmem>>
        %gather3A_1340 = tpu.vector_load_idx %gather3A_1339[%scan3A_875] : memref<1024xi32, #tpu.memory_space<vmem>>[vector<16xi32>], vector<16xi32>,
        %bitcast3A_1341 = vector.bitcast %gather3A_1340 : vector<16xi32> to vector<32xbf16>
        %sub3A_1342 = arith.subf %scan3A_885, %bitcast3A_1341 : vector<32xbf16>
        %mul3A_1343 = arith.mulf %sub3A_1342, %sub3A_1342 : vector<32xbf16>
        %add3A_1344 = arith.addf %add3A_1263, %mul3A_1343 : vector<32xbf16>
        %gather3A_1345 = arith.constant 2 : i32
        %gather3A_1346 = arith.constant 0 : i32
        %gather3A_1347 = tpu.memref_slice %arg6[%gather3A_1345, %gather3A_1346] : memref<10x1024xi32, #tpu.memory_space<vmem>> -> memref<1x1024xi32, #tpu.memory_space<vmem>>
        %gather3A_1348 = tpu.memref_squeeze %gather3A_1347 : memref<1x1024xi32, #tpu.memory_space<vmem>> -> memref<1024xi32, #tpu.memory_space<vmem>>
        %gather3A_1349 = tpu.vector_load_idx %gather3A_1348[%scan3A_876] : memref<1024xi32, #tpu.memory_space<vmem>>[vector<16xi32>], vector<16xi32>,
        %bitcast3A_1350 = vector.bitcast %gather3A_1349 : vector<16xi32> to vector<32xbf16>
        %sub3A_1351 = arith.subf %scan3A_885, %bitcast3A_1350 : vector<32xbf16>
        %mul3A_1352 = arith.mulf %sub3A_1351, %sub3A_1351 : vector<32xbf16>
        %add3A_1353 = arith.addf %add3A_1272, %mul3A_1352 : vector<32xbf16>
        %gather3A_1354 = arith.constant 2 : i32
        %gather3A_1355 = arith.constant 0 : i32
        %gather3A_1356 = tpu.memref_slice %arg6[%gather3A_1354, %gather3A_1355] : memref<10x1024xi32, #tpu.memory_space<vmem>> -> memref<1x1024xi32, #tpu.memory_space<vmem>>
        %gather3A_1357 = tpu.memref_squeeze %gather3A_1356 : memref<1x1024xi32, #tpu.memory_space<vmem>> -> memref<1024xi32, #tpu.memory_space<vmem>>
        %gather3A_1358 = tpu.vector_load_idx %gather3A_1357[%scan3A_877] : memref<1024xi32, #tpu.memory_space<vmem>>[vector<16xi32>], vector<16xi32>,
        %bitcast3A_1359 = vector.bitcast %gather3A_1358 : vector<16xi32> to vector<32xbf16>
        %sub3A_1360 = arith.subf %scan3A_885, %bitcast3A_1359 : vector<32xbf16>
        %mul3A_1361 = arith.mulf %sub3A_1360, %sub3A_1360 : vector<32xbf16>
        %add3A_1362 = arith.addf %add3A_1281, %mul3A_1361 : vector<32xbf16>
        %gather3A_1363 = arith.constant 2 : i32
        %gather3A_1364 = arith.constant 0 : i32
        %gather3A_1365 = tpu.memref_slice %arg6[%gather3A_1363, %gather3A_1364] : memref<10x1024xi32, #tpu.memory_space<vmem>> -> memref<1x1024xi32, #tpu.memory_space<vmem>>
        %gather3A_1366 = tpu.memref_squeeze %gather3A_1365 : memref<1x1024xi32, #tpu.memory_space<vmem>> -> memref<1024xi32, #tpu.memory_space<vmem>>
        %gather3A_1367 = tpu.vector_load_idx %gather3A_1366[%scan3A_878] : memref<1024xi32, #tpu.memory_space<vmem>>[vector<16xi32>], vector<16xi32>,
        %bitcast3A_1368 = vector.bitcast %gather3A_1367 : vector<16xi32> to vector<32xbf16>
        %sub3A_1369 = arith.subf %scan3A_885, %bitcast3A_1368 : vector<32xbf16>
        %mul3A_1370 = arith.mulf %sub3A_1369, %sub3A_1369 : vector<32xbf16>
        %add3A_1371 = arith.addf %add3A_1290, %mul3A_1370 : vector<32xbf16>
        %gather3A_1372 = arith.constant 2 : i32
        %gather3A_1373 = arith.constant 0 : i32
        %gather3A_1374 = tpu.memref_slice %arg6[%gather3A_1372, %gather3A_1373] : memref<10x1024xi32, #tpu.memory_space<vmem>> -> memref<1x1024xi32, #tpu.memory_space<vmem>>
        %gather3A_1375 = tpu.memref_squeeze %gather3A_1374 : memref<1x1024xi32, #tpu.memory_space<vmem>> -> memref<1024xi32, #tpu.memory_space<vmem>>
        %gather3A_1376 = tpu.vector_load_idx %gather3A_1375[%scan3A_879] : memref<1024xi32, #tpu.memory_space<vmem>>[vector<16xi32>], vector<16xi32>,
        %bitcast3A_1377 = vector.bitcast %gather3A_1376 : vector<16xi32> to vector<32xbf16>
        %sub3A_1378 = arith.subf %scan3A_885, %bitcast3A_1377 : vector<32xbf16>
        %mul3A_1379 = arith.mulf %sub3A_1378, %sub3A_1378 : vector<32xbf16>
        %add3A_1380 = arith.addf %add3A_1299, %mul3A_1379 : vector<32xbf16>
        %gather3A_1381 = arith.constant 2 : i32
        %gather3A_1382 = arith.constant 0 : i32
        %gather3A_1383 = tpu.memref_slice %arg6[%gather3A_1381, %gather3A_1382] : memref<10x1024xi32, #tpu.memory_space<vmem>> -> memref<1x1024xi32, #tpu.memory_space<vmem>>
        %gather3A_1384 = tpu.memref_squeeze %gather3A_1383 : memref<1x1024xi32, #tpu.memory_space<vmem>> -> memref<1024xi32, #tpu.memory_space<vmem>>
        %gather3A_1385 = tpu.vector_load_idx %gather3A_1384[%scan3A_880] : memref<1024xi32, #tpu.memory_space<vmem>>[vector<16xi32>], vector<16xi32>,
        %bitcast3A_1386 = vector.bitcast %gather3A_1385 : vector<16xi32> to vector<32xbf16>
        %sub3A_1387 = arith.subf %scan3A_885, %bitcast3A_1386 : vector<32xbf16>
        %mul3A_1388 = arith.mulf %sub3A_1387, %sub3A_1387 : vector<32xbf16>
        %add3A_1389 = arith.addf %add3A_1308, %mul3A_1388 : vector<32xbf16>
        %gather3A_1390 = arith.constant 2 : i32
        %gather3A_1391 = arith.constant 0 : i32
        %gather3A_1392 = tpu.memref_slice %arg6[%gather3A_1390, %gather3A_1391] : memref<10x1024xi32, #tpu.memory_space<vmem>> -> memref<1x1024xi32, #tpu.memory_space<vmem>>
        %gather3A_1393 = tpu.memref_squeeze %gather3A_1392 : memref<1x1024xi32, #tpu.memory_space<vmem>> -> memref<1024xi32, #tpu.memory_space<vmem>>
        %gather3A_1394 = tpu.vector_load_idx %gather3A_1393[%scan3A_881] : memref<1024xi32, #tpu.memory_space<vmem>>[vector<16xi32>], vector<16xi32>,
        %bitcast3A_1395 = vector.bitcast %gather3A_1394 : vector<16xi32> to vector<32xbf16>
        %sub3A_1396 = arith.subf %scan3A_885, %bitcast3A_1395 : vector<32xbf16>
        %mul3A_1397 = arith.mulf %sub3A_1396, %sub3A_1396 : vector<32xbf16>
        %add3A_1398 = arith.addf %add3A_1317, %mul3A_1397 : vector<32xbf16>
        %gather3A_1399 = arith.constant 2 : i32
        %gather3A_1400 = arith.constant 0 : i32
        %gather3A_1401 = tpu.memref_slice %arg6[%gather3A_1399, %gather3A_1400] : memref<10x1024xi32, #tpu.memory_space<vmem>> -> memref<1x1024xi32, #tpu.memory_space<vmem>>
        %gather3A_1402 = tpu.memref_squeeze %gather3A_1401 : memref<1x1024xi32, #tpu.memory_space<vmem>> -> memref<1024xi32, #tpu.memory_space<vmem>>
        %gather3A_1403 = tpu.vector_load_idx %gather3A_1402[%scan3A_882] : memref<1024xi32, #tpu.memory_space<vmem>>[vector<16xi32>], vector<16xi32>,
        %bitcast3A_1404 = vector.bitcast %gather3A_1403 : vector<16xi32> to vector<32xbf16>
        %sub3A_1405 = arith.subf %scan3A_885, %bitcast3A_1404 : vector<32xbf16>
        %mul3A_1406 = arith.mulf %sub3A_1405, %sub3A_1405 : vector<32xbf16>
        %add3A_1407 = arith.addf %add3A_1326, %mul3A_1406 : vector<32xbf16>
        %gather3A_1408 = arith.constant 3 : i32
        %gather3A_1409 = arith.constant 0 : i32
        %gather3A_1410 = tpu.memref_slice %arg6[%gather3A_1408, %gather3A_1409] : memref<10x1024xi32, #tpu.memory_space<vmem>> -> memref<1x1024xi32, #tpu.memory_space<vmem>>
        %gather3A_1411 = tpu.memref_squeeze %gather3A_1410 : memref<1x1024xi32, #tpu.memory_space<vmem>> -> memref<1024xi32, #tpu.memory_space<vmem>>
        %gather3A_1412 = tpu.vector_load_idx %gather3A_1411[%scan3A_874] : memref<1024xi32, #tpu.memory_space<vmem>>[vector<16xi32>], vector<16xi32>,
        %bitcast3A_1413 = vector.bitcast %gather3A_1412 : vector<16xi32> to vector<32xbf16>
        %sub3A_1414 = arith.subf %scan3A_886, %bitcast3A_1413 : vector<32xbf16>
        %mul3A_1415 = arith.mulf %sub3A_1414, %sub3A_1414 : vector<32xbf16>
        %add3A_1416 = arith.addf %add3A_1335, %mul3A_1415 : vector<32xbf16>
        %gather3A_1417 = arith.constant 3 : i32
        %gather3A_1418 = arith.constant 0 : i32
        %gather3A_1419 = tpu.memref_slice %arg6[%gather3A_1417, %gather3A_1418] : memref<10x1024xi32, #tpu.memory_space<vmem>> -> memref<1x1024xi32, #tpu.memory_space<vmem>>
        %gather3A_1420 = tpu.memref_squeeze %gather3A_1419 : memref<1x1024xi32, #tpu.memory_space<vmem>> -> memref<1024xi32, #tpu.memory_space<vmem>>
        %gather3A_1421 = tpu.vector_load_idx %gather3A_1420[%scan3A_875] : memref<1024xi32, #tpu.memory_space<vmem>>[vector<16xi32>], vector<16xi32>,
        %bitcast3A_1422 = vector.bitcast %gather3A_1421 : vector<16xi32> to vector<32xbf16>
        %sub3A_1423 = arith.subf %scan3A_886, %bitcast3A_1422 : vector<32xbf16>
        %mul3A_1424 = arith.mulf %sub3A_1423, %sub3A_1423 : vector<32xbf16>
        %add3A_1425 = arith.addf %add3A_1344, %mul3A_1424 : vector<32xbf16>
        %gather3A_1426 = arith.constant 3 : i32
        %gather3A_1427 = arith.constant 0 : i32
        %gather3A_1428 = tpu.memref_slice %arg6[%gather3A_1426, %gather3A_1427] : memref<10x1024xi32, #tpu.memory_space<vmem>> -> memref<1x1024xi32, #tpu.memory_space<vmem>>
        %gather3A_1429 = tpu.memref_squeeze %gather3A_1428 : memref<1x1024xi32, #tpu.memory_space<vmem>> -> memref<1024xi32, #tpu.memory_space<vmem>>
        %gather3A_1430 = tpu.vector_load_idx %gather3A_1429[%scan3A_876] : memref<1024xi32, #tpu.memory_space<vmem>>[vector<16xi32>], vector<16xi32>,
        %bitcast3A_1431 = vector.bitcast %gather3A_1430 : vector<16xi32> to vector<32xbf16>
        %sub3A_1432 = arith.subf %scan3A_886, %bitcast3A_1431 : vector<32xbf16>
        %mul3A_1433 = arith.mulf %sub3A_1432, %sub3A_1432 : vector<32xbf16>
        %add3A_1434 = arith.addf %add3A_1353, %mul3A_1433 : vector<32xbf16>
        %gather3A_1435 = arith.constant 3 : i32
        %gather3A_1436 = arith.constant 0 : i32
        %gather3A_1437 = tpu.memref_slice %arg6[%gather3A_1435, %gather3A_1436] : memref<10x1024xi32, #tpu.memory_space<vmem>> -> memref<1x1024xi32, #tpu.memory_space<vmem>>
        %gather3A_1438 = tpu.memref_squeeze %gather3A_1437 : memref<1x1024xi32, #tpu.memory_space<vmem>> -> memref<1024xi32, #tpu.memory_space<vmem>>
        %gather3A_1439 = tpu.vector_load_idx %gather3A_1438[%scan3A_877] : memref<1024xi32, #tpu.memory_space<vmem>>[vector<16xi32>], vector<16xi32>,
        %bitcast3A_1440 = vector.bitcast %gather3A_1439 : vector<16xi32> to vector<32xbf16>
        %sub3A_1441 = arith.subf %scan3A_886, %bitcast3A_1440 : vector<32xbf16>
        %mul3A_1442 = arith.mulf %sub3A_1441, %sub3A_1441 : vector<32xbf16>
        %add3A_1443 = arith.addf %add3A_1362, %mul3A_1442 : vector<32xbf16>
        %gather3A_1444 = arith.constant 3 : i32
        %gather3A_1445 = arith.constant 0 : i32
        %gather3A_1446 = tpu.memref_slice %arg6[%gather3A_1444, %gather3A_1445] : memref<10x1024xi32, #tpu.memory_space<vmem>> -> memref<1x1024xi32, #tpu.memory_space<vmem>>
        %gather3A_1447 = tpu.memref_squeeze %gather3A_1446 : memref<1x1024xi32, #tpu.memory_space<vmem>> -> memref<1024xi32, #tpu.memory_space<vmem>>
        %gather3A_1448 = tpu.vector_load_idx %gather3A_1447[%scan3A_878] : memref<1024xi32, #tpu.memory_space<vmem>>[vector<16xi32>], vector<16xi32>,
        %bitcast3A_1449 = vector.bitcast %gather3A_1448 : vector<16xi32> to vector<32xbf16>
        %sub3A_1450 = arith.subf %scan3A_886, %bitcast3A_1449 : vector<32xbf16>
        %mul3A_1451 = arith.mulf %sub3A_1450, %sub3A_1450 : vector<32xbf16>
        %add3A_1452 = arith.addf %add3A_1371, %mul3A_1451 : vector<32xbf16>
        %gather3A_1453 = arith.constant 3 : i32
        %gather3A_1454 = arith.constant 0 : i32
        %gather3A_1455 = tpu.memref_slice %arg6[%gather3A_1453, %gather3A_1454] : memref<10x1024xi32, #tpu.memory_space<vmem>> -> memref<1x1024xi32, #tpu.memory_space<vmem>>
        %gather3A_1456 = tpu.memref_squeeze %gather3A_1455 : memref<1x1024xi32, #tpu.memory_space<vmem>> -> memref<1024xi32, #tpu.memory_space<vmem>>
        %gather3A_1457 = tpu.vector_load_idx %gather3A_1456[%scan3A_879] : memref<1024xi32, #tpu.memory_space<vmem>>[vector<16xi32>], vector<16xi32>,
        %bitcast3A_1458 = vector.bitcast %gather3A_1457 : vector<16xi32> to vector<32xbf16>
        %sub3A_1459 = arith.subf %scan3A_886, %bitcast3A_1458 : vector<32xbf16>
        %mul3A_1460 = arith.mulf %sub3A_1459, %sub3A_1459 : vector<32xbf16>
        %add3A_1461 = arith.addf %add3A_1380, %mul3A_1460 : vector<32xbf16>
        %gather3A_1462 = arith.constant 3 : i32
        %gather3A_1463 = arith.constant 0 : i32
        %gather3A_1464 = tpu.memref_slice %arg6[%gather3A_1462, %gather3A_1463] : memref<10x1024xi32, #tpu.memory_space<vmem>> -> memref<1x1024xi32, #tpu.memory_space<vmem>>
        %gather3A_1465 = tpu.memref_squeeze %gather3A_1464 : memref<1x1024xi32, #tpu.memory_space<vmem>> -> memref<1024xi32, #tpu.memory_space<vmem>>
        %gather3A_1466 = tpu.vector_load_idx %gather3A_1465[%scan3A_880] : memref<1024xi32, #tpu.memory_space<vmem>>[vector<16xi32>], vector<16xi32>,
        %bitcast3A_1467 = vector.bitcast %gather3A_1466 : vector<16xi32> to vector<32xbf16>
        %sub3A_1468 = arith.subf %scan3A_886, %bitcast3A_1467 : vector<32xbf16>
        %mul3A_1469 = arith.mulf %sub3A_1468, %sub3A_1468 : vector<32xbf16>
        %add3A_1470 = arith.addf %add3A_1389, %mul3A_1469 : vector<32xbf16>
        %gather3A_1471 = arith.constant 3 : i32
        %gather3A_1472 = arith.constant 0 : i32
        %gather3A_1473 = tpu.memref_slice %arg6[%gather3A_1471, %gather3A_1472] : memref<10x1024xi32, #tpu.memory_space<vmem>> -> memref<1x1024xi32, #tpu.memory_space<vmem>>
        %gather3A_1474 = tpu.memref_squeeze %gather3A_1473 : memref<1x1024xi32, #tpu.memory_space<vmem>> -> memref<1024xi32, #tpu.memory_space<vmem>>
        %gather3A_1475 = tpu.vector_load_idx %gather3A_1474[%scan3A_881] : memref<1024xi32, #tpu.memory_space<vmem>>[vector<16xi32>], vector<16xi32>,
        %bitcast3A_1476 = vector.bitcast %gather3A_1475 : vector<16xi32> to vector<32xbf16>
        %sub3A_1477 = arith.subf %scan3A_886, %bitcast3A_1476 : vector<32xbf16>
        %mul3A_1478 = arith.mulf %sub3A_1477, %sub3A_1477 : vector<32xbf16>
        %add3A_1479 = arith.addf %add3A_1398, %mul3A_1478 : vector<32xbf16>
        %gather3A_1480 = arith.constant 3 : i32
        %gather3A_1481 = arith.constant 0 : i32
        %gather3A_1482 = tpu.memref_slice %arg6[%gather3A_1480, %gather3A_1481] : memref<10x1024xi32, #tpu.memory_space<vmem>> -> memref<1x1024xi32, #tpu.memory_space<vmem>>
        %gather3A_1483 = tpu.memref_squeeze %gather3A_1482 : memref<1x1024xi32, #tpu.memory_space<vmem>> -> memref<1024xi32, #tpu.memory_space<vmem>>
        %gather3A_1484 = tpu.vector_load_idx %gather3A_1483[%scan3A_882] : memref<1024xi32, #tpu.memory_space<vmem>>[vector<16xi32>], vector<16xi32>,
        %bitcast3A_1485 = vector.bitcast %gather3A_1484 : vector<16xi32> to vector<32xbf16>
        %sub3A_1486 = arith.subf %scan3A_886, %bitcast3A_1485 : vector<32xbf16>
        %mul3A_1487 = arith.mulf %sub3A_1486, %sub3A_1486 : vector<32xbf16>
        %add3A_1488 = arith.addf %add3A_1407, %mul3A_1487 : vector<32xbf16>
        %gather3A_1489 = arith.constant 4 : i32
        %gather3A_1490 = arith.constant 0 : i32
        %gather3A_1491 = tpu.memref_slice %arg6[%gather3A_1489, %gather3A_1490] : memref<10x1024xi32, #tpu.memory_space<vmem>> -> memref<1x1024xi32, #tpu.memory_space<vmem>>
        %gather3A_1492 = tpu.memref_squeeze %gather3A_1491 : memref<1x1024xi32, #tpu.memory_space<vmem>> -> memref<1024xi32, #tpu.memory_space<vmem>>
        %gather3A_1493 = tpu.vector_load_idx %gather3A_1492[%scan3A_874] : memref<1024xi32, #tpu.memory_space<vmem>>[vector<16xi32>], vector<16xi32>,
        %bitcast3A_1494 = vector.bitcast %gather3A_1493 : vector<16xi32> to vector<32xbf16>
        %sub3A_1495 = arith.subf %scan3A_887, %bitcast3A_1494 : vector<32xbf16>
        %mul3A_1496 = arith.mulf %sub3A_1495, %sub3A_1495 : vector<32xbf16>
        %add3A_1497 = arith.addf %add3A_1416, %mul3A_1496 : vector<32xbf16>
        %gather3A_1498 = arith.constant 4 : i32
        %gather3A_1499 = arith.constant 0 : i32
        %gather3A_1500 = tpu.memref_slice %arg6[%gather3A_1498, %gather3A_1499] : memref<10x1024xi32, #tpu.memory_space<vmem>> -> memref<1x1024xi32, #tpu.memory_space<vmem>>
        %gather3A_1501 = tpu.memref_squeeze %gather3A_1500 : memref<1x1024xi32, #tpu.memory_space<vmem>> -> memref<1024xi32, #tpu.memory_space<vmem>>
        %gather3A_1502 = tpu.vector_load_idx %gather3A_1501[%scan3A_875] : memref<1024xi32, #tpu.memory_space<vmem>>[vector<16xi32>], vector<16xi32>,
        %bitcast3A_1503 = vector.bitcast %gather3A_1502 : vector<16xi32> to vector<32xbf16>
        %sub3A_1504 = arith.subf %scan3A_887, %bitcast3A_1503 : vector<32xbf16>
        %mul3A_1505 = arith.mulf %sub3A_1504, %sub3A_1504 : vector<32xbf16>
        %add3A_1506 = arith.addf %add3A_1425, %mul3A_1505 : vector<32xbf16>
        %gather3A_1507 = arith.constant 4 : i32
        %gather3A_1508 = arith.constant 0 : i32
        %gather3A_1509 = tpu.memref_slice %arg6[%gather3A_1507, %gather3A_1508] : memref<10x1024xi32, #tpu.memory_space<vmem>> -> memref<1x1024xi32, #tpu.memory_space<vmem>>
        %gather3A_1510 = tpu.memref_squeeze %gather3A_1509 : memref<1x1024xi32, #tpu.memory_space<vmem>> -> memref<1024xi32, #tpu.memory_space<vmem>>
        %gather3A_1511 = tpu.vector_load_idx %gather3A_1510[%scan3A_876] : memref<1024xi32, #tpu.memory_space<vmem>>[vector<16xi32>], vector<16xi32>,
        %bitcast3A_1512 = vector.bitcast %gather3A_1511 : vector<16xi32> to vector<32xbf16>
        %sub3A_1513 = arith.subf %scan3A_887, %bitcast3A_1512 : vector<32xbf16>
        %mul3A_1514 = arith.mulf %sub3A_1513, %sub3A_1513 : vector<32xbf16>
        %add3A_1515 = arith.addf %add3A_1434, %mul3A_1514 : vector<32xbf16>
        %gather3A_1516 = arith.constant 4 : i32
        %gather3A_1517 = arith.constant 0 : i32
        %gather3A_1518 = tpu.memref_slice %arg6[%gather3A_1516, %gather3A_1517] : memref<10x1024xi32, #tpu.memory_space<vmem>> -> memref<1x1024xi32, #tpu.memory_space<vmem>>
        %gather3A_1519 = tpu.memref_squeeze %gather3A_1518 : memref<1x1024xi32, #tpu.memory_space<vmem>> -> memref<1024xi32, #tpu.memory_space<vmem>>
        %gather3A_1520 = tpu.vector_load_idx %gather3A_1519[%scan3A_877] : memref<1024xi32, #tpu.memory_space<vmem>>[vector<16xi32>], vector<16xi32>,
        %bitcast3A_1521 = vector.bitcast %gather3A_1520 : vector<16xi32> to vector<32xbf16>
        %sub3A_1522 = arith.subf %scan3A_887, %bitcast3A_1521 : vector<32xbf16>
        %mul3A_1523 = arith.mulf %sub3A_1522, %sub3A_1522 : vector<32xbf16>
        %add3A_1524 = arith.addf %add3A_1443, %mul3A_1523 : vector<32xbf16>
        %gather3A_1525 = arith.constant 4 : i32
        %gather3A_1526 = arith.constant 0 : i32
        %gather3A_1527 = tpu.memref_slice %arg6[%gather3A_1525, %gather3A_1526] : memref<10x1024xi32, #tpu.memory_space<vmem>> -> memref<1x1024xi32, #tpu.memory_space<vmem>>
        %gather3A_1528 = tpu.memref_squeeze %gather3A_1527 : memref<1x1024xi32, #tpu.memory_space<vmem>> -> memref<1024xi32, #tpu.memory_space<vmem>>
        %gather3A_1529 = tpu.vector_load_idx %gather3A_1528[%scan3A_878] : memref<1024xi32, #tpu.memory_space<vmem>>[vector<16xi32>], vector<16xi32>,
        %bitcast3A_1530 = vector.bitcast %gather3A_1529 : vector<16xi32> to vector<32xbf16>
        %sub3A_1531 = arith.subf %scan3A_887, %bitcast3A_1530 : vector<32xbf16>
        %mul3A_1532 = arith.mulf %sub3A_1531, %sub3A_1531 : vector<32xbf16>
        %add3A_1533 = arith.addf %add3A_1452, %mul3A_1532 : vector<32xbf16>
        %gather3A_1534 = arith.constant 4 : i32
        %gather3A_1535 = arith.constant 0 : i32
        %gather3A_1536 = tpu.memref_slice %arg6[%gather3A_1534, %gather3A_1535] : memref<10x1024xi32, #tpu.memory_space<vmem>> -> memref<1x1024xi32, #tpu.memory_space<vmem>>
        %gather3A_1537 = tpu.memref_squeeze %gather3A_1536 : memref<1x1024xi32, #tpu.memory_space<vmem>> -> memref<1024xi32, #tpu.memory_space<vmem>>
        %gather3A_1538 = tpu.vector_load_idx %gather3A_1537[%scan3A_879] : memref<1024xi32, #tpu.memory_space<vmem>>[vector<16xi32>], vector<16xi32>,
        %bitcast3A_1539 = vector.bitcast %gather3A_1538 : vector<16xi32> to vector<32xbf16>
        %sub3A_1540 = arith.subf %scan3A_887, %bitcast3A_1539 : vector<32xbf16>
        %mul3A_1541 = arith.mulf %sub3A_1540, %sub3A_1540 : vector<32xbf16>
        %add3A_1542 = arith.addf %add3A_1461, %mul3A_1541 : vector<32xbf16>
        %gather3A_1543 = arith.constant 4 : i32
        %gather3A_1544 = arith.constant 0 : i32
        %gather3A_1545 = tpu.memref_slice %arg6[%gather3A_1543, %gather3A_1544] : memref<10x1024xi32, #tpu.memory_space<vmem>> -> memref<1x1024xi32, #tpu.memory_space<vmem>>
        %gather3A_1546 = tpu.memref_squeeze %gather3A_1545 : memref<1x1024xi32, #tpu.memory_space<vmem>> -> memref<1024xi32, #tpu.memory_space<vmem>>
        %gather3A_1547 = tpu.vector_load_idx %gather3A_1546[%scan3A_880] : memref<1024xi32, #tpu.memory_space<vmem>>[vector<16xi32>], vector<16xi32>,
        %bitcast3A_1548 = vector.bitcast %gather3A_1547 : vector<16xi32> to vector<32xbf16>
        %sub3A_1549 = arith.subf %scan3A_887, %bitcast3A_1548 : vector<32xbf16>
        %mul3A_1550 = arith.mulf %sub3A_1549, %sub3A_1549 : vector<32xbf16>
        %add3A_1551 = arith.addf %add3A_1470, %mul3A_1550 : vector<32xbf16>
        %gather3A_1552 = arith.constant 4 : i32
        %gather3A_1553 = arith.constant 0 : i32
        %gather3A_1554 = tpu.memref_slice %arg6[%gather3A_1552, %gather3A_1553] : memref<10x1024xi32, #tpu.memory_space<vmem>> -> memref<1x1024xi32, #tpu.memory_space<vmem>>
        %gather3A_1555 = tpu.memref_squeeze %gather3A_1554 : memref<1x1024xi32, #tpu.memory_space<vmem>> -> memref<1024xi32, #tpu.memory_space<vmem>>
        %gather3A_1556 = tpu.vector_load_idx %gather3A_1555[%scan3A_881] : memref<1024xi32, #tpu.memory_space<vmem>>[vector<16xi32>], vector<16xi32>,
        %bitcast3A_1557 = vector.bitcast %gather3A_1556 : vector<16xi32> to vector<32xbf16>
        %sub3A_1558 = arith.subf %scan3A_887, %bitcast3A_1557 : vector<32xbf16>
        %mul3A_1559 = arith.mulf %sub3A_1558, %sub3A_1558 : vector<32xbf16>
        %add3A_1560 = arith.addf %add3A_1479, %mul3A_1559 : vector<32xbf16>
        %gather3A_1561 = arith.constant 4 : i32
        %gather3A_1562 = arith.constant 0 : i32
        %gather3A_1563 = tpu.memref_slice %arg6[%gather3A_1561, %gather3A_1562] : memref<10x1024xi32, #tpu.memory_space<vmem>> -> memref<1x1024xi32, #tpu.memory_space<vmem>>
        %gather3A_1564 = tpu.memref_squeeze %gather3A_1563 : memref<1x1024xi32, #tpu.memory_space<vmem>> -> memref<1024xi32, #tpu.memory_space<vmem>>
        %gather3A_1565 = tpu.vector_load_idx %gather3A_1564[%scan3A_882] : memref<1024xi32, #tpu.memory_space<vmem>>[vector<16xi32>], vector<16xi32>,
        %bitcast3A_1566 = vector.bitcast %gather3A_1565 : vector<16xi32> to vector<32xbf16>
        %sub3A_1567 = arith.subf %scan3A_887, %bitcast3A_1566 : vector<32xbf16>
        %mul3A_1568 = arith.mulf %sub3A_1567, %sub3A_1567 : vector<32xbf16>
        %add3A_1569 = arith.addf %add3A_1488, %mul3A_1568 : vector<32xbf16>
        %gather3A_1570 = arith.constant 5 : i32
        %gather3A_1571 = arith.constant 0 : i32
        %gather3A_1572 = tpu.memref_slice %arg6[%gather3A_1570, %gather3A_1571] : memref<10x1024xi32, #tpu.memory_space<vmem>> -> memref<1x1024xi32, #tpu.memory_space<vmem>>
        %gather3A_1573 = tpu.memref_squeeze %gather3A_1572 : memref<1x1024xi32, #tpu.memory_space<vmem>> -> memref<1024xi32, #tpu.memory_space<vmem>>
        %gather3A_1574 = tpu.vector_load_idx %gather3A_1573[%scan3A_874] : memref<1024xi32, #tpu.memory_space<vmem>>[vector<16xi32>], vector<16xi32>,
        %bitcast3A_1575 = vector.bitcast %gather3A_1574 : vector<16xi32> to vector<32xbf16>
        %sub3A_1576 = arith.subf %scan3A_888, %bitcast3A_1575 : vector<32xbf16>
        %mul3A_1577 = arith.mulf %sub3A_1576, %sub3A_1576 : vector<32xbf16>
        %add3A_1578 = arith.addf %add3A_1497, %mul3A_1577 : vector<32xbf16>
        %gather3A_1579 = arith.constant 5 : i32
        %gather3A_1580 = arith.constant 0 : i32
        %gather3A_1581 = tpu.memref_slice %arg6[%gather3A_1579, %gather3A_1580] : memref<10x1024xi32, #tpu.memory_space<vmem>> -> memref<1x1024xi32, #tpu.memory_space<vmem>>
        %gather3A_1582 = tpu.memref_squeeze %gather3A_1581 : memref<1x1024xi32, #tpu.memory_space<vmem>> -> memref<1024xi32, #tpu.memory_space<vmem>>
        %gather3A_1583 = tpu.vector_load_idx %gather3A_1582[%scan3A_875] : memref<1024xi32, #tpu.memory_space<vmem>>[vector<16xi32>], vector<16xi32>,
        %bitcast3A_1584 = vector.bitcast %gather3A_1583 : vector<16xi32> to vector<32xbf16>
        %sub3A_1585 = arith.subf %scan3A_888, %bitcast3A_1584 : vector<32xbf16>
        %mul3A_1586 = arith.mulf %sub3A_1585, %sub3A_1585 : vector<32xbf16>
        %add3A_1587 = arith.addf %add3A_1506, %mul3A_1586 : vector<32xbf16>
        %gather3A_1588 = arith.constant 5 : i32
        %gather3A_1589 = arith.constant 0 : i32
        %gather3A_1590 = tpu.memref_slice %arg6[%gather3A_1588, %gather3A_1589] : memref<10x1024xi32, #tpu.memory_space<vmem>> -> memref<1x1024xi32, #tpu.memory_space<vmem>>
        %gather3A_1591 = tpu.memref_squeeze %gather3A_1590 : memref<1x1024xi32, #tpu.memory_space<vmem>> -> memref<1024xi32, #tpu.memory_space<vmem>>
        %gather3A_1592 = tpu.vector_load_idx %gather3A_1591[%scan3A_876] : memref<1024xi32, #tpu.memory_space<vmem>>[vector<16xi32>], vector<16xi32>,
        %bitcast3A_1593 = vector.bitcast %gather3A_1592 : vector<16xi32> to vector<32xbf16>
        %sub3A_1594 = arith.subf %scan3A_888, %bitcast3A_1593 : vector<32xbf16>
        %mul3A_1595 = arith.mulf %sub3A_1594, %sub3A_1594 : vector<32xbf16>
        %add3A_1596 = arith.addf %add3A_1515, %mul3A_1595 : vector<32xbf16>
        %gather3A_1597 = arith.constant 5 : i32
        %gather3A_1598 = arith.constant 0 : i32
        %gather3A_1599 = tpu.memref_slice %arg6[%gather3A_1597, %gather3A_1598] : memref<10x1024xi32, #tpu.memory_space<vmem>> -> memref<1x1024xi32, #tpu.memory_space<vmem>>
        %gather3A_1600 = tpu.memref_squeeze %gather3A_1599 : memref<1x1024xi32, #tpu.memory_space<vmem>> -> memref<1024xi32, #tpu.memory_space<vmem>>
        %gather3A_1601 = tpu.vector_load_idx %gather3A_1600[%scan3A_877] : memref<1024xi32, #tpu.memory_space<vmem>>[vector<16xi32>], vector<16xi32>,
        %bitcast3A_1602 = vector.bitcast %gather3A_1601 : vector<16xi32> to vector<32xbf16>
        %sub3A_1603 = arith.subf %scan3A_888, %bitcast3A_1602 : vector<32xbf16>
        %mul3A_1604 = arith.mulf %sub3A_1603, %sub3A_1603 : vector<32xbf16>
        %add3A_1605 = arith.addf %add3A_1524, %mul3A_1604 : vector<32xbf16>
        %gather3A_1606 = arith.constant 5 : i32
        %gather3A_1607 = arith.constant 0 : i32
        %gather3A_1608 = tpu.memref_slice %arg6[%gather3A_1606, %gather3A_1607] : memref<10x1024xi32, #tpu.memory_space<vmem>> -> memref<1x1024xi32, #tpu.memory_space<vmem>>
        %gather3A_1609 = tpu.memref_squeeze %gather3A_1608 : memref<1x1024xi32, #tpu.memory_space<vmem>> -> memref<1024xi32, #tpu.memory_space<vmem>>
        %gather3A_1610 = tpu.vector_load_idx %gather3A_1609[%scan3A_878] : memref<1024xi32, #tpu.memory_space<vmem>>[vector<16xi32>], vector<16xi32>,
        %bitcast3A_1611 = vector.bitcast %gather3A_1610 : vector<16xi32> to vector<32xbf16>
        %sub3A_1612 = arith.subf %scan3A_888, %bitcast3A_1611 : vector<32xbf16>
        %mul3A_1613 = arith.mulf %sub3A_1612, %sub3A_1612 : vector<32xbf16>
        %add3A_1614 = arith.addf %add3A_1533, %mul3A_1613 : vector<32xbf16>
        %gather3A_1615 = arith.constant 5 : i32
        %gather3A_1616 = arith.constant 0 : i32
        %gather3A_1617 = tpu.memref_slice %arg6[%gather3A_1615, %gather3A_1616] : memref<10x1024xi32, #tpu.memory_space<vmem>> -> memref<1x1024xi32, #tpu.memory_space<vmem>>
        %gather3A_1618 = tpu.memref_squeeze %gather3A_1617 : memref<1x1024xi32, #tpu.memory_space<vmem>> -> memref<1024xi32, #tpu.memory_space<vmem>>
        %gather3A_1619 = tpu.vector_load_idx %gather3A_1618[%scan3A_879] : memref<1024xi32, #tpu.memory_space<vmem>>[vector<16xi32>], vector<16xi32>,
        %bitcast3A_1620 = vector.bitcast %gather3A_1619 : vector<16xi32> to vector<32xbf16>
        %sub3A_1621 = arith.subf %scan3A_888, %bitcast3A_1620 : vector<32xbf16>
        %mul3A_1622 = arith.mulf %sub3A_1621, %sub3A_1621 : vector<32xbf16>
        %add3A_1623 = arith.addf %add3A_1542, %mul3A_1622 : vector<32xbf16>
        %gather3A_1624 = arith.constant 5 : i32
        %gather3A_1625 = arith.constant 0 : i32
        %gather3A_1626 = tpu.memref_slice %arg6[%gather3A_1624, %gather3A_1625] : memref<10x1024xi32, #tpu.memory_space<vmem>> -> memref<1x1024xi32, #tpu.memory_space<vmem>>
        %gather3A_1627 = tpu.memref_squeeze %gather3A_1626 : memref<1x1024xi32, #tpu.memory_space<vmem>> -> memref<1024xi32, #tpu.memory_space<vmem>>
        %gather3A_1628 = tpu.vector_load_idx %gather3A_1627[%scan3A_880] : memref<1024xi32, #tpu.memory_space<vmem>>[vector<16xi32>], vector<16xi32>,
        %bitcast3A_1629 = vector.bitcast %gather3A_1628 : vector<16xi32> to vector<32xbf16>
        %sub3A_1630 = arith.subf %scan3A_888, %bitcast3A_1629 : vector<32xbf16>
        %mul3A_1631 = arith.mulf %sub3A_1630, %sub3A_1630 : vector<32xbf16>
        %add3A_1632 = arith.addf %add3A_1551, %mul3A_1631 : vector<32xbf16>
        %gather3A_1633 = arith.constant 5 : i32
        %gather3A_1634 = arith.constant 0 : i32
        %gather3A_1635 = tpu.memref_slice %arg6[%gather3A_1633, %gather3A_1634] : memref<10x1024xi32, #tpu.memory_space<vmem>> -> memref<1x1024xi32, #tpu.memory_space<vmem>>
        %gather3A_1636 = tpu.memref_squeeze %gather3A_1635 : memref<1x1024xi32, #tpu.memory_space<vmem>> -> memref<1024xi32, #tpu.memory_space<vmem>>
        %gather3A_1637 = tpu.vector_load_idx %gather3A_1636[%scan3A_881] : memref<1024xi32, #tpu.memory_space<vmem>>[vector<16xi32>], vector<16xi32>,
        %bitcast3A_1638 = vector.bitcast %gather3A_1637 : vector<16xi32> to vector<32xbf16>
        %sub3A_1639 = arith.subf %scan3A_888, %bitcast3A_1638 : vector<32xbf16>
        %mul3A_1640 = arith.mulf %sub3A_1639, %sub3A_1639 : vector<32xbf16>
        %add3A_1641 = arith.addf %add3A_1560, %mul3A_1640 : vector<32xbf16>
        %gather3A_1642 = arith.constant 5 : i32
        %gather3A_1643 = arith.constant 0 : i32
        %gather3A_1644 = tpu.memref_slice %arg6[%gather3A_1642, %gather3A_1643] : memref<10x1024xi32, #tpu.memory_space<vmem>> -> memref<1x1024xi32, #tpu.memory_space<vmem>>
        %gather3A_1645 = tpu.memref_squeeze %gather3A_1644 : memref<1x1024xi32, #tpu.memory_space<vmem>> -> memref<1024xi32, #tpu.memory_space<vmem>>
        %gather3A_1646 = tpu.vector_load_idx %gather3A_1645[%scan3A_882] : memref<1024xi32, #tpu.memory_space<vmem>>[vector<16xi32>], vector<16xi32>,
        %bitcast3A_1647 = vector.bitcast %gather3A_1646 : vector<16xi32> to vector<32xbf16>
        %sub3A_1648 = arith.subf %scan3A_888, %bitcast3A_1647 : vector<32xbf16>
        %mul3A_1649 = arith.mulf %sub3A_1648, %sub3A_1648 : vector<32xbf16>
        %add3A_1650 = arith.addf %add3A_1569, %mul3A_1649 : vector<32xbf16>
        %gather3A_1651 = arith.constant 6 : i32
        %gather3A_1652 = arith.constant 0 : i32
        %gather3A_1653 = tpu.memref_slice %arg6[%gather3A_1651, %gather3A_1652] : memref<10x1024xi32, #tpu.memory_space<vmem>> -> memref<1x1024xi32, #tpu.memory_space<vmem>>
        %gather3A_1654 = tpu.memref_squeeze %gather3A_1653 : memref<1x1024xi32, #tpu.memory_space<vmem>> -> memref<1024xi32, #tpu.memory_space<vmem>>
        %gather3A_1655 = tpu.vector_load_idx %gather3A_1654[%scan3A_874] : memref<1024xi32, #tpu.memory_space<vmem>>[vector<16xi32>], vector<16xi32>,
        %bitcast3A_1656 = vector.bitcast %gather3A_1655 : vector<16xi32> to vector<32xbf16>
        %sub3A_1657 = arith.subf %scan3A_889, %bitcast3A_1656 : vector<32xbf16>
        %mul3A_1658 = arith.mulf %sub3A_1657, %sub3A_1657 : vector<32xbf16>
        %add3A_1659 = arith.addf %add3A_1578, %mul3A_1658 : vector<32xbf16>
        %gather3A_1660 = arith.constant 6 : i32
        %gather3A_1661 = arith.constant 0 : i32
        %gather3A_1662 = tpu.memref_slice %arg6[%gather3A_1660, %gather3A_1661] : memref<10x1024xi32, #tpu.memory_space<vmem>> -> memref<1x1024xi32, #tpu.memory_space<vmem>>
        %gather3A_1663 = tpu.memref_squeeze %gather3A_1662 : memref<1x1024xi32, #tpu.memory_space<vmem>> -> memref<1024xi32, #tpu.memory_space<vmem>>
        %gather3A_1664 = tpu.vector_load_idx %gather3A_1663[%scan3A_875] : memref<1024xi32, #tpu.memory_space<vmem>>[vector<16xi32>], vector<16xi32>,
        %bitcast3A_1665 = vector.bitcast %gather3A_1664 : vector<16xi32> to vector<32xbf16>
        %sub3A_1666 = arith.subf %scan3A_889, %bitcast3A_1665 : vector<32xbf16>
        %mul3A_1667 = arith.mulf %sub3A_1666, %sub3A_1666 : vector<32xbf16>
        %add3A_1668 = arith.addf %add3A_1587, %mul3A_1667 : vector<32xbf16>
        %gather3A_1669 = arith.constant 6 : i32
        %gather3A_1670 = arith.constant 0 : i32
        %gather3A_1671 = tpu.memref_slice %arg6[%gather3A_1669, %gather3A_1670] : memref<10x1024xi32, #tpu.memory_space<vmem>> -> memref<1x1024xi32, #tpu.memory_space<vmem>>
        %gather3A_1672 = tpu.memref_squeeze %gather3A_1671 : memref<1x1024xi32, #tpu.memory_space<vmem>> -> memref<1024xi32, #tpu.memory_space<vmem>>
        %gather3A_1673 = tpu.vector_load_idx %gather3A_1672[%scan3A_876] : memref<1024xi32, #tpu.memory_space<vmem>>[vector<16xi32>], vector<16xi32>,
        %bitcast3A_1674 = vector.bitcast %gather3A_1673 : vector<16xi32> to vector<32xbf16>
        %sub3A_1675 = arith.subf %scan3A_889, %bitcast3A_1674 : vector<32xbf16>
        %mul3A_1676 = arith.mulf %sub3A_1675, %sub3A_1675 : vector<32xbf16>
        %add3A_1677 = arith.addf %add3A_1596, %mul3A_1676 : vector<32xbf16>
        %gather3A_1678 = arith.constant 6 : i32
        %gather3A_1679 = arith.constant 0 : i32
        %gather3A_1680 = tpu.memref_slice %arg6[%gather3A_1678, %gather3A_1679] : memref<10x1024xi32, #tpu.memory_space<vmem>> -> memref<1x1024xi32, #tpu.memory_space<vmem>>
        %gather3A_1681 = tpu.memref_squeeze %gather3A_1680 : memref<1x1024xi32, #tpu.memory_space<vmem>> -> memref<1024xi32, #tpu.memory_space<vmem>>
        %gather3A_1682 = tpu.vector_load_idx %gather3A_1681[%scan3A_877] : memref<1024xi32, #tpu.memory_space<vmem>>[vector<16xi32>], vector<16xi32>,
        %bitcast3A_1683 = vector.bitcast %gather3A_1682 : vector<16xi32> to vector<32xbf16>
        %sub3A_1684 = arith.subf %scan3A_889, %bitcast3A_1683 : vector<32xbf16>
        %mul3A_1685 = arith.mulf %sub3A_1684, %sub3A_1684 : vector<32xbf16>
        %add3A_1686 = arith.addf %add3A_1605, %mul3A_1685 : vector<32xbf16>
        %gather3A_1687 = arith.constant 6 : i32
        %gather3A_1688 = arith.constant 0 : i32
        %gather3A_1689 = tpu.memref_slice %arg6[%gather3A_1687, %gather3A_1688] : memref<10x1024xi32, #tpu.memory_space<vmem>> -> memref<1x1024xi32, #tpu.memory_space<vmem>>
        %gather3A_1690 = tpu.memref_squeeze %gather3A_1689 : memref<1x1024xi32, #tpu.memory_space<vmem>> -> memref<1024xi32, #tpu.memory_space<vmem>>
        %gather3A_1691 = tpu.vector_load_idx %gather3A_1690[%scan3A_878] : memref<1024xi32, #tpu.memory_space<vmem>>[vector<16xi32>], vector<16xi32>,
        %bitcast3A_1692 = vector.bitcast %gather3A_1691 : vector<16xi32> to vector<32xbf16>
        %sub3A_1693 = arith.subf %scan3A_889, %bitcast3A_1692 : vector<32xbf16>
        %mul3A_1694 = arith.mulf %sub3A_1693, %sub3A_1693 : vector<32xbf16>
        %add3A_1695 = arith.addf %add3A_1614, %mul3A_1694 : vector<32xbf16>
        %gather3A_1696 = arith.constant 6 : i32
        %gather3A_1697 = arith.constant 0 : i32
        %gather3A_1698 = tpu.memref_slice %arg6[%gather3A_1696, %gather3A_1697] : memref<10x1024xi32, #tpu.memory_space<vmem>> -> memref<1x1024xi32, #tpu.memory_space<vmem>>
        %gather3A_1699 = tpu.memref_squeeze %gather3A_1698 : memref<1x1024xi32, #tpu.memory_space<vmem>> -> memref<1024xi32, #tpu.memory_space<vmem>>
        %gather3A_1700 = tpu.vector_load_idx %gather3A_1699[%scan3A_879] : memref<1024xi32, #tpu.memory_space<vmem>>[vector<16xi32>], vector<16xi32>,
        %bitcast3A_1701 = vector.bitcast %gather3A_1700 : vector<16xi32> to vector<32xbf16>
        %sub3A_1702 = arith.subf %scan3A_889, %bitcast3A_1701 : vector<32xbf16>
        %mul3A_1703 = arith.mulf %sub3A_1702, %sub3A_1702 : vector<32xbf16>
        %add3A_1704 = arith.addf %add3A_1623, %mul3A_1703 : vector<32xbf16>
        %gather3A_1705 = arith.constant 6 : i32
        %gather3A_1706 = arith.constant 0 : i32
        %gather3A_1707 = tpu.memref_slice %arg6[%gather3A_1705, %gather3A_1706] : memref<10x1024xi32, #tpu.memory_space<vmem>> -> memref<1x1024xi32, #tpu.memory_space<vmem>>
        %gather3A_1708 = tpu.memref_squeeze %gather3A_1707 : memref<1x1024xi32, #tpu.memory_space<vmem>> -> memref<1024xi32, #tpu.memory_space<vmem>>
        %gather3A_1709 = tpu.vector_load_idx %gather3A_1708[%scan3A_880] : memref<1024xi32, #tpu.memory_space<vmem>>[vector<16xi32>], vector<16xi32>,
        %bitcast3A_1710 = vector.bitcast %gather3A_1709 : vector<16xi32> to vector<32xbf16>
        %sub3A_1711 = arith.subf %scan3A_889, %bitcast3A_1710 : vector<32xbf16>
        %mul3A_1712 = arith.mulf %sub3A_1711, %sub3A_1711 : vector<32xbf16>
        %add3A_1713 = arith.addf %add3A_1632, %mul3A_1712 : vector<32xbf16>
        %gather3A_1714 = arith.constant 6 : i32
        %gather3A_1715 = arith.constant 0 : i32
        %gather3A_1716 = tpu.memref_slice %arg6[%gather3A_1714, %gather3A_1715] : memref<10x1024xi32, #tpu.memory_space<vmem>> -> memref<1x1024xi32, #tpu.memory_space<vmem>>
        %gather3A_1717 = tpu.memref_squeeze %gather3A_1716 : memref<1x1024xi32, #tpu.memory_space<vmem>> -> memref<1024xi32, #tpu.memory_space<vmem>>
        %gather3A_1718 = tpu.vector_load_idx %gather3A_1717[%scan3A_881] : memref<1024xi32, #tpu.memory_space<vmem>>[vector<16xi32>], vector<16xi32>,
        %bitcast3A_1719 = vector.bitcast %gather3A_1718 : vector<16xi32> to vector<32xbf16>
        %sub3A_1720 = arith.subf %scan3A_889, %bitcast3A_1719 : vector<32xbf16>
        %mul3A_1721 = arith.mulf %sub3A_1720, %sub3A_1720 : vector<32xbf16>
        %add3A_1722 = arith.addf %add3A_1641, %mul3A_1721 : vector<32xbf16>
        %gather3A_1723 = arith.constant 6 : i32
        %gather3A_1724 = arith.constant 0 : i32
        %gather3A_1725 = tpu.memref_slice %arg6[%gather3A_1723, %gather3A_1724] : memref<10x1024xi32, #tpu.memory_space<vmem>> -> memref<1x1024xi32, #tpu.memory_space<vmem>>
        %gather3A_1726 = tpu.memref_squeeze %gather3A_1725 : memref<1x1024xi32, #tpu.memory_space<vmem>> -> memref<1024xi32, #tpu.memory_space<vmem>>
        %gather3A_1727 = tpu.vector_load_idx %gather3A_1726[%scan3A_882] : memref<1024xi32, #tpu.memory_space<vmem>>[vector<16xi32>], vector<16xi32>,
        %bitcast3A_1728 = vector.bitcast %gather3A_1727 : vector<16xi32> to vector<32xbf16>
        %sub3A_1729 = arith.subf %scan3A_889, %bitcast3A_1728 : vector<32xbf16>
        %mul3A_1730 = arith.mulf %sub3A_1729, %sub3A_1729 : vector<32xbf16>
        %add3A_1731 = arith.addf %add3A_1650, %mul3A_1730 : vector<32xbf16>
        %gather3A_1732 = arith.constant 7 : i32
        %gather3A_1733 = arith.constant 0 : i32
        %gather3A_1734 = tpu.memref_slice %arg6[%gather3A_1732, %gather3A_1733] : memref<10x1024xi32, #tpu.memory_space<vmem>> -> memref<1x1024xi32, #tpu.memory_space<vmem>>
        %gather3A_1735 = tpu.memref_squeeze %gather3A_1734 : memref<1x1024xi32, #tpu.memory_space<vmem>> -> memref<1024xi32, #tpu.memory_space<vmem>>
        %gather3A_1736 = tpu.vector_load_idx %gather3A_1735[%scan3A_874] : memref<1024xi32, #tpu.memory_space<vmem>>[vector<16xi32>], vector<16xi32>,
        %bitcast3A_1737 = vector.bitcast %gather3A_1736 : vector<16xi32> to vector<32xbf16>
        %sub3A_1738 = arith.subf %scan3A_890, %bitcast3A_1737 : vector<32xbf16>
        %mul3A_1739 = arith.mulf %sub3A_1738, %sub3A_1738 : vector<32xbf16>
        %add3A_1740 = arith.addf %add3A_1659, %mul3A_1739 : vector<32xbf16>
        %gather3A_1741 = arith.constant 7 : i32
        %gather3A_1742 = arith.constant 0 : i32
        %gather3A_1743 = tpu.memref_slice %arg6[%gather3A_1741, %gather3A_1742] : memref<10x1024xi32, #tpu.memory_space<vmem>> -> memref<1x1024xi32, #tpu.memory_space<vmem>>
        %gather3A_1744 = tpu.memref_squeeze %gather3A_1743 : memref<1x1024xi32, #tpu.memory_space<vmem>> -> memref<1024xi32, #tpu.memory_space<vmem>>
        %gather3A_1745 = tpu.vector_load_idx %gather3A_1744[%scan3A_875] : memref<1024xi32, #tpu.memory_space<vmem>>[vector<16xi32>], vector<16xi32>,
        %bitcast3A_1746 = vector.bitcast %gather3A_1745 : vector<16xi32> to vector<32xbf16>
        %sub3A_1747 = arith.subf %scan3A_890, %bitcast3A_1746 : vector<32xbf16>
        %mul3A_1748 = arith.mulf %sub3A_1747, %sub3A_1747 : vector<32xbf16>
        %add3A_1749 = arith.addf %add3A_1668, %mul3A_1748 : vector<32xbf16>
        %gather3A_1750 = arith.constant 7 : i32
        %gather3A_1751 = arith.constant 0 : i32
        %gather3A_1752 = tpu.memref_slice %arg6[%gather3A_1750, %gather3A_1751] : memref<10x1024xi32, #tpu.memory_space<vmem>> -> memref<1x1024xi32, #tpu.memory_space<vmem>>
        %gather3A_1753 = tpu.memref_squeeze %gather3A_1752 : memref<1x1024xi32, #tpu.memory_space<vmem>> -> memref<1024xi32, #tpu.memory_space<vmem>>
        %gather3A_1754 = tpu.vector_load_idx %gather3A_1753[%scan3A_876] : memref<1024xi32, #tpu.memory_space<vmem>>[vector<16xi32>], vector<16xi32>,
        %bitcast3A_1755 = vector.bitcast %gather3A_1754 : vector<16xi32> to vector<32xbf16>
        %sub3A_1756 = arith.subf %scan3A_890, %bitcast3A_1755 : vector<32xbf16>
        %mul3A_1757 = arith.mulf %sub3A_1756, %sub3A_1756 : vector<32xbf16>
        %add3A_1758 = arith.addf %add3A_1677, %mul3A_1757 : vector<32xbf16>
        %gather3A_1759 = arith.constant 7 : i32
        %gather3A_1760 = arith.constant 0 : i32
        %gather3A_1761 = tpu.memref_slice %arg6[%gather3A_1759, %gather3A_1760] : memref<10x1024xi32, #tpu.memory_space<vmem>> -> memref<1x1024xi32, #tpu.memory_space<vmem>>
        %gather3A_1762 = tpu.memref_squeeze %gather3A_1761 : memref<1x1024xi32, #tpu.memory_space<vmem>> -> memref<1024xi32, #tpu.memory_space<vmem>>
        %gather3A_1763 = tpu.vector_load_idx %gather3A_1762[%scan3A_877] : memref<1024xi32, #tpu.memory_space<vmem>>[vector<16xi32>], vector<16xi32>,
        %bitcast3A_1764 = vector.bitcast %gather3A_1763 : vector<16xi32> to vector<32xbf16>
        %sub3A_1765 = arith.subf %scan3A_890, %bitcast3A_1764 : vector<32xbf16>
        %mul3A_1766 = arith.mulf %sub3A_1765, %sub3A_1765 : vector<32xbf16>
        %add3A_1767 = arith.addf %add3A_1686, %mul3A_1766 : vector<32xbf16>
        %gather3A_1768 = arith.constant 7 : i32
        %gather3A_1769 = arith.constant 0 : i32
        %gather3A_1770 = tpu.memref_slice %arg6[%gather3A_1768, %gather3A_1769] : memref<10x1024xi32, #tpu.memory_space<vmem>> -> memref<1x1024xi32, #tpu.memory_space<vmem>>
        %gather3A_1771 = tpu.memref_squeeze %gather3A_1770 : memref<1x1024xi32, #tpu.memory_space<vmem>> -> memref<1024xi32, #tpu.memory_space<vmem>>
        %gather3A_1772 = tpu.vector_load_idx %gather3A_1771[%scan3A_878] : memref<1024xi32, #tpu.memory_space<vmem>>[vector<16xi32>], vector<16xi32>,
        %bitcast3A_1773 = vector.bitcast %gather3A_1772 : vector<16xi32> to vector<32xbf16>
        %sub3A_1774 = arith.subf %scan3A_890, %bitcast3A_1773 : vector<32xbf16>
        %mul3A_1775 = arith.mulf %sub3A_1774, %sub3A_1774 : vector<32xbf16>
        %add3A_1776 = arith.addf %add3A_1695, %mul3A_1775 : vector<32xbf16>
        %gather3A_1777 = arith.constant 7 : i32
        %gather3A_1778 = arith.constant 0 : i32
        %gather3A_1779 = tpu.memref_slice %arg6[%gather3A_1777, %gather3A_1778] : memref<10x1024xi32, #tpu.memory_space<vmem>> -> memref<1x1024xi32, #tpu.memory_space<vmem>>
        %gather3A_1780 = tpu.memref_squeeze %gather3A_1779 : memref<1x1024xi32, #tpu.memory_space<vmem>> -> memref<1024xi32, #tpu.memory_space<vmem>>
        %gather3A_1781 = tpu.vector_load_idx %gather3A_1780[%scan3A_879] : memref<1024xi32, #tpu.memory_space<vmem>>[vector<16xi32>], vector<16xi32>,
        %bitcast3A_1782 = vector.bitcast %gather3A_1781 : vector<16xi32> to vector<32xbf16>
        %sub3A_1783 = arith.subf %scan3A_890, %bitcast3A_1782 : vector<32xbf16>
        %mul3A_1784 = arith.mulf %sub3A_1783, %sub3A_1783 : vector<32xbf16>
        %add3A_1785 = arith.addf %add3A_1704, %mul3A_1784 : vector<32xbf16>
        %gather3A_1786 = arith.constant 7 : i32
        %gather3A_1787 = arith.constant 0 : i32
        %gather3A_1788 = tpu.memref_slice %arg6[%gather3A_1786, %gather3A_1787] : memref<10x1024xi32, #tpu.memory_space<vmem>> -> memref<1x1024xi32, #tpu.memory_space<vmem>>
        %gather3A_1789 = tpu.memref_squeeze %gather3A_1788 : memref<1x1024xi32, #tpu.memory_space<vmem>> -> memref<1024xi32, #tpu.memory_space<vmem>>
        %gather3A_1790 = tpu.vector_load_idx %gather3A_1789[%scan3A_880] : memref<1024xi32, #tpu.memory_space<vmem>>[vector<16xi32>], vector<16xi32>,
        %bitcast3A_1791 = vector.bitcast %gather3A_1790 : vector<16xi32> to vector<32xbf16>
        %sub3A_1792 = arith.subf %scan3A_890, %bitcast3A_1791 : vector<32xbf16>
        %mul3A_1793 = arith.mulf %sub3A_1792, %sub3A_1792 : vector<32xbf16>
        %add3A_1794 = arith.addf %add3A_1713, %mul3A_1793 : vector<32xbf16>
        %gather3A_1795 = arith.constant 7 : i32
        %gather3A_1796 = arith.constant 0 : i32
        %gather3A_1797 = tpu.memref_slice %arg6[%gather3A_1795, %gather3A_1796] : memref<10x1024xi32, #tpu.memory_space<vmem>> -> memref<1x1024xi32, #tpu.memory_space<vmem>>
        %gather3A_1798 = tpu.memref_squeeze %gather3A_1797 : memref<1x1024xi32, #tpu.memory_space<vmem>> -> memref<1024xi32, #tpu.memory_space<vmem>>
        %gather3A_1799 = tpu.vector_load_idx %gather3A_1798[%scan3A_881] : memref<1024xi32, #tpu.memory_space<vmem>>[vector<16xi32>], vector<16xi32>,
        %bitcast3A_1800 = vector.bitcast %gather3A_1799 : vector<16xi32> to vector<32xbf16>
        %sub3A_1801 = arith.subf %scan3A_890, %bitcast3A_1800 : vector<32xbf16>
        %mul3A_1802 = arith.mulf %sub3A_1801, %sub3A_1801 : vector<32xbf16>
        %add3A_1803 = arith.addf %add3A_1722, %mul3A_1802 : vector<32xbf16>
        %gather3A_1804 = arith.constant 7 : i32
        %gather3A_1805 = arith.constant 0 : i32
        %gather3A_1806 = tpu.memref_slice %arg6[%gather3A_1804, %gather3A_1805] : memref<10x1024xi32, #tpu.memory_space<vmem>> -> memref<1x1024xi32, #tpu.memory_space<vmem>>
        %gather3A_1807 = tpu.memref_squeeze %gather3A_1806 : memref<1x1024xi32, #tpu.memory_space<vmem>> -> memref<1024xi32, #tpu.memory_space<vmem>>
        %gather3A_1808 = tpu.vector_load_idx %gather3A_1807[%scan3A_882] : memref<1024xi32, #tpu.memory_space<vmem>>[vector<16xi32>], vector<16xi32>,
        %bitcast3A_1809 = vector.bitcast %gather3A_1808 : vector<16xi32> to vector<32xbf16>
        %sub3A_1810 = arith.subf %scan3A_890, %bitcast3A_1809 : vector<32xbf16>
        %mul3A_1811 = arith.mulf %sub3A_1810, %sub3A_1810 : vector<32xbf16>
        %add3A_1812 = arith.addf %add3A_1731, %mul3A_1811 : vector<32xbf16>
        %gather3A_1813 = arith.constant 8 : i32
        %gather3A_1814 = arith.constant 0 : i32
        %gather3A_1815 = tpu.memref_slice %arg6[%gather3A_1813, %gather3A_1814] : memref<10x1024xi32, #tpu.memory_space<vmem>> -> memref<1x1024xi32, #tpu.memory_space<vmem>>
        %gather3A_1816 = tpu.memref_squeeze %gather3A_1815 : memref<1x1024xi32, #tpu.memory_space<vmem>> -> memref<1024xi32, #tpu.memory_space<vmem>>
        %gather3A_1817 = tpu.vector_load_idx %gather3A_1816[%scan3A_874] : memref<1024xi32, #tpu.memory_space<vmem>>[vector<16xi32>], vector<16xi32>,
        %bitcast3A_1818 = vector.bitcast %gather3A_1817 : vector<16xi32> to vector<32xbf16>
        %sub3A_1819 = arith.subf %scan3A_891, %bitcast3A_1818 : vector<32xbf16>
        %mul3A_1820 = arith.mulf %sub3A_1819, %sub3A_1819 : vector<32xbf16>
        %add3A_1821 = arith.addf %add3A_1740, %mul3A_1820 : vector<32xbf16>
        %gather3A_1822 = arith.constant 8 : i32
        %gather3A_1823 = arith.constant 0 : i32
        %gather3A_1824 = tpu.memref_slice %arg6[%gather3A_1822, %gather3A_1823] : memref<10x1024xi32, #tpu.memory_space<vmem>> -> memref<1x1024xi32, #tpu.memory_space<vmem>>
        %gather3A_1825 = tpu.memref_squeeze %gather3A_1824 : memref<1x1024xi32, #tpu.memory_space<vmem>> -> memref<1024xi32, #tpu.memory_space<vmem>>
        %gather3A_1826 = tpu.vector_load_idx %gather3A_1825[%scan3A_875] : memref<1024xi32, #tpu.memory_space<vmem>>[vector<16xi32>], vector<16xi32>,
        %bitcast3A_1827 = vector.bitcast %gather3A_1826 : vector<16xi32> to vector<32xbf16>
        %sub3A_1828 = arith.subf %scan3A_891, %bitcast3A_1827 : vector<32xbf16>
        %mul3A_1829 = arith.mulf %sub3A_1828, %sub3A_1828 : vector<32xbf16>
        %add3A_1830 = arith.addf %add3A_1749, %mul3A_1829 : vector<32xbf16>
        %gather3A_1831 = arith.constant 8 : i32
        %gather3A_1832 = arith.constant 0 : i32
        %gather3A_1833 = tpu.memref_slice %arg6[%gather3A_1831, %gather3A_1832] : memref<10x1024xi32, #tpu.memory_space<vmem>> -> memref<1x1024xi32, #tpu.memory_space<vmem>>
        %gather3A_1834 = tpu.memref_squeeze %gather3A_1833 : memref<1x1024xi32, #tpu.memory_space<vmem>> -> memref<1024xi32, #tpu.memory_space<vmem>>
        %gather3A_1835 = tpu.vector_load_idx %gather3A_1834[%scan3A_876] : memref<1024xi32, #tpu.memory_space<vmem>>[vector<16xi32>], vector<16xi32>,
        %bitcast3A_1836 = vector.bitcast %gather3A_1835 : vector<16xi32> to vector<32xbf16>
        %sub3A_1837 = arith.subf %scan3A_891, %bitcast3A_1836 : vector<32xbf16>
        %mul3A_1838 = arith.mulf %sub3A_1837, %sub3A_1837 : vector<32xbf16>
        %add3A_1839 = arith.addf %add3A_1758, %mul3A_1838 : vector<32xbf16>
        %gather3A_1840 = arith.constant 8 : i32
        %gather3A_1841 = arith.constant 0 : i32
        %gather3A_1842 = tpu.memref_slice %arg6[%gather3A_1840, %gather3A_1841] : memref<10x1024xi32, #tpu.memory_space<vmem>> -> memref<1x1024xi32, #tpu.memory_space<vmem>>
        %gather3A_1843 = tpu.memref_squeeze %gather3A_1842 : memref<1x1024xi32, #tpu.memory_space<vmem>> -> memref<1024xi32, #tpu.memory_space<vmem>>
        %gather3A_1844 = tpu.vector_load_idx %gather3A_1843[%scan3A_877] : memref<1024xi32, #tpu.memory_space<vmem>>[vector<16xi32>], vector<16xi32>,
        %bitcast3A_1845 = vector.bitcast %gather3A_1844 : vector<16xi32> to vector<32xbf16>
        %sub3A_1846 = arith.subf %scan3A_891, %bitcast3A_1845 : vector<32xbf16>
        %mul3A_1847 = arith.mulf %sub3A_1846, %sub3A_1846 : vector<32xbf16>
        %add3A_1848 = arith.addf %add3A_1767, %mul3A_1847 : vector<32xbf16>
        %gather3A_1849 = arith.constant 8 : i32
        %gather3A_1850 = arith.constant 0 : i32
        %gather3A_1851 = tpu.memref_slice %arg6[%gather3A_1849, %gather3A_1850] : memref<10x1024xi32, #tpu.memory_space<vmem>> -> memref<1x1024xi32, #tpu.memory_space<vmem>>
        %gather3A_1852 = tpu.memref_squeeze %gather3A_1851 : memref<1x1024xi32, #tpu.memory_space<vmem>> -> memref<1024xi32, #tpu.memory_space<vmem>>
        %gather3A_1853 = tpu.vector_load_idx %gather3A_1852[%scan3A_878] : memref<1024xi32, #tpu.memory_space<vmem>>[vector<16xi32>], vector<16xi32>,
        %bitcast3A_1854 = vector.bitcast %gather3A_1853 : vector<16xi32> to vector<32xbf16>
        %sub3A_1855 = arith.subf %scan3A_891, %bitcast3A_1854 : vector<32xbf16>
        %mul3A_1856 = arith.mulf %sub3A_1855, %sub3A_1855 : vector<32xbf16>
        %add3A_1857 = arith.addf %add3A_1776, %mul3A_1856 : vector<32xbf16>
        %gather3A_1858 = arith.constant 8 : i32
        %gather3A_1859 = arith.constant 0 : i32
        %gather3A_1860 = tpu.memref_slice %arg6[%gather3A_1858, %gather3A_1859] : memref<10x1024xi32, #tpu.memory_space<vmem>> -> memref<1x1024xi32, #tpu.memory_space<vmem>>
        %gather3A_1861 = tpu.memref_squeeze %gather3A_1860 : memref<1x1024xi32, #tpu.memory_space<vmem>> -> memref<1024xi32, #tpu.memory_space<vmem>>
        %gather3A_1862 = tpu.vector_load_idx %gather3A_1861[%scan3A_879] : memref<1024xi32, #tpu.memory_space<vmem>>[vector<16xi32>], vector<16xi32>,
        %bitcast3A_1863 = vector.bitcast %gather3A_1862 : vector<16xi32> to vector<32xbf16>
        %sub3A_1864 = arith.subf %scan3A_891, %bitcast3A_1863 : vector<32xbf16>
        %mul3A_1865 = arith.mulf %sub3A_1864, %sub3A_1864 : vector<32xbf16>
        %add3A_1866 = arith.addf %add3A_1785, %mul3A_1865 : vector<32xbf16>
        %gather3A_1867 = arith.constant 8 : i32
        %gather3A_1868 = arith.constant 0 : i32
        %gather3A_1869 = tpu.memref_slice %arg6[%gather3A_1867, %gather3A_1868] : memref<10x1024xi32, #tpu.memory_space<vmem>> -> memref<1x1024xi32, #tpu.memory_space<vmem>>
        %gather3A_1870 = tpu.memref_squeeze %gather3A_1869 : memref<1x1024xi32, #tpu.memory_space<vmem>> -> memref<1024xi32, #tpu.memory_space<vmem>>
        %gather3A_1871 = tpu.vector_load_idx %gather3A_1870[%scan3A_880] : memref<1024xi32, #tpu.memory_space<vmem>>[vector<16xi32>], vector<16xi32>,
        %bitcast3A_1872 = vector.bitcast %gather3A_1871 : vector<16xi32> to vector<32xbf16>
        %sub3A_1873 = arith.subf %scan3A_891, %bitcast3A_1872 : vector<32xbf16>
        %mul3A_1874 = arith.mulf %sub3A_1873, %sub3A_1873 : vector<32xbf16>
        %add3A_1875 = arith.addf %add3A_1794, %mul3A_1874 : vector<32xbf16>
        %gather3A_1876 = arith.constant 8 : i32
        %gather3A_1877 = arith.constant 0 : i32
        %gather3A_1878 = tpu.memref_slice %arg6[%gather3A_1876, %gather3A_1877] : memref<10x1024xi32, #tpu.memory_space<vmem>> -> memref<1x1024xi32, #tpu.memory_space<vmem>>
        %gather3A_1879 = tpu.memref_squeeze %gather3A_1878 : memref<1x1024xi32, #tpu.memory_space<vmem>> -> memref<1024xi32, #tpu.memory_space<vmem>>
        %gather3A_1880 = tpu.vector_load_idx %gather3A_1879[%scan3A_881] : memref<1024xi32, #tpu.memory_space<vmem>>[vector<16xi32>], vector<16xi32>,
        %bitcast3A_1881 = vector.bitcast %gather3A_1880 : vector<16xi32> to vector<32xbf16>
        %sub3A_1882 = arith.subf %scan3A_891, %bitcast3A_1881 : vector<32xbf16>
        %mul3A_1883 = arith.mulf %sub3A_1882, %sub3A_1882 : vector<32xbf16>
        %add3A_1884 = arith.addf %add3A_1803, %mul3A_1883 : vector<32xbf16>
        %gather3A_1885 = arith.constant 8 : i32
        %gather3A_1886 = arith.constant 0 : i32
        %gather3A_1887 = tpu.memref_slice %arg6[%gather3A_1885, %gather3A_1886] : memref<10x1024xi32, #tpu.memory_space<vmem>> -> memref<1x1024xi32, #tpu.memory_space<vmem>>
        %gather3A_1888 = tpu.memref_squeeze %gather3A_1887 : memref<1x1024xi32, #tpu.memory_space<vmem>> -> memref<1024xi32, #tpu.memory_space<vmem>>
        %gather3A_1889 = tpu.vector_load_idx %gather3A_1888[%scan3A_882] : memref<1024xi32, #tpu.memory_space<vmem>>[vector<16xi32>], vector<16xi32>,
        %bitcast3A_1890 = vector.bitcast %gather3A_1889 : vector<16xi32> to vector<32xbf16>
        %sub3A_1891 = arith.subf %scan3A_891, %bitcast3A_1890 : vector<32xbf16>
        %mul3A_1892 = arith.mulf %sub3A_1891, %sub3A_1891 : vector<32xbf16>
        %add3A_1893 = arith.addf %add3A_1812, %mul3A_1892 : vector<32xbf16>
        %gather3A_1894 = arith.constant 9 : i32
        %gather3A_1895 = arith.constant 0 : i32
        %gather3A_1896 = tpu.memref_slice %arg6[%gather3A_1894, %gather3A_1895] : memref<10x1024xi32, #tpu.memory_space<vmem>> -> memref<1x1024xi32, #tpu.memory_space<vmem>>
        %gather3A_1897 = tpu.memref_squeeze %gather3A_1896 : memref<1x1024xi32, #tpu.memory_space<vmem>> -> memref<1024xi32, #tpu.memory_space<vmem>>
        %gather3A_1898 = tpu.vector_load_idx %gather3A_1897[%scan3A_874] : memref<1024xi32, #tpu.memory_space<vmem>>[vector<16xi32>], vector<16xi32>,
        %bitcast3A_1899 = vector.bitcast %gather3A_1898 : vector<16xi32> to vector<32xbf16>
        %sub3A_1900 = arith.subf %scan3A_892, %bitcast3A_1899 : vector<32xbf16>
        %mul3A_1901 = arith.mulf %sub3A_1900, %sub3A_1900 : vector<32xbf16>
        %add3A_1902 = arith.addf %add3A_1821, %mul3A_1901 : vector<32xbf16>
        %gather3A_1903 = arith.constant 9 : i32
        %gather3A_1904 = arith.constant 0 : i32
        %gather3A_1905 = tpu.memref_slice %arg6[%gather3A_1903, %gather3A_1904] : memref<10x1024xi32, #tpu.memory_space<vmem>> -> memref<1x1024xi32, #tpu.memory_space<vmem>>
        %gather3A_1906 = tpu.memref_squeeze %gather3A_1905 : memref<1x1024xi32, #tpu.memory_space<vmem>> -> memref<1024xi32, #tpu.memory_space<vmem>>
        %gather3A_1907 = tpu.vector_load_idx %gather3A_1906[%scan3A_875] : memref<1024xi32, #tpu.memory_space<vmem>>[vector<16xi32>], vector<16xi32>,
        %bitcast3A_1908 = vector.bitcast %gather3A_1907 : vector<16xi32> to vector<32xbf16>
        %sub3A_1909 = arith.subf %scan3A_892, %bitcast3A_1908 : vector<32xbf16>
        %mul3A_1910 = arith.mulf %sub3A_1909, %sub3A_1909 : vector<32xbf16>
        %add3A_1911 = arith.addf %add3A_1830, %mul3A_1910 : vector<32xbf16>
        %gather3A_1912 = arith.constant 9 : i32
        %gather3A_1913 = arith.constant 0 : i32
        %gather3A_1914 = tpu.memref_slice %arg6[%gather3A_1912, %gather3A_1913] : memref<10x1024xi32, #tpu.memory_space<vmem>> -> memref<1x1024xi32, #tpu.memory_space<vmem>>
        %gather3A_1915 = tpu.memref_squeeze %gather3A_1914 : memref<1x1024xi32, #tpu.memory_space<vmem>> -> memref<1024xi32, #tpu.memory_space<vmem>>
        %gather3A_1916 = tpu.vector_load_idx %gather3A_1915[%scan3A_876] : memref<1024xi32, #tpu.memory_space<vmem>>[vector<16xi32>], vector<16xi32>,
        %bitcast3A_1917 = vector.bitcast %gather3A_1916 : vector<16xi32> to vector<32xbf16>
        %sub3A_1918 = arith.subf %scan3A_892, %bitcast3A_1917 : vector<32xbf16>
        %mul3A_1919 = arith.mulf %sub3A_1918, %sub3A_1918 : vector<32xbf16>
        %add3A_1920 = arith.addf %add3A_1839, %mul3A_1919 : vector<32xbf16>
        %gather3A_1921 = arith.constant 9 : i32
        %gather3A_1922 = arith.constant 0 : i32
        %gather3A_1923 = tpu.memref_slice %arg6[%gather3A_1921, %gather3A_1922] : memref<10x1024xi32, #tpu.memory_space<vmem>> -> memref<1x1024xi32, #tpu.memory_space<vmem>>
        %gather3A_1924 = tpu.memref_squeeze %gather3A_1923 : memref<1x1024xi32, #tpu.memory_space<vmem>> -> memref<1024xi32, #tpu.memory_space<vmem>>
        %gather3A_1925 = tpu.vector_load_idx %gather3A_1924[%scan3A_877] : memref<1024xi32, #tpu.memory_space<vmem>>[vector<16xi32>], vector<16xi32>,
        %bitcast3A_1926 = vector.bitcast %gather3A_1925 : vector<16xi32> to vector<32xbf16>
        %sub3A_1927 = arith.subf %scan3A_892, %bitcast3A_1926 : vector<32xbf16>
        %mul3A_1928 = arith.mulf %sub3A_1927, %sub3A_1927 : vector<32xbf16>
        %add3A_1929 = arith.addf %add3A_1848, %mul3A_1928 : vector<32xbf16>
        %gather3A_1930 = arith.constant 9 : i32
        %gather3A_1931 = arith.constant 0 : i32
        %gather3A_1932 = tpu.memref_slice %arg6[%gather3A_1930, %gather3A_1931] : memref<10x1024xi32, #tpu.memory_space<vmem>> -> memref<1x1024xi32, #tpu.memory_space<vmem>>
        %gather3A_1933 = tpu.memref_squeeze %gather3A_1932 : memref<1x1024xi32, #tpu.memory_space<vmem>> -> memref<1024xi32, #tpu.memory_space<vmem>>
        %gather3A_1934 = tpu.vector_load_idx %gather3A_1933[%scan3A_878] : memref<1024xi32, #tpu.memory_space<vmem>>[vector<16xi32>], vector<16xi32>,
        %bitcast3A_1935 = vector.bitcast %gather3A_1934 : vector<16xi32> to vector<32xbf16>
        %sub3A_1936 = arith.subf %scan3A_892, %bitcast3A_1935 : vector<32xbf16>
        %mul3A_1937 = arith.mulf %sub3A_1936, %sub3A_1936 : vector<32xbf16>
        %add3A_1938 = arith.addf %add3A_1857, %mul3A_1937 : vector<32xbf16>
        %gather3A_1939 = arith.constant 9 : i32
        %gather3A_1940 = arith.constant 0 : i32
        %gather3A_1941 = tpu.memref_slice %arg6[%gather3A_1939, %gather3A_1940] : memref<10x1024xi32, #tpu.memory_space<vmem>> -> memref<1x1024xi32, #tpu.memory_space<vmem>>
        %gather3A_1942 = tpu.memref_squeeze %gather3A_1941 : memref<1x1024xi32, #tpu.memory_space<vmem>> -> memref<1024xi32, #tpu.memory_space<vmem>>
        %gather3A_1943 = tpu.vector_load_idx %gather3A_1942[%scan3A_879] : memref<1024xi32, #tpu.memory_space<vmem>>[vector<16xi32>], vector<16xi32>,
        %bitcast3A_1944 = vector.bitcast %gather3A_1943 : vector<16xi32> to vector<32xbf16>
        %sub3A_1945 = arith.subf %scan3A_892, %bitcast3A_1944 : vector<32xbf16>
        %mul3A_1946 = arith.mulf %sub3A_1945, %sub3A_1945 : vector<32xbf16>
        %add3A_1947 = arith.addf %add3A_1866, %mul3A_1946 : vector<32xbf16>
        %gather3A_1948 = arith.constant 9 : i32
        %gather3A_1949 = arith.constant 0 : i32
        %gather3A_1950 = tpu.memref_slice %arg6[%gather3A_1948, %gather3A_1949] : memref<10x1024xi32, #tpu.memory_space<vmem>> -> memref<1x1024xi32, #tpu.memory_space<vmem>>
        %gather3A_1951 = tpu.memref_squeeze %gather3A_1950 : memref<1x1024xi32, #tpu.memory_space<vmem>> -> memref<1024xi32, #tpu.memory_space<vmem>>
        %gather3A_1952 = tpu.vector_load_idx %gather3A_1951[%scan3A_880] : memref<1024xi32, #tpu.memory_space<vmem>>[vector<16xi32>], vector<16xi32>,
        %bitcast3A_1953 = vector.bitcast %gather3A_1952 : vector<16xi32> to vector<32xbf16>
        %sub3A_1954 = arith.subf %scan3A_892, %bitcast3A_1953 : vector<32xbf16>
        %mul3A_1955 = arith.mulf %sub3A_1954, %sub3A_1954 : vector<32xbf16>
        %add3A_1956 = arith.addf %add3A_1875, %mul3A_1955 : vector<32xbf16>
        %gather3A_1957 = arith.constant 9 : i32
        %gather3A_1958 = arith.constant 0 : i32
        %gather3A_1959 = tpu.memref_slice %arg6[%gather3A_1957, %gather3A_1958] : memref<10x1024xi32, #tpu.memory_space<vmem>> -> memref<1x1024xi32, #tpu.memory_space<vmem>>
        %gather3A_1960 = tpu.memref_squeeze %gather3A_1959 : memref<1x1024xi32, #tpu.memory_space<vmem>> -> memref<1024xi32, #tpu.memory_space<vmem>>
        %gather3A_1961 = tpu.vector_load_idx %gather3A_1960[%scan3A_881] : memref<1024xi32, #tpu.memory_space<vmem>>[vector<16xi32>], vector<16xi32>,
        %bitcast3A_1962 = vector.bitcast %gather3A_1961 : vector<16xi32> to vector<32xbf16>
        %sub3A_1963 = arith.subf %scan3A_892, %bitcast3A_1962 : vector<32xbf16>
        %mul3A_1964 = arith.mulf %sub3A_1963, %sub3A_1963 : vector<32xbf16>
        %add3A_1965 = arith.addf %add3A_1884, %mul3A_1964 : vector<32xbf16>
        %gather3A_1966 = arith.constant 9 : i32
        %gather3A_1967 = arith.constant 0 : i32
        %gather3A_1968 = tpu.memref_slice %arg6[%gather3A_1966, %gather3A_1967] : memref<10x1024xi32, #tpu.memory_space<vmem>> -> memref<1x1024xi32, #tpu.memory_space<vmem>>
        %gather3A_1969 = tpu.memref_squeeze %gather3A_1968 : memref<1x1024xi32, #tpu.memory_space<vmem>> -> memref<1024xi32, #tpu.memory_space<vmem>>
        %gather3A_1970 = tpu.vector_load_idx %gather3A_1969[%scan3A_882] : memref<1024xi32, #tpu.memory_space<vmem>>[vector<16xi32>], vector<16xi32>,
        %bitcast3A_1971 = vector.bitcast %gather3A_1970 : vector<16xi32> to vector<32xbf16>
        %sub3A_1972 = arith.subf %scan3A_892, %bitcast3A_1971 : vector<32xbf16>
        %mul3A_1973 = arith.mulf %sub3A_1972, %sub3A_1972 : vector<32xbf16>
        %add3A_1974 = arith.addf %add3A_1893, %mul3A_1973 : vector<32xbf16>
        %unpack3A = tpu.unpack_subelements %add3A_1902, 0 {pack_format = #tpu.pack_format<interleaved>} : vector<32xbf16> -> vector<16xf32>
        %unpack3A_1975 = tpu.unpack_subelements %add3A_1902, 1 {pack_format = #tpu.pack_format<interleaved>} : vector<32xbf16> -> vector<16xf32>
        %add3A_1976 = arith.addf %unpack3A, %unpack3A_1975 : vector<16xf32>
        %swap3A = arith.constant 0 : i32
        %swap3A_1977 = arith.constant 0 : i32
        %swap3A_1978 = arith.constant 0 : i32
        %swap3A_1979 = arith.constant 0 : i32
        %swap3A_1980 = tpu.memref_slice %arg9[%scan3A_465, %swap3A_1977, %swap3A_1978, %swap3A_1979] : memref<2x9x8x128xf32, #tpu.memory_space<vmem>> -> memref<1x9x8x128xf32, #tpu.memory_space<vmem>>
        %swap3A_1981 = tpu.memref_squeeze %swap3A_1980 : memref<1x9x8x128xf32, #tpu.memory_space<vmem>> -> memref<9x8x128xf32, #tpu.memory_space<vmem>>
        %swap3A_1982 = arith.index_cast %swap3A : i32 to index
        %swap3A_1983 = arith.index_cast %shift_right_arithmetic3A_894 : i32 to index
        %swap3A_1984 = arith.index_cast %multiple_of3A_899 : i32 to index
        %swap3A_1985 = tpu.vector_load %swap3A_1981[%swap3A_1982, %swap3A_1983, %swap3A_1984] {strides = array<i32>} : memref<9x8x128xf32, #tpu.memory_space<vmem>>, vector<16xf32>,
        tpu.vector_store %swap3A_1981[%swap3A_1982, %swap3A_1983, %swap3A_1984], %add3A_1976 {strides = array<i32>} : memref<9x8x128xf32, #tpu.memory_space<vmem>>, vector<16xf32>,
        %unpack3A_1986 = tpu.unpack_subelements %add3A_1911, 0 {pack_format = #tpu.pack_format<interleaved>} : vector<32xbf16> -> vector<16xf32>
        %unpack3A_1987 = tpu.unpack_subelements %add3A_1911, 1 {pack_format = #tpu.pack_format<interleaved>} : vector<32xbf16> -> vector<16xf32>
        %add3A_1988 = arith.addf %unpack3A_1986, %unpack3A_1987 : vector<16xf32>
        %swap3A_1989 = arith.constant 1 : i32
        %swap3A_1990 = arith.constant 0 : i32
        %swap3A_1991 = arith.constant 0 : i32
        %swap3A_1992 = arith.constant 0 : i32
        %swap3A_1993 = tpu.memref_slice %arg9[%scan3A_465, %swap3A_1990, %swap3A_1991, %swap3A_1992] : memref<2x9x8x128xf32, #tpu.memory_space<vmem>> -> memref<1x9x8x128xf32, #tpu.memory_space<vmem>>
        %swap3A_1994 = tpu.memref_squeeze %swap3A_1993 : memref<1x9x8x128xf32, #tpu.memory_space<vmem>> -> memref<9x8x128xf32, #tpu.memory_space<vmem>>
        %swap3A_1995 = arith.index_cast %swap3A_1989 : i32 to index
        %swap3A_1996 = arith.index_cast %shift_right_arithmetic3A_894 : i32 to index
        %swap3A_1997 = arith.index_cast %multiple_of3A_899 : i32 to index
        %swap3A_1998 = tpu.vector_load %swap3A_1994[%swap3A_1995, %swap3A_1996, %swap3A_1997] {strides = array<i32>} : memref<9x8x128xf32, #tpu.memory_space<vmem>>, vector<16xf32>,
        tpu.vector_store %swap3A_1994[%swap3A_1995, %swap3A_1996, %swap3A_1997], %add3A_1988 {strides = array<i32>} : memref<9x8x128xf32, #tpu.memory_space<vmem>>, vector<16xf32>,
        %unpack3A_1999 = tpu.unpack_subelements %add3A_1920, 0 {pack_format = #tpu.pack_format<interleaved>} : vector<32xbf16> -> vector<16xf32>
        %unpack3A_2000 = tpu.unpack_subelements %add3A_1920, 1 {pack_format = #tpu.pack_format<interleaved>} : vector<32xbf16> -> vector<16xf32>
        %add3A_2001 = arith.addf %unpack3A_1999, %unpack3A_2000 : vector<16xf32>
        %swap3A_2002 = arith.constant 2 : i32
        %swap3A_2003 = arith.constant 0 : i32
        %swap3A_2004 = arith.constant 0 : i32
        %swap3A_2005 = arith.constant 0 : i32
        %swap3A_2006 = tpu.memref_slice %arg9[%scan3A_465, %swap3A_2003, %swap3A_2004, %swap3A_2005] : memref<2x9x8x128xf32, #tpu.memory_space<vmem>> -> memref<1x9x8x128xf32, #tpu.memory_space<vmem>>
        %swap3A_2007 = tpu.memref_squeeze %swap3A_2006 : memref<1x9x8x128xf32, #tpu.memory_space<vmem>> -> memref<9x8x128xf32, #tpu.memory_space<vmem>>
        %swap3A_2008 = arith.index_cast %swap3A_2002 : i32 to index
        %swap3A_2009 = arith.index_cast %shift_right_arithmetic3A_894 : i32 to index
        %swap3A_2010 = arith.index_cast %multiple_of3A_899 : i32 to index
        %swap3A_2011 = tpu.vector_load %swap3A_2007[%swap3A_2008, %swap3A_2009, %swap3A_2010] {strides = array<i32>} : memref<9x8x128xf32, #tpu.memory_space<vmem>>, vector<16xf32>,
        tpu.vector_store %swap3A_2007[%swap3A_2008, %swap3A_2009, %swap3A_2010], %add3A_2001 {strides = array<i32>} : memref<9x8x128xf32, #tpu.memory_space<vmem>>, vector<16xf32>,
        %unpack3A_2012 = tpu.unpack_subelements %add3A_1929, 0 {pack_format = #tpu.pack_format<interleaved>} : vector<32xbf16> -> vector<16xf32>
        %unpack3A_2013 = tpu.unpack_subelements %add3A_1929, 1 {pack_format = #tpu.pack_format<interleaved>} : vector<32xbf16> -> vector<16xf32>
        %add3A_2014 = arith.addf %unpack3A_2012, %unpack3A_2013 : vector<16xf32>
        %swap3A_2015 = arith.constant 3 : i32
        %swap3A_2016 = arith.constant 0 : i32
        %swap3A_2017 = arith.constant 0 : i32
        %swap3A_2018 = arith.constant 0 : i32
        %swap3A_2019 = tpu.memref_slice %arg9[%scan3A_465, %swap3A_2016, %swap3A_2017, %swap3A_2018] : memref<2x9x8x128xf32, #tpu.memory_space<vmem>> -> memref<1x9x8x128xf32, #tpu.memory_space<vmem>>
        %swap3A_2020 = tpu.memref_squeeze %swap3A_2019 : memref<1x9x8x128xf32, #tpu.memory_space<vmem>> -> memref<9x8x128xf32, #tpu.memory_space<vmem>>
        %swap3A_2021 = arith.index_cast %swap3A_2015 : i32 to index
        %swap3A_2022 = arith.index_cast %shift_right_arithmetic3A_894 : i32 to index
        %swap3A_2023 = arith.index_cast %multiple_of3A_899 : i32 to index
        %swap3A_2024 = tpu.vector_load %swap3A_2020[%swap3A_2021, %swap3A_2022, %swap3A_2023] {strides = array<i32>} : memref<9x8x128xf32, #tpu.memory_space<vmem>>, vector<16xf32>,
        tpu.vector_store %swap3A_2020[%swap3A_2021, %swap3A_2022, %swap3A_2023], %add3A_2014 {strides = array<i32>} : memref<9x8x128xf32, #tpu.memory_space<vmem>>, vector<16xf32>,
        %unpack3A_2025 = tpu.unpack_subelements %add3A_1938, 0 {pack_format = #tpu.pack_format<interleaved>} : vector<32xbf16> -> vector<16xf32>
        %unpack3A_2026 = tpu.unpack_subelements %add3A_1938, 1 {pack_format = #tpu.pack_format<interleaved>} : vector<32xbf16> -> vector<16xf32>
        %add3A_2027 = arith.addf %unpack3A_2025, %unpack3A_2026 : vector<16xf32>
        %swap3A_2028 = arith.constant 4 : i32
        %swap3A_2029 = arith.constant 0 : i32
        %swap3A_2030 = arith.constant 0 : i32
        %swap3A_2031 = arith.constant 0 : i32
        %swap3A_2032 = tpu.memref_slice %arg9[%scan3A_465, %swap3A_2029, %swap3A_2030, %swap3A_2031] : memref<2x9x8x128xf32, #tpu.memory_space<vmem>> -> memref<1x9x8x128xf32, #tpu.memory_space<vmem>>
        %swap3A_2033 = tpu.memref_squeeze %swap3A_2032 : memref<1x9x8x128xf32, #tpu.memory_space<vmem>> -> memref<9x8x128xf32, #tpu.memory_space<vmem>>
        %swap3A_2034 = arith.index_cast %swap3A_2028 : i32 to index
        %swap3A_2035 = arith.index_cast %shift_right_arithmetic3A_894 : i32 to index
        %swap3A_2036 = arith.index_cast %multiple_of3A_899 : i32 to index
        %swap3A_2037 = tpu.vector_load %swap3A_2033[%swap3A_2034, %swap3A_2035, %swap3A_2036] {strides = array<i32>} : memref<9x8x128xf32, #tpu.memory_space<vmem>>, vector<16xf32>,
        tpu.vector_store %swap3A_2033[%swap3A_2034, %swap3A_2035, %swap3A_2036], %add3A_2027 {strides = array<i32>} : memref<9x8x128xf32, #tpu.memory_space<vmem>>, vector<16xf32>,
        %unpack3A_2038 = tpu.unpack_subelements %add3A_1947, 0 {pack_format = #tpu.pack_format<interleaved>} : vector<32xbf16> -> vector<16xf32>
        %unpack3A_2039 = tpu.unpack_subelements %add3A_1947, 1 {pack_format = #tpu.pack_format<interleaved>} : vector<32xbf16> -> vector<16xf32>
        %add3A_2040 = arith.addf %unpack3A_2038, %unpack3A_2039 : vector<16xf32>
        %swap3A_2041 = arith.constant 5 : i32
        %swap3A_2042 = arith.constant 0 : i32
        %swap3A_2043 = arith.constant 0 : i32
        %swap3A_2044 = arith.constant 0 : i32
        %swap3A_2045 = tpu.memref_slice %arg9[%scan3A_465, %swap3A_2042, %swap3A_2043, %swap3A_2044] : memref<2x9x8x128xf32, #tpu.memory_space<vmem>> -> memref<1x9x8x128xf32, #tpu.memory_space<vmem>>
        %swap3A_2046 = tpu.memref_squeeze %swap3A_2045 : memref<1x9x8x128xf32, #tpu.memory_space<vmem>> -> memref<9x8x128xf32, #tpu.memory_space<vmem>>
        %swap3A_2047 = arith.index_cast %swap3A_2041 : i32 to index
        %swap3A_2048 = arith.index_cast %shift_right_arithmetic3A_894 : i32 to index
        %swap3A_2049 = arith.index_cast %multiple_of3A_899 : i32 to index
        %swap3A_2050 = tpu.vector_load %swap3A_2046[%swap3A_2047, %swap3A_2048, %swap3A_2049] {strides = array<i32>} : memref<9x8x128xf32, #tpu.memory_space<vmem>>, vector<16xf32>,
        tpu.vector_store %swap3A_2046[%swap3A_2047, %swap3A_2048, %swap3A_2049], %add3A_2040 {strides = array<i32>} : memref<9x8x128xf32, #tpu.memory_space<vmem>>, vector<16xf32>,
        %unpack3A_2051 = tpu.unpack_subelements %add3A_1956, 0 {pack_format = #tpu.pack_format<interleaved>} : vector<32xbf16> -> vector<16xf32>
        %unpack3A_2052 = tpu.unpack_subelements %add3A_1956, 1 {pack_format = #tpu.pack_format<interleaved>} : vector<32xbf16> -> vector<16xf32>
        %add3A_2053 = arith.addf %unpack3A_2051, %unpack3A_2052 : vector<16xf32>
        %swap3A_2054 = arith.constant 6 : i32
        %swap3A_2055 = arith.constant 0 : i32
        %swap3A_2056 = arith.constant 0 : i32
        %swap3A_2057 = arith.constant 0 : i32
        %swap3A_2058 = tpu.memref_slice %arg9[%scan3A_465, %swap3A_2055, %swap3A_2056, %swap3A_2057] : memref<2x9x8x128xf32, #tpu.memory_space<vmem>> -> memref<1x9x8x128xf32, #tpu.memory_space<vmem>>
        %swap3A_2059 = tpu.memref_squeeze %swap3A_2058 : memref<1x9x8x128xf32, #tpu.memory_space<vmem>> -> memref<9x8x128xf32, #tpu.memory_space<vmem>>
        %swap3A_2060 = arith.index_cast %swap3A_2054 : i32 to index
        %swap3A_2061 = arith.index_cast %shift_right_arithmetic3A_894 : i32 to index
        %swap3A_2062 = arith.index_cast %multiple_of3A_899 : i32 to index
        %swap3A_2063 = tpu.vector_load %swap3A_2059[%swap3A_2060, %swap3A_2061, %swap3A_2062] {strides = array<i32>} : memref<9x8x128xf32, #tpu.memory_space<vmem>>, vector<16xf32>,
        tpu.vector_store %swap3A_2059[%swap3A_2060, %swap3A_2061, %swap3A_2062], %add3A_2053 {strides = array<i32>} : memref<9x8x128xf32, #tpu.memory_space<vmem>>, vector<16xf32>,
        %unpack3A_2064 = tpu.unpack_subelements %add3A_1965, 0 {pack_format = #tpu.pack_format<interleaved>} : vector<32xbf16> -> vector<16xf32>
        %unpack3A_2065 = tpu.unpack_subelements %add3A_1965, 1 {pack_format = #tpu.pack_format<interleaved>} : vector<32xbf16> -> vector<16xf32>
        %add3A_2066 = arith.addf %unpack3A_2064, %unpack3A_2065 : vector<16xf32>
        %swap3A_2067 = arith.constant 7 : i32
        %swap3A_2068 = arith.constant 0 : i32
        %swap3A_2069 = arith.constant 0 : i32
        %swap3A_2070 = arith.constant 0 : i32
        %swap3A_2071 = tpu.memref_slice %arg9[%scan3A_465, %swap3A_2068, %swap3A_2069, %swap3A_2070] : memref<2x9x8x128xf32, #tpu.memory_space<vmem>> -> memref<1x9x8x128xf32, #tpu.memory_space<vmem>>
        %swap3A_2072 = tpu.memref_squeeze %swap3A_2071 : memref<1x9x8x128xf32, #tpu.memory_space<vmem>> -> memref<9x8x128xf32, #tpu.memory_space<vmem>>
        %swap3A_2073 = arith.index_cast %swap3A_2067 : i32 to index
        %swap3A_2074 = arith.index_cast %shift_right_arithmetic3A_894 : i32 to index
        %swap3A_2075 = arith.index_cast %multiple_of3A_899 : i32 to index
        %swap3A_2076 = tpu.vector_load %swap3A_2072[%swap3A_2073, %swap3A_2074, %swap3A_2075] {strides = array<i32>} : memref<9x8x128xf32, #tpu.memory_space<vmem>>, vector<16xf32>,
        tpu.vector_store %swap3A_2072[%swap3A_2073, %swap3A_2074, %swap3A_2075], %add3A_2066 {strides = array<i32>} : memref<9x8x128xf32, #tpu.memory_space<vmem>>, vector<16xf32>,
        %unpack3A_2077 = tpu.unpack_subelements %add3A_1974, 0 {pack_format = #tpu.pack_format<interleaved>} : vector<32xbf16> -> vector<16xf32>
        %unpack3A_2078 = tpu.unpack_subelements %add3A_1974, 1 {pack_format = #tpu.pack_format<interleaved>} : vector<32xbf16> -> vector<16xf32>
        %add3A_2079 = arith.addf %unpack3A_2077, %unpack3A_2078 : vector<16xf32>
        %swap3A_2080 = arith.constant 8 : i32
        %swap3A_2081 = arith.constant 0 : i32
        %swap3A_2082 = arith.constant 0 : i32
        %swap3A_2083 = arith.constant 0 : i32
        %swap3A_2084 = tpu.memref_slice %arg9[%scan3A_465, %swap3A_2081, %swap3A_2082, %swap3A_2083] : memref<2x9x8x128xf32, #tpu.memory_space<vmem>> -> memref<1x9x8x128xf32, #tpu.memory_space<vmem>>
        %swap3A_2085 = tpu.memref_squeeze %swap3A_2084 : memref<1x9x8x128xf32, #tpu.memory_space<vmem>> -> memref<9x8x128xf32, #tpu.memory_space<vmem>>
        %swap3A_2086 = arith.index_cast %swap3A_2080 : i32 to index
        %swap3A_2087 = arith.index_cast %shift_right_arithmetic3A_894 : i32 to index
        %swap3A_2088 = arith.index_cast %multiple_of3A_899 : i32 to index
        %swap3A_2089 = tpu.vector_load %swap3A_2085[%swap3A_2086, %swap3A_2087, %swap3A_2088] {strides = array<i32>} : memref<9x8x128xf32, #tpu.memory_space<vmem>>, vector<16xf32>,
        tpu.vector_store %swap3A_2085[%swap3A_2086, %swap3A_2087, %swap3A_2088], %add3A_2079 {strides = array<i32>} : memref<9x8x128xf32, #tpu.memory_space<vmem>>, vector<16xf32>,
        scf.yield %add3A_957, %add3A_958, %add3A_959, %add3A_960, %add3A_961, %add3A_962, %add3A_963, %add3A_964, %add3A_965, %pack3A_986, %pack3A_1007, %pack3A_1028, %pack3A_1049, %pack3A_1070, %pack3A_1091, %pack3A_1112, %pack3A_1133, %pack3A_1154, %pack3A_1175 : vector<16xi32>, vector<16xi32>, vector<16xi32>, vector<16xi32>, vector<16xi32>, vector<16xi32>, vector<16xi32>, vector<16xi32>, vector<16xi32>, vector<32xbf16>, vector<32xbf16>, vector<32xbf16>, vector<32xbf16>, vector<32xbf16>, vector<32xbf16>, vector<32xbf16>, vector<32xbf16>, vector<32xbf16>, vector<32xbf16>
      }
      %scan3A_471 = arith.constant 64 : i32
      %add3A_472 = arith.addi %mul3A_32, %add3A_126 : i32
      %dma_start3A_473 = arith.constant 0 : i32
      %dma_start3A_474 = arith.constant 0 : i32
      %dma_start3A_475 = arith.constant 0 : i32
      %dma_start3A_476 = arith.constant 0 : i32
      %dma_start3A_477 = tpu.memref_slice %arg9[%dma_start3A_473, %dma_start3A_474, %dma_start3A_475, %dma_start3A_476] : memref<2x9x8x128xf32, #tpu.memory_space<vmem>> -> memref<1x9x8x128xf32, #tpu.memory_space<vmem>>
      %dma_start3A_478 = tpu.memref_squeeze %dma_start3A_477 : memref<1x9x8x128xf32, #tpu.memory_space<vmem>> -> memref<9x8x128xf32, #tpu.memory_space<vmem>>
      %dma_start3A_479 = arith.constant 0 : i32
      %dma_start3A_480 = arith.constant 0 : i32
      %dma_start3A_481 = arith.constant 0 : i32
      %dma_start3A_482 = tpu.memref_slice %arg5[%select_n3A, %dma_start3A_479, %add3A_472, %dma_start3A_480, %dma_start3A_481] : memref<4x9x256x8x128xf32, #tpu.memory_space<hbm>> -> memref<1x9x1x8x128xf32, #tpu.memory_space<hbm>>
      %dma_start3A_483 = tpu.memref_squeeze %dma_start3A_482 : memref<1x9x1x8x128xf32, #tpu.memory_space<hbm>> -> memref<9x8x128xf32, #tpu.memory_space<hbm>>
      %dma_start3A_484 = arith.constant 0 : i32
      %dma_start3A_485 = arith.constant 0 : i32
      %dma_start3A_486 = arith.constant 0 : i32
      %dma_start3A_487 = tpu.memref_slice %arg5[%select_n3A, %dma_start3A_484, %add3A_472, %dma_start3A_485, %dma_start3A_486] : memref<4x9x256x8x128xf32, #tpu.memory_space<hbm>> -> memref<1x9x1x8x128xf32, #tpu.memory_space<hbm>>
      %dma_start3A_488 = tpu.memref_squeeze %dma_start3A_487 : memref<1x9x1x8x128xf32, #tpu.memory_space<hbm>> -> memref<9x8x128xf32, #tpu.memory_space<hbm>>
      %dma_start3A_489 = arith.constant 0 : i32
      %dma_start3A_490 = arith.constant 0 : i32
      %dma_start3A_491 = arith.constant 0 : i32
      %dma_start3A_492 = tpu.memref_slice %arg9[%dma_start3A_473, %dma_start3A_489, %dma_start3A_490, %dma_start3A_491] : memref<2x9x8x128xf32, #tpu.memory_space<vmem>> -> memref<1x9x8x128xf32, #tpu.memory_space<vmem>>
      %dma_start3A_493 = tpu.memref_squeeze %dma_start3A_492 : memref<1x9x8x128xf32, #tpu.memory_space<vmem>> -> memref<9x8x128xf32, #tpu.memory_space<vmem>>
      tpu.enqueue_dma source(%dma_start3A_493 : memref<9x8x128xf32, #tpu.memory_space<vmem>>) target(%dma_start3A_488 : memref<9x8x128xf32, #tpu.memory_space<hbm>>) target_semaphore(%arg14 : memref<!tpu.dma_semaphore, #tpu.memory_space<semaphore_mem>>)
      %add3A_494 = arith.constant 1 : i32
      %add3A_495 = arith.addi %mul3A_124, %add3A_494 : i32
      %add3A_496 = arith.constant 1 : i32
      %add3A_497 = arith.addi %add3A_495, %add3A_496 : i32
      %lt3A_498 = arith.constant 32 : i32
      %lt3A_499 = arith.cmpi slt, %add3A_497, %lt3A_498 : i32
      %convert_element_type3A_500 = arith.extui %lt3A_499 : i1 to i32
      %cond3A_501 = arith.constant 0 : i32
      %cond3A_502 = arith.cmpi ne, %convert_element_type3A_500, %cond3A_501 : i32
      scf.if %cond3A_502 {
        %add3A_873 = arith.constant 1 : i32
        %add3A_874 = arith.addi %add3A_495, %add3A_873 : i32
        %add3A_875 = arith.addi %mul3A_32, %add3A_874 : i32
        %dma_start3A_876 = arith.constant 0 : i32
        %dma_start3A_877 = arith.constant 0 : i32
        %dma_start3A_878 = arith.constant 0 : i32
        %dma_start3A_879 = tpu.memref_slice %arg7[%dma_start3A_876, %dma_start3A_877, %dma_start3A_878] : memref<2x8x128xi32, #tpu.memory_space<vmem>> -> memref<1x8x128xi32, #tpu.memory_space<vmem>>
        %dma_start3A_880 = tpu.memref_squeeze %dma_start3A_879 : memref<1x8x128xi32, #tpu.memory_space<vmem>> -> memref<8x128xi32, #tpu.memory_space<vmem>>
        %dma_start3A_881 = arith.constant 0 : i32
        %dma_start3A_882 = arith.constant 0 : i32
        %dma_start3A_883 = tpu.memref_slice %arg4[%select_n3A, %add3A_875, %dma_start3A_881, %dma_start3A_882] : memref<4x256x8x128xi32, #tpu.memory_space<hbm>> -> memref<1x1x8x128xi32, #tpu.memory_space<hbm>>
        %dma_start3A_884 = tpu.memref_squeeze %dma_start3A_883 : memref<1x1x8x128xi32, #tpu.memory_space<hbm>> -> memref<8x128xi32, #tpu.memory_space<hbm>>
        %dma_start3A_885 = arith.constant 0 : i32
        %dma_start3A_886 = arith.constant 0 : i32
        %dma_start3A_887 = tpu.memref_slice %arg7[%dma_start3A_876, %dma_start3A_885, %dma_start3A_886] : memref<2x8x128xi32, #tpu.memory_space<vmem>> -> memref<1x8x128xi32, #tpu.memory_space<vmem>>
        %dma_start3A_888 = tpu.memref_squeeze %dma_start3A_887 : memref<1x8x128xi32, #tpu.memory_space<vmem>> -> memref<8x128xi32, #tpu.memory_space<vmem>>
        %dma_start3A_889 = arith.constant 0 : i32
        %dma_start3A_890 = arith.constant 0 : i32
        %dma_start3A_891 = tpu.memref_slice %arg4[%select_n3A, %add3A_875, %dma_start3A_889, %dma_start3A_890] : memref<4x256x8x128xi32, #tpu.memory_space<hbm>> -> memref<1x1x8x128xi32, #tpu.memory_space<hbm>>
        %dma_start3A_892 = tpu.memref_squeeze %dma_start3A_891 : memref<1x1x8x128xi32, #tpu.memory_space<hbm>> -> memref<8x128xi32, #tpu.memory_space<hbm>>
        tpu.enqueue_dma source(%dma_start3A_892 : memref<8x128xi32, #tpu.memory_space<hbm>>) target(%dma_start3A_888 : memref<8x128xi32, #tpu.memory_space<vmem>>) target_semaphore(%arg10 : memref<!tpu.dma_semaphore, #tpu.memory_space<semaphore_mem>>)
        %dma_start3A_893 = arith.constant 0 : i32
        %dma_start3A_894 = arith.constant 0 : i32
        %dma_start3A_895 = arith.constant 0 : i32
        %dma_start3A_896 = arith.constant 0 : i32
        %dma_start3A_897 = tpu.memref_slice %arg8[%dma_start3A_893, %dma_start3A_894, %dma_start3A_895, %dma_start3A_896] : memref<2x20x8x128xf32, #tpu.memory_space<vmem>> -> memref<1x20x8x128xf32, #tpu.memory_space<vmem>>
        %dma_start3A_898 = tpu.memref_squeeze %dma_start3A_897 : memref<1x20x8x128xf32, #tpu.memory_space<vmem>> -> memref<20x8x128xf32, #tpu.memory_space<vmem>>
        %dma_start3A_899 = arith.constant 0 : i32
        %dma_start3A_900 = arith.constant 0 : i32
        %dma_start3A_901 = arith.constant 0 : i32
        %dma_start3A_902 = tpu.memref_slice %arg2[%select_n3A, %dma_start3A_899, %add3A_875, %dma_start3A_900, %dma_start3A_901] : memref<4x20x256x8x128xf32, #tpu.memory_space<hbm>> -> memref<1x20x1x8x128xf32, #tpu.memory_space<hbm>>
        %dma_start3A_903 = tpu.memref_squeeze %dma_start3A_902 : memref<1x20x1x8x128xf32, #tpu.memory_space<hbm>> -> memref<20x8x128xf32, #tpu.memory_space<hbm>>
        %dma_start3A_904 = arith.constant 0 : i32
        %dma_start3A_905 = arith.constant 0 : i32
        %dma_start3A_906 = arith.constant 0 : i32
        %dma_start3A_907 = tpu.memref_slice %arg8[%dma_start3A_893, %dma_start3A_904, %dma_start3A_905, %dma_start3A_906] : memref<2x20x8x128xf32, #tpu.memory_space<vmem>> -> memref<1x20x8x128xf32, #tpu.memory_space<vmem>>
        %dma_start3A_908 = tpu.memref_squeeze %dma_start3A_907 : memref<1x20x8x128xf32, #tpu.memory_space<vmem>> -> memref<20x8x128xf32, #tpu.memory_space<vmem>>
        %dma_start3A_909 = arith.constant 0 : i32
        %dma_start3A_910 = arith.constant 0 : i32
        %dma_start3A_911 = arith.constant 0 : i32
        %dma_start3A_912 = tpu.memref_slice %arg2[%select_n3A, %dma_start3A_909, %add3A_875, %dma_start3A_910, %dma_start3A_911] : memref<4x20x256x8x128xf32, #tpu.memory_space<hbm>> -> memref<1x20x1x8x128xf32, #tpu.memory_space<hbm>>
        %dma_start3A_913 = tpu.memref_squeeze %dma_start3A_912 : memref<1x20x1x8x128xf32, #tpu.memory_space<hbm>> -> memref<20x8x128xf32, #tpu.memory_space<hbm>>
        tpu.enqueue_dma source(%dma_start3A_913 : memref<20x8x128xf32, #tpu.memory_space<hbm>>) target(%dma_start3A_908 : memref<20x8x128xf32, #tpu.memory_space<vmem>>) target_semaphore(%arg12 : memref<!tpu.dma_semaphore, #tpu.memory_space<semaphore_mem>>)
      } else {
      }
      %add3A_503 = arith.addi %mul3A_32, %add3A_495 : i32
      %dma_wait3A_504 = arith.constant 1 : i32
      %dma_wait3A_505 = arith.constant 0 : i32
      %dma_wait3A_506 = arith.constant 0 : i32
      %dma_wait3A_507 = tpu.memref_slice %arg7[%dma_wait3A_504, %dma_wait3A_505, %dma_wait3A_506] : memref<2x8x128xi32, #tpu.memory_space<vmem>> -> memref<1x8x128xi32, #tpu.memory_space<vmem>>
      %dma_wait3A_508 = tpu.memref_squeeze %dma_wait3A_507 : memref<1x8x128xi32, #tpu.memory_space<vmem>> -> memref<8x128xi32, #tpu.memory_space<vmem>>
      %dma_wait3A_509 = arith.constant 0 : i32
      %dma_wait3A_510 = arith.constant 0 : i32
      %dma_wait3A_511 = tpu.memref_slice %arg4[%select_n3A, %add3A_503, %dma_wait3A_509, %dma_wait3A_510] : memref<4x256x8x128xi32, #tpu.memory_space<hbm>> -> memref<1x1x8x128xi32, #tpu.memory_space<hbm>>
      %dma_wait3A_512 = tpu.memref_squeeze %dma_wait3A_511 : memref<1x1x8x128xi32, #tpu.memory_space<hbm>> -> memref<8x128xi32, #tpu.memory_space<hbm>>
      %dma_wait3A_513 = arith.constant 0 : i32
      %dma_wait3A_514 = arith.constant 0 : i32
      %dma_wait3A_515 = tpu.memref_slice %arg7[%dma_wait3A_504, %dma_wait3A_513, %dma_wait3A_514] : memref<2x8x128xi32, #tpu.memory_space<vmem>> -> memref<1x8x128xi32, #tpu.memory_space<vmem>>
      %dma_wait3A_516 = tpu.memref_squeeze %dma_wait3A_515 : memref<1x8x128xi32, #tpu.memory_space<vmem>> -> memref<8x128xi32, #tpu.memory_space<vmem>>
      %dma_wait3A_517 = arith.constant 0 : i32
      %dma_wait3A_518 = arith.constant 0 : i32
      %dma_wait3A_519 = tpu.memref_slice %arg4[%select_n3A, %add3A_503, %dma_wait3A_517, %dma_wait3A_518] : memref<4x256x8x128xi32, #tpu.memory_space<hbm>> -> memref<1x1x8x128xi32, #tpu.memory_space<hbm>>
      %dma_wait3A_520 = tpu.memref_squeeze %dma_wait3A_519 : memref<1x1x8x128xi32, #tpu.memory_space<hbm>> -> memref<8x128xi32, #tpu.memory_space<hbm>>
      tpu.wait_dma2 semaphore(%arg11 : memref<!tpu.dma_semaphore, #tpu.memory_space<semaphore_mem>>) src(%dma_wait3A_520 : memref<8x128xi32, #tpu.memory_space<hbm>>) dst(%dma_wait3A_516 : memref<8x128xi32, #tpu.memory_space<vmem>>)
      %dma_wait3A_521 = arith.constant 1 : i32
      %dma_wait3A_522 = arith.constant 0 : i32
      %dma_wait3A_523 = arith.constant 0 : i32
      %dma_wait3A_524 = arith.constant 0 : i32
      %dma_wait3A_525 = tpu.memref_slice %arg8[%dma_wait3A_521, %dma_wait3A_522, %dma_wait3A_523, %dma_wait3A_524] : memref<2x20x8x128xf32, #tpu.memory_space<vmem>> -> memref<1x20x8x128xf32, #tpu.memory_space<vmem>>
      %dma_wait3A_526 = tpu.memref_squeeze %dma_wait3A_525 : memref<1x20x8x128xf32, #tpu.memory_space<vmem>> -> memref<20x8x128xf32, #tpu.memory_space<vmem>>
      %dma_wait3A_527 = arith.constant 0 : i32
      %dma_wait3A_528 = arith.constant 0 : i32
      %dma_wait3A_529 = arith.constant 0 : i32
      %dma_wait3A_530 = tpu.memref_slice %arg2[%select_n3A, %dma_wait3A_527, %add3A_503, %dma_wait3A_528, %dma_wait3A_529] : memref<4x20x256x8x128xf32, #tpu.memory_space<hbm>> -> memref<1x20x1x8x128xf32, #tpu.memory_space<hbm>>
      %dma_wait3A_531 = tpu.memref_squeeze %dma_wait3A_530 : memref<1x20x1x8x128xf32, #tpu.memory_space<hbm>> -> memref<20x8x128xf32, #tpu.memory_space<hbm>>
      %dma_wait3A_532 = arith.constant 0 : i32
      %dma_wait3A_533 = arith.constant 0 : i32
      %dma_wait3A_534 = arith.constant 0 : i32
      %dma_wait3A_535 = tpu.memref_slice %arg8[%dma_wait3A_521, %dma_wait3A_532, %dma_wait3A_533, %dma_wait3A_534] : memref<2x20x8x128xf32, #tpu.memory_space<vmem>> -> memref<1x20x8x128xf32, #tpu.memory_space<vmem>>
      %dma_wait3A_536 = tpu.memref_squeeze %dma_wait3A_535 : memref<1x20x8x128xf32, #tpu.memory_space<vmem>> -> memref<20x8x128xf32, #tpu.memory_space<vmem>>
      %dma_wait3A_537 = arith.constant 0 : i32
      %dma_wait3A_538 = arith.constant 0 : i32
      %dma_wait3A_539 = arith.constant 0 : i32
      %dma_wait3A_540 = tpu.memref_slice %arg2[%select_n3A, %dma_wait3A_537, %add3A_503, %dma_wait3A_538, %dma_wait3A_539] : memref<4x20x256x8x128xf32, #tpu.memory_space<hbm>> -> memref<1x20x1x8x128xf32, #tpu.memory_space<hbm>>
      %dma_wait3A_541 = tpu.memref_squeeze %dma_wait3A_540 : memref<1x20x1x8x128xf32, #tpu.memory_space<hbm>> -> memref<20x8x128xf32, #tpu.memory_space<hbm>>
      tpu.wait_dma2 semaphore(%arg13 : memref<!tpu.dma_semaphore, #tpu.memory_space<semaphore_mem>>) src(%dma_wait3A_541 : memref<20x8x128xf32, #tpu.memory_space<hbm>>) dst(%dma_wait3A_536 : memref<20x8x128xf32, #tpu.memory_space<vmem>>)
      %ge3A_542 = arith.constant 2 : i32
      %ge3A_543 = arith.cmpi sge, %add3A_495, %ge3A_542 : i32
      %convert_element_type3A_544 = arith.extui %ge3A_543 : i1 to i32
      %cond3A_545 = arith.constant 0 : i32
      %cond3A_546 = arith.cmpi ne, %convert_element_type3A_544, %cond3A_545 : i32
      scf.if %cond3A_546 {
        %sub3A_873 = arith.constant 2 : i32
        %sub3A_874 = arith.subi %add3A_495, %sub3A_873 : i32
        %add3A_875 = arith.addi %mul3A_32, %sub3A_874 : i32
        %dma_wait3A_876 = arith.constant 1 : i32
        %dma_wait3A_877 = arith.constant 0 : i32
        %dma_wait3A_878 = arith.constant 0 : i32
        %dma_wait3A_879 = arith.constant 0 : i32
        %dma_wait3A_880 = tpu.memref_slice %arg9[%dma_wait3A_876, %dma_wait3A_877, %dma_wait3A_878, %dma_wait3A_879] : memref<2x9x8x128xf32, #tpu.memory_space<vmem>> -> memref<1x9x8x128xf32, #tpu.memory_space<vmem>>
        %dma_wait3A_881 = tpu.memref_squeeze %dma_wait3A_880 : memref<1x9x8x128xf32, #tpu.memory_space<vmem>> -> memref<9x8x128xf32, #tpu.memory_space<vmem>>
        %dma_wait3A_882 = arith.constant 0 : i32
        %dma_wait3A_883 = arith.constant 0 : i32
        %dma_wait3A_884 = arith.constant 0 : i32
        %dma_wait3A_885 = tpu.memref_slice %arg5[%select_n3A, %dma_wait3A_882, %add3A_875, %dma_wait3A_883, %dma_wait3A_884] : memref<4x9x256x8x128xf32, #tpu.memory_space<hbm>> -> memref<1x9x1x8x128xf32, #tpu.memory_space<hbm>>
        %dma_wait3A_886 = tpu.memref_squeeze %dma_wait3A_885 : memref<1x9x1x8x128xf32, #tpu.memory_space<hbm>> -> memref<9x8x128xf32, #tpu.memory_space<hbm>>
        %dma_wait3A_887 = arith.constant 0 : i32
        %dma_wait3A_888 = arith.constant 0 : i32
        %dma_wait3A_889 = arith.constant 0 : i32
        %dma_wait3A_890 = tpu.memref_slice %arg5[%select_n3A, %dma_wait3A_887, %add3A_875, %dma_wait3A_888, %dma_wait3A_889] : memref<4x9x256x8x128xf32, #tpu.memory_space<hbm>> -> memref<1x9x1x8x128xf32, #tpu.memory_space<hbm>>
        %dma_wait3A_891 = tpu.memref_squeeze %dma_wait3A_890 : memref<1x9x1x8x128xf32, #tpu.memory_space<hbm>> -> memref<9x8x128xf32, #tpu.memory_space<hbm>>
        %dma_wait3A_892 = arith.constant 0 : i32
        %dma_wait3A_893 = arith.constant 0 : i32
        %dma_wait3A_894 = arith.constant 0 : i32
        %dma_wait3A_895 = tpu.memref_slice %arg9[%dma_wait3A_876, %dma_wait3A_892, %dma_wait3A_893, %dma_wait3A_894] : memref<2x9x8x128xf32, #tpu.memory_space<vmem>> -> memref<1x9x8x128xf32, #tpu.memory_space<vmem>>
        %dma_wait3A_896 = tpu.memref_squeeze %dma_wait3A_895 : memref<1x9x8x128xf32, #tpu.memory_space<vmem>> -> memref<9x8x128xf32, #tpu.memory_space<vmem>>
        tpu.wait_dma2 semaphore(%arg15 : memref<!tpu.dma_semaphore, #tpu.memory_space<semaphore_mem>>) src(%dma_wait3A_896 : memref<9x8x128xf32, #tpu.memory_space<vmem>>) dst(%dma_wait3A_891 : memref<9x8x128xf32, #tpu.memory_space<hbm>>)
      } else {
      }
      %shift_right_arithmetic3A_547 = arith.constant 0 : i32
      %shift_right_arithmetic3A_548 = arith.constant 3 : i32
      %shift_right_arithmetic3A_549 = arith.shrsi %shift_right_arithmetic3A_547, %shift_right_arithmetic3A_548 : i32
      %and3A_550 = arith.constant 0 : i32
      %and3A_551 = arith.constant 7 : i32
      %and3A_552 = arith.andi %and3A_550, %and3A_551 : i32
      %shift_left3A_553 = arith.constant 4 : i32
      %shift_left3A_554 = arith.shli %and3A_552, %shift_left3A_553 : i32
      %multiple_of3A_555 = tpu.assume_multiple %shift_left3A_554, 16 : i32
      %get3A_556 = arith.constant 1 : i32
      %get3A_557 = arith.constant 0 : i32
      %get3A_558 = arith.constant 0 : i32
      %get3A_559 = tpu.memref_slice %arg7[%get3A_556, %get3A_557, %get3A_558] : memref<2x8x128xi32, #tpu.memory_space<vmem>> -> memref<1x8x128xi32, #tpu.memory_space<vmem>>
      %get3A_560 = tpu.memref_squeeze %get3A_559 : memref<1x8x128xi32, #tpu.memory_space<vmem>> -> memref<8x128xi32, #tpu.memory_space<vmem>>
      %get3A_561 = arith.index_cast %shift_right_arithmetic3A_549 : i32 to index
      %get3A_562 = arith.index_cast %multiple_of3A_555 : i32 to index
      %get3A_563 = tpu.vector_load %get3A_560[%get3A_561, %get3A_562] {strides = array<i32>} : memref<8x128xi32, #tpu.memory_space<vmem>>, vector<16xi32>,
      %and3A_564 = arith.constant 31 : i32
      %and3A_565 = vector.broadcast %and3A_564 : i32 to vector<16xi32>
      %and3A_566 = arith.andi %get3A_563, %and3A_565 : vector<16xi32>
      %shift_right_arithmetic3A_567 = arith.constant 5 : i32
      %shift_right_arithmetic3A_568 = vector.broadcast %shift_right_arithmetic3A_567 : i32 to vector<16xi32>
      %shift_right_arithmetic3A_569 = arith.shrsi %get3A_563, %shift_right_arithmetic3A_568 : vector<16xi32>
      %sub3A_570 = arith.constant 1 : i32
      %sub3A_571 = vector.broadcast %sub3A_570 : i32 to vector<16xi32>
      %sub3A_572 = arith.subi %shift_right_arithmetic3A_569, %sub3A_571 : vector<16xi32>
      %max3A_573 = arith.constant 0 : i32
      %max3A_574 = vector.broadcast %max3A_573 : i32 to vector<16xi32>
      %max3A_575 = arith.maxsi %sub3A_572, %max3A_574 : vector<16xi32>
      %add3A_576 = arith.constant 1 : i32
      %add3A_577 = vector.broadcast %add3A_576 : i32 to vector<16xi32>
      %add3A_578 = arith.addi %shift_right_arithmetic3A_569, %add3A_577 : vector<16xi32>
      %min3A_579 = arith.constant 31 : i32
      %min3A_580 = vector.broadcast %min3A_579 : i32 to vector<16xi32>
      %min3A_581 = arith.minsi %add3A_578, %min3A_580 : vector<16xi32>
      %sub3A_582 = arith.constant 1 : i32
      %sub3A_583 = vector.broadcast %sub3A_582 : i32 to vector<16xi32>
      %sub3A_584 = arith.subi %and3A_566, %sub3A_583 : vector<16xi32>
      %max3A_585 = arith.constant 0 : i32
      %max3A_586 = vector.broadcast %max3A_585 : i32 to vector<16xi32>
      %max3A_587 = arith.maxsi %sub3A_584, %max3A_586 : vector<16xi32>
      %add3A_588 = arith.constant 1 : i32
      %add3A_589 = vector.broadcast %add3A_588 : i32 to vector<16xi32>
      %add3A_590 = arith.addi %and3A_566, %add3A_589 : vector<16xi32>
      %min3A_591 = arith.constant 31 : i32
      %min3A_592 = vector.broadcast %min3A_591 : i32 to vector<16xi32>
      %min3A_593 = arith.minsi %add3A_590, %min3A_592 : vector<16xi32>
      %shift_left3A_594 = arith.constant 5 : i32
      %shift_left3A_595 = vector.broadcast %shift_left3A_594 : i32 to vector<16xi32>
      %shift_left3A_596 = arith.shli %max3A_575, %shift_left3A_595 : vector<16xi32>
      %shift_left3A_597 = arith.constant 5 : i32
      %shift_left3A_598 = vector.broadcast %shift_left3A_597 : i32 to vector<16xi32>
      %shift_left3A_599 = arith.shli %shift_right_arithmetic3A_569, %shift_left3A_598 : vector<16xi32>
      %shift_left3A_600 = arith.constant 5 : i32
      %shift_left3A_601 = vector.broadcast %shift_left3A_600 : i32 to vector<16xi32>
      %shift_left3A_602 = arith.shli %min3A_581, %shift_left3A_601 : vector<16xi32>
      %add3A_603 = arith.addi %shift_left3A_596, %max3A_587 : vector<16xi32>
      %add3A_604 = arith.addi %shift_left3A_596, %and3A_566 : vector<16xi32>
      %add3A_605 = arith.addi %shift_left3A_596, %min3A_593 : vector<16xi32>
      %add3A_606 = arith.addi %shift_left3A_599, %max3A_587 : vector<16xi32>
      %add3A_607 = arith.addi %shift_left3A_599, %and3A_566 : vector<16xi32>
      %add3A_608 = arith.addi %shift_left3A_599, %min3A_593 : vector<16xi32>
      %add3A_609 = arith.addi %shift_left3A_602, %max3A_587 : vector<16xi32>
      %add3A_610 = arith.addi %shift_left3A_602, %and3A_566 : vector<16xi32>
      %add3A_611 = arith.addi %shift_left3A_602, %min3A_593 : vector<16xi32>
      %get3A_612 = arith.constant 1 : i32
      %get3A_613 = arith.constant 0 : i32
      %get3A_614 = arith.constant 0 : i32
      %get3A_615 = arith.constant 0 : i32
      %get3A_616 = arith.constant 0 : i32
      %get3A_617 = tpu.memref_slice %arg8[%get3A_612, %get3A_614, %get3A_615, %get3A_616] : memref<2x20x8x128xf32, #tpu.memory_space<vmem>> -> memref<1x20x8x128xf32, #tpu.memory_space<vmem>>
      %get3A_618 = tpu.memref_squeeze %get3A_617 : memref<1x20x8x128xf32, #tpu.memory_space<vmem>> -> memref<20x8x128xf32, #tpu.memory_space<vmem>>
      %get3A_619 = arith.index_cast %get3A_613 : i32 to index
      %get3A_620 = arith.index_cast %shift_right_arithmetic3A_549 : i32 to index
      %get3A_621 = arith.index_cast %multiple_of3A_555 : i32 to index
      %get3A_622 = tpu.vector_load %get3A_618[%get3A_619, %get3A_620, %get3A_621] {strides = array<i32>} : memref<20x8x128xf32, #tpu.memory_space<vmem>>, vector<16xf32>,
      %get3A_623 = arith.constant 1 : i32
      %get3A_624 = arith.constant 1 : i32
      %get3A_625 = arith.constant 0 : i32
      %get3A_626 = arith.constant 0 : i32
      %get3A_627 = arith.constant 0 : i32
      %get3A_628 = tpu.memref_slice %arg8[%get3A_623, %get3A_625, %get3A_626, %get3A_627] : memref<2x20x8x128xf32, #tpu.memory_space<vmem>> -> memref<1x20x8x128xf32, #tpu.memory_space<vmem>>
      %get3A_629 = tpu.memref_squeeze %get3A_628 : memref<1x20x8x128xf32, #tpu.memory_space<vmem>> -> memref<20x8x128xf32, #tpu.memory_space<vmem>>
      %get3A_630 = arith.index_cast %get3A_624 : i32 to index
      %get3A_631 = arith.index_cast %shift_right_arithmetic3A_549 : i32 to index
      %get3A_632 = arith.index_cast %multiple_of3A_555 : i32 to index
      %get3A_633 = tpu.vector_load %get3A_629[%get3A_630, %get3A_631, %get3A_632] {strides = array<i32>} : memref<20x8x128xf32, #tpu.memory_space<vmem>>, vector<16xf32>,
      %pack3A_634 = tpu.pack_subelements %get3A_622, %get3A_633 {pack_format = #tpu.pack_format<interleaved>, positions = array<i32: 0, 1>} : vector<16xf32>, vector<16xf32> -> vector<32xbf16>
      %get3A_635 = arith.constant 1 : i32
      %get3A_636 = arith.constant 2 : i32
      %get3A_637 = arith.constant 0 : i32
      %get3A_638 = arith.constant 0 : i32
      %get3A_639 = arith.constant 0 : i32
      %get3A_640 = tpu.memref_slice %arg8[%get3A_635, %get3A_637, %get3A_638, %get3A_639] : memref<2x20x8x128xf32, #tpu.memory_space<vmem>> -> memref<1x20x8x128xf32, #tpu.memory_space<vmem>>
      %get3A_641 = tpu.memref_squeeze %get3A_640 : memref<1x20x8x128xf32, #tpu.memory_space<vmem>> -> memref<20x8x128xf32, #tpu.memory_space<vmem>>
      %get3A_642 = arith.index_cast %get3A_636 : i32 to index
      %get3A_643 = arith.index_cast %shift_right_arithmetic3A_549 : i32 to index
      %get3A_644 = arith.index_cast %multiple_of3A_555 : i32 to index
      %get3A_645 = tpu.vector_load %get3A_641[%get3A_642, %get3A_643, %get3A_644] {strides = array<i32>} : memref<20x8x128xf32, #tpu.memory_space<vmem>>, vector<16xf32>,
      %get3A_646 = arith.constant 1 : i32
      %get3A_647 = arith.constant 3 : i32
      %get3A_648 = arith.constant 0 : i32
      %get3A_649 = arith.constant 0 : i32
      %get3A_650 = arith.constant 0 : i32
      %get3A_651 = tpu.memref_slice %arg8[%get3A_646, %get3A_648, %get3A_649, %get3A_650] : memref<2x20x8x128xf32, #tpu.memory_space<vmem>> -> memref<1x20x8x128xf32, #tpu.memory_space<vmem>>
      %get3A_652 = tpu.memref_squeeze %get3A_651 : memref<1x20x8x128xf32, #tpu.memory_space<vmem>> -> memref<20x8x128xf32, #tpu.memory_space<vmem>>
      %get3A_653 = arith.index_cast %get3A_647 : i32 to index
      %get3A_654 = arith.index_cast %shift_right_arithmetic3A_549 : i32 to index
      %get3A_655 = arith.index_cast %multiple_of3A_555 : i32 to index
      %get3A_656 = tpu.vector_load %get3A_652[%get3A_653, %get3A_654, %get3A_655] {strides = array<i32>} : memref<20x8x128xf32, #tpu.memory_space<vmem>>, vector<16xf32>,
      %pack3A_657 = tpu.pack_subelements %get3A_645, %get3A_656 {pack_format = #tpu.pack_format<interleaved>, positions = array<i32: 0, 1>} : vector<16xf32>, vector<16xf32> -> vector<32xbf16>
      %get3A_658 = arith.constant 1 : i32
      %get3A_659 = arith.constant 4 : i32
      %get3A_660 = arith.constant 0 : i32
      %get3A_661 = arith.constant 0 : i32
      %get3A_662 = arith.constant 0 : i32
      %get3A_663 = tpu.memref_slice %arg8[%get3A_658, %get3A_660, %get3A_661, %get3A_662] : memref<2x20x8x128xf32, #tpu.memory_space<vmem>> -> memref<1x20x8x128xf32, #tpu.memory_space<vmem>>
      %get3A_664 = tpu.memref_squeeze %get3A_663 : memref<1x20x8x128xf32, #tpu.memory_space<vmem>> -> memref<20x8x128xf32, #tpu.memory_space<vmem>>
      %get3A_665 = arith.index_cast %get3A_659 : i32 to index
      %get3A_666 = arith.index_cast %shift_right_arithmetic3A_549 : i32 to index
      %get3A_667 = arith.index_cast %multiple_of3A_555 : i32 to index
      %get3A_668 = tpu.vector_load %get3A_664[%get3A_665, %get3A_666, %get3A_667] {strides = array<i32>} : memref<20x8x128xf32, #tpu.memory_space<vmem>>, vector<16xf32>,
      %get3A_669 = arith.constant 1 : i32
      %get3A_670 = arith.constant 5 : i32
      %get3A_671 = arith.constant 0 : i32
      %get3A_672 = arith.constant 0 : i32
      %get3A_673 = arith.constant 0 : i32
      %get3A_674 = tpu.memref_slice %arg8[%get3A_669, %get3A_671, %get3A_672, %get3A_673] : memref<2x20x8x128xf32, #tpu.memory_space<vmem>> -> memref<1x20x8x128xf32, #tpu.memory_space<vmem>>
      %get3A_675 = tpu.memref_squeeze %get3A_674 : memref<1x20x8x128xf32, #tpu.memory_space<vmem>> -> memref<20x8x128xf32, #tpu.memory_space<vmem>>
      %get3A_676 = arith.index_cast %get3A_670 : i32 to index
      %get3A_677 = arith.index_cast %shift_right_arithmetic3A_549 : i32 to index
      %get3A_678 = arith.index_cast %multiple_of3A_555 : i32 to index
      %get3A_679 = tpu.vector_load %get3A_675[%get3A_676, %get3A_677, %get3A_678] {strides = array<i32>} : memref<20x8x128xf32, #tpu.memory_space<vmem>>, vector<16xf32>,
      %pack3A_680 = tpu.pack_subelements %get3A_668, %get3A_679 {pack_format = #tpu.pack_format<interleaved>, positions = array<i32: 0, 1>} : vector<16xf32>, vector<16xf32> -> vector<32xbf16>
      %get3A_681 = arith.constant 1 : i32
      %get3A_682 = arith.constant 6 : i32
      %get3A_683 = arith.constant 0 : i32
      %get3A_684 = arith.constant 0 : i32
      %get3A_685 = arith.constant 0 : i32
      %get3A_686 = tpu.memref_slice %arg8[%get3A_681, %get3A_683, %get3A_684, %get3A_685] : memref<2x20x8x128xf32, #tpu.memory_space<vmem>> -> memref<1x20x8x128xf32, #tpu.memory_space<vmem>>
      %get3A_687 = tpu.memref_squeeze %get3A_686 : memref<1x20x8x128xf32, #tpu.memory_space<vmem>> -> memref<20x8x128xf32, #tpu.memory_space<vmem>>
      %get3A_688 = arith.index_cast %get3A_682 : i32 to index
      %get3A_689 = arith.index_cast %shift_right_arithmetic3A_549 : i32 to index
      %get3A_690 = arith.index_cast %multiple_of3A_555 : i32 to index
      %get3A_691 = tpu.vector_load %get3A_687[%get3A_688, %get3A_689, %get3A_690] {strides = array<i32>} : memref<20x8x128xf32, #tpu.memory_space<vmem>>, vector<16xf32>,
      %get3A_692 = arith.constant 1 : i32
      %get3A_693 = arith.constant 7 : i32
      %get3A_694 = arith.constant 0 : i32
      %get3A_695 = arith.constant 0 : i32
      %get3A_696 = arith.constant 0 : i32
      %get3A_697 = tpu.memref_slice %arg8[%get3A_692, %get3A_694, %get3A_695, %get3A_696] : memref<2x20x8x128xf32, #tpu.memory_space<vmem>> -> memref<1x20x8x128xf32, #tpu.memory_space<vmem>>
      %get3A_698 = tpu.memref_squeeze %get3A_697 : memref<1x20x8x128xf32, #tpu.memory_space<vmem>> -> memref<20x8x128xf32, #tpu.memory_space<vmem>>
      %get3A_699 = arith.index_cast %get3A_693 : i32 to index
      %get3A_700 = arith.index_cast %shift_right_arithmetic3A_549 : i32 to index
      %get3A_701 = arith.index_cast %multiple_of3A_555 : i32 to index
      %get3A_702 = tpu.vector_load %get3A_698[%get3A_699, %get3A_700, %get3A_701] {strides = array<i32>} : memref<20x8x128xf32, #tpu.memory_space<vmem>>, vector<16xf32>,
      %pack3A_703 = tpu.pack_subelements %get3A_691, %get3A_702 {pack_format = #tpu.pack_format<interleaved>, positions = array<i32: 0, 1>} : vector<16xf32>, vector<16xf32> -> vector<32xbf16>
      %get3A_704 = arith.constant 1 : i32
      %get3A_705 = arith.constant 8 : i32
      %get3A_706 = arith.constant 0 : i32
      %get3A_707 = arith.constant 0 : i32
      %get3A_708 = arith.constant 0 : i32
      %get3A_709 = tpu.memref_slice %arg8[%get3A_704, %get3A_706, %get3A_707, %get3A_708] : memref<2x20x8x128xf32, #tpu.memory_space<vmem>> -> memref<1x20x8x128xf32, #tpu.memory_space<vmem>>
      %get3A_710 = tpu.memref_squeeze %get3A_709 : memref<1x20x8x128xf32, #tpu.memory_space<vmem>> -> memref<20x8x128xf32, #tpu.memory_space<vmem>>
      %get3A_711 = arith.index_cast %get3A_705 : i32 to index
      %get3A_712 = arith.index_cast %shift_right_arithmetic3A_549 : i32 to index
      %get3A_713 = arith.index_cast %multiple_of3A_555 : i32 to index
      %get3A_714 = tpu.vector_load %get3A_710[%get3A_711, %get3A_712, %get3A_713] {strides = array<i32>} : memref<20x8x128xf32, #tpu.memory_space<vmem>>, vector<16xf32>,
      %get3A_715 = arith.constant 1 : i32
      %get3A_716 = arith.constant 9 : i32
      %get3A_717 = arith.constant 0 : i32
      %get3A_718 = arith.constant 0 : i32
      %get3A_719 = arith.constant 0 : i32
      %get3A_720 = tpu.memref_slice %arg8[%get3A_715, %get3A_717, %get3A_718, %get3A_719] : memref<2x20x8x128xf32, #tpu.memory_space<vmem>> -> memref<1x20x8x128xf32, #tpu.memory_space<vmem>>
      %get3A_721 = tpu.memref_squeeze %get3A_720 : memref<1x20x8x128xf32, #tpu.memory_space<vmem>> -> memref<20x8x128xf32, #tpu.memory_space<vmem>>
      %get3A_722 = arith.index_cast %get3A_716 : i32 to index
      %get3A_723 = arith.index_cast %shift_right_arithmetic3A_549 : i32 to index
      %get3A_724 = arith.index_cast %multiple_of3A_555 : i32 to index
      %get3A_725 = tpu.vector_load %get3A_721[%get3A_722, %get3A_723, %get3A_724] {strides = array<i32>} : memref<20x8x128xf32, #tpu.memory_space<vmem>>, vector<16xf32>,
      %pack3A_726 = tpu.pack_subelements %get3A_714, %get3A_725 {pack_format = #tpu.pack_format<interleaved>, positions = array<i32: 0, 1>} : vector<16xf32>, vector<16xf32> -> vector<32xbf16>
      %get3A_727 = arith.constant 1 : i32
      %get3A_728 = arith.constant 10 : i32
      %get3A_729 = arith.constant 0 : i32
      %get3A_730 = arith.constant 0 : i32
      %get3A_731 = arith.constant 0 : i32
      %get3A_732 = tpu.memref_slice %arg8[%get3A_727, %get3A_729, %get3A_730, %get3A_731] : memref<2x20x8x128xf32, #tpu.memory_space<vmem>> -> memref<1x20x8x128xf32, #tpu.memory_space<vmem>>
      %get3A_733 = tpu.memref_squeeze %get3A_732 : memref<1x20x8x128xf32, #tpu.memory_space<vmem>> -> memref<20x8x128xf32, #tpu.memory_space<vmem>>
      %get3A_734 = arith.index_cast %get3A_728 : i32 to index
      %get3A_735 = arith.index_cast %shift_right_arithmetic3A_549 : i32 to index
      %get3A_736 = arith.index_cast %multiple_of3A_555 : i32 to index
      %get3A_737 = tpu.vector_load %get3A_733[%get3A_734, %get3A_735, %get3A_736] {strides = array<i32>} : memref<20x8x128xf32, #tpu.memory_space<vmem>>, vector<16xf32>,
      %get3A_738 = arith.constant 1 : i32
      %get3A_739 = arith.constant 11 : i32
      %get3A_740 = arith.constant 0 : i32
      %get3A_741 = arith.constant 0 : i32
      %get3A_742 = arith.constant 0 : i32
      %get3A_743 = tpu.memref_slice %arg8[%get3A_738, %get3A_740, %get3A_741, %get3A_742] : memref<2x20x8x128xf32, #tpu.memory_space<vmem>> -> memref<1x20x8x128xf32, #tpu.memory_space<vmem>>
      %get3A_744 = tpu.memref_squeeze %get3A_743 : memref<1x20x8x128xf32, #tpu.memory_space<vmem>> -> memref<20x8x128xf32, #tpu.memory_space<vmem>>
      %get3A_745 = arith.index_cast %get3A_739 : i32 to index
      %get3A_746 = arith.index_cast %shift_right_arithmetic3A_549 : i32 to index
      %get3A_747 = arith.index_cast %multiple_of3A_555 : i32 to index
      %get3A_748 = tpu.vector_load %get3A_744[%get3A_745, %get3A_746, %get3A_747] {strides = array<i32>} : memref<20x8x128xf32, #tpu.memory_space<vmem>>, vector<16xf32>,
      %pack3A_749 = tpu.pack_subelements %get3A_737, %get3A_748 {pack_format = #tpu.pack_format<interleaved>, positions = array<i32: 0, 1>} : vector<16xf32>, vector<16xf32> -> vector<32xbf16>
      %get3A_750 = arith.constant 1 : i32
      %get3A_751 = arith.constant 12 : i32
      %get3A_752 = arith.constant 0 : i32
      %get3A_753 = arith.constant 0 : i32
      %get3A_754 = arith.constant 0 : i32
      %get3A_755 = tpu.memref_slice %arg8[%get3A_750, %get3A_752, %get3A_753, %get3A_754] : memref<2x20x8x128xf32, #tpu.memory_space<vmem>> -> memref<1x20x8x128xf32, #tpu.memory_space<vmem>>
      %get3A_756 = tpu.memref_squeeze %get3A_755 : memref<1x20x8x128xf32, #tpu.memory_space<vmem>> -> memref<20x8x128xf32, #tpu.memory_space<vmem>>
      %get3A_757 = arith.index_cast %get3A_751 : i32 to index
      %get3A_758 = arith.index_cast %shift_right_arithmetic3A_549 : i32 to index
      %get3A_759 = arith.index_cast %multiple_of3A_555 : i32 to index
      %get3A_760 = tpu.vector_load %get3A_756[%get3A_757, %get3A_758, %get3A_759] {strides = array<i32>} : memref<20x8x128xf32, #tpu.memory_space<vmem>>, vector<16xf32>,
      %get3A_761 = arith.constant 1 : i32
      %get3A_762 = arith.constant 13 : i32
      %get3A_763 = arith.constant 0 : i32
      %get3A_764 = arith.constant 0 : i32
      %get3A_765 = arith.constant 0 : i32
      %get3A_766 = tpu.memref_slice %arg8[%get3A_761, %get3A_763, %get3A_764, %get3A_765] : memref<2x20x8x128xf32, #tpu.memory_space<vmem>> -> memref<1x20x8x128xf32, #tpu.memory_space<vmem>>
      %get3A_767 = tpu.memref_squeeze %get3A_766 : memref<1x20x8x128xf32, #tpu.memory_space<vmem>> -> memref<20x8x128xf32, #tpu.memory_space<vmem>>
      %get3A_768 = arith.index_cast %get3A_762 : i32 to index
      %get3A_769 = arith.index_cast %shift_right_arithmetic3A_549 : i32 to index
      %get3A_770 = arith.index_cast %multiple_of3A_555 : i32 to index
      %get3A_771 = tpu.vector_load %get3A_767[%get3A_768, %get3A_769, %get3A_770] {strides = array<i32>} : memref<20x8x128xf32, #tpu.memory_space<vmem>>, vector<16xf32>,
      %pack3A_772 = tpu.pack_subelements %get3A_760, %get3A_771 {pack_format = #tpu.pack_format<interleaved>, positions = array<i32: 0, 1>} : vector<16xf32>, vector<16xf32> -> vector<32xbf16>
      %get3A_773 = arith.constant 1 : i32
      %get3A_774 = arith.constant 14 : i32
      %get3A_775 = arith.constant 0 : i32
      %get3A_776 = arith.constant 0 : i32
      %get3A_777 = arith.constant 0 : i32
      %get3A_778 = tpu.memref_slice %arg8[%get3A_773, %get3A_775, %get3A_776, %get3A_777] : memref<2x20x8x128xf32, #tpu.memory_space<vmem>> -> memref<1x20x8x128xf32, #tpu.memory_space<vmem>>
      %get3A_779 = tpu.memref_squeeze %get3A_778 : memref<1x20x8x128xf32, #tpu.memory_space<vmem>> -> memref<20x8x128xf32, #tpu.memory_space<vmem>>
      %get3A_780 = arith.index_cast %get3A_774 : i32 to index
      %get3A_781 = arith.index_cast %shift_right_arithmetic3A_549 : i32 to index
      %get3A_782 = arith.index_cast %multiple_of3A_555 : i32 to index
      %get3A_783 = tpu.vector_load %get3A_779[%get3A_780, %get3A_781, %get3A_782] {strides = array<i32>} : memref<20x8x128xf32, #tpu.memory_space<vmem>>, vector<16xf32>,
      %get3A_784 = arith.constant 1 : i32
      %get3A_785 = arith.constant 15 : i32
      %get3A_786 = arith.constant 0 : i32
      %get3A_787 = arith.constant 0 : i32
      %get3A_788 = arith.constant 0 : i32
      %get3A_789 = tpu.memref_slice %arg8[%get3A_784, %get3A_786, %get3A_787, %get3A_788] : memref<2x20x8x128xf32, #tpu.memory_space<vmem>> -> memref<1x20x8x128xf32, #tpu.memory_space<vmem>>
      %get3A_790 = tpu.memref_squeeze %get3A_789 : memref<1x20x8x128xf32, #tpu.memory_space<vmem>> -> memref<20x8x128xf32, #tpu.memory_space<vmem>>
      %get3A_791 = arith.index_cast %get3A_785 : i32 to index
      %get3A_792 = arith.index_cast %shift_right_arithmetic3A_549 : i32 to index
      %get3A_793 = arith.index_cast %multiple_of3A_555 : i32 to index
      %get3A_794 = tpu.vector_load %get3A_790[%get3A_791, %get3A_792, %get3A_793] {strides = array<i32>} : memref<20x8x128xf32, #tpu.memory_space<vmem>>, vector<16xf32>,
      %pack3A_795 = tpu.pack_subelements %get3A_783, %get3A_794 {pack_format = #tpu.pack_format<interleaved>, positions = array<i32: 0, 1>} : vector<16xf32>, vector<16xf32> -> vector<32xbf16>
      %get3A_796 = arith.constant 1 : i32
      %get3A_797 = arith.constant 16 : i32
      %get3A_798 = arith.constant 0 : i32
      %get3A_799 = arith.constant 0 : i32
      %get3A_800 = arith.constant 0 : i32
      %get3A_801 = tpu.memref_slice %arg8[%get3A_796, %get3A_798, %get3A_799, %get3A_800] : memref<2x20x8x128xf32, #tpu.memory_space<vmem>> -> memref<1x20x8x128xf32, #tpu.memory_space<vmem>>
      %get3A_802 = tpu.memref_squeeze %get3A_801 : memref<1x20x8x128xf32, #tpu.memory_space<vmem>> -> memref<20x8x128xf32, #tpu.memory_space<vmem>>
      %get3A_803 = arith.index_cast %get3A_797 : i32 to index
      %get3A_804 = arith.index_cast %shift_right_arithmetic3A_549 : i32 to index
      %get3A_805 = arith.index_cast %multiple_of3A_555 : i32 to index
      %get3A_806 = tpu.vector_load %get3A_802[%get3A_803, %get3A_804, %get3A_805] {strides = array<i32>} : memref<20x8x128xf32, #tpu.memory_space<vmem>>, vector<16xf32>,
      %get3A_807 = arith.constant 1 : i32
      %get3A_808 = arith.constant 17 : i32
      %get3A_809 = arith.constant 0 : i32
      %get3A_810 = arith.constant 0 : i32
      %get3A_811 = arith.constant 0 : i32
      %get3A_812 = tpu.memref_slice %arg8[%get3A_807, %get3A_809, %get3A_810, %get3A_811] : memref<2x20x8x128xf32, #tpu.memory_space<vmem>> -> memref<1x20x8x128xf32, #tpu.memory_space<vmem>>
      %get3A_813 = tpu.memref_squeeze %get3A_812 : memref<1x20x8x128xf32, #tpu.memory_space<vmem>> -> memref<20x8x128xf32, #tpu.memory_space<vmem>>
      %get3A_814 = arith.index_cast %get3A_808 : i32 to index
      %get3A_815 = arith.index_cast %shift_right_arithmetic3A_549 : i32 to index
      %get3A_816 = arith.index_cast %multiple_of3A_555 : i32 to index
      %get3A_817 = tpu.vector_load %get3A_813[%get3A_814, %get3A_815, %get3A_816] {strides = array<i32>} : memref<20x8x128xf32, #tpu.memory_space<vmem>>, vector<16xf32>,
      %pack3A_818 = tpu.pack_subelements %get3A_806, %get3A_817 {pack_format = #tpu.pack_format<interleaved>, positions = array<i32: 0, 1>} : vector<16xf32>, vector<16xf32> -> vector<32xbf16>
      %get3A_819 = arith.constant 1 : i32
      %get3A_820 = arith.constant 18 : i32
      %get3A_821 = arith.constant 0 : i32
      %get3A_822 = arith.constant 0 : i32
      %get3A_823 = arith.constant 0 : i32
      %get3A_824 = tpu.memref_slice %arg8[%get3A_819, %get3A_821, %get3A_822, %get3A_823] : memref<2x20x8x128xf32, #tpu.memory_space<vmem>> -> memref<1x20x8x128xf32, #tpu.memory_space<vmem>>
      %get3A_825 = tpu.memref_squeeze %get3A_824 : memref<1x20x8x128xf32, #tpu.memory_space<vmem>> -> memref<20x8x128xf32, #tpu.memory_space<vmem>>
      %get3A_826 = arith.index_cast %get3A_820 : i32 to index
      %get3A_827 = arith.index_cast %shift_right_arithmetic3A_549 : i32 to index
      %get3A_828 = arith.index_cast %multiple_of3A_555 : i32 to index
      %get3A_829 = tpu.vector_load %get3A_825[%get3A_826, %get3A_827, %get3A_828] {strides = array<i32>} : memref<20x8x128xf32, #tpu.memory_space<vmem>>, vector<16xf32>,
      %get3A_830 = arith.constant 1 : i32
      %get3A_831 = arith.constant 19 : i32
      %get3A_832 = arith.constant 0 : i32
      %get3A_833 = arith.constant 0 : i32
      %get3A_834 = arith.constant 0 : i32
      %get3A_835 = tpu.memref_slice %arg8[%get3A_830, %get3A_832, %get3A_833, %get3A_834] : memref<2x20x8x128xf32, #tpu.memory_space<vmem>> -> memref<1x20x8x128xf32, #tpu.memory_space<vmem>>
      %get3A_836 = tpu.memref_squeeze %get3A_835 : memref<1x20x8x128xf32, #tpu.memory_space<vmem>> -> memref<20x8x128xf32, #tpu.memory_space<vmem>>
      %get3A_837 = arith.index_cast %get3A_831 : i32 to index
      %get3A_838 = arith.index_cast %shift_right_arithmetic3A_549 : i32 to index
      %get3A_839 = arith.index_cast %multiple_of3A_555 : i32 to index
      %get3A_840 = tpu.vector_load %get3A_836[%get3A_837, %get3A_838, %get3A_839] {strides = array<i32>} : memref<20x8x128xf32, #tpu.memory_space<vmem>>, vector<16xf32>,
      %pack3A_841 = tpu.pack_subelements %get3A_829, %get3A_840 {pack_format = #tpu.pack_format<interleaved>, positions = array<i32: 0, 1>} : vector<16xf32>, vector<16xf32> -> vector<32xbf16>
      %scan3A_842 = arith.constant 1 : i32
      %scan3A_843 = arith.constant 1 : i32
      %scan3A_844 = arith.constant 1 : i32
      %scan3A_845 = arith.constant 0 : i32
      %scan3A_846 = arith.constant 64 : i32
      %scan3A_847 = arith.addi %scan3A_845, %scan3A_846 : i32
      %scan3A_848 = arith.constant 1 : i32
      %scan3A_849:19 = scf.for %scan3A_873 = %scan3A_845 to %scan3A_847 step %scan3A_848 iter_args(%scan3A_874 = %add3A_603, %scan3A_875 = %add3A_604, %scan3A_876 = %add3A_605, %scan3A_877 = %add3A_606, %scan3A_878 = %add3A_607, %scan3A_879 = %add3A_608, %scan3A_880 = %add3A_609, %scan3A_881 = %add3A_610, %scan3A_882 = %add3A_611, %scan3A_883 = %pack3A_634, %scan3A_884 = %pack3A_657, %scan3A_885 = %pack3A_680, %scan3A_886 = %pack3A_703, %scan3A_887 = %pack3A_726, %scan3A_888 = %pack3A_749, %scan3A_889 = %pack3A_772, %scan3A_890 = %pack3A_795, %scan3A_891 = %pack3A_818, %scan3A_892 = %pack3A_841) -> (vector<16xi32>, vector<16xi32>, vector<16xi32>, vector<16xi32>, vector<16xi32>, vector<16xi32>, vector<16xi32>, vector<16xi32>, vector<16xi32>, vector<32xbf16>, vector<32xbf16>, vector<32xbf16>, vector<32xbf16>, vector<32xbf16>, vector<32xbf16>, vector<32xbf16>, vector<32xbf16>, vector<32xbf16>, vector<32xbf16>)  : i32 {
        %shift_right_arithmetic3A_893 = arith.constant 3 : i32
        %shift_right_arithmetic3A_894 = arith.shrsi %scan3A_873, %shift_right_arithmetic3A_893 : i32
        %and3A_895 = arith.constant 7 : i32
        %and3A_896 = arith.andi %scan3A_873, %and3A_895 : i32
        %shift_left3A_897 = arith.constant 4 : i32
        %shift_left3A_898 = arith.shli %and3A_896, %shift_left3A_897 : i32
        %multiple_of3A_899 = tpu.assume_multiple %shift_left3A_898, 16 : i32
        %add3A_900 = arith.constant 1 : i32
        %add3A_901 = arith.addi %scan3A_873, %add3A_900 : i32
        %min3A_902 = arith.constant 63 : i32
        %min3A_903 = arith.minsi %add3A_901, %min3A_902 : i32
        %shift_right_arithmetic3A_904 = arith.constant 3 : i32
        %shift_right_arithmetic3A_905 = arith.shrsi %min3A_903, %shift_right_arithmetic3A_904 : i32
        %and3A_906 = arith.constant 7 : i32
        %and3A_907 = arith.andi %min3A_903, %and3A_906 : i32
        %shift_left3A_908 = arith.constant 4 : i32
        %shift_left3A_909 = arith.shli %and3A_907, %shift_left3A_908 : i32
        %multiple_of3A_910 = tpu.assume_multiple %shift_left3A_909, 16 : i32
        %get3A_911 = arith.constant 0 : i32
        %get3A_912 = arith.constant 0 : i32
        %get3A_913 = tpu.memref_slice %arg7[%scan3A_842, %get3A_911, %get3A_912] : memref<2x8x128xi32, #tpu.memory_space<vmem>> -> memref<1x8x128xi32, #tpu.memory_space<vmem>>
        %get3A_914 = tpu.memref_squeeze %get3A_913 : memref<1x8x128xi32, #tpu.memory_space<vmem>> -> memref<8x128xi32, #tpu.memory_space<vmem>>
        %get3A_915 = arith.index_cast %shift_right_arithmetic3A_905 : i32 to index
        %get3A_916 = arith.index_cast %multiple_of3A_910 : i32 to index
        %get3A_917 = tpu.vector_load %get3A_914[%get3A_915, %get3A_916] {strides = array<i32>} : memref<8x128xi32, #tpu.memory_space<vmem>>, vector<16xi32>,
        %and3A_918 = arith.constant 31 : i32
        %and3A_919 = vector.broadcast %and3A_918 : i32 to vector<16xi32>
        %and3A_920 = arith.andi %get3A_917, %and3A_919 : vector<16xi32>
        %shift_right_arithmetic3A_921 = arith.constant 5 : i32
        %shift_right_arithmetic3A_922 = vector.broadcast %shift_right_arithmetic3A_921 : i32 to vector<16xi32>
        %shift_right_arithmetic3A_923 = arith.shrsi %get3A_917, %shift_right_arithmetic3A_922 : vector<16xi32>
        %sub3A_924 = arith.constant 1 : i32
        %sub3A_925 = vector.broadcast %sub3A_924 : i32 to vector<16xi32>
        %sub3A_926 = arith.subi %shift_right_arithmetic3A_923, %sub3A_925 : vector<16xi32>
        %max3A_927 = arith.constant 0 : i32
        %max3A_928 = vector.broadcast %max3A_927 : i32 to vector<16xi32>
        %max3A_929 = arith.maxsi %sub3A_926, %max3A_928 : vector<16xi32>
        %add3A_930 = arith.constant 1 : i32
        %add3A_931 = vector.broadcast %add3A_930 : i32 to vector<16xi32>
        %add3A_932 = arith.addi %shift_right_arithmetic3A_923, %add3A_931 : vector<16xi32>
        %min3A_933 = arith.constant 31 : i32
        %min3A_934 = vector.broadcast %min3A_933 : i32 to vector<16xi32>
        %min3A_935 = arith.minsi %add3A_932, %min3A_934 : vector<16xi32>
        %sub3A_936 = arith.constant 1 : i32
        %sub3A_937 = vector.broadcast %sub3A_936 : i32 to vector<16xi32>
        %sub3A_938 = arith.subi %and3A_920, %sub3A_937 : vector<16xi32>
        %max3A_939 = arith.constant 0 : i32
        %max3A_940 = vector.broadcast %max3A_939 : i32 to vector<16xi32>
        %max3A_941 = arith.maxsi %sub3A_938, %max3A_940 : vector<16xi32>
        %add3A_942 = arith.constant 1 : i32
        %add3A_943 = vector.broadcast %add3A_942 : i32 to vector<16xi32>
        %add3A_944 = arith.addi %and3A_920, %add3A_943 : vector<16xi32>
        %min3A_945 = arith.constant 31 : i32
        %min3A_946 = vector.broadcast %min3A_945 : i32 to vector<16xi32>
        %min3A_947 = arith.minsi %add3A_944, %min3A_946 : vector<16xi32>
        %shift_left3A_948 = arith.constant 5 : i32
        %shift_left3A_949 = vector.broadcast %shift_left3A_948 : i32 to vector<16xi32>
        %shift_left3A_950 = arith.shli %max3A_929, %shift_left3A_949 : vector<16xi32>
        %shift_left3A_951 = arith.constant 5 : i32
        %shift_left3A_952 = vector.broadcast %shift_left3A_951 : i32 to vector<16xi32>
        %shift_left3A_953 = arith.shli %shift_right_arithmetic3A_923, %shift_left3A_952 : vector<16xi32>
        %shift_left3A_954 = arith.constant 5 : i32
        %shift_left3A_955 = vector.broadcast %shift_left3A_954 : i32 to vector<16xi32>
        %shift_left3A_956 = arith.shli %min3A_935, %shift_left3A_955 : vector<16xi32>
        %add3A_957 = arith.addi %shift_left3A_950, %max3A_941 : vector<16xi32>
        %add3A_958 = arith.addi %shift_left3A_950, %and3A_920 : vector<16xi32>
        %add3A_959 = arith.addi %shift_left3A_950, %min3A_947 : vector<16xi32>
        %add3A_960 = arith.addi %shift_left3A_953, %max3A_941 : vector<16xi32>
        %add3A_961 = arith.addi %shift_left3A_953, %and3A_920 : vector<16xi32>
        %add3A_962 = arith.addi %shift_left3A_953, %min3A_947 : vector<16xi32>
        %add3A_963 = arith.addi %shift_left3A_956, %max3A_941 : vector<16xi32>
        %add3A_964 = arith.addi %shift_left3A_956, %and3A_920 : vector<16xi32>
        %add3A_965 = arith.addi %shift_left3A_956, %min3A_947 : vector<16xi32>
        %get3A_966 = arith.constant 0 : i32
        %get3A_967 = arith.constant 0 : i32
        %get3A_968 = arith.constant 0 : i32
        %get3A_969 = arith.constant 0 : i32
        %get3A_970 = tpu.memref_slice %arg8[%scan3A_843, %get3A_967, %get3A_968, %get3A_969] : memref<2x20x8x128xf32, #tpu.memory_space<vmem>> -> memref<1x20x8x128xf32, #tpu.memory_space<vmem>>
        %get3A_971 = tpu.memref_squeeze %get3A_970 : memref<1x20x8x128xf32, #tpu.memory_space<vmem>> -> memref<20x8x128xf32, #tpu.memory_space<vmem>>
        %get3A_972 = arith.index_cast %get3A_966 : i32 to index
        %get3A_973 = arith.index_cast %shift_right_arithmetic3A_905 : i32 to index
        %get3A_974 = arith.index_cast %multiple_of3A_910 : i32 to index
        %get3A_975 = tpu.vector_load %get3A_971[%get3A_972, %get3A_973, %get3A_974] {strides = array<i32>} : memref<20x8x128xf32, #tpu.memory_space<vmem>>, vector<16xf32>,
        %get3A_976 = arith.constant 1 : i32
        %get3A_977 = arith.constant 0 : i32
        %get3A_978 = arith.constant 0 : i32
        %get3A_979 = arith.constant 0 : i32
        %get3A_980 = tpu.memref_slice %arg8[%scan3A_843, %get3A_977, %get3A_978, %get3A_979] : memref<2x20x8x128xf32, #tpu.memory_space<vmem>> -> memref<1x20x8x128xf32, #tpu.memory_space<vmem>>
        %get3A_981 = tpu.memref_squeeze %get3A_980 : memref<1x20x8x128xf32, #tpu.memory_space<vmem>> -> memref<20x8x128xf32, #tpu.memory_space<vmem>>
        %get3A_982 = arith.index_cast %get3A_976 : i32 to index
        %get3A_983 = arith.index_cast %shift_right_arithmetic3A_905 : i32 to index
        %get3A_984 = arith.index_cast %multiple_of3A_910 : i32 to index
        %get3A_985 = tpu.vector_load %get3A_981[%get3A_982, %get3A_983, %get3A_984] {strides = array<i32>} : memref<20x8x128xf32, #tpu.memory_space<vmem>>, vector<16xf32>,
        %pack3A_986 = tpu.pack_subelements %get3A_975, %get3A_985 {pack_format = #tpu.pack_format<interleaved>, positions = array<i32: 0, 1>} : vector<16xf32>, vector<16xf32> -> vector<32xbf16>
        %get3A_987 = arith.constant 2 : i32
        %get3A_988 = arith.constant 0 : i32
        %get3A_989 = arith.constant 0 : i32
        %get3A_990 = arith.constant 0 : i32
        %get3A_991 = tpu.memref_slice %arg8[%scan3A_843, %get3A_988, %get3A_989, %get3A_990] : memref<2x20x8x128xf32, #tpu.memory_space<vmem>> -> memref<1x20x8x128xf32, #tpu.memory_space<vmem>>
        %get3A_992 = tpu.memref_squeeze %get3A_991 : memref<1x20x8x128xf32, #tpu.memory_space<vmem>> -> memref<20x8x128xf32, #tpu.memory_space<vmem>>
        %get3A_993 = arith.index_cast %get3A_987 : i32 to index
        %get3A_994 = arith.index_cast %shift_right_arithmetic3A_905 : i32 to index
        %get3A_995 = arith.index_cast %multiple_of3A_910 : i32 to index
        %get3A_996 = tpu.vector_load %get3A_992[%get3A_993, %get3A_994, %get3A_995] {strides = array<i32>} : memref<20x8x128xf32, #tpu.memory_space<vmem>>, vector<16xf32>,
        %get3A_997 = arith.constant 3 : i32
        %get3A_998 = arith.constant 0 : i32
        %get3A_999 = arith.constant 0 : i32
        %get3A_1000 = arith.constant 0 : i32
        %get3A_1001 = tpu.memref_slice %arg8[%scan3A_843, %get3A_998, %get3A_999, %get3A_1000] : memref<2x20x8x128xf32, #tpu.memory_space<vmem>> -> memref<1x20x8x128xf32, #tpu.memory_space<vmem>>
        %get3A_1002 = tpu.memref_squeeze %get3A_1001 : memref<1x20x8x128xf32, #tpu.memory_space<vmem>> -> memref<20x8x128xf32, #tpu.memory_space<vmem>>
        %get3A_1003 = arith.index_cast %get3A_997 : i32 to index
        %get3A_1004 = arith.index_cast %shift_right_arithmetic3A_905 : i32 to index
        %get3A_1005 = arith.index_cast %multiple_of3A_910 : i32 to index
        %get3A_1006 = tpu.vector_load %get3A_1002[%get3A_1003, %get3A_1004, %get3A_1005] {strides = array<i32>} : memref<20x8x128xf32, #tpu.memory_space<vmem>>, vector<16xf32>,
        %pack3A_1007 = tpu.pack_subelements %get3A_996, %get3A_1006 {pack_format = #tpu.pack_format<interleaved>, positions = array<i32: 0, 1>} : vector<16xf32>, vector<16xf32> -> vector<32xbf16>
        %get3A_1008 = arith.constant 4 : i32
        %get3A_1009 = arith.constant 0 : i32
        %get3A_1010 = arith.constant 0 : i32
        %get3A_1011 = arith.constant 0 : i32
        %get3A_1012 = tpu.memref_slice %arg8[%scan3A_843, %get3A_1009, %get3A_1010, %get3A_1011] : memref<2x20x8x128xf32, #tpu.memory_space<vmem>> -> memref<1x20x8x128xf32, #tpu.memory_space<vmem>>
        %get3A_1013 = tpu.memref_squeeze %get3A_1012 : memref<1x20x8x128xf32, #tpu.memory_space<vmem>> -> memref<20x8x128xf32, #tpu.memory_space<vmem>>
        %get3A_1014 = arith.index_cast %get3A_1008 : i32 to index
        %get3A_1015 = arith.index_cast %shift_right_arithmetic3A_905 : i32 to index
        %get3A_1016 = arith.index_cast %multiple_of3A_910 : i32 to index
        %get3A_1017 = tpu.vector_load %get3A_1013[%get3A_1014, %get3A_1015, %get3A_1016] {strides = array<i32>} : memref<20x8x128xf32, #tpu.memory_space<vmem>>, vector<16xf32>,
        %get3A_1018 = arith.constant 5 : i32
        %get3A_1019 = arith.constant 0 : i32
        %get3A_1020 = arith.constant 0 : i32
        %get3A_1021 = arith.constant 0 : i32
        %get3A_1022 = tpu.memref_slice %arg8[%scan3A_843, %get3A_1019, %get3A_1020, %get3A_1021] : memref<2x20x8x128xf32, #tpu.memory_space<vmem>> -> memref<1x20x8x128xf32, #tpu.memory_space<vmem>>
        %get3A_1023 = tpu.memref_squeeze %get3A_1022 : memref<1x20x8x128xf32, #tpu.memory_space<vmem>> -> memref<20x8x128xf32, #tpu.memory_space<vmem>>
        %get3A_1024 = arith.index_cast %get3A_1018 : i32 to index
        %get3A_1025 = arith.index_cast %shift_right_arithmetic3A_905 : i32 to index
        %get3A_1026 = arith.index_cast %multiple_of3A_910 : i32 to index
        %get3A_1027 = tpu.vector_load %get3A_1023[%get3A_1024, %get3A_1025, %get3A_1026] {strides = array<i32>} : memref<20x8x128xf32, #tpu.memory_space<vmem>>, vector<16xf32>,
        %pack3A_1028 = tpu.pack_subelements %get3A_1017, %get3A_1027 {pack_format = #tpu.pack_format<interleaved>, positions = array<i32: 0, 1>} : vector<16xf32>, vector<16xf32> -> vector<32xbf16>
        %get3A_1029 = arith.constant 6 : i32
        %get3A_1030 = arith.constant 0 : i32
        %get3A_1031 = arith.constant 0 : i32
        %get3A_1032 = arith.constant 0 : i32
        %get3A_1033 = tpu.memref_slice %arg8[%scan3A_843, %get3A_1030, %get3A_1031, %get3A_1032] : memref<2x20x8x128xf32, #tpu.memory_space<vmem>> -> memref<1x20x8x128xf32, #tpu.memory_space<vmem>>
        %get3A_1034 = tpu.memref_squeeze %get3A_1033 : memref<1x20x8x128xf32, #tpu.memory_space<vmem>> -> memref<20x8x128xf32, #tpu.memory_space<vmem>>
        %get3A_1035 = arith.index_cast %get3A_1029 : i32 to index
        %get3A_1036 = arith.index_cast %shift_right_arithmetic3A_905 : i32 to index
        %get3A_1037 = arith.index_cast %multiple_of3A_910 : i32 to index
        %get3A_1038 = tpu.vector_load %get3A_1034[%get3A_1035, %get3A_1036, %get3A_1037] {strides = array<i32>} : memref<20x8x128xf32, #tpu.memory_space<vmem>>, vector<16xf32>,
        %get3A_1039 = arith.constant 7 : i32
        %get3A_1040 = arith.constant 0 : i32
        %get3A_1041 = arith.constant 0 : i32
        %get3A_1042 = arith.constant 0 : i32
        %get3A_1043 = tpu.memref_slice %arg8[%scan3A_843, %get3A_1040, %get3A_1041, %get3A_1042] : memref<2x20x8x128xf32, #tpu.memory_space<vmem>> -> memref<1x20x8x128xf32, #tpu.memory_space<vmem>>
        %get3A_1044 = tpu.memref_squeeze %get3A_1043 : memref<1x20x8x128xf32, #tpu.memory_space<vmem>> -> memref<20x8x128xf32, #tpu.memory_space<vmem>>
        %get3A_1045 = arith.index_cast %get3A_1039 : i32 to index
        %get3A_1046 = arith.index_cast %shift_right_arithmetic3A_905 : i32 to index
        %get3A_1047 = arith.index_cast %multiple_of3A_910 : i32 to index
        %get3A_1048 = tpu.vector_load %get3A_1044[%get3A_1045, %get3A_1046, %get3A_1047] {strides = array<i32>} : memref<20x8x128xf32, #tpu.memory_space<vmem>>, vector<16xf32>,
        %pack3A_1049 = tpu.pack_subelements %get3A_1038, %get3A_1048 {pack_format = #tpu.pack_format<interleaved>, positions = array<i32: 0, 1>} : vector<16xf32>, vector<16xf32> -> vector<32xbf16>
        %get3A_1050 = arith.constant 8 : i32
        %get3A_1051 = arith.constant 0 : i32
        %get3A_1052 = arith.constant 0 : i32
        %get3A_1053 = arith.constant 0 : i32
        %get3A_1054 = tpu.memref_slice %arg8[%scan3A_843, %get3A_1051, %get3A_1052, %get3A_1053] : memref<2x20x8x128xf32, #tpu.memory_space<vmem>> -> memref<1x20x8x128xf32, #tpu.memory_space<vmem>>
        %get3A_1055 = tpu.memref_squeeze %get3A_1054 : memref<1x20x8x128xf32, #tpu.memory_space<vmem>> -> memref<20x8x128xf32, #tpu.memory_space<vmem>>
        %get3A_1056 = arith.index_cast %get3A_1050 : i32 to index
        %get3A_1057 = arith.index_cast %shift_right_arithmetic3A_905 : i32 to index
        %get3A_1058 = arith.index_cast %multiple_of3A_910 : i32 to index
        %get3A_1059 = tpu.vector_load %get3A_1055[%get3A_1056, %get3A_1057, %get3A_1058] {strides = array<i32>} : memref<20x8x128xf32, #tpu.memory_space<vmem>>, vector<16xf32>,
        %get3A_1060 = arith.constant 9 : i32
        %get3A_1061 = arith.constant 0 : i32
        %get3A_1062 = arith.constant 0 : i32
        %get3A_1063 = arith.constant 0 : i32
        %get3A_1064 = tpu.memref_slice %arg8[%scan3A_843, %get3A_1061, %get3A_1062, %get3A_1063] : memref<2x20x8x128xf32, #tpu.memory_space<vmem>> -> memref<1x20x8x128xf32, #tpu.memory_space<vmem>>
        %get3A_1065 = tpu.memref_squeeze %get3A_1064 : memref<1x20x8x128xf32, #tpu.memory_space<vmem>> -> memref<20x8x128xf32, #tpu.memory_space<vmem>>
        %get3A_1066 = arith.index_cast %get3A_1060 : i32 to index
        %get3A_1067 = arith.index_cast %shift_right_arithmetic3A_905 : i32 to index
        %get3A_1068 = arith.index_cast %multiple_of3A_910 : i32 to index
        %get3A_1069 = tpu.vector_load %get3A_1065[%get3A_1066, %get3A_1067, %get3A_1068] {strides = array<i32>} : memref<20x8x128xf32, #tpu.memory_space<vmem>>, vector<16xf32>,
        %pack3A_1070 = tpu.pack_subelements %get3A_1059, %get3A_1069 {pack_format = #tpu.pack_format<interleaved>, positions = array<i32: 0, 1>} : vector<16xf32>, vector<16xf32> -> vector<32xbf16>
        %get3A_1071 = arith.constant 10 : i32
        %get3A_1072 = arith.constant 0 : i32
        %get3A_1073 = arith.constant 0 : i32
        %get3A_1074 = arith.constant 0 : i32
        %get3A_1075 = tpu.memref_slice %arg8[%scan3A_843, %get3A_1072, %get3A_1073, %get3A_1074] : memref<2x20x8x128xf32, #tpu.memory_space<vmem>> -> memref<1x20x8x128xf32, #tpu.memory_space<vmem>>
        %get3A_1076 = tpu.memref_squeeze %get3A_1075 : memref<1x20x8x128xf32, #tpu.memory_space<vmem>> -> memref<20x8x128xf32, #tpu.memory_space<vmem>>
        %get3A_1077 = arith.index_cast %get3A_1071 : i32 to index
        %get3A_1078 = arith.index_cast %shift_right_arithmetic3A_905 : i32 to index
        %get3A_1079 = arith.index_cast %multiple_of3A_910 : i32 to index
        %get3A_1080 = tpu.vector_load %get3A_1076[%get3A_1077, %get3A_1078, %get3A_1079] {strides = array<i32>} : memref<20x8x128xf32, #tpu.memory_space<vmem>>, vector<16xf32>,
        %get3A_1081 = arith.constant 11 : i32
        %get3A_1082 = arith.constant 0 : i32
        %get3A_1083 = arith.constant 0 : i32
        %get3A_1084 = arith.constant 0 : i32
        %get3A_1085 = tpu.memref_slice %arg8[%scan3A_843, %get3A_1082, %get3A_1083, %get3A_1084] : memref<2x20x8x128xf32, #tpu.memory_space<vmem>> -> memref<1x20x8x128xf32, #tpu.memory_space<vmem>>
        %get3A_1086 = tpu.memref_squeeze %get3A_1085 : memref<1x20x8x128xf32, #tpu.memory_space<vmem>> -> memref<20x8x128xf32, #tpu.memory_space<vmem>>
        %get3A_1087 = arith.index_cast %get3A_1081 : i32 to index
        %get3A_1088 = arith.index_cast %shift_right_arithmetic3A_905 : i32 to index
        %get3A_1089 = arith.index_cast %multiple_of3A_910 : i32 to index
        %get3A_1090 = tpu.vector_load %get3A_1086[%get3A_1087, %get3A_1088, %get3A_1089] {strides = array<i32>} : memref<20x8x128xf32, #tpu.memory_space<vmem>>, vector<16xf32>,
        %pack3A_1091 = tpu.pack_subelements %get3A_1080, %get3A_1090 {pack_format = #tpu.pack_format<interleaved>, positions = array<i32: 0, 1>} : vector<16xf32>, vector<16xf32> -> vector<32xbf16>
        %get3A_1092 = arith.constant 12 : i32
        %get3A_1093 = arith.constant 0 : i32
        %get3A_1094 = arith.constant 0 : i32
        %get3A_1095 = arith.constant 0 : i32
        %get3A_1096 = tpu.memref_slice %arg8[%scan3A_843, %get3A_1093, %get3A_1094, %get3A_1095] : memref<2x20x8x128xf32, #tpu.memory_space<vmem>> -> memref<1x20x8x128xf32, #tpu.memory_space<vmem>>
        %get3A_1097 = tpu.memref_squeeze %get3A_1096 : memref<1x20x8x128xf32, #tpu.memory_space<vmem>> -> memref<20x8x128xf32, #tpu.memory_space<vmem>>
        %get3A_1098 = arith.index_cast %get3A_1092 : i32 to index
        %get3A_1099 = arith.index_cast %shift_right_arithmetic3A_905 : i32 to index
        %get3A_1100 = arith.index_cast %multiple_of3A_910 : i32 to index
        %get3A_1101 = tpu.vector_load %get3A_1097[%get3A_1098, %get3A_1099, %get3A_1100] {strides = array<i32>} : memref<20x8x128xf32, #tpu.memory_space<vmem>>, vector<16xf32>,
        %get3A_1102 = arith.constant 13 : i32
        %get3A_1103 = arith.constant 0 : i32
        %get3A_1104 = arith.constant 0 : i32
        %get3A_1105 = arith.constant 0 : i32
        %get3A_1106 = tpu.memref_slice %arg8[%scan3A_843, %get3A_1103, %get3A_1104, %get3A_1105] : memref<2x20x8x128xf32, #tpu.memory_space<vmem>> -> memref<1x20x8x128xf32, #tpu.memory_space<vmem>>
        %get3A_1107 = tpu.memref_squeeze %get3A_1106 : memref<1x20x8x128xf32, #tpu.memory_space<vmem>> -> memref<20x8x128xf32, #tpu.memory_space<vmem>>
        %get3A_1108 = arith.index_cast %get3A_1102 : i32 to index
        %get3A_1109 = arith.index_cast %shift_right_arithmetic3A_905 : i32 to index
        %get3A_1110 = arith.index_cast %multiple_of3A_910 : i32 to index
        %get3A_1111 = tpu.vector_load %get3A_1107[%get3A_1108, %get3A_1109, %get3A_1110] {strides = array<i32>} : memref<20x8x128xf32, #tpu.memory_space<vmem>>, vector<16xf32>,
        %pack3A_1112 = tpu.pack_subelements %get3A_1101, %get3A_1111 {pack_format = #tpu.pack_format<interleaved>, positions = array<i32: 0, 1>} : vector<16xf32>, vector<16xf32> -> vector<32xbf16>
        %get3A_1113 = arith.constant 14 : i32
        %get3A_1114 = arith.constant 0 : i32
        %get3A_1115 = arith.constant 0 : i32
        %get3A_1116 = arith.constant 0 : i32
        %get3A_1117 = tpu.memref_slice %arg8[%scan3A_843, %get3A_1114, %get3A_1115, %get3A_1116] : memref<2x20x8x128xf32, #tpu.memory_space<vmem>> -> memref<1x20x8x128xf32, #tpu.memory_space<vmem>>
        %get3A_1118 = tpu.memref_squeeze %get3A_1117 : memref<1x20x8x128xf32, #tpu.memory_space<vmem>> -> memref<20x8x128xf32, #tpu.memory_space<vmem>>
        %get3A_1119 = arith.index_cast %get3A_1113 : i32 to index
        %get3A_1120 = arith.index_cast %shift_right_arithmetic3A_905 : i32 to index
        %get3A_1121 = arith.index_cast %multiple_of3A_910 : i32 to index
        %get3A_1122 = tpu.vector_load %get3A_1118[%get3A_1119, %get3A_1120, %get3A_1121] {strides = array<i32>} : memref<20x8x128xf32, #tpu.memory_space<vmem>>, vector<16xf32>,
        %get3A_1123 = arith.constant 15 : i32
        %get3A_1124 = arith.constant 0 : i32
        %get3A_1125 = arith.constant 0 : i32
        %get3A_1126 = arith.constant 0 : i32
        %get3A_1127 = tpu.memref_slice %arg8[%scan3A_843, %get3A_1124, %get3A_1125, %get3A_1126] : memref<2x20x8x128xf32, #tpu.memory_space<vmem>> -> memref<1x20x8x128xf32, #tpu.memory_space<vmem>>
        %get3A_1128 = tpu.memref_squeeze %get3A_1127 : memref<1x20x8x128xf32, #tpu.memory_space<vmem>> -> memref<20x8x128xf32, #tpu.memory_space<vmem>>
        %get3A_1129 = arith.index_cast %get3A_1123 : i32 to index
        %get3A_1130 = arith.index_cast %shift_right_arithmetic3A_905 : i32 to index
        %get3A_1131 = arith.index_cast %multiple_of3A_910 : i32 to index
        %get3A_1132 = tpu.vector_load %get3A_1128[%get3A_1129, %get3A_1130, %get3A_1131] {strides = array<i32>} : memref<20x8x128xf32, #tpu.memory_space<vmem>>, vector<16xf32>,
        %pack3A_1133 = tpu.pack_subelements %get3A_1122, %get3A_1132 {pack_format = #tpu.pack_format<interleaved>, positions = array<i32: 0, 1>} : vector<16xf32>, vector<16xf32> -> vector<32xbf16>
        %get3A_1134 = arith.constant 16 : i32
        %get3A_1135 = arith.constant 0 : i32
        %get3A_1136 = arith.constant 0 : i32
        %get3A_1137 = arith.constant 0 : i32
        %get3A_1138 = tpu.memref_slice %arg8[%scan3A_843, %get3A_1135, %get3A_1136, %get3A_1137] : memref<2x20x8x128xf32, #tpu.memory_space<vmem>> -> memref<1x20x8x128xf32, #tpu.memory_space<vmem>>
        %get3A_1139 = tpu.memref_squeeze %get3A_1138 : memref<1x20x8x128xf32, #tpu.memory_space<vmem>> -> memref<20x8x128xf32, #tpu.memory_space<vmem>>
        %get3A_1140 = arith.index_cast %get3A_1134 : i32 to index
        %get3A_1141 = arith.index_cast %shift_right_arithmetic3A_905 : i32 to index
        %get3A_1142 = arith.index_cast %multiple_of3A_910 : i32 to index
        %get3A_1143 = tpu.vector_load %get3A_1139[%get3A_1140, %get3A_1141, %get3A_1142] {strides = array<i32>} : memref<20x8x128xf32, #tpu.memory_space<vmem>>, vector<16xf32>,
        %get3A_1144 = arith.constant 17 : i32
        %get3A_1145 = arith.constant 0 : i32
        %get3A_1146 = arith.constant 0 : i32
        %get3A_1147 = arith.constant 0 : i32
        %get3A_1148 = tpu.memref_slice %arg8[%scan3A_843, %get3A_1145, %get3A_1146, %get3A_1147] : memref<2x20x8x128xf32, #tpu.memory_space<vmem>> -> memref<1x20x8x128xf32, #tpu.memory_space<vmem>>
        %get3A_1149 = tpu.memref_squeeze %get3A_1148 : memref<1x20x8x128xf32, #tpu.memory_space<vmem>> -> memref<20x8x128xf32, #tpu.memory_space<vmem>>
        %get3A_1150 = arith.index_cast %get3A_1144 : i32 to index
        %get3A_1151 = arith.index_cast %shift_right_arithmetic3A_905 : i32 to index
        %get3A_1152 = arith.index_cast %multiple_of3A_910 : i32 to index
        %get3A_1153 = tpu.vector_load %get3A_1149[%get3A_1150, %get3A_1151, %get3A_1152] {strides = array<i32>} : memref<20x8x128xf32, #tpu.memory_space<vmem>>, vector<16xf32>,
        %pack3A_1154 = tpu.pack_subelements %get3A_1143, %get3A_1153 {pack_format = #tpu.pack_format<interleaved>, positions = array<i32: 0, 1>} : vector<16xf32>, vector<16xf32> -> vector<32xbf16>
        %get3A_1155 = arith.constant 18 : i32
        %get3A_1156 = arith.constant 0 : i32
        %get3A_1157 = arith.constant 0 : i32
        %get3A_1158 = arith.constant 0 : i32
        %get3A_1159 = tpu.memref_slice %arg8[%scan3A_843, %get3A_1156, %get3A_1157, %get3A_1158] : memref<2x20x8x128xf32, #tpu.memory_space<vmem>> -> memref<1x20x8x128xf32, #tpu.memory_space<vmem>>
        %get3A_1160 = tpu.memref_squeeze %get3A_1159 : memref<1x20x8x128xf32, #tpu.memory_space<vmem>> -> memref<20x8x128xf32, #tpu.memory_space<vmem>>
        %get3A_1161 = arith.index_cast %get3A_1155 : i32 to index
        %get3A_1162 = arith.index_cast %shift_right_arithmetic3A_905 : i32 to index
        %get3A_1163 = arith.index_cast %multiple_of3A_910 : i32 to index
        %get3A_1164 = tpu.vector_load %get3A_1160[%get3A_1161, %get3A_1162, %get3A_1163] {strides = array<i32>} : memref<20x8x128xf32, #tpu.memory_space<vmem>>, vector<16xf32>,
        %get3A_1165 = arith.constant 19 : i32
        %get3A_1166 = arith.constant 0 : i32
        %get3A_1167 = arith.constant 0 : i32
        %get3A_1168 = arith.constant 0 : i32
        %get3A_1169 = tpu.memref_slice %arg8[%scan3A_843, %get3A_1166, %get3A_1167, %get3A_1168] : memref<2x20x8x128xf32, #tpu.memory_space<vmem>> -> memref<1x20x8x128xf32, #tpu.memory_space<vmem>>
        %get3A_1170 = tpu.memref_squeeze %get3A_1169 : memref<1x20x8x128xf32, #tpu.memory_space<vmem>> -> memref<20x8x128xf32, #tpu.memory_space<vmem>>
        %get3A_1171 = arith.index_cast %get3A_1165 : i32 to index
        %get3A_1172 = arith.index_cast %shift_right_arithmetic3A_905 : i32 to index
        %get3A_1173 = arith.index_cast %multiple_of3A_910 : i32 to index
        %get3A_1174 = tpu.vector_load %get3A_1170[%get3A_1171, %get3A_1172, %get3A_1173] {strides = array<i32>} : memref<20x8x128xf32, #tpu.memory_space<vmem>>, vector<16xf32>,
        %pack3A_1175 = tpu.pack_subelements %get3A_1164, %get3A_1174 {pack_format = #tpu.pack_format<interleaved>, positions = array<i32: 0, 1>} : vector<16xf32>, vector<16xf32> -> vector<32xbf16>
        %gather3A = arith.constant 0 : i32
        %gather3A_1176 = arith.constant 0 : i32
        %gather3A_1177 = tpu.memref_slice %arg6[%gather3A, %gather3A_1176] : memref<10x1024xi32, #tpu.memory_space<vmem>> -> memref<1x1024xi32, #tpu.memory_space<vmem>>
        %gather3A_1178 = tpu.memref_squeeze %gather3A_1177 : memref<1x1024xi32, #tpu.memory_space<vmem>> -> memref<1024xi32, #tpu.memory_space<vmem>>
        %gather3A_1179 = tpu.vector_load_idx %gather3A_1178[%scan3A_874] : memref<1024xi32, #tpu.memory_space<vmem>>[vector<16xi32>], vector<16xi32>,
        %bitcast3A = vector.bitcast %gather3A_1179 : vector<16xi32> to vector<32xbf16>
        %sub3A_1180 = arith.subf %scan3A_883, %bitcast3A : vector<32xbf16>
        %mul3A_1181 = arith.mulf %sub3A_1180, %sub3A_1180 : vector<32xbf16>
        %gather3A_1182 = arith.constant 0 : i32
        %gather3A_1183 = arith.constant 0 : i32
        %gather3A_1184 = tpu.memref_slice %arg6[%gather3A_1182, %gather3A_1183] : memref<10x1024xi32, #tpu.memory_space<vmem>> -> memref<1x1024xi32, #tpu.memory_space<vmem>>
        %gather3A_1185 = tpu.memref_squeeze %gather3A_1184 : memref<1x1024xi32, #tpu.memory_space<vmem>> -> memref<1024xi32, #tpu.memory_space<vmem>>
        %gather3A_1186 = tpu.vector_load_idx %gather3A_1185[%scan3A_875] : memref<1024xi32, #tpu.memory_space<vmem>>[vector<16xi32>], vector<16xi32>,
        %bitcast3A_1187 = vector.bitcast %gather3A_1186 : vector<16xi32> to vector<32xbf16>
        %sub3A_1188 = arith.subf %scan3A_883, %bitcast3A_1187 : vector<32xbf16>
        %mul3A_1189 = arith.mulf %sub3A_1188, %sub3A_1188 : vector<32xbf16>
        %gather3A_1190 = arith.constant 0 : i32
        %gather3A_1191 = arith.constant 0 : i32
        %gather3A_1192 = tpu.memref_slice %arg6[%gather3A_1190, %gather3A_1191] : memref<10x1024xi32, #tpu.memory_space<vmem>> -> memref<1x1024xi32, #tpu.memory_space<vmem>>
        %gather3A_1193 = tpu.memref_squeeze %gather3A_1192 : memref<1x1024xi32, #tpu.memory_space<vmem>> -> memref<1024xi32, #tpu.memory_space<vmem>>
        %gather3A_1194 = tpu.vector_load_idx %gather3A_1193[%scan3A_876] : memref<1024xi32, #tpu.memory_space<vmem>>[vector<16xi32>], vector<16xi32>,
        %bitcast3A_1195 = vector.bitcast %gather3A_1194 : vector<16xi32> to vector<32xbf16>
        %sub3A_1196 = arith.subf %scan3A_883, %bitcast3A_1195 : vector<32xbf16>
        %mul3A_1197 = arith.mulf %sub3A_1196, %sub3A_1196 : vector<32xbf16>
        %gather3A_1198 = arith.constant 0 : i32
        %gather3A_1199 = arith.constant 0 : i32
        %gather3A_1200 = tpu.memref_slice %arg6[%gather3A_1198, %gather3A_1199] : memref<10x1024xi32, #tpu.memory_space<vmem>> -> memref<1x1024xi32, #tpu.memory_space<vmem>>
        %gather3A_1201 = tpu.memref_squeeze %gather3A_1200 : memref<1x1024xi32, #tpu.memory_space<vmem>> -> memref<1024xi32, #tpu.memory_space<vmem>>
        %gather3A_1202 = tpu.vector_load_idx %gather3A_1201[%scan3A_877] : memref<1024xi32, #tpu.memory_space<vmem>>[vector<16xi32>], vector<16xi32>,
        %bitcast3A_1203 = vector.bitcast %gather3A_1202 : vector<16xi32> to vector<32xbf16>
        %sub3A_1204 = arith.subf %scan3A_883, %bitcast3A_1203 : vector<32xbf16>
        %mul3A_1205 = arith.mulf %sub3A_1204, %sub3A_1204 : vector<32xbf16>
        %gather3A_1206 = arith.constant 0 : i32
        %gather3A_1207 = arith.constant 0 : i32
        %gather3A_1208 = tpu.memref_slice %arg6[%gather3A_1206, %gather3A_1207] : memref<10x1024xi32, #tpu.memory_space<vmem>> -> memref<1x1024xi32, #tpu.memory_space<vmem>>
        %gather3A_1209 = tpu.memref_squeeze %gather3A_1208 : memref<1x1024xi32, #tpu.memory_space<vmem>> -> memref<1024xi32, #tpu.memory_space<vmem>>
        %gather3A_1210 = tpu.vector_load_idx %gather3A_1209[%scan3A_878] : memref<1024xi32, #tpu.memory_space<vmem>>[vector<16xi32>], vector<16xi32>,
        %bitcast3A_1211 = vector.bitcast %gather3A_1210 : vector<16xi32> to vector<32xbf16>
        %sub3A_1212 = arith.subf %scan3A_883, %bitcast3A_1211 : vector<32xbf16>
        %mul3A_1213 = arith.mulf %sub3A_1212, %sub3A_1212 : vector<32xbf16>
        %gather3A_1214 = arith.constant 0 : i32
        %gather3A_1215 = arith.constant 0 : i32
        %gather3A_1216 = tpu.memref_slice %arg6[%gather3A_1214, %gather3A_1215] : memref<10x1024xi32, #tpu.memory_space<vmem>> -> memref<1x1024xi32, #tpu.memory_space<vmem>>
        %gather3A_1217 = tpu.memref_squeeze %gather3A_1216 : memref<1x1024xi32, #tpu.memory_space<vmem>> -> memref<1024xi32, #tpu.memory_space<vmem>>
        %gather3A_1218 = tpu.vector_load_idx %gather3A_1217[%scan3A_879] : memref<1024xi32, #tpu.memory_space<vmem>>[vector<16xi32>], vector<16xi32>,
        %bitcast3A_1219 = vector.bitcast %gather3A_1218 : vector<16xi32> to vector<32xbf16>
        %sub3A_1220 = arith.subf %scan3A_883, %bitcast3A_1219 : vector<32xbf16>
        %mul3A_1221 = arith.mulf %sub3A_1220, %sub3A_1220 : vector<32xbf16>
        %gather3A_1222 = arith.constant 0 : i32
        %gather3A_1223 = arith.constant 0 : i32
        %gather3A_1224 = tpu.memref_slice %arg6[%gather3A_1222, %gather3A_1223] : memref<10x1024xi32, #tpu.memory_space<vmem>> -> memref<1x1024xi32, #tpu.memory_space<vmem>>
        %gather3A_1225 = tpu.memref_squeeze %gather3A_1224 : memref<1x1024xi32, #tpu.memory_space<vmem>> -> memref<1024xi32, #tpu.memory_space<vmem>>
        %gather3A_1226 = tpu.vector_load_idx %gather3A_1225[%scan3A_880] : memref<1024xi32, #tpu.memory_space<vmem>>[vector<16xi32>], vector<16xi32>,
        %bitcast3A_1227 = vector.bitcast %gather3A_1226 : vector<16xi32> to vector<32xbf16>
        %sub3A_1228 = arith.subf %scan3A_883, %bitcast3A_1227 : vector<32xbf16>
        %mul3A_1229 = arith.mulf %sub3A_1228, %sub3A_1228 : vector<32xbf16>
        %gather3A_1230 = arith.constant 0 : i32
        %gather3A_1231 = arith.constant 0 : i32
        %gather3A_1232 = tpu.memref_slice %arg6[%gather3A_1230, %gather3A_1231] : memref<10x1024xi32, #tpu.memory_space<vmem>> -> memref<1x1024xi32, #tpu.memory_space<vmem>>
        %gather3A_1233 = tpu.memref_squeeze %gather3A_1232 : memref<1x1024xi32, #tpu.memory_space<vmem>> -> memref<1024xi32, #tpu.memory_space<vmem>>
        %gather3A_1234 = tpu.vector_load_idx %gather3A_1233[%scan3A_881] : memref<1024xi32, #tpu.memory_space<vmem>>[vector<16xi32>], vector<16xi32>,
        %bitcast3A_1235 = vector.bitcast %gather3A_1234 : vector<16xi32> to vector<32xbf16>
        %sub3A_1236 = arith.subf %scan3A_883, %bitcast3A_1235 : vector<32xbf16>
        %mul3A_1237 = arith.mulf %sub3A_1236, %sub3A_1236 : vector<32xbf16>
        %gather3A_1238 = arith.constant 0 : i32
        %gather3A_1239 = arith.constant 0 : i32
        %gather3A_1240 = tpu.memref_slice %arg6[%gather3A_1238, %gather3A_1239] : memref<10x1024xi32, #tpu.memory_space<vmem>> -> memref<1x1024xi32, #tpu.memory_space<vmem>>
        %gather3A_1241 = tpu.memref_squeeze %gather3A_1240 : memref<1x1024xi32, #tpu.memory_space<vmem>> -> memref<1024xi32, #tpu.memory_space<vmem>>
        %gather3A_1242 = tpu.vector_load_idx %gather3A_1241[%scan3A_882] : memref<1024xi32, #tpu.memory_space<vmem>>[vector<16xi32>], vector<16xi32>,
        %bitcast3A_1243 = vector.bitcast %gather3A_1242 : vector<16xi32> to vector<32xbf16>
        %sub3A_1244 = arith.subf %scan3A_883, %bitcast3A_1243 : vector<32xbf16>
        %mul3A_1245 = arith.mulf %sub3A_1244, %sub3A_1244 : vector<32xbf16>
        %gather3A_1246 = arith.constant 1 : i32
        %gather3A_1247 = arith.constant 0 : i32
        %gather3A_1248 = tpu.memref_slice %arg6[%gather3A_1246, %gather3A_1247] : memref<10x1024xi32, #tpu.memory_space<vmem>> -> memref<1x1024xi32, #tpu.memory_space<vmem>>
        %gather3A_1249 = tpu.memref_squeeze %gather3A_1248 : memref<1x1024xi32, #tpu.memory_space<vmem>> -> memref<1024xi32, #tpu.memory_space<vmem>>
        %gather3A_1250 = tpu.vector_load_idx %gather3A_1249[%scan3A_874] : memref<1024xi32, #tpu.memory_space<vmem>>[vector<16xi32>], vector<16xi32>,
        %bitcast3A_1251 = vector.bitcast %gather3A_1250 : vector<16xi32> to vector<32xbf16>
        %sub3A_1252 = arith.subf %scan3A_884, %bitcast3A_1251 : vector<32xbf16>
        %mul3A_1253 = arith.mulf %sub3A_1252, %sub3A_1252 : vector<32xbf16>
        %add3A_1254 = arith.addf %mul3A_1181, %mul3A_1253 : vector<32xbf16>
        %gather3A_1255 = arith.constant 1 : i32
        %gather3A_1256 = arith.constant 0 : i32
        %gather3A_1257 = tpu.memref_slice %arg6[%gather3A_1255, %gather3A_1256] : memref<10x1024xi32, #tpu.memory_space<vmem>> -> memref<1x1024xi32, #tpu.memory_space<vmem>>
        %gather3A_1258 = tpu.memref_squeeze %gather3A_1257 : memref<1x1024xi32, #tpu.memory_space<vmem>> -> memref<1024xi32, #tpu.memory_space<vmem>>
        %gather3A_1259 = tpu.vector_load_idx %gather3A_1258[%scan3A_875] : memref<1024xi32, #tpu.memory_space<vmem>>[vector<16xi32>], vector<16xi32>,
        %bitcast3A_1260 = vector.bitcast %gather3A_1259 : vector<16xi32> to vector<32xbf16>
        %sub3A_1261 = arith.subf %scan3A_884, %bitcast3A_1260 : vector<32xbf16>
        %mul3A_1262 = arith.mulf %sub3A_1261, %sub3A_1261 : vector<32xbf16>
        %add3A_1263 = arith.addf %mul3A_1189, %mul3A_1262 : vector<32xbf16>
        %gather3A_1264 = arith.constant 1 : i32
        %gather3A_1265 = arith.constant 0 : i32
        %gather3A_1266 = tpu.memref_slice %arg6[%gather3A_1264, %gather3A_1265] : memref<10x1024xi32, #tpu.memory_space<vmem>> -> memref<1x1024xi32, #tpu.memory_space<vmem>>
        %gather3A_1267 = tpu.memref_squeeze %gather3A_1266 : memref<1x1024xi32, #tpu.memory_space<vmem>> -> memref<1024xi32, #tpu.memory_space<vmem>>
        %gather3A_1268 = tpu.vector_load_idx %gather3A_1267[%scan3A_876] : memref<1024xi32, #tpu.memory_space<vmem>>[vector<16xi32>], vector<16xi32>,
        %bitcast3A_1269 = vector.bitcast %gather3A_1268 : vector<16xi32> to vector<32xbf16>
        %sub3A_1270 = arith.subf %scan3A_884, %bitcast3A_1269 : vector<32xbf16>
        %mul3A_1271 = arith.mulf %sub3A_1270, %sub3A_1270 : vector<32xbf16>
        %add3A_1272 = arith.addf %mul3A_1197, %mul3A_1271 : vector<32xbf16>
        %gather3A_1273 = arith.constant 1 : i32
        %gather3A_1274 = arith.constant 0 : i32
        %gather3A_1275 = tpu.memref_slice %arg6[%gather3A_1273, %gather3A_1274] : memref<10x1024xi32, #tpu.memory_space<vmem>> -> memref<1x1024xi32, #tpu.memory_space<vmem>>
        %gather3A_1276 = tpu.memref_squeeze %gather3A_1275 : memref<1x1024xi32, #tpu.memory_space<vmem>> -> memref<1024xi32, #tpu.memory_space<vmem>>
        %gather3A_1277 = tpu.vector_load_idx %gather3A_1276[%scan3A_877] : memref<1024xi32, #tpu.memory_space<vmem>>[vector<16xi32>], vector<16xi32>,
        %bitcast3A_1278 = vector.bitcast %gather3A_1277 : vector<16xi32> to vector<32xbf16>
        %sub3A_1279 = arith.subf %scan3A_884, %bitcast3A_1278 : vector<32xbf16>
        %mul3A_1280 = arith.mulf %sub3A_1279, %sub3A_1279 : vector<32xbf16>
        %add3A_1281 = arith.addf %mul3A_1205, %mul3A_1280 : vector<32xbf16>
        %gather3A_1282 = arith.constant 1 : i32
        %gather3A_1283 = arith.constant 0 : i32
        %gather3A_1284 = tpu.memref_slice %arg6[%gather3A_1282, %gather3A_1283] : memref<10x1024xi32, #tpu.memory_space<vmem>> -> memref<1x1024xi32, #tpu.memory_space<vmem>>
        %gather3A_1285 = tpu.memref_squeeze %gather3A_1284 : memref<1x1024xi32, #tpu.memory_space<vmem>> -> memref<1024xi32, #tpu.memory_space<vmem>>
        %gather3A_1286 = tpu.vector_load_idx %gather3A_1285[%scan3A_878] : memref<1024xi32, #tpu.memory_space<vmem>>[vector<16xi32>], vector<16xi32>,
        %bitcast3A_1287 = vector.bitcast %gather3A_1286 : vector<16xi32> to vector<32xbf16>
        %sub3A_1288 = arith.subf %scan3A_884, %bitcast3A_1287 : vector<32xbf16>
        %mul3A_1289 = arith.mulf %sub3A_1288, %sub3A_1288 : vector<32xbf16>
        %add3A_1290 = arith.addf %mul3A_1213, %mul3A_1289 : vector<32xbf16>
        %gather3A_1291 = arith.constant 1 : i32
        %gather3A_1292 = arith.constant 0 : i32
        %gather3A_1293 = tpu.memref_slice %arg6[%gather3A_1291, %gather3A_1292] : memref<10x1024xi32, #tpu.memory_space<vmem>> -> memref<1x1024xi32, #tpu.memory_space<vmem>>
        %gather3A_1294 = tpu.memref_squeeze %gather3A_1293 : memref<1x1024xi32, #tpu.memory_space<vmem>> -> memref<1024xi32, #tpu.memory_space<vmem>>
        %gather3A_1295 = tpu.vector_load_idx %gather3A_1294[%scan3A_879] : memref<1024xi32, #tpu.memory_space<vmem>>[vector<16xi32>], vector<16xi32>,
        %bitcast3A_1296 = vector.bitcast %gather3A_1295 : vector<16xi32> to vector<32xbf16>
        %sub3A_1297 = arith.subf %scan3A_884, %bitcast3A_1296 : vector<32xbf16>
        %mul3A_1298 = arith.mulf %sub3A_1297, %sub3A_1297 : vector<32xbf16>
        %add3A_1299 = arith.addf %mul3A_1221, %mul3A_1298 : vector<32xbf16>
        %gather3A_1300 = arith.constant 1 : i32
        %gather3A_1301 = arith.constant 0 : i32
        %gather3A_1302 = tpu.memref_slice %arg6[%gather3A_1300, %gather3A_1301] : memref<10x1024xi32, #tpu.memory_space<vmem>> -> memref<1x1024xi32, #tpu.memory_space<vmem>>
        %gather3A_1303 = tpu.memref_squeeze %gather3A_1302 : memref<1x1024xi32, #tpu.memory_space<vmem>> -> memref<1024xi32, #tpu.memory_space<vmem>>
        %gather3A_1304 = tpu.vector_load_idx %gather3A_1303[%scan3A_880] : memref<1024xi32, #tpu.memory_space<vmem>>[vector<16xi32>], vector<16xi32>,
        %bitcast3A_1305 = vector.bitcast %gather3A_1304 : vector<16xi32> to vector<32xbf16>
        %sub3A_1306 = arith.subf %scan3A_884, %bitcast3A_1305 : vector<32xbf16>
        %mul3A_1307 = arith.mulf %sub3A_1306, %sub3A_1306 : vector<32xbf16>
        %add3A_1308 = arith.addf %mul3A_1229, %mul3A_1307 : vector<32xbf16>
        %gather3A_1309 = arith.constant 1 : i32
        %gather3A_1310 = arith.constant 0 : i32
        %gather3A_1311 = tpu.memref_slice %arg6[%gather3A_1309, %gather3A_1310] : memref<10x1024xi32, #tpu.memory_space<vmem>> -> memref<1x1024xi32, #tpu.memory_space<vmem>>
        %gather3A_1312 = tpu.memref_squeeze %gather3A_1311 : memref<1x1024xi32, #tpu.memory_space<vmem>> -> memref<1024xi32, #tpu.memory_space<vmem>>
        %gather3A_1313 = tpu.vector_load_idx %gather3A_1312[%scan3A_881] : memref<1024xi32, #tpu.memory_space<vmem>>[vector<16xi32>], vector<16xi32>,
        %bitcast3A_1314 = vector.bitcast %gather3A_1313 : vector<16xi32> to vector<32xbf16>
        %sub3A_1315 = arith.subf %scan3A_884, %bitcast3A_1314 : vector<32xbf16>
        %mul3A_1316 = arith.mulf %sub3A_1315, %sub3A_1315 : vector<32xbf16>
        %add3A_1317 = arith.addf %mul3A_1237, %mul3A_1316 : vector<32xbf16>
        %gather3A_1318 = arith.constant 1 : i32
        %gather3A_1319 = arith.constant 0 : i32
        %gather3A_1320 = tpu.memref_slice %arg6[%gather3A_1318, %gather3A_1319] : memref<10x1024xi32, #tpu.memory_space<vmem>> -> memref<1x1024xi32, #tpu.memory_space<vmem>>
        %gather3A_1321 = tpu.memref_squeeze %gather3A_1320 : memref<1x1024xi32, #tpu.memory_space<vmem>> -> memref<1024xi32, #tpu.memory_space<vmem>>
        %gather3A_1322 = tpu.vector_load_idx %gather3A_1321[%scan3A_882] : memref<1024xi32, #tpu.memory_space<vmem>>[vector<16xi32>], vector<16xi32>,
        %bitcast3A_1323 = vector.bitcast %gather3A_1322 : vector<16xi32> to vector<32xbf16>
        %sub3A_1324 = arith.subf %scan3A_884, %bitcast3A_1323 : vector<32xbf16>
        %mul3A_1325 = arith.mulf %sub3A_1324, %sub3A_1324 : vector<32xbf16>
        %add3A_1326 = arith.addf %mul3A_1245, %mul3A_1325 : vector<32xbf16>
        %gather3A_1327 = arith.constant 2 : i32
        %gather3A_1328 = arith.constant 0 : i32
        %gather3A_1329 = tpu.memref_slice %arg6[%gather3A_1327, %gather3A_1328] : memref<10x1024xi32, #tpu.memory_space<vmem>> -> memref<1x1024xi32, #tpu.memory_space<vmem>>
        %gather3A_1330 = tpu.memref_squeeze %gather3A_1329 : memref<1x1024xi32, #tpu.memory_space<vmem>> -> memref<1024xi32, #tpu.memory_space<vmem>>
        %gather3A_1331 = tpu.vector_load_idx %gather3A_1330[%scan3A_874] : memref<1024xi32, #tpu.memory_space<vmem>>[vector<16xi32>], vector<16xi32>,
        %bitcast3A_1332 = vector.bitcast %gather3A_1331 : vector<16xi32> to vector<32xbf16>
        %sub3A_1333 = arith.subf %scan3A_885, %bitcast3A_1332 : vector<32xbf16>
        %mul3A_1334 = arith.mulf %sub3A_1333, %sub3A_1333 : vector<32xbf16>
        %add3A_1335 = arith.addf %add3A_1254, %mul3A_1334 : vector<32xbf16>
        %gather3A_1336 = arith.constant 2 : i32
        %gather3A_1337 = arith.constant 0 : i32
        %gather3A_1338 = tpu.memref_slice %arg6[%gather3A_1336, %gather3A_1337] : memref<10x1024xi32, #tpu.memory_space<vmem>> -> memref<1x1024xi32, #tpu.memory_space<vmem>>
        %gather3A_1339 = tpu.memref_squeeze %gather3A_1338 : memref<1x1024xi32, #tpu.memory_space<vmem>> -> memref<1024xi32, #tpu.memory_space<vmem>>
        %gather3A_1340 = tpu.vector_load_idx %gather3A_1339[%scan3A_875] : memref<1024xi32, #tpu.memory_space<vmem>>[vector<16xi32>], vector<16xi32>,
        %bitcast3A_1341 = vector.bitcast %gather3A_1340 : vector<16xi32> to vector<32xbf16>
        %sub3A_1342 = arith.subf %scan3A_885, %bitcast3A_1341 : vector<32xbf16>
        %mul3A_1343 = arith.mulf %sub3A_1342, %sub3A_1342 : vector<32xbf16>
        %add3A_1344 = arith.addf %add3A_1263, %mul3A_1343 : vector<32xbf16>
        %gather3A_1345 = arith.constant 2 : i32
        %gather3A_1346 = arith.constant 0 : i32
        %gather3A_1347 = tpu.memref_slice %arg6[%gather3A_1345, %gather3A_1346] : memref<10x1024xi32, #tpu.memory_space<vmem>> -> memref<1x1024xi32, #tpu.memory_space<vmem>>
        %gather3A_1348 = tpu.memref_squeeze %gather3A_1347 : memref<1x1024xi32, #tpu.memory_space<vmem>> -> memref<1024xi32, #tpu.memory_space<vmem>>
        %gather3A_1349 = tpu.vector_load_idx %gather3A_1348[%scan3A_876] : memref<1024xi32, #tpu.memory_space<vmem>>[vector<16xi32>], vector<16xi32>,
        %bitcast3A_1350 = vector.bitcast %gather3A_1349 : vector<16xi32> to vector<32xbf16>
        %sub3A_1351 = arith.subf %scan3A_885, %bitcast3A_1350 : vector<32xbf16>
        %mul3A_1352 = arith.mulf %sub3A_1351, %sub3A_1351 : vector<32xbf16>
        %add3A_1353 = arith.addf %add3A_1272, %mul3A_1352 : vector<32xbf16>
        %gather3A_1354 = arith.constant 2 : i32
        %gather3A_1355 = arith.constant 0 : i32
        %gather3A_1356 = tpu.memref_slice %arg6[%gather3A_1354, %gather3A_1355] : memref<10x1024xi32, #tpu.memory_space<vmem>> -> memref<1x1024xi32, #tpu.memory_space<vmem>>
        %gather3A_1357 = tpu.memref_squeeze %gather3A_1356 : memref<1x1024xi32, #tpu.memory_space<vmem>> -> memref<1024xi32, #tpu.memory_space<vmem>>
        %gather3A_1358 = tpu.vector_load_idx %gather3A_1357[%scan3A_877] : memref<1024xi32, #tpu.memory_space<vmem>>[vector<16xi32>], vector<16xi32>,
        %bitcast3A_1359 = vector.bitcast %gather3A_1358 : vector<16xi32> to vector<32xbf16>
        %sub3A_1360 = arith.subf %scan3A_885, %bitcast3A_1359 : vector<32xbf16>
        %mul3A_1361 = arith.mulf %sub3A_1360, %sub3A_1360 : vector<32xbf16>
        %add3A_1362 = arith.addf %add3A_1281, %mul3A_1361 : vector<32xbf16>
        %gather3A_1363 = arith.constant 2 : i32
        %gather3A_1364 = arith.constant 0 : i32
        %gather3A_1365 = tpu.memref_slice %arg6[%gather3A_1363, %gather3A_1364] : memref<10x1024xi32, #tpu.memory_space<vmem>> -> memref<1x1024xi32, #tpu.memory_space<vmem>>
        %gather3A_1366 = tpu.memref_squeeze %gather3A_1365 : memref<1x1024xi32, #tpu.memory_space<vmem>> -> memref<1024xi32, #tpu.memory_space<vmem>>
        %gather3A_1367 = tpu.vector_load_idx %gather3A_1366[%scan3A_878] : memref<1024xi32, #tpu.memory_space<vmem>>[vector<16xi32>], vector<16xi32>,
        %bitcast3A_1368 = vector.bitcast %gather3A_1367 : vector<16xi32> to vector<32xbf16>
        %sub3A_1369 = arith.subf %scan3A_885, %bitcast3A_1368 : vector<32xbf16>
        %mul3A_1370 = arith.mulf %sub3A_1369, %sub3A_1369 : vector<32xbf16>
        %add3A_1371 = arith.addf %add3A_1290, %mul3A_1370 : vector<32xbf16>
        %gather3A_1372 = arith.constant 2 : i32
        %gather3A_1373 = arith.constant 0 : i32
        %gather3A_1374 = tpu.memref_slice %arg6[%gather3A_1372, %gather3A_1373] : memref<10x1024xi32, #tpu.memory_space<vmem>> -> memref<1x1024xi32, #tpu.memory_space<vmem>>
        %gather3A_1375 = tpu.memref_squeeze %gather3A_1374 : memref<1x1024xi32, #tpu.memory_space<vmem>> -> memref<1024xi32, #tpu.memory_space<vmem>>
        %gather3A_1376 = tpu.vector_load_idx %gather3A_1375[%scan3A_879] : memref<1024xi32, #tpu.memory_space<vmem>>[vector<16xi32>], vector<16xi32>,
        %bitcast3A_1377 = vector.bitcast %gather3A_1376 : vector<16xi32> to vector<32xbf16>
        %sub3A_1378 = arith.subf %scan3A_885, %bitcast3A_1377 : vector<32xbf16>
        %mul3A_1379 = arith.mulf %sub3A_1378, %sub3A_1378 : vector<32xbf16>
        %add3A_1380 = arith.addf %add3A_1299, %mul3A_1379 : vector<32xbf16>
        %gather3A_1381 = arith.constant 2 : i32
        %gather3A_1382 = arith.constant 0 : i32
        %gather3A_1383 = tpu.memref_slice %arg6[%gather3A_1381, %gather3A_1382] : memref<10x1024xi32, #tpu.memory_space<vmem>> -> memref<1x1024xi32, #tpu.memory_space<vmem>>
        %gather3A_1384 = tpu.memref_squeeze %gather3A_1383 : memref<1x1024xi32, #tpu.memory_space<vmem>> -> memref<1024xi32, #tpu.memory_space<vmem>>
        %gather3A_1385 = tpu.vector_load_idx %gather3A_1384[%scan3A_880] : memref<1024xi32, #tpu.memory_space<vmem>>[vector<16xi32>], vector<16xi32>,
        %bitcast3A_1386 = vector.bitcast %gather3A_1385 : vector<16xi32> to vector<32xbf16>
        %sub3A_1387 = arith.subf %scan3A_885, %bitcast3A_1386 : vector<32xbf16>
        %mul3A_1388 = arith.mulf %sub3A_1387, %sub3A_1387 : vector<32xbf16>
        %add3A_1389 = arith.addf %add3A_1308, %mul3A_1388 : vector<32xbf16>
        %gather3A_1390 = arith.constant 2 : i32
        %gather3A_1391 = arith.constant 0 : i32
        %gather3A_1392 = tpu.memref_slice %arg6[%gather3A_1390, %gather3A_1391] : memref<10x1024xi32, #tpu.memory_space<vmem>> -> memref<1x1024xi32, #tpu.memory_space<vmem>>
        %gather3A_1393 = tpu.memref_squeeze %gather3A_1392 : memref<1x1024xi32, #tpu.memory_space<vmem>> -> memref<1024xi32, #tpu.memory_space<vmem>>
        %gather3A_1394 = tpu.vector_load_idx %gather3A_1393[%scan3A_881] : memref<1024xi32, #tpu.memory_space<vmem>>[vector<16xi32>], vector<16xi32>,
        %bitcast3A_1395 = vector.bitcast %gather3A_1394 : vector<16xi32> to vector<32xbf16>
        %sub3A_1396 = arith.subf %scan3A_885, %bitcast3A_1395 : vector<32xbf16>
        %mul3A_1397 = arith.mulf %sub3A_1396, %sub3A_1396 : vector<32xbf16>
        %add3A_1398 = arith.addf %add3A_1317, %mul3A_1397 : vector<32xbf16>
        %gather3A_1399 = arith.constant 2 : i32
        %gather3A_1400 = arith.constant 0 : i32
        %gather3A_1401 = tpu.memref_slice %arg6[%gather3A_1399, %gather3A_1400] : memref<10x1024xi32, #tpu.memory_space<vmem>> -> memref<1x1024xi32, #tpu.memory_space<vmem>>
        %gather3A_1402 = tpu.memref_squeeze %gather3A_1401 : memref<1x1024xi32, #tpu.memory_space<vmem>> -> memref<1024xi32, #tpu.memory_space<vmem>>
        %gather3A_1403 = tpu.vector_load_idx %gather3A_1402[%scan3A_882] : memref<1024xi32, #tpu.memory_space<vmem>>[vector<16xi32>], vector<16xi32>,
        %bitcast3A_1404 = vector.bitcast %gather3A_1403 : vector<16xi32> to vector<32xbf16>
        %sub3A_1405 = arith.subf %scan3A_885, %bitcast3A_1404 : vector<32xbf16>
        %mul3A_1406 = arith.mulf %sub3A_1405, %sub3A_1405 : vector<32xbf16>
        %add3A_1407 = arith.addf %add3A_1326, %mul3A_1406 : vector<32xbf16>
        %gather3A_1408 = arith.constant 3 : i32
        %gather3A_1409 = arith.constant 0 : i32
        %gather3A_1410 = tpu.memref_slice %arg6[%gather3A_1408, %gather3A_1409] : memref<10x1024xi32, #tpu.memory_space<vmem>> -> memref<1x1024xi32, #tpu.memory_space<vmem>>
        %gather3A_1411 = tpu.memref_squeeze %gather3A_1410 : memref<1x1024xi32, #tpu.memory_space<vmem>> -> memref<1024xi32, #tpu.memory_space<vmem>>
        %gather3A_1412 = tpu.vector_load_idx %gather3A_1411[%scan3A_874] : memref<1024xi32, #tpu.memory_space<vmem>>[vector<16xi32>], vector<16xi32>,
        %bitcast3A_1413 = vector.bitcast %gather3A_1412 : vector<16xi32> to vector<32xbf16>
        %sub3A_1414 = arith.subf %scan3A_886, %bitcast3A_1413 : vector<32xbf16>
        %mul3A_1415 = arith.mulf %sub3A_1414, %sub3A_1414 : vector<32xbf16>
        %add3A_1416 = arith.addf %add3A_1335, %mul3A_1415 : vector<32xbf16>
        %gather3A_1417 = arith.constant 3 : i32
        %gather3A_1418 = arith.constant 0 : i32
        %gather3A_1419 = tpu.memref_slice %arg6[%gather3A_1417, %gather3A_1418] : memref<10x1024xi32, #tpu.memory_space<vmem>> -> memref<1x1024xi32, #tpu.memory_space<vmem>>
        %gather3A_1420 = tpu.memref_squeeze %gather3A_1419 : memref<1x1024xi32, #tpu.memory_space<vmem>> -> memref<1024xi32, #tpu.memory_space<vmem>>
        %gather3A_1421 = tpu.vector_load_idx %gather3A_1420[%scan3A_875] : memref<1024xi32, #tpu.memory_space<vmem>>[vector<16xi32>], vector<16xi32>,
        %bitcast3A_1422 = vector.bitcast %gather3A_1421 : vector<16xi32> to vector<32xbf16>
        %sub3A_1423 = arith.subf %scan3A_886, %bitcast3A_1422 : vector<32xbf16>
        %mul3A_1424 = arith.mulf %sub3A_1423, %sub3A_1423 : vector<32xbf16>
        %add3A_1425 = arith.addf %add3A_1344, %mul3A_1424 : vector<32xbf16>
        %gather3A_1426 = arith.constant 3 : i32
        %gather3A_1427 = arith.constant 0 : i32
        %gather3A_1428 = tpu.memref_slice %arg6[%gather3A_1426, %gather3A_1427] : memref<10x1024xi32, #tpu.memory_space<vmem>> -> memref<1x1024xi32, #tpu.memory_space<vmem>>
        %gather3A_1429 = tpu.memref_squeeze %gather3A_1428 : memref<1x1024xi32, #tpu.memory_space<vmem>> -> memref<1024xi32, #tpu.memory_space<vmem>>
        %gather3A_1430 = tpu.vector_load_idx %gather3A_1429[%scan3A_876] : memref<1024xi32, #tpu.memory_space<vmem>>[vector<16xi32>], vector<16xi32>,
        %bitcast3A_1431 = vector.bitcast %gather3A_1430 : vector<16xi32> to vector<32xbf16>
        %sub3A_1432 = arith.subf %scan3A_886, %bitcast3A_1431 : vector<32xbf16>
        %mul3A_1433 = arith.mulf %sub3A_1432, %sub3A_1432 : vector<32xbf16>
        %add3A_1434 = arith.addf %add3A_1353, %mul3A_1433 : vector<32xbf16>
        %gather3A_1435 = arith.constant 3 : i32
        %gather3A_1436 = arith.constant 0 : i32
        %gather3A_1437 = tpu.memref_slice %arg6[%gather3A_1435, %gather3A_1436] : memref<10x1024xi32, #tpu.memory_space<vmem>> -> memref<1x1024xi32, #tpu.memory_space<vmem>>
        %gather3A_1438 = tpu.memref_squeeze %gather3A_1437 : memref<1x1024xi32, #tpu.memory_space<vmem>> -> memref<1024xi32, #tpu.memory_space<vmem>>
        %gather3A_1439 = tpu.vector_load_idx %gather3A_1438[%scan3A_877] : memref<1024xi32, #tpu.memory_space<vmem>>[vector<16xi32>], vector<16xi32>,
        %bitcast3A_1440 = vector.bitcast %gather3A_1439 : vector<16xi32> to vector<32xbf16>
        %sub3A_1441 = arith.subf %scan3A_886, %bitcast3A_1440 : vector<32xbf16>
        %mul3A_1442 = arith.mulf %sub3A_1441, %sub3A_1441 : vector<32xbf16>
        %add3A_1443 = arith.addf %add3A_1362, %mul3A_1442 : vector<32xbf16>
        %gather3A_1444 = arith.constant 3 : i32
        %gather3A_1445 = arith.constant 0 : i32
        %gather3A_1446 = tpu.memref_slice %arg6[%gather3A_1444, %gather3A_1445] : memref<10x1024xi32, #tpu.memory_space<vmem>> -> memref<1x1024xi32, #tpu.memory_space<vmem>>
        %gather3A_1447 = tpu.memref_squeeze %gather3A_1446 : memref<1x1024xi32, #tpu.memory_space<vmem>> -> memref<1024xi32, #tpu.memory_space<vmem>>
        %gather3A_1448 = tpu.vector_load_idx %gather3A_1447[%scan3A_878] : memref<1024xi32, #tpu.memory_space<vmem>>[vector<16xi32>], vector<16xi32>,
        %bitcast3A_1449 = vector.bitcast %gather3A_1448 : vector<16xi32> to vector<32xbf16>
        %sub3A_1450 = arith.subf %scan3A_886, %bitcast3A_1449 : vector<32xbf16>
        %mul3A_1451 = arith.mulf %sub3A_1450, %sub3A_1450 : vector<32xbf16>
        %add3A_1452 = arith.addf %add3A_1371, %mul3A_1451 : vector<32xbf16>
        %gather3A_1453 = arith.constant 3 : i32
        %gather3A_1454 = arith.constant 0 : i32
        %gather3A_1455 = tpu.memref_slice %arg6[%gather3A_1453, %gather3A_1454] : memref<10x1024xi32, #tpu.memory_space<vmem>> -> memref<1x1024xi32, #tpu.memory_space<vmem>>
        %gather3A_1456 = tpu.memref_squeeze %gather3A_1455 : memref<1x1024xi32, #tpu.memory_space<vmem>> -> memref<1024xi32, #tpu.memory_space<vmem>>
        %gather3A_1457 = tpu.vector_load_idx %gather3A_1456[%scan3A_879] : memref<1024xi32, #tpu.memory_space<vmem>>[vector<16xi32>], vector<16xi32>,
        %bitcast3A_1458 = vector.bitcast %gather3A_1457 : vector<16xi32> to vector<32xbf16>
        %sub3A_1459 = arith.subf %scan3A_886, %bitcast3A_1458 : vector<32xbf16>
        %mul3A_1460 = arith.mulf %sub3A_1459, %sub3A_1459 : vector<32xbf16>
        %add3A_1461 = arith.addf %add3A_1380, %mul3A_1460 : vector<32xbf16>
        %gather3A_1462 = arith.constant 3 : i32
        %gather3A_1463 = arith.constant 0 : i32
        %gather3A_1464 = tpu.memref_slice %arg6[%gather3A_1462, %gather3A_1463] : memref<10x1024xi32, #tpu.memory_space<vmem>> -> memref<1x1024xi32, #tpu.memory_space<vmem>>
        %gather3A_1465 = tpu.memref_squeeze %gather3A_1464 : memref<1x1024xi32, #tpu.memory_space<vmem>> -> memref<1024xi32, #tpu.memory_space<vmem>>
        %gather3A_1466 = tpu.vector_load_idx %gather3A_1465[%scan3A_880] : memref<1024xi32, #tpu.memory_space<vmem>>[vector<16xi32>], vector<16xi32>,
        %bitcast3A_1467 = vector.bitcast %gather3A_1466 : vector<16xi32> to vector<32xbf16>
        %sub3A_1468 = arith.subf %scan3A_886, %bitcast3A_1467 : vector<32xbf16>
        %mul3A_1469 = arith.mulf %sub3A_1468, %sub3A_1468 : vector<32xbf16>
        %add3A_1470 = arith.addf %add3A_1389, %mul3A_1469 : vector<32xbf16>
        %gather3A_1471 = arith.constant 3 : i32
        %gather3A_1472 = arith.constant 0 : i32
        %gather3A_1473 = tpu.memref_slice %arg6[%gather3A_1471, %gather3A_1472] : memref<10x1024xi32, #tpu.memory_space<vmem>> -> memref<1x1024xi32, #tpu.memory_space<vmem>>
        %gather3A_1474 = tpu.memref_squeeze %gather3A_1473 : memref<1x1024xi32, #tpu.memory_space<vmem>> -> memref<1024xi32, #tpu.memory_space<vmem>>
        %gather3A_1475 = tpu.vector_load_idx %gather3A_1474[%scan3A_881] : memref<1024xi32, #tpu.memory_space<vmem>>[vector<16xi32>], vector<16xi32>,
        %bitcast3A_1476 = vector.bitcast %gather3A_1475 : vector<16xi32> to vector<32xbf16>
        %sub3A_1477 = arith.subf %scan3A_886, %bitcast3A_1476 : vector<32xbf16>
        %mul3A_1478 = arith.mulf %sub3A_1477, %sub3A_1477 : vector<32xbf16>
        %add3A_1479 = arith.addf %add3A_1398, %mul3A_1478 : vector<32xbf16>
        %gather3A_1480 = arith.constant 3 : i32
        %gather3A_1481 = arith.constant 0 : i32
        %gather3A_1482 = tpu.memref_slice %arg6[%gather3A_1480, %gather3A_1481] : memref<10x1024xi32, #tpu.memory_space<vmem>> -> memref<1x1024xi32, #tpu.memory_space<vmem>>
        %gather3A_1483 = tpu.memref_squeeze %gather3A_1482 : memref<1x1024xi32, #tpu.memory_space<vmem>> -> memref<1024xi32, #tpu.memory_space<vmem>>
        %gather3A_1484 = tpu.vector_load_idx %gather3A_1483[%scan3A_882] : memref<1024xi32, #tpu.memory_space<vmem>>[vector<16xi32>], vector<16xi32>,
        %bitcast3A_1485 = vector.bitcast %gather3A_1484 : vector<16xi32> to vector<32xbf16>
        %sub3A_1486 = arith.subf %scan3A_886, %bitcast3A_1485 : vector<32xbf16>
        %mul3A_1487 = arith.mulf %sub3A_1486, %sub3A_1486 : vector<32xbf16>
        %add3A_1488 = arith.addf %add3A_1407, %mul3A_1487 : vector<32xbf16>
        %gather3A_1489 = arith.constant 4 : i32
        %gather3A_1490 = arith.constant 0 : i32
        %gather3A_1491 = tpu.memref_slice %arg6[%gather3A_1489, %gather3A_1490] : memref<10x1024xi32, #tpu.memory_space<vmem>> -> memref<1x1024xi32, #tpu.memory_space<vmem>>
        %gather3A_1492 = tpu.memref_squeeze %gather3A_1491 : memref<1x1024xi32, #tpu.memory_space<vmem>> -> memref<1024xi32, #tpu.memory_space<vmem>>
        %gather3A_1493 = tpu.vector_load_idx %gather3A_1492[%scan3A_874] : memref<1024xi32, #tpu.memory_space<vmem>>[vector<16xi32>], vector<16xi32>,
        %bitcast3A_1494 = vector.bitcast %gather3A_1493 : vector<16xi32> to vector<32xbf16>
        %sub3A_1495 = arith.subf %scan3A_887, %bitcast3A_1494 : vector<32xbf16>
        %mul3A_1496 = arith.mulf %sub3A_1495, %sub3A_1495 : vector<32xbf16>
        %add3A_1497 = arith.addf %add3A_1416, %mul3A_1496 : vector<32xbf16>
        %gather3A_1498 = arith.constant 4 : i32
        %gather3A_1499 = arith.constant 0 : i32
        %gather3A_1500 = tpu.memref_slice %arg6[%gather3A_1498, %gather3A_1499] : memref<10x1024xi32, #tpu.memory_space<vmem>> -> memref<1x1024xi32, #tpu.memory_space<vmem>>
        %gather3A_1501 = tpu.memref_squeeze %gather3A_1500 : memref<1x1024xi32, #tpu.memory_space<vmem>> -> memref<1024xi32, #tpu.memory_space<vmem>>
        %gather3A_1502 = tpu.vector_load_idx %gather3A_1501[%scan3A_875] : memref<1024xi32, #tpu.memory_space<vmem>>[vector<16xi32>], vector<16xi32>,
        %bitcast3A_1503 = vector.bitcast %gather3A_1502 : vector<16xi32> to vector<32xbf16>
        %sub3A_1504 = arith.subf %scan3A_887, %bitcast3A_1503 : vector<32xbf16>
        %mul3A_1505 = arith.mulf %sub3A_1504, %sub3A_1504 : vector<32xbf16>
        %add3A_1506 = arith.addf %add3A_1425, %mul3A_1505 : vector<32xbf16>
        %gather3A_1507 = arith.constant 4 : i32
        %gather3A_1508 = arith.constant 0 : i32
        %gather3A_1509 = tpu.memref_slice %arg6[%gather3A_1507, %gather3A_1508] : memref<10x1024xi32, #tpu.memory_space<vmem>> -> memref<1x1024xi32, #tpu.memory_space<vmem>>
        %gather3A_1510 = tpu.memref_squeeze %gather3A_1509 : memref<1x1024xi32, #tpu.memory_space<vmem>> -> memref<1024xi32, #tpu.memory_space<vmem>>
        %gather3A_1511 = tpu.vector_load_idx %gather3A_1510[%scan3A_876] : memref<1024xi32, #tpu.memory_space<vmem>>[vector<16xi32>], vector<16xi32>,
        %bitcast3A_1512 = vector.bitcast %gather3A_1511 : vector<16xi32> to vector<32xbf16>
        %sub3A_1513 = arith.subf %scan3A_887, %bitcast3A_1512 : vector<32xbf16>
        %mul3A_1514 = arith.mulf %sub3A_1513, %sub3A_1513 : vector<32xbf16>
        %add3A_1515 = arith.addf %add3A_1434, %mul3A_1514 : vector<32xbf16>
        %gather3A_1516 = arith.constant 4 : i32
        %gather3A_1517 = arith.constant 0 : i32
        %gather3A_1518 = tpu.memref_slice %arg6[%gather3A_1516, %gather3A_1517] : memref<10x1024xi32, #tpu.memory_space<vmem>> -> memref<1x1024xi32, #tpu.memory_space<vmem>>
        %gather3A_1519 = tpu.memref_squeeze %gather3A_1518 : memref<1x1024xi32, #tpu.memory_space<vmem>> -> memref<1024xi32, #tpu.memory_space<vmem>>
        %gather3A_1520 = tpu.vector_load_idx %gather3A_1519[%scan3A_877] : memref<1024xi32, #tpu.memory_space<vmem>>[vector<16xi32>], vector<16xi32>,
        %bitcast3A_1521 = vector.bitcast %gather3A_1520 : vector<16xi32> to vector<32xbf16>
        %sub3A_1522 = arith.subf %scan3A_887, %bitcast3A_1521 : vector<32xbf16>
        %mul3A_1523 = arith.mulf %sub3A_1522, %sub3A_1522 : vector<32xbf16>
        %add3A_1524 = arith.addf %add3A_1443, %mul3A_1523 : vector<32xbf16>
        %gather3A_1525 = arith.constant 4 : i32
        %gather3A_1526 = arith.constant 0 : i32
        %gather3A_1527 = tpu.memref_slice %arg6[%gather3A_1525, %gather3A_1526] : memref<10x1024xi32, #tpu.memory_space<vmem>> -> memref<1x1024xi32, #tpu.memory_space<vmem>>
        %gather3A_1528 = tpu.memref_squeeze %gather3A_1527 : memref<1x1024xi32, #tpu.memory_space<vmem>> -> memref<1024xi32, #tpu.memory_space<vmem>>
        %gather3A_1529 = tpu.vector_load_idx %gather3A_1528[%scan3A_878] : memref<1024xi32, #tpu.memory_space<vmem>>[vector<16xi32>], vector<16xi32>,
        %bitcast3A_1530 = vector.bitcast %gather3A_1529 : vector<16xi32> to vector<32xbf16>
        %sub3A_1531 = arith.subf %scan3A_887, %bitcast3A_1530 : vector<32xbf16>
        %mul3A_1532 = arith.mulf %sub3A_1531, %sub3A_1531 : vector<32xbf16>
        %add3A_1533 = arith.addf %add3A_1452, %mul3A_1532 : vector<32xbf16>
        %gather3A_1534 = arith.constant 4 : i32
        %gather3A_1535 = arith.constant 0 : i32
        %gather3A_1536 = tpu.memref_slice %arg6[%gather3A_1534, %gather3A_1535] : memref<10x1024xi32, #tpu.memory_space<vmem>> -> memref<1x1024xi32, #tpu.memory_space<vmem>>
        %gather3A_1537 = tpu.memref_squeeze %gather3A_1536 : memref<1x1024xi32, #tpu.memory_space<vmem>> -> memref<1024xi32, #tpu.memory_space<vmem>>
        %gather3A_1538 = tpu.vector_load_idx %gather3A_1537[%scan3A_879] : memref<1024xi32, #tpu.memory_space<vmem>>[vector<16xi32>], vector<16xi32>,
        %bitcast3A_1539 = vector.bitcast %gather3A_1538 : vector<16xi32> to vector<32xbf16>
        %sub3A_1540 = arith.subf %scan3A_887, %bitcast3A_1539 : vector<32xbf16>
        %mul3A_1541 = arith.mulf %sub3A_1540, %sub3A_1540 : vector<32xbf16>
        %add3A_1542 = arith.addf %add3A_1461, %mul3A_1541 : vector<32xbf16>
        %gather3A_1543 = arith.constant 4 : i32
        %gather3A_1544 = arith.constant 0 : i32
        %gather3A_1545 = tpu.memref_slice %arg6[%gather3A_1543, %gather3A_1544] : memref<10x1024xi32, #tpu.memory_space<vmem>> -> memref<1x1024xi32, #tpu.memory_space<vmem>>
        %gather3A_1546 = tpu.memref_squeeze %gather3A_1545 : memref<1x1024xi32, #tpu.memory_space<vmem>> -> memref<1024xi32, #tpu.memory_space<vmem>>
        %gather3A_1547 = tpu.vector_load_idx %gather3A_1546[%scan3A_880] : memref<1024xi32, #tpu.memory_space<vmem>>[vector<16xi32>], vector<16xi32>,
        %bitcast3A_1548 = vector.bitcast %gather3A_1547 : vector<16xi32> to vector<32xbf16>
        %sub3A_1549 = arith.subf %scan3A_887, %bitcast3A_1548 : vector<32xbf16>
        %mul3A_1550 = arith.mulf %sub3A_1549, %sub3A_1549 : vector<32xbf16>
        %add3A_1551 = arith.addf %add3A_1470, %mul3A_1550 : vector<32xbf16>
        %gather3A_1552 = arith.constant 4 : i32
        %gather3A_1553 = arith.constant 0 : i32
        %gather3A_1554 = tpu.memref_slice %arg6[%gather3A_1552, %gather3A_1553] : memref<10x1024xi32, #tpu.memory_space<vmem>> -> memref<1x1024xi32, #tpu.memory_space<vmem>>
        %gather3A_1555 = tpu.memref_squeeze %gather3A_1554 : memref<1x1024xi32, #tpu.memory_space<vmem>> -> memref<1024xi32, #tpu.memory_space<vmem>>
        %gather3A_1556 = tpu.vector_load_idx %gather3A_1555[%scan3A_881] : memref<1024xi32, #tpu.memory_space<vmem>>[vector<16xi32>], vector<16xi32>,
        %bitcast3A_1557 = vector.bitcast %gather3A_1556 : vector<16xi32> to vector<32xbf16>
        %sub3A_1558 = arith.subf %scan3A_887, %bitcast3A_1557 : vector<32xbf16>
        %mul3A_1559 = arith.mulf %sub3A_1558, %sub3A_1558 : vector<32xbf16>
        %add3A_1560 = arith.addf %add3A_1479, %mul3A_1559 : vector<32xbf16>
        %gather3A_1561 = arith.constant 4 : i32
        %gather3A_1562 = arith.constant 0 : i32
        %gather3A_1563 = tpu.memref_slice %arg6[%gather3A_1561, %gather3A_1562] : memref<10x1024xi32, #tpu.memory_space<vmem>> -> memref<1x1024xi32, #tpu.memory_space<vmem>>
        %gather3A_1564 = tpu.memref_squeeze %gather3A_1563 : memref<1x1024xi32, #tpu.memory_space<vmem>> -> memref<1024xi32, #tpu.memory_space<vmem>>
        %gather3A_1565 = tpu.vector_load_idx %gather3A_1564[%scan3A_882] : memref<1024xi32, #tpu.memory_space<vmem>>[vector<16xi32>], vector<16xi32>,
        %bitcast3A_1566 = vector.bitcast %gather3A_1565 : vector<16xi32> to vector<32xbf16>
        %sub3A_1567 = arith.subf %scan3A_887, %bitcast3A_1566 : vector<32xbf16>
        %mul3A_1568 = arith.mulf %sub3A_1567, %sub3A_1567 : vector<32xbf16>
        %add3A_1569 = arith.addf %add3A_1488, %mul3A_1568 : vector<32xbf16>
        %gather3A_1570 = arith.constant 5 : i32
        %gather3A_1571 = arith.constant 0 : i32
        %gather3A_1572 = tpu.memref_slice %arg6[%gather3A_1570, %gather3A_1571] : memref<10x1024xi32, #tpu.memory_space<vmem>> -> memref<1x1024xi32, #tpu.memory_space<vmem>>
        %gather3A_1573 = tpu.memref_squeeze %gather3A_1572 : memref<1x1024xi32, #tpu.memory_space<vmem>> -> memref<1024xi32, #tpu.memory_space<vmem>>
        %gather3A_1574 = tpu.vector_load_idx %gather3A_1573[%scan3A_874] : memref<1024xi32, #tpu.memory_space<vmem>>[vector<16xi32>], vector<16xi32>,
        %bitcast3A_1575 = vector.bitcast %gather3A_1574 : vector<16xi32> to vector<32xbf16>
        %sub3A_1576 = arith.subf %scan3A_888, %bitcast3A_1575 : vector<32xbf16>
        %mul3A_1577 = arith.mulf %sub3A_1576, %sub3A_1576 : vector<32xbf16>
        %add3A_1578 = arith.addf %add3A_1497, %mul3A_1577 : vector<32xbf16>
        %gather3A_1579 = arith.constant 5 : i32
        %gather3A_1580 = arith.constant 0 : i32
        %gather3A_1581 = tpu.memref_slice %arg6[%gather3A_1579, %gather3A_1580] : memref<10x1024xi32, #tpu.memory_space<vmem>> -> memref<1x1024xi32, #tpu.memory_space<vmem>>
        %gather3A_1582 = tpu.memref_squeeze %gather3A_1581 : memref<1x1024xi32, #tpu.memory_space<vmem>> -> memref<1024xi32, #tpu.memory_space<vmem>>
        %gather3A_1583 = tpu.vector_load_idx %gather3A_1582[%scan3A_875] : memref<1024xi32, #tpu.memory_space<vmem>>[vector<16xi32>], vector<16xi32>,
        %bitcast3A_1584 = vector.bitcast %gather3A_1583 : vector<16xi32> to vector<32xbf16>
        %sub3A_1585 = arith.subf %scan3A_888, %bitcast3A_1584 : vector<32xbf16>
        %mul3A_1586 = arith.mulf %sub3A_1585, %sub3A_1585 : vector<32xbf16>
        %add3A_1587 = arith.addf %add3A_1506, %mul3A_1586 : vector<32xbf16>
        %gather3A_1588 = arith.constant 5 : i32
        %gather3A_1589 = arith.constant 0 : i32
        %gather3A_1590 = tpu.memref_slice %arg6[%gather3A_1588, %gather3A_1589] : memref<10x1024xi32, #tpu.memory_space<vmem>> -> memref<1x1024xi32, #tpu.memory_space<vmem>>
        %gather3A_1591 = tpu.memref_squeeze %gather3A_1590 : memref<1x1024xi32, #tpu.memory_space<vmem>> -> memref<1024xi32, #tpu.memory_space<vmem>>
        %gather3A_1592 = tpu.vector_load_idx %gather3A_1591[%scan3A_876] : memref<1024xi32, #tpu.memory_space<vmem>>[vector<16xi32>], vector<16xi32>,
        %bitcast3A_1593 = vector.bitcast %gather3A_1592 : vector<16xi32> to vector<32xbf16>
        %sub3A_1594 = arith.subf %scan3A_888, %bitcast3A_1593 : vector<32xbf16>
        %mul3A_1595 = arith.mulf %sub3A_1594, %sub3A_1594 : vector<32xbf16>
        %add3A_1596 = arith.addf %add3A_1515, %mul3A_1595 : vector<32xbf16>
        %gather3A_1597 = arith.constant 5 : i32
        %gather3A_1598 = arith.constant 0 : i32
        %gather3A_1599 = tpu.memref_slice %arg6[%gather3A_1597, %gather3A_1598] : memref<10x1024xi32, #tpu.memory_space<vmem>> -> memref<1x1024xi32, #tpu.memory_space<vmem>>
        %gather3A_1600 = tpu.memref_squeeze %gather3A_1599 : memref<1x1024xi32, #tpu.memory_space<vmem>> -> memref<1024xi32, #tpu.memory_space<vmem>>
        %gather3A_1601 = tpu.vector_load_idx %gather3A_1600[%scan3A_877] : memref<1024xi32, #tpu.memory_space<vmem>>[vector<16xi32>], vector<16xi32>,
        %bitcast3A_1602 = vector.bitcast %gather3A_1601 : vector<16xi32> to vector<32xbf16>
        %sub3A_1603 = arith.subf %scan3A_888, %bitcast3A_1602 : vector<32xbf16>
        %mul3A_1604 = arith.mulf %sub3A_1603, %sub3A_1603 : vector<32xbf16>
        %add3A_1605 = arith.addf %add3A_1524, %mul3A_1604 : vector<32xbf16>
        %gather3A_1606 = arith.constant 5 : i32
        %gather3A_1607 = arith.constant 0 : i32
        %gather3A_1608 = tpu.memref_slice %arg6[%gather3A_1606, %gather3A_1607] : memref<10x1024xi32, #tpu.memory_space<vmem>> -> memref<1x1024xi32, #tpu.memory_space<vmem>>
        %gather3A_1609 = tpu.memref_squeeze %gather3A_1608 : memref<1x1024xi32, #tpu.memory_space<vmem>> -> memref<1024xi32, #tpu.memory_space<vmem>>
        %gather3A_1610 = tpu.vector_load_idx %gather3A_1609[%scan3A_878] : memref<1024xi32, #tpu.memory_space<vmem>>[vector<16xi32>], vector<16xi32>,
        %bitcast3A_1611 = vector.bitcast %gather3A_1610 : vector<16xi32> to vector<32xbf16>
        %sub3A_1612 = arith.subf %scan3A_888, %bitcast3A_1611 : vector<32xbf16>
        %mul3A_1613 = arith.mulf %sub3A_1612, %sub3A_1612 : vector<32xbf16>
        %add3A_1614 = arith.addf %add3A_1533, %mul3A_1613 : vector<32xbf16>
        %gather3A_1615 = arith.constant 5 : i32
        %gather3A_1616 = arith.constant 0 : i32
        %gather3A_1617 = tpu.memref_slice %arg6[%gather3A_1615, %gather3A_1616] : memref<10x1024xi32, #tpu.memory_space<vmem>> -> memref<1x1024xi32, #tpu.memory_space<vmem>>
        %gather3A_1618 = tpu.memref_squeeze %gather3A_1617 : memref<1x1024xi32, #tpu.memory_space<vmem>> -> memref<1024xi32, #tpu.memory_space<vmem>>
        %gather3A_1619 = tpu.vector_load_idx %gather3A_1618[%scan3A_879] : memref<1024xi32, #tpu.memory_space<vmem>>[vector<16xi32>], vector<16xi32>,
        %bitcast3A_1620 = vector.bitcast %gather3A_1619 : vector<16xi32> to vector<32xbf16>
        %sub3A_1621 = arith.subf %scan3A_888, %bitcast3A_1620 : vector<32xbf16>
        %mul3A_1622 = arith.mulf %sub3A_1621, %sub3A_1621 : vector<32xbf16>
        %add3A_1623 = arith.addf %add3A_1542, %mul3A_1622 : vector<32xbf16>
        %gather3A_1624 = arith.constant 5 : i32
        %gather3A_1625 = arith.constant 0 : i32
        %gather3A_1626 = tpu.memref_slice %arg6[%gather3A_1624, %gather3A_1625] : memref<10x1024xi32, #tpu.memory_space<vmem>> -> memref<1x1024xi32, #tpu.memory_space<vmem>>
        %gather3A_1627 = tpu.memref_squeeze %gather3A_1626 : memref<1x1024xi32, #tpu.memory_space<vmem>> -> memref<1024xi32, #tpu.memory_space<vmem>>
        %gather3A_1628 = tpu.vector_load_idx %gather3A_1627[%scan3A_880] : memref<1024xi32, #tpu.memory_space<vmem>>[vector<16xi32>], vector<16xi32>,
        %bitcast3A_1629 = vector.bitcast %gather3A_1628 : vector<16xi32> to vector<32xbf16>
        %sub3A_1630 = arith.subf %scan3A_888, %bitcast3A_1629 : vector<32xbf16>
        %mul3A_1631 = arith.mulf %sub3A_1630, %sub3A_1630 : vector<32xbf16>
        %add3A_1632 = arith.addf %add3A_1551, %mul3A_1631 : vector<32xbf16>
        %gather3A_1633 = arith.constant 5 : i32
        %gather3A_1634 = arith.constant 0 : i32
        %gather3A_1635 = tpu.memref_slice %arg6[%gather3A_1633, %gather3A_1634] : memref<10x1024xi32, #tpu.memory_space<vmem>> -> memref<1x1024xi32, #tpu.memory_space<vmem>>
        %gather3A_1636 = tpu.memref_squeeze %gather3A_1635 : memref<1x1024xi32, #tpu.memory_space<vmem>> -> memref<1024xi32, #tpu.memory_space<vmem>>
        %gather3A_1637 = tpu.vector_load_idx %gather3A_1636[%scan3A_881] : memref<1024xi32, #tpu.memory_space<vmem>>[vector<16xi32>], vector<16xi32>,
        %bitcast3A_1638 = vector.bitcast %gather3A_1637 : vector<16xi32> to vector<32xbf16>
        %sub3A_1639 = arith.subf %scan3A_888, %bitcast3A_1638 : vector<32xbf16>
        %mul3A_1640 = arith.mulf %sub3A_1639, %sub3A_1639 : vector<32xbf16>
        %add3A_1641 = arith.addf %add3A_1560, %mul3A_1640 : vector<32xbf16>
        %gather3A_1642 = arith.constant 5 : i32
        %gather3A_1643 = arith.constant 0 : i32
        %gather3A_1644 = tpu.memref_slice %arg6[%gather3A_1642, %gather3A_1643] : memref<10x1024xi32, #tpu.memory_space<vmem>> -> memref<1x1024xi32, #tpu.memory_space<vmem>>
        %gather3A_1645 = tpu.memref_squeeze %gather3A_1644 : memref<1x1024xi32, #tpu.memory_space<vmem>> -> memref<1024xi32, #tpu.memory_space<vmem>>
        %gather3A_1646 = tpu.vector_load_idx %gather3A_1645[%scan3A_882] : memref<1024xi32, #tpu.memory_space<vmem>>[vector<16xi32>], vector<16xi32>,
        %bitcast3A_1647 = vector.bitcast %gather3A_1646 : vector<16xi32> to vector<32xbf16>
        %sub3A_1648 = arith.subf %scan3A_888, %bitcast3A_1647 : vector<32xbf16>
        %mul3A_1649 = arith.mulf %sub3A_1648, %sub3A_1648 : vector<32xbf16>
        %add3A_1650 = arith.addf %add3A_1569, %mul3A_1649 : vector<32xbf16>
        %gather3A_1651 = arith.constant 6 : i32
        %gather3A_1652 = arith.constant 0 : i32
        %gather3A_1653 = tpu.memref_slice %arg6[%gather3A_1651, %gather3A_1652] : memref<10x1024xi32, #tpu.memory_space<vmem>> -> memref<1x1024xi32, #tpu.memory_space<vmem>>
        %gather3A_1654 = tpu.memref_squeeze %gather3A_1653 : memref<1x1024xi32, #tpu.memory_space<vmem>> -> memref<1024xi32, #tpu.memory_space<vmem>>
        %gather3A_1655 = tpu.vector_load_idx %gather3A_1654[%scan3A_874] : memref<1024xi32, #tpu.memory_space<vmem>>[vector<16xi32>], vector<16xi32>,
        %bitcast3A_1656 = vector.bitcast %gather3A_1655 : vector<16xi32> to vector<32xbf16>
        %sub3A_1657 = arith.subf %scan3A_889, %bitcast3A_1656 : vector<32xbf16>
        %mul3A_1658 = arith.mulf %sub3A_1657, %sub3A_1657 : vector<32xbf16>
        %add3A_1659 = arith.addf %add3A_1578, %mul3A_1658 : vector<32xbf16>
        %gather3A_1660 = arith.constant 6 : i32
        %gather3A_1661 = arith.constant 0 : i32
        %gather3A_1662 = tpu.memref_slice %arg6[%gather3A_1660, %gather3A_1661] : memref<10x1024xi32, #tpu.memory_space<vmem>> -> memref<1x1024xi32, #tpu.memory_space<vmem>>
        %gather3A_1663 = tpu.memref_squeeze %gather3A_1662 : memref<1x1024xi32, #tpu.memory_space<vmem>> -> memref<1024xi32, #tpu.memory_space<vmem>>
        %gather3A_1664 = tpu.vector_load_idx %gather3A_1663[%scan3A_875] : memref<1024xi32, #tpu.memory_space<vmem>>[vector<16xi32>], vector<16xi32>,
        %bitcast3A_1665 = vector.bitcast %gather3A_1664 : vector<16xi32> to vector<32xbf16>
        %sub3A_1666 = arith.subf %scan3A_889, %bitcast3A_1665 : vector<32xbf16>
        %mul3A_1667 = arith.mulf %sub3A_1666, %sub3A_1666 : vector<32xbf16>
        %add3A_1668 = arith.addf %add3A_1587, %mul3A_1667 : vector<32xbf16>
        %gather3A_1669 = arith.constant 6 : i32
        %gather3A_1670 = arith.constant 0 : i32
        %gather3A_1671 = tpu.memref_slice %arg6[%gather3A_1669, %gather3A_1670] : memref<10x1024xi32, #tpu.memory_space<vmem>> -> memref<1x1024xi32, #tpu.memory_space<vmem>>
        %gather3A_1672 = tpu.memref_squeeze %gather3A_1671 : memref<1x1024xi32, #tpu.memory_space<vmem>> -> memref<1024xi32, #tpu.memory_space<vmem>>
        %gather3A_1673 = tpu.vector_load_idx %gather3A_1672[%scan3A_876] : memref<1024xi32, #tpu.memory_space<vmem>>[vector<16xi32>], vector<16xi32>,
        %bitcast3A_1674 = vector.bitcast %gather3A_1673 : vector<16xi32> to vector<32xbf16>
        %sub3A_1675 = arith.subf %scan3A_889, %bitcast3A_1674 : vector<32xbf16>
        %mul3A_1676 = arith.mulf %sub3A_1675, %sub3A_1675 : vector<32xbf16>
        %add3A_1677 = arith.addf %add3A_1596, %mul3A_1676 : vector<32xbf16>
        %gather3A_1678 = arith.constant 6 : i32
        %gather3A_1679 = arith.constant 0 : i32
        %gather3A_1680 = tpu.memref_slice %arg6[%gather3A_1678, %gather3A_1679] : memref<10x1024xi32, #tpu.memory_space<vmem>> -> memref<1x1024xi32, #tpu.memory_space<vmem>>
        %gather3A_1681 = tpu.memref_squeeze %gather3A_1680 : memref<1x1024xi32, #tpu.memory_space<vmem>> -> memref<1024xi32, #tpu.memory_space<vmem>>
        %gather3A_1682 = tpu.vector_load_idx %gather3A_1681[%scan3A_877] : memref<1024xi32, #tpu.memory_space<vmem>>[vector<16xi32>], vector<16xi32>,
        %bitcast3A_1683 = vector.bitcast %gather3A_1682 : vector<16xi32> to vector<32xbf16>
        %sub3A_1684 = arith.subf %scan3A_889, %bitcast3A_1683 : vector<32xbf16>
        %mul3A_1685 = arith.mulf %sub3A_1684, %sub3A_1684 : vector<32xbf16>
        %add3A_1686 = arith.addf %add3A_1605, %mul3A_1685 : vector<32xbf16>
        %gather3A_1687 = arith.constant 6 : i32
        %gather3A_1688 = arith.constant 0 : i32
        %gather3A_1689 = tpu.memref_slice %arg6[%gather3A_1687, %gather3A_1688] : memref<10x1024xi32, #tpu.memory_space<vmem>> -> memref<1x1024xi32, #tpu.memory_space<vmem>>
        %gather3A_1690 = tpu.memref_squeeze %gather3A_1689 : memref<1x1024xi32, #tpu.memory_space<vmem>> -> memref<1024xi32, #tpu.memory_space<vmem>>
        %gather3A_1691 = tpu.vector_load_idx %gather3A_1690[%scan3A_878] : memref<1024xi32, #tpu.memory_space<vmem>>[vector<16xi32>], vector<16xi32>,
        %bitcast3A_1692 = vector.bitcast %gather3A_1691 : vector<16xi32> to vector<32xbf16>
        %sub3A_1693 = arith.subf %scan3A_889, %bitcast3A_1692 : vector<32xbf16>
        %mul3A_1694 = arith.mulf %sub3A_1693, %sub3A_1693 : vector<32xbf16>
        %add3A_1695 = arith.addf %add3A_1614, %mul3A_1694 : vector<32xbf16>
        %gather3A_1696 = arith.constant 6 : i32
        %gather3A_1697 = arith.constant 0 : i32
        %gather3A_1698 = tpu.memref_slice %arg6[%gather3A_1696, %gather3A_1697] : memref<10x1024xi32, #tpu.memory_space<vmem>> -> memref<1x1024xi32, #tpu.memory_space<vmem>>
        %gather3A_1699 = tpu.memref_squeeze %gather3A_1698 : memref<1x1024xi32, #tpu.memory_space<vmem>> -> memref<1024xi32, #tpu.memory_space<vmem>>
        %gather3A_1700 = tpu.vector_load_idx %gather3A_1699[%scan3A_879] : memref<1024xi32, #tpu.memory_space<vmem>>[vector<16xi32>], vector<16xi32>,
        %bitcast3A_1701 = vector.bitcast %gather3A_1700 : vector<16xi32> to vector<32xbf16>
        %sub3A_1702 = arith.subf %scan3A_889, %bitcast3A_1701 : vector<32xbf16>
        %mul3A_1703 = arith.mulf %sub3A_1702, %sub3A_1702 : vector<32xbf16>
        %add3A_1704 = arith.addf %add3A_1623, %mul3A_1703 : vector<32xbf16>
        %gather3A_1705 = arith.constant 6 : i32
        %gather3A_1706 = arith.constant 0 : i32
        %gather3A_1707 = tpu.memref_slice %arg6[%gather3A_1705, %gather3A_1706] : memref<10x1024xi32, #tpu.memory_space<vmem>> -> memref<1x1024xi32, #tpu.memory_space<vmem>>
        %gather3A_1708 = tpu.memref_squeeze %gather3A_1707 : memref<1x1024xi32, #tpu.memory_space<vmem>> -> memref<1024xi32, #tpu.memory_space<vmem>>
        %gather3A_1709 = tpu.vector_load_idx %gather3A_1708[%scan3A_880] : memref<1024xi32, #tpu.memory_space<vmem>>[vector<16xi32>], vector<16xi32>,
        %bitcast3A_1710 = vector.bitcast %gather3A_1709 : vector<16xi32> to vector<32xbf16>
        %sub3A_1711 = arith.subf %scan3A_889, %bitcast3A_1710 : vector<32xbf16>
        %mul3A_1712 = arith.mulf %sub3A_1711, %sub3A_1711 : vector<32xbf16>
        %add3A_1713 = arith.addf %add3A_1632, %mul3A_1712 : vector<32xbf16>
        %gather3A_1714 = arith.constant 6 : i32
        %gather3A_1715 = arith.constant 0 : i32
        %gather3A_1716 = tpu.memref_slice %arg6[%gather3A_1714, %gather3A_1715] : memref<10x1024xi32, #tpu.memory_space<vmem>> -> memref<1x1024xi32, #tpu.memory_space<vmem>>
        %gather3A_1717 = tpu.memref_squeeze %gather3A_1716 : memref<1x1024xi32, #tpu.memory_space<vmem>> -> memref<1024xi32, #tpu.memory_space<vmem>>
        %gather3A_1718 = tpu.vector_load_idx %gather3A_1717[%scan3A_881] : memref<1024xi32, #tpu.memory_space<vmem>>[vector<16xi32>], vector<16xi32>,
        %bitcast3A_1719 = vector.bitcast %gather3A_1718 : vector<16xi32> to vector<32xbf16>
        %sub3A_1720 = arith.subf %scan3A_889, %bitcast3A_1719 : vector<32xbf16>
        %mul3A_1721 = arith.mulf %sub3A_1720, %sub3A_1720 : vector<32xbf16>
        %add3A_1722 = arith.addf %add3A_1641, %mul3A_1721 : vector<32xbf16>
        %gather3A_1723 = arith.constant 6 : i32
        %gather3A_1724 = arith.constant 0 : i32
        %gather3A_1725 = tpu.memref_slice %arg6[%gather3A_1723, %gather3A_1724] : memref<10x1024xi32, #tpu.memory_space<vmem>> -> memref<1x1024xi32, #tpu.memory_space<vmem>>
        %gather3A_1726 = tpu.memref_squeeze %gather3A_1725 : memref<1x1024xi32, #tpu.memory_space<vmem>> -> memref<1024xi32, #tpu.memory_space<vmem>>
        %gather3A_1727 = tpu.vector_load_idx %gather3A_1726[%scan3A_882] : memref<1024xi32, #tpu.memory_space<vmem>>[vector<16xi32>], vector<16xi32>,
        %bitcast3A_1728 = vector.bitcast %gather3A_1727 : vector<16xi32> to vector<32xbf16>
        %sub3A_1729 = arith.subf %scan3A_889, %bitcast3A_1728 : vector<32xbf16>
        %mul3A_1730 = arith.mulf %sub3A_1729, %sub3A_1729 : vector<32xbf16>
        %add3A_1731 = arith.addf %add3A_1650, %mul3A_1730 : vector<32xbf16>
        %gather3A_1732 = arith.constant 7 : i32
        %gather3A_1733 = arith.constant 0 : i32
        %gather3A_1734 = tpu.memref_slice %arg6[%gather3A_1732, %gather3A_1733] : memref<10x1024xi32, #tpu.memory_space<vmem>> -> memref<1x1024xi32, #tpu.memory_space<vmem>>
        %gather3A_1735 = tpu.memref_squeeze %gather3A_1734 : memref<1x1024xi32, #tpu.memory_space<vmem>> -> memref<1024xi32, #tpu.memory_space<vmem>>
        %gather3A_1736 = tpu.vector_load_idx %gather3A_1735[%scan3A_874] : memref<1024xi32, #tpu.memory_space<vmem>>[vector<16xi32>], vector<16xi32>,
        %bitcast3A_1737 = vector.bitcast %gather3A_1736 : vector<16xi32> to vector<32xbf16>
        %sub3A_1738 = arith.subf %scan3A_890, %bitcast3A_1737 : vector<32xbf16>
        %mul3A_1739 = arith.mulf %sub3A_1738, %sub3A_1738 : vector<32xbf16>
        %add3A_1740 = arith.addf %add3A_1659, %mul3A_1739 : vector<32xbf16>
        %gather3A_1741 = arith.constant 7 : i32
        %gather3A_1742 = arith.constant 0 : i32
        %gather3A_1743 = tpu.memref_slice %arg6[%gather3A_1741, %gather3A_1742] : memref<10x1024xi32, #tpu.memory_space<vmem>> -> memref<1x1024xi32, #tpu.memory_space<vmem>>
        %gather3A_1744 = tpu.memref_squeeze %gather3A_1743 : memref<1x1024xi32, #tpu.memory_space<vmem>> -> memref<1024xi32, #tpu.memory_space<vmem>>
        %gather3A_1745 = tpu.vector_load_idx %gather3A_1744[%scan3A_875] : memref<1024xi32, #tpu.memory_space<vmem>>[vector<16xi32>], vector<16xi32>,
        %bitcast3A_1746 = vector.bitcast %gather3A_1745 : vector<16xi32> to vector<32xbf16>
        %sub3A_1747 = arith.subf %scan3A_890, %bitcast3A_1746 : vector<32xbf16>
        %mul3A_1748 = arith.mulf %sub3A_1747, %sub3A_1747 : vector<32xbf16>
        %add3A_1749 = arith.addf %add3A_1668, %mul3A_1748 : vector<32xbf16>
        %gather3A_1750 = arith.constant 7 : i32
        %gather3A_1751 = arith.constant 0 : i32
        %gather3A_1752 = tpu.memref_slice %arg6[%gather3A_1750, %gather3A_1751] : memref<10x1024xi32, #tpu.memory_space<vmem>> -> memref<1x1024xi32, #tpu.memory_space<vmem>>
        %gather3A_1753 = tpu.memref_squeeze %gather3A_1752 : memref<1x1024xi32, #tpu.memory_space<vmem>> -> memref<1024xi32, #tpu.memory_space<vmem>>
        %gather3A_1754 = tpu.vector_load_idx %gather3A_1753[%scan3A_876] : memref<1024xi32, #tpu.memory_space<vmem>>[vector<16xi32>], vector<16xi32>,
        %bitcast3A_1755 = vector.bitcast %gather3A_1754 : vector<16xi32> to vector<32xbf16>
        %sub3A_1756 = arith.subf %scan3A_890, %bitcast3A_1755 : vector<32xbf16>
        %mul3A_1757 = arith.mulf %sub3A_1756, %sub3A_1756 : vector<32xbf16>
        %add3A_1758 = arith.addf %add3A_1677, %mul3A_1757 : vector<32xbf16>
        %gather3A_1759 = arith.constant 7 : i32
        %gather3A_1760 = arith.constant 0 : i32
        %gather3A_1761 = tpu.memref_slice %arg6[%gather3A_1759, %gather3A_1760] : memref<10x1024xi32, #tpu.memory_space<vmem>> -> memref<1x1024xi32, #tpu.memory_space<vmem>>
        %gather3A_1762 = tpu.memref_squeeze %gather3A_1761 : memref<1x1024xi32, #tpu.memory_space<vmem>> -> memref<1024xi32, #tpu.memory_space<vmem>>
        %gather3A_1763 = tpu.vector_load_idx %gather3A_1762[%scan3A_877] : memref<1024xi32, #tpu.memory_space<vmem>>[vector<16xi32>], vector<16xi32>,
        %bitcast3A_1764 = vector.bitcast %gather3A_1763 : vector<16xi32> to vector<32xbf16>
        %sub3A_1765 = arith.subf %scan3A_890, %bitcast3A_1764 : vector<32xbf16>
        %mul3A_1766 = arith.mulf %sub3A_1765, %sub3A_1765 : vector<32xbf16>
        %add3A_1767 = arith.addf %add3A_1686, %mul3A_1766 : vector<32xbf16>
        %gather3A_1768 = arith.constant 7 : i32
        %gather3A_1769 = arith.constant 0 : i32
        %gather3A_1770 = tpu.memref_slice %arg6[%gather3A_1768, %gather3A_1769] : memref<10x1024xi32, #tpu.memory_space<vmem>> -> memref<1x1024xi32, #tpu.memory_space<vmem>>
        %gather3A_1771 = tpu.memref_squeeze %gather3A_1770 : memref<1x1024xi32, #tpu.memory_space<vmem>> -> memref<1024xi32, #tpu.memory_space<vmem>>
        %gather3A_1772 = tpu.vector_load_idx %gather3A_1771[%scan3A_878] : memref<1024xi32, #tpu.memory_space<vmem>>[vector<16xi32>], vector<16xi32>,
        %bitcast3A_1773 = vector.bitcast %gather3A_1772 : vector<16xi32> to vector<32xbf16>
        %sub3A_1774 = arith.subf %scan3A_890, %bitcast3A_1773 : vector<32xbf16>
        %mul3A_1775 = arith.mulf %sub3A_1774, %sub3A_1774 : vector<32xbf16>
        %add3A_1776 = arith.addf %add3A_1695, %mul3A_1775 : vector<32xbf16>
        %gather3A_1777 = arith.constant 7 : i32
        %gather3A_1778 = arith.constant 0 : i32
        %gather3A_1779 = tpu.memref_slice %arg6[%gather3A_1777, %gather3A_1778] : memref<10x1024xi32, #tpu.memory_space<vmem>> -> memref<1x1024xi32, #tpu.memory_space<vmem>>
        %gather3A_1780 = tpu.memref_squeeze %gather3A_1779 : memref<1x1024xi32, #tpu.memory_space<vmem>> -> memref<1024xi32, #tpu.memory_space<vmem>>
        %gather3A_1781 = tpu.vector_load_idx %gather3A_1780[%scan3A_879] : memref<1024xi32, #tpu.memory_space<vmem>>[vector<16xi32>], vector<16xi32>,
        %bitcast3A_1782 = vector.bitcast %gather3A_1781 : vector<16xi32> to vector<32xbf16>
        %sub3A_1783 = arith.subf %scan3A_890, %bitcast3A_1782 : vector<32xbf16>
        %mul3A_1784 = arith.mulf %sub3A_1783, %sub3A_1783 : vector<32xbf16>
        %add3A_1785 = arith.addf %add3A_1704, %mul3A_1784 : vector<32xbf16>
        %gather3A_1786 = arith.constant 7 : i32
        %gather3A_1787 = arith.constant 0 : i32
        %gather3A_1788 = tpu.memref_slice %arg6[%gather3A_1786, %gather3A_1787] : memref<10x1024xi32, #tpu.memory_space<vmem>> -> memref<1x1024xi32, #tpu.memory_space<vmem>>
        %gather3A_1789 = tpu.memref_squeeze %gather3A_1788 : memref<1x1024xi32, #tpu.memory_space<vmem>> -> memref<1024xi32, #tpu.memory_space<vmem>>
        %gather3A_1790 = tpu.vector_load_idx %gather3A_1789[%scan3A_880] : memref<1024xi32, #tpu.memory_space<vmem>>[vector<16xi32>], vector<16xi32>,
        %bitcast3A_1791 = vector.bitcast %gather3A_1790 : vector<16xi32> to vector<32xbf16>
        %sub3A_1792 = arith.subf %scan3A_890, %bitcast3A_1791 : vector<32xbf16>
        %mul3A_1793 = arith.mulf %sub3A_1792, %sub3A_1792 : vector<32xbf16>
        %add3A_1794 = arith.addf %add3A_1713, %mul3A_1793 : vector<32xbf16>
        %gather3A_1795 = arith.constant 7 : i32
        %gather3A_1796 = arith.constant 0 : i32
        %gather3A_1797 = tpu.memref_slice %arg6[%gather3A_1795, %gather3A_1796] : memref<10x1024xi32, #tpu.memory_space<vmem>> -> memref<1x1024xi32, #tpu.memory_space<vmem>>
        %gather3A_1798 = tpu.memref_squeeze %gather3A_1797 : memref<1x1024xi32, #tpu.memory_space<vmem>> -> memref<1024xi32, #tpu.memory_space<vmem>>
        %gather3A_1799 = tpu.vector_load_idx %gather3A_1798[%scan3A_881] : memref<1024xi32, #tpu.memory_space<vmem>>[vector<16xi32>], vector<16xi32>,
        %bitcast3A_1800 = vector.bitcast %gather3A_1799 : vector<16xi32> to vector<32xbf16>
        %sub3A_1801 = arith.subf %scan3A_890, %bitcast3A_1800 : vector<32xbf16>
        %mul3A_1802 = arith.mulf %sub3A_1801, %sub3A_1801 : vector<32xbf16>
        %add3A_1803 = arith.addf %add3A_1722, %mul3A_1802 : vector<32xbf16>
        %gather3A_1804 = arith.constant 7 : i32
        %gather3A_1805 = arith.constant 0 : i32
        %gather3A_1806 = tpu.memref_slice %arg6[%gather3A_1804, %gather3A_1805] : memref<10x1024xi32, #tpu.memory_space<vmem>> -> memref<1x1024xi32, #tpu.memory_space<vmem>>
        %gather3A_1807 = tpu.memref_squeeze %gather3A_1806 : memref<1x1024xi32, #tpu.memory_space<vmem>> -> memref<1024xi32, #tpu.memory_space<vmem>>
        %gather3A_1808 = tpu.vector_load_idx %gather3A_1807[%scan3A_882] : memref<1024xi32, #tpu.memory_space<vmem>>[vector<16xi32>], vector<16xi32>,
        %bitcast3A_1809 = vector.bitcast %gather3A_1808 : vector<16xi32> to vector<32xbf16>
        %sub3A_1810 = arith.subf %scan3A_890, %bitcast3A_1809 : vector<32xbf16>
        %mul3A_1811 = arith.mulf %sub3A_1810, %sub3A_1810 : vector<32xbf16>
        %add3A_1812 = arith.addf %add3A_1731, %mul3A_1811 : vector<32xbf16>
        %gather3A_1813 = arith.constant 8 : i32
        %gather3A_1814 = arith.constant 0 : i32
        %gather3A_1815 = tpu.memref_slice %arg6[%gather3A_1813, %gather3A_1814] : memref<10x1024xi32, #tpu.memory_space<vmem>> -> memref<1x1024xi32, #tpu.memory_space<vmem>>
        %gather3A_1816 = tpu.memref_squeeze %gather3A_1815 : memref<1x1024xi32, #tpu.memory_space<vmem>> -> memref<1024xi32, #tpu.memory_space<vmem>>
        %gather3A_1817 = tpu.vector_load_idx %gather3A_1816[%scan3A_874] : memref<1024xi32, #tpu.memory_space<vmem>>[vector<16xi32>], vector<16xi32>,
        %bitcast3A_1818 = vector.bitcast %gather3A_1817 : vector<16xi32> to vector<32xbf16>
        %sub3A_1819 = arith.subf %scan3A_891, %bitcast3A_1818 : vector<32xbf16>
        %mul3A_1820 = arith.mulf %sub3A_1819, %sub3A_1819 : vector<32xbf16>
        %add3A_1821 = arith.addf %add3A_1740, %mul3A_1820 : vector<32xbf16>
        %gather3A_1822 = arith.constant 8 : i32
        %gather3A_1823 = arith.constant 0 : i32
        %gather3A_1824 = tpu.memref_slice %arg6[%gather3A_1822, %gather3A_1823] : memref<10x1024xi32, #tpu.memory_space<vmem>> -> memref<1x1024xi32, #tpu.memory_space<vmem>>
        %gather3A_1825 = tpu.memref_squeeze %gather3A_1824 : memref<1x1024xi32, #tpu.memory_space<vmem>> -> memref<1024xi32, #tpu.memory_space<vmem>>
        %gather3A_1826 = tpu.vector_load_idx %gather3A_1825[%scan3A_875] : memref<1024xi32, #tpu.memory_space<vmem>>[vector<16xi32>], vector<16xi32>,
        %bitcast3A_1827 = vector.bitcast %gather3A_1826 : vector<16xi32> to vector<32xbf16>
        %sub3A_1828 = arith.subf %scan3A_891, %bitcast3A_1827 : vector<32xbf16>
        %mul3A_1829 = arith.mulf %sub3A_1828, %sub3A_1828 : vector<32xbf16>
        %add3A_1830 = arith.addf %add3A_1749, %mul3A_1829 : vector<32xbf16>
        %gather3A_1831 = arith.constant 8 : i32
        %gather3A_1832 = arith.constant 0 : i32
        %gather3A_1833 = tpu.memref_slice %arg6[%gather3A_1831, %gather3A_1832] : memref<10x1024xi32, #tpu.memory_space<vmem>> -> memref<1x1024xi32, #tpu.memory_space<vmem>>
        %gather3A_1834 = tpu.memref_squeeze %gather3A_1833 : memref<1x1024xi32, #tpu.memory_space<vmem>> -> memref<1024xi32, #tpu.memory_space<vmem>>
        %gather3A_1835 = tpu.vector_load_idx %gather3A_1834[%scan3A_876] : memref<1024xi32, #tpu.memory_space<vmem>>[vector<16xi32>], vector<16xi32>,
        %bitcast3A_1836 = vector.bitcast %gather3A_1835 : vector<16xi32> to vector<32xbf16>
        %sub3A_1837 = arith.subf %scan3A_891, %bitcast3A_1836 : vector<32xbf16>
        %mul3A_1838 = arith.mulf %sub3A_1837, %sub3A_1837 : vector<32xbf16>
        %add3A_1839 = arith.addf %add3A_1758, %mul3A_1838 : vector<32xbf16>
        %gather3A_1840 = arith.constant 8 : i32
        %gather3A_1841 = arith.constant 0 : i32
        %gather3A_1842 = tpu.memref_slice %arg6[%gather3A_1840, %gather3A_1841] : memref<10x1024xi32, #tpu.memory_space<vmem>> -> memref<1x1024xi32, #tpu.memory_space<vmem>>
        %gather3A_1843 = tpu.memref_squeeze %gather3A_1842 : memref<1x1024xi32, #tpu.memory_space<vmem>> -> memref<1024xi32, #tpu.memory_space<vmem>>
        %gather3A_1844 = tpu.vector_load_idx %gather3A_1843[%scan3A_877] : memref<1024xi32, #tpu.memory_space<vmem>>[vector<16xi32>], vector<16xi32>,
        %bitcast3A_1845 = vector.bitcast %gather3A_1844 : vector<16xi32> to vector<32xbf16>
        %sub3A_1846 = arith.subf %scan3A_891, %bitcast3A_1845 : vector<32xbf16>
        %mul3A_1847 = arith.mulf %sub3A_1846, %sub3A_1846 : vector<32xbf16>
        %add3A_1848 = arith.addf %add3A_1767, %mul3A_1847 : vector<32xbf16>
        %gather3A_1849 = arith.constant 8 : i32
        %gather3A_1850 = arith.constant 0 : i32
        %gather3A_1851 = tpu.memref_slice %arg6[%gather3A_1849, %gather3A_1850] : memref<10x1024xi32, #tpu.memory_space<vmem>> -> memref<1x1024xi32, #tpu.memory_space<vmem>>
        %gather3A_1852 = tpu.memref_squeeze %gather3A_1851 : memref<1x1024xi32, #tpu.memory_space<vmem>> -> memref<1024xi32, #tpu.memory_space<vmem>>
        %gather3A_1853 = tpu.vector_load_idx %gather3A_1852[%scan3A_878] : memref<1024xi32, #tpu.memory_space<vmem>>[vector<16xi32>], vector<16xi32>,
        %bitcast3A_1854 = vector.bitcast %gather3A_1853 : vector<16xi32> to vector<32xbf16>
        %sub3A_1855 = arith.subf %scan3A_891, %bitcast3A_1854 : vector<32xbf16>
        %mul3A_1856 = arith.mulf %sub3A_1855, %sub3A_1855 : vector<32xbf16>
        %add3A_1857 = arith.addf %add3A_1776, %mul3A_1856 : vector<32xbf16>
        %gather3A_1858 = arith.constant 8 : i32
        %gather3A_1859 = arith.constant 0 : i32
        %gather3A_1860 = tpu.memref_slice %arg6[%gather3A_1858, %gather3A_1859] : memref<10x1024xi32, #tpu.memory_space<vmem>> -> memref<1x1024xi32, #tpu.memory_space<vmem>>
        %gather3A_1861 = tpu.memref_squeeze %gather3A_1860 : memref<1x1024xi32, #tpu.memory_space<vmem>> -> memref<1024xi32, #tpu.memory_space<vmem>>
        %gather3A_1862 = tpu.vector_load_idx %gather3A_1861[%scan3A_879] : memref<1024xi32, #tpu.memory_space<vmem>>[vector<16xi32>], vector<16xi32>,
        %bitcast3A_1863 = vector.bitcast %gather3A_1862 : vector<16xi32> to vector<32xbf16>
        %sub3A_1864 = arith.subf %scan3A_891, %bitcast3A_1863 : vector<32xbf16>
        %mul3A_1865 = arith.mulf %sub3A_1864, %sub3A_1864 : vector<32xbf16>
        %add3A_1866 = arith.addf %add3A_1785, %mul3A_1865 : vector<32xbf16>
        %gather3A_1867 = arith.constant 8 : i32
        %gather3A_1868 = arith.constant 0 : i32
        %gather3A_1869 = tpu.memref_slice %arg6[%gather3A_1867, %gather3A_1868] : memref<10x1024xi32, #tpu.memory_space<vmem>> -> memref<1x1024xi32, #tpu.memory_space<vmem>>
        %gather3A_1870 = tpu.memref_squeeze %gather3A_1869 : memref<1x1024xi32, #tpu.memory_space<vmem>> -> memref<1024xi32, #tpu.memory_space<vmem>>
        %gather3A_1871 = tpu.vector_load_idx %gather3A_1870[%scan3A_880] : memref<1024xi32, #tpu.memory_space<vmem>>[vector<16xi32>], vector<16xi32>,
        %bitcast3A_1872 = vector.bitcast %gather3A_1871 : vector<16xi32> to vector<32xbf16>
        %sub3A_1873 = arith.subf %scan3A_891, %bitcast3A_1872 : vector<32xbf16>
        %mul3A_1874 = arith.mulf %sub3A_1873, %sub3A_1873 : vector<32xbf16>
        %add3A_1875 = arith.addf %add3A_1794, %mul3A_1874 : vector<32xbf16>
        %gather3A_1876 = arith.constant 8 : i32
        %gather3A_1877 = arith.constant 0 : i32
        %gather3A_1878 = tpu.memref_slice %arg6[%gather3A_1876, %gather3A_1877] : memref<10x1024xi32, #tpu.memory_space<vmem>> -> memref<1x1024xi32, #tpu.memory_space<vmem>>
        %gather3A_1879 = tpu.memref_squeeze %gather3A_1878 : memref<1x1024xi32, #tpu.memory_space<vmem>> -> memref<1024xi32, #tpu.memory_space<vmem>>
        %gather3A_1880 = tpu.vector_load_idx %gather3A_1879[%scan3A_881] : memref<1024xi32, #tpu.memory_space<vmem>>[vector<16xi32>], vector<16xi32>,
        %bitcast3A_1881 = vector.bitcast %gather3A_1880 : vector<16xi32> to vector<32xbf16>
        %sub3A_1882 = arith.subf %scan3A_891, %bitcast3A_1881 : vector<32xbf16>
        %mul3A_1883 = arith.mulf %sub3A_1882, %sub3A_1882 : vector<32xbf16>
        %add3A_1884 = arith.addf %add3A_1803, %mul3A_1883 : vector<32xbf16>
        %gather3A_1885 = arith.constant 8 : i32
        %gather3A_1886 = arith.constant 0 : i32
        %gather3A_1887 = tpu.memref_slice %arg6[%gather3A_1885, %gather3A_1886] : memref<10x1024xi32, #tpu.memory_space<vmem>> -> memref<1x1024xi32, #tpu.memory_space<vmem>>
        %gather3A_1888 = tpu.memref_squeeze %gather3A_1887 : memref<1x1024xi32, #tpu.memory_space<vmem>> -> memref<1024xi32, #tpu.memory_space<vmem>>
        %gather3A_1889 = tpu.vector_load_idx %gather3A_1888[%scan3A_882] : memref<1024xi32, #tpu.memory_space<vmem>>[vector<16xi32>], vector<16xi32>,
        %bitcast3A_1890 = vector.bitcast %gather3A_1889 : vector<16xi32> to vector<32xbf16>
        %sub3A_1891 = arith.subf %scan3A_891, %bitcast3A_1890 : vector<32xbf16>
        %mul3A_1892 = arith.mulf %sub3A_1891, %sub3A_1891 : vector<32xbf16>
        %add3A_1893 = arith.addf %add3A_1812, %mul3A_1892 : vector<32xbf16>
        %gather3A_1894 = arith.constant 9 : i32
        %gather3A_1895 = arith.constant 0 : i32
        %gather3A_1896 = tpu.memref_slice %arg6[%gather3A_1894, %gather3A_1895] : memref<10x1024xi32, #tpu.memory_space<vmem>> -> memref<1x1024xi32, #tpu.memory_space<vmem>>
        %gather3A_1897 = tpu.memref_squeeze %gather3A_1896 : memref<1x1024xi32, #tpu.memory_space<vmem>> -> memref<1024xi32, #tpu.memory_space<vmem>>
        %gather3A_1898 = tpu.vector_load_idx %gather3A_1897[%scan3A_874] : memref<1024xi32, #tpu.memory_space<vmem>>[vector<16xi32>], vector<16xi32>,
        %bitcast3A_1899 = vector.bitcast %gather3A_1898 : vector<16xi32> to vector<32xbf16>
        %sub3A_1900 = arith.subf %scan3A_892, %bitcast3A_1899 : vector<32xbf16>
        %mul3A_1901 = arith.mulf %sub3A_1900, %sub3A_1900 : vector<32xbf16>
        %add3A_1902 = arith.addf %add3A_1821, %mul3A_1901 : vector<32xbf16>
        %gather3A_1903 = arith.constant 9 : i32
        %gather3A_1904 = arith.constant 0 : i32
        %gather3A_1905 = tpu.memref_slice %arg6[%gather3A_1903, %gather3A_1904] : memref<10x1024xi32, #tpu.memory_space<vmem>> -> memref<1x1024xi32, #tpu.memory_space<vmem>>
        %gather3A_1906 = tpu.memref_squeeze %gather3A_1905 : memref<1x1024xi32, #tpu.memory_space<vmem>> -> memref<1024xi32, #tpu.memory_space<vmem>>
        %gather3A_1907 = tpu.vector_load_idx %gather3A_1906[%scan3A_875] : memref<1024xi32, #tpu.memory_space<vmem>>[vector<16xi32>], vector<16xi32>,
        %bitcast3A_1908 = vector.bitcast %gather3A_1907 : vector<16xi32> to vector<32xbf16>
        %sub3A_1909 = arith.subf %scan3A_892, %bitcast3A_1908 : vector<32xbf16>
        %mul3A_1910 = arith.mulf %sub3A_1909, %sub3A_1909 : vector<32xbf16>
        %add3A_1911 = arith.addf %add3A_1830, %mul3A_1910 : vector<32xbf16>
        %gather3A_1912 = arith.constant 9 : i32
        %gather3A_1913 = arith.constant 0 : i32
        %gather3A_1914 = tpu.memref_slice %arg6[%gather3A_1912, %gather3A_1913] : memref<10x1024xi32, #tpu.memory_space<vmem>> -> memref<1x1024xi32, #tpu.memory_space<vmem>>
        %gather3A_1915 = tpu.memref_squeeze %gather3A_1914 : memref<1x1024xi32, #tpu.memory_space<vmem>> -> memref<1024xi32, #tpu.memory_space<vmem>>
        %gather3A_1916 = tpu.vector_load_idx %gather3A_1915[%scan3A_876] : memref<1024xi32, #tpu.memory_space<vmem>>[vector<16xi32>], vector<16xi32>,
        %bitcast3A_1917 = vector.bitcast %gather3A_1916 : vector<16xi32> to vector<32xbf16>
        %sub3A_1918 = arith.subf %scan3A_892, %bitcast3A_1917 : vector<32xbf16>
        %mul3A_1919 = arith.mulf %sub3A_1918, %sub3A_1918 : vector<32xbf16>
        %add3A_1920 = arith.addf %add3A_1839, %mul3A_1919 : vector<32xbf16>
        %gather3A_1921 = arith.constant 9 : i32
        %gather3A_1922 = arith.constant 0 : i32
        %gather3A_1923 = tpu.memref_slice %arg6[%gather3A_1921, %gather3A_1922] : memref<10x1024xi32, #tpu.memory_space<vmem>> -> memref<1x1024xi32, #tpu.memory_space<vmem>>
        %gather3A_1924 = tpu.memref_squeeze %gather3A_1923 : memref<1x1024xi32, #tpu.memory_space<vmem>> -> memref<1024xi32, #tpu.memory_space<vmem>>
        %gather3A_1925 = tpu.vector_load_idx %gather3A_1924[%scan3A_877] : memref<1024xi32, #tpu.memory_space<vmem>>[vector<16xi32>], vector<16xi32>,
        %bitcast3A_1926 = vector.bitcast %gather3A_1925 : vector<16xi32> to vector<32xbf16>
        %sub3A_1927 = arith.subf %scan3A_892, %bitcast3A_1926 : vector<32xbf16>
        %mul3A_1928 = arith.mulf %sub3A_1927, %sub3A_1927 : vector<32xbf16>
        %add3A_1929 = arith.addf %add3A_1848, %mul3A_1928 : vector<32xbf16>
        %gather3A_1930 = arith.constant 9 : i32
        %gather3A_1931 = arith.constant 0 : i32
        %gather3A_1932 = tpu.memref_slice %arg6[%gather3A_1930, %gather3A_1931] : memref<10x1024xi32, #tpu.memory_space<vmem>> -> memref<1x1024xi32, #tpu.memory_space<vmem>>
        %gather3A_1933 = tpu.memref_squeeze %gather3A_1932 : memref<1x1024xi32, #tpu.memory_space<vmem>> -> memref<1024xi32, #tpu.memory_space<vmem>>
        %gather3A_1934 = tpu.vector_load_idx %gather3A_1933[%scan3A_878] : memref<1024xi32, #tpu.memory_space<vmem>>[vector<16xi32>], vector<16xi32>,
        %bitcast3A_1935 = vector.bitcast %gather3A_1934 : vector<16xi32> to vector<32xbf16>
        %sub3A_1936 = arith.subf %scan3A_892, %bitcast3A_1935 : vector<32xbf16>
        %mul3A_1937 = arith.mulf %sub3A_1936, %sub3A_1936 : vector<32xbf16>
        %add3A_1938 = arith.addf %add3A_1857, %mul3A_1937 : vector<32xbf16>
        %gather3A_1939 = arith.constant 9 : i32
        %gather3A_1940 = arith.constant 0 : i32
        %gather3A_1941 = tpu.memref_slice %arg6[%gather3A_1939, %gather3A_1940] : memref<10x1024xi32, #tpu.memory_space<vmem>> -> memref<1x1024xi32, #tpu.memory_space<vmem>>
        %gather3A_1942 = tpu.memref_squeeze %gather3A_1941 : memref<1x1024xi32, #tpu.memory_space<vmem>> -> memref<1024xi32, #tpu.memory_space<vmem>>
        %gather3A_1943 = tpu.vector_load_idx %gather3A_1942[%scan3A_879] : memref<1024xi32, #tpu.memory_space<vmem>>[vector<16xi32>], vector<16xi32>,
        %bitcast3A_1944 = vector.bitcast %gather3A_1943 : vector<16xi32> to vector<32xbf16>
        %sub3A_1945 = arith.subf %scan3A_892, %bitcast3A_1944 : vector<32xbf16>
        %mul3A_1946 = arith.mulf %sub3A_1945, %sub3A_1945 : vector<32xbf16>
        %add3A_1947 = arith.addf %add3A_1866, %mul3A_1946 : vector<32xbf16>
        %gather3A_1948 = arith.constant 9 : i32
        %gather3A_1949 = arith.constant 0 : i32
        %gather3A_1950 = tpu.memref_slice %arg6[%gather3A_1948, %gather3A_1949] : memref<10x1024xi32, #tpu.memory_space<vmem>> -> memref<1x1024xi32, #tpu.memory_space<vmem>>
        %gather3A_1951 = tpu.memref_squeeze %gather3A_1950 : memref<1x1024xi32, #tpu.memory_space<vmem>> -> memref<1024xi32, #tpu.memory_space<vmem>>
        %gather3A_1952 = tpu.vector_load_idx %gather3A_1951[%scan3A_880] : memref<1024xi32, #tpu.memory_space<vmem>>[vector<16xi32>], vector<16xi32>,
        %bitcast3A_1953 = vector.bitcast %gather3A_1952 : vector<16xi32> to vector<32xbf16>
        %sub3A_1954 = arith.subf %scan3A_892, %bitcast3A_1953 : vector<32xbf16>
        %mul3A_1955 = arith.mulf %sub3A_1954, %sub3A_1954 : vector<32xbf16>
        %add3A_1956 = arith.addf %add3A_1875, %mul3A_1955 : vector<32xbf16>
        %gather3A_1957 = arith.constant 9 : i32
        %gather3A_1958 = arith.constant 0 : i32
        %gather3A_1959 = tpu.memref_slice %arg6[%gather3A_1957, %gather3A_1958] : memref<10x1024xi32, #tpu.memory_space<vmem>> -> memref<1x1024xi32, #tpu.memory_space<vmem>>
        %gather3A_1960 = tpu.memref_squeeze %gather3A_1959 : memref<1x1024xi32, #tpu.memory_space<vmem>> -> memref<1024xi32, #tpu.memory_space<vmem>>
        %gather3A_1961 = tpu.vector_load_idx %gather3A_1960[%scan3A_881] : memref<1024xi32, #tpu.memory_space<vmem>>[vector<16xi32>], vector<16xi32>,
        %bitcast3A_1962 = vector.bitcast %gather3A_1961 : vector<16xi32> to vector<32xbf16>
        %sub3A_1963 = arith.subf %scan3A_892, %bitcast3A_1962 : vector<32xbf16>
        %mul3A_1964 = arith.mulf %sub3A_1963, %sub3A_1963 : vector<32xbf16>
        %add3A_1965 = arith.addf %add3A_1884, %mul3A_1964 : vector<32xbf16>
        %gather3A_1966 = arith.constant 9 : i32
        %gather3A_1967 = arith.constant 0 : i32
        %gather3A_1968 = tpu.memref_slice %arg6[%gather3A_1966, %gather3A_1967] : memref<10x1024xi32, #tpu.memory_space<vmem>> -> memref<1x1024xi32, #tpu.memory_space<vmem>>
        %gather3A_1969 = tpu.memref_squeeze %gather3A_1968 : memref<1x1024xi32, #tpu.memory_space<vmem>> -> memref<1024xi32, #tpu.memory_space<vmem>>
        %gather3A_1970 = tpu.vector_load_idx %gather3A_1969[%scan3A_882] : memref<1024xi32, #tpu.memory_space<vmem>>[vector<16xi32>], vector<16xi32>,
        %bitcast3A_1971 = vector.bitcast %gather3A_1970 : vector<16xi32> to vector<32xbf16>
        %sub3A_1972 = arith.subf %scan3A_892, %bitcast3A_1971 : vector<32xbf16>
        %mul3A_1973 = arith.mulf %sub3A_1972, %sub3A_1972 : vector<32xbf16>
        %add3A_1974 = arith.addf %add3A_1893, %mul3A_1973 : vector<32xbf16>
        %unpack3A = tpu.unpack_subelements %add3A_1902, 0 {pack_format = #tpu.pack_format<interleaved>} : vector<32xbf16> -> vector<16xf32>
        %unpack3A_1975 = tpu.unpack_subelements %add3A_1902, 1 {pack_format = #tpu.pack_format<interleaved>} : vector<32xbf16> -> vector<16xf32>
        %add3A_1976 = arith.addf %unpack3A, %unpack3A_1975 : vector<16xf32>
        %swap3A = arith.constant 0 : i32
        %swap3A_1977 = arith.constant 0 : i32
        %swap3A_1978 = arith.constant 0 : i32
        %swap3A_1979 = arith.constant 0 : i32
        %swap3A_1980 = tpu.memref_slice %arg9[%scan3A_844, %swap3A_1977, %swap3A_1978, %swap3A_1979] : memref<2x9x8x128xf32, #tpu.memory_space<vmem>> -> memref<1x9x8x128xf32, #tpu.memory_space<vmem>>
        %swap3A_1981 = tpu.memref_squeeze %swap3A_1980 : memref<1x9x8x128xf32, #tpu.memory_space<vmem>> -> memref<9x8x128xf32, #tpu.memory_space<vmem>>
        %swap3A_1982 = arith.index_cast %swap3A : i32 to index
        %swap3A_1983 = arith.index_cast %shift_right_arithmetic3A_894 : i32 to index
        %swap3A_1984 = arith.index_cast %multiple_of3A_899 : i32 to index
        %swap3A_1985 = tpu.vector_load %swap3A_1981[%swap3A_1982, %swap3A_1983, %swap3A_1984] {strides = array<i32>} : memref<9x8x128xf32, #tpu.memory_space<vmem>>, vector<16xf32>,
        tpu.vector_store %swap3A_1981[%swap3A_1982, %swap3A_1983, %swap3A_1984], %add3A_1976 {strides = array<i32>} : memref<9x8x128xf32, #tpu.memory_space<vmem>>, vector<16xf32>,
        %unpack3A_1986 = tpu.unpack_subelements %add3A_1911, 0 {pack_format = #tpu.pack_format<interleaved>} : vector<32xbf16> -> vector<16xf32>
        %unpack3A_1987 = tpu.unpack_subelements %add3A_1911, 1 {pack_format = #tpu.pack_format<interleaved>} : vector<32xbf16> -> vector<16xf32>
        %add3A_1988 = arith.addf %unpack3A_1986, %unpack3A_1987 : vector<16xf32>
        %swap3A_1989 = arith.constant 1 : i32
        %swap3A_1990 = arith.constant 0 : i32
        %swap3A_1991 = arith.constant 0 : i32
        %swap3A_1992 = arith.constant 0 : i32
        %swap3A_1993 = tpu.memref_slice %arg9[%scan3A_844, %swap3A_1990, %swap3A_1991, %swap3A_1992] : memref<2x9x8x128xf32, #tpu.memory_space<vmem>> -> memref<1x9x8x128xf32, #tpu.memory_space<vmem>>
        %swap3A_1994 = tpu.memref_squeeze %swap3A_1993 : memref<1x9x8x128xf32, #tpu.memory_space<vmem>> -> memref<9x8x128xf32, #tpu.memory_space<vmem>>
        %swap3A_1995 = arith.index_cast %swap3A_1989 : i32 to index
        %swap3A_1996 = arith.index_cast %shift_right_arithmetic3A_894 : i32 to index
        %swap3A_1997 = arith.index_cast %multiple_of3A_899 : i32 to index
        %swap3A_1998 = tpu.vector_load %swap3A_1994[%swap3A_1995, %swap3A_1996, %swap3A_1997] {strides = array<i32>} : memref<9x8x128xf32, #tpu.memory_space<vmem>>, vector<16xf32>,
        tpu.vector_store %swap3A_1994[%swap3A_1995, %swap3A_1996, %swap3A_1997], %add3A_1988 {strides = array<i32>} : memref<9x8x128xf32, #tpu.memory_space<vmem>>, vector<16xf32>,
        %unpack3A_1999 = tpu.unpack_subelements %add3A_1920, 0 {pack_format = #tpu.pack_format<interleaved>} : vector<32xbf16> -> vector<16xf32>
        %unpack3A_2000 = tpu.unpack_subelements %add3A_1920, 1 {pack_format = #tpu.pack_format<interleaved>} : vector<32xbf16> -> vector<16xf32>
        %add3A_2001 = arith.addf %unpack3A_1999, %unpack3A_2000 : vector<16xf32>
        %swap3A_2002 = arith.constant 2 : i32
        %swap3A_2003 = arith.constant 0 : i32
        %swap3A_2004 = arith.constant 0 : i32
        %swap3A_2005 = arith.constant 0 : i32
        %swap3A_2006 = tpu.memref_slice %arg9[%scan3A_844, %swap3A_2003, %swap3A_2004, %swap3A_2005] : memref<2x9x8x128xf32, #tpu.memory_space<vmem>> -> memref<1x9x8x128xf32, #tpu.memory_space<vmem>>
        %swap3A_2007 = tpu.memref_squeeze %swap3A_2006 : memref<1x9x8x128xf32, #tpu.memory_space<vmem>> -> memref<9x8x128xf32, #tpu.memory_space<vmem>>
        %swap3A_2008 = arith.index_cast %swap3A_2002 : i32 to index
        %swap3A_2009 = arith.index_cast %shift_right_arithmetic3A_894 : i32 to index
        %swap3A_2010 = arith.index_cast %multiple_of3A_899 : i32 to index
        %swap3A_2011 = tpu.vector_load %swap3A_2007[%swap3A_2008, %swap3A_2009, %swap3A_2010] {strides = array<i32>} : memref<9x8x128xf32, #tpu.memory_space<vmem>>, vector<16xf32>,
        tpu.vector_store %swap3A_2007[%swap3A_2008, %swap3A_2009, %swap3A_2010], %add3A_2001 {strides = array<i32>} : memref<9x8x128xf32, #tpu.memory_space<vmem>>, vector<16xf32>,
        %unpack3A_2012 = tpu.unpack_subelements %add3A_1929, 0 {pack_format = #tpu.pack_format<interleaved>} : vector<32xbf16> -> vector<16xf32>
        %unpack3A_2013 = tpu.unpack_subelements %add3A_1929, 1 {pack_format = #tpu.pack_format<interleaved>} : vector<32xbf16> -> vector<16xf32>
        %add3A_2014 = arith.addf %unpack3A_2012, %unpack3A_2013 : vector<16xf32>
        %swap3A_2015 = arith.constant 3 : i32
        %swap3A_2016 = arith.constant 0 : i32
        %swap3A_2017 = arith.constant 0 : i32
        %swap3A_2018 = arith.constant 0 : i32
        %swap3A_2019 = tpu.memref_slice %arg9[%scan3A_844, %swap3A_2016, %swap3A_2017, %swap3A_2018] : memref<2x9x8x128xf32, #tpu.memory_space<vmem>> -> memref<1x9x8x128xf32, #tpu.memory_space<vmem>>
        %swap3A_2020 = tpu.memref_squeeze %swap3A_2019 : memref<1x9x8x128xf32, #tpu.memory_space<vmem>> -> memref<9x8x128xf32, #tpu.memory_space<vmem>>
        %swap3A_2021 = arith.index_cast %swap3A_2015 : i32 to index
        %swap3A_2022 = arith.index_cast %shift_right_arithmetic3A_894 : i32 to index
        %swap3A_2023 = arith.index_cast %multiple_of3A_899 : i32 to index
        %swap3A_2024 = tpu.vector_load %swap3A_2020[%swap3A_2021, %swap3A_2022, %swap3A_2023] {strides = array<i32>} : memref<9x8x128xf32, #tpu.memory_space<vmem>>, vector<16xf32>,
        tpu.vector_store %swap3A_2020[%swap3A_2021, %swap3A_2022, %swap3A_2023], %add3A_2014 {strides = array<i32>} : memref<9x8x128xf32, #tpu.memory_space<vmem>>, vector<16xf32>,
        %unpack3A_2025 = tpu.unpack_subelements %add3A_1938, 0 {pack_format = #tpu.pack_format<interleaved>} : vector<32xbf16> -> vector<16xf32>
        %unpack3A_2026 = tpu.unpack_subelements %add3A_1938, 1 {pack_format = #tpu.pack_format<interleaved>} : vector<32xbf16> -> vector<16xf32>
        %add3A_2027 = arith.addf %unpack3A_2025, %unpack3A_2026 : vector<16xf32>
        %swap3A_2028 = arith.constant 4 : i32
        %swap3A_2029 = arith.constant 0 : i32
        %swap3A_2030 = arith.constant 0 : i32
        %swap3A_2031 = arith.constant 0 : i32
        %swap3A_2032 = tpu.memref_slice %arg9[%scan3A_844, %swap3A_2029, %swap3A_2030, %swap3A_2031] : memref<2x9x8x128xf32, #tpu.memory_space<vmem>> -> memref<1x9x8x128xf32, #tpu.memory_space<vmem>>
        %swap3A_2033 = tpu.memref_squeeze %swap3A_2032 : memref<1x9x8x128xf32, #tpu.memory_space<vmem>> -> memref<9x8x128xf32, #tpu.memory_space<vmem>>
        %swap3A_2034 = arith.index_cast %swap3A_2028 : i32 to index
        %swap3A_2035 = arith.index_cast %shift_right_arithmetic3A_894 : i32 to index
        %swap3A_2036 = arith.index_cast %multiple_of3A_899 : i32 to index
        %swap3A_2037 = tpu.vector_load %swap3A_2033[%swap3A_2034, %swap3A_2035, %swap3A_2036] {strides = array<i32>} : memref<9x8x128xf32, #tpu.memory_space<vmem>>, vector<16xf32>,
        tpu.vector_store %swap3A_2033[%swap3A_2034, %swap3A_2035, %swap3A_2036], %add3A_2027 {strides = array<i32>} : memref<9x8x128xf32, #tpu.memory_space<vmem>>, vector<16xf32>,
        %unpack3A_2038 = tpu.unpack_subelements %add3A_1947, 0 {pack_format = #tpu.pack_format<interleaved>} : vector<32xbf16> -> vector<16xf32>
        %unpack3A_2039 = tpu.unpack_subelements %add3A_1947, 1 {pack_format = #tpu.pack_format<interleaved>} : vector<32xbf16> -> vector<16xf32>
        %add3A_2040 = arith.addf %unpack3A_2038, %unpack3A_2039 : vector<16xf32>
        %swap3A_2041 = arith.constant 5 : i32
        %swap3A_2042 = arith.constant 0 : i32
        %swap3A_2043 = arith.constant 0 : i32
        %swap3A_2044 = arith.constant 0 : i32
        %swap3A_2045 = tpu.memref_slice %arg9[%scan3A_844, %swap3A_2042, %swap3A_2043, %swap3A_2044] : memref<2x9x8x128xf32, #tpu.memory_space<vmem>> -> memref<1x9x8x128xf32, #tpu.memory_space<vmem>>
        %swap3A_2046 = tpu.memref_squeeze %swap3A_2045 : memref<1x9x8x128xf32, #tpu.memory_space<vmem>> -> memref<9x8x128xf32, #tpu.memory_space<vmem>>
        %swap3A_2047 = arith.index_cast %swap3A_2041 : i32 to index
        %swap3A_2048 = arith.index_cast %shift_right_arithmetic3A_894 : i32 to index
        %swap3A_2049 = arith.index_cast %multiple_of3A_899 : i32 to index
        %swap3A_2050 = tpu.vector_load %swap3A_2046[%swap3A_2047, %swap3A_2048, %swap3A_2049] {strides = array<i32>} : memref<9x8x128xf32, #tpu.memory_space<vmem>>, vector<16xf32>,
        tpu.vector_store %swap3A_2046[%swap3A_2047, %swap3A_2048, %swap3A_2049], %add3A_2040 {strides = array<i32>} : memref<9x8x128xf32, #tpu.memory_space<vmem>>, vector<16xf32>,
        %unpack3A_2051 = tpu.unpack_subelements %add3A_1956, 0 {pack_format = #tpu.pack_format<interleaved>} : vector<32xbf16> -> vector<16xf32>
        %unpack3A_2052 = tpu.unpack_subelements %add3A_1956, 1 {pack_format = #tpu.pack_format<interleaved>} : vector<32xbf16> -> vector<16xf32>
        %add3A_2053 = arith.addf %unpack3A_2051, %unpack3A_2052 : vector<16xf32>
        %swap3A_2054 = arith.constant 6 : i32
        %swap3A_2055 = arith.constant 0 : i32
        %swap3A_2056 = arith.constant 0 : i32
        %swap3A_2057 = arith.constant 0 : i32
        %swap3A_2058 = tpu.memref_slice %arg9[%scan3A_844, %swap3A_2055, %swap3A_2056, %swap3A_2057] : memref<2x9x8x128xf32, #tpu.memory_space<vmem>> -> memref<1x9x8x128xf32, #tpu.memory_space<vmem>>
        %swap3A_2059 = tpu.memref_squeeze %swap3A_2058 : memref<1x9x8x128xf32, #tpu.memory_space<vmem>> -> memref<9x8x128xf32, #tpu.memory_space<vmem>>
        %swap3A_2060 = arith.index_cast %swap3A_2054 : i32 to index
        %swap3A_2061 = arith.index_cast %shift_right_arithmetic3A_894 : i32 to index
        %swap3A_2062 = arith.index_cast %multiple_of3A_899 : i32 to index
        %swap3A_2063 = tpu.vector_load %swap3A_2059[%swap3A_2060, %swap3A_2061, %swap3A_2062] {strides = array<i32>} : memref<9x8x128xf32, #tpu.memory_space<vmem>>, vector<16xf32>,
        tpu.vector_store %swap3A_2059[%swap3A_2060, %swap3A_2061, %swap3A_2062], %add3A_2053 {strides = array<i32>} : memref<9x8x128xf32, #tpu.memory_space<vmem>>, vector<16xf32>,
        %unpack3A_2064 = tpu.unpack_subelements %add3A_1965, 0 {pack_format = #tpu.pack_format<interleaved>} : vector<32xbf16> -> vector<16xf32>
        %unpack3A_2065 = tpu.unpack_subelements %add3A_1965, 1 {pack_format = #tpu.pack_format<interleaved>} : vector<32xbf16> -> vector<16xf32>
        %add3A_2066 = arith.addf %unpack3A_2064, %unpack3A_2065 : vector<16xf32>
        %swap3A_2067 = arith.constant 7 : i32
        %swap3A_2068 = arith.constant 0 : i32
        %swap3A_2069 = arith.constant 0 : i32
        %swap3A_2070 = arith.constant 0 : i32
        %swap3A_2071 = tpu.memref_slice %arg9[%scan3A_844, %swap3A_2068, %swap3A_2069, %swap3A_2070] : memref<2x9x8x128xf32, #tpu.memory_space<vmem>> -> memref<1x9x8x128xf32, #tpu.memory_space<vmem>>
        %swap3A_2072 = tpu.memref_squeeze %swap3A_2071 : memref<1x9x8x128xf32, #tpu.memory_space<vmem>> -> memref<9x8x128xf32, #tpu.memory_space<vmem>>
        %swap3A_2073 = arith.index_cast %swap3A_2067 : i32 to index
        %swap3A_2074 = arith.index_cast %shift_right_arithmetic3A_894 : i32 to index
        %swap3A_2075 = arith.index_cast %multiple_of3A_899 : i32 to index
        %swap3A_2076 = tpu.vector_load %swap3A_2072[%swap3A_2073, %swap3A_2074, %swap3A_2075] {strides = array<i32>} : memref<9x8x128xf32, #tpu.memory_space<vmem>>, vector<16xf32>,
        tpu.vector_store %swap3A_2072[%swap3A_2073, %swap3A_2074, %swap3A_2075], %add3A_2066 {strides = array<i32>} : memref<9x8x128xf32, #tpu.memory_space<vmem>>, vector<16xf32>,
        %unpack3A_2077 = tpu.unpack_subelements %add3A_1974, 0 {pack_format = #tpu.pack_format<interleaved>} : vector<32xbf16> -> vector<16xf32>
        %unpack3A_2078 = tpu.unpack_subelements %add3A_1974, 1 {pack_format = #tpu.pack_format<interleaved>} : vector<32xbf16> -> vector<16xf32>
        %add3A_2079 = arith.addf %unpack3A_2077, %unpack3A_2078 : vector<16xf32>
        %swap3A_2080 = arith.constant 8 : i32
        %swap3A_2081 = arith.constant 0 : i32
        %swap3A_2082 = arith.constant 0 : i32
        %swap3A_2083 = arith.constant 0 : i32
        %swap3A_2084 = tpu.memref_slice %arg9[%scan3A_844, %swap3A_2081, %swap3A_2082, %swap3A_2083] : memref<2x9x8x128xf32, #tpu.memory_space<vmem>> -> memref<1x9x8x128xf32, #tpu.memory_space<vmem>>
        %swap3A_2085 = tpu.memref_squeeze %swap3A_2084 : memref<1x9x8x128xf32, #tpu.memory_space<vmem>> -> memref<9x8x128xf32, #tpu.memory_space<vmem>>
        %swap3A_2086 = arith.index_cast %swap3A_2080 : i32 to index
        %swap3A_2087 = arith.index_cast %shift_right_arithmetic3A_894 : i32 to index
        %swap3A_2088 = arith.index_cast %multiple_of3A_899 : i32 to index
        %swap3A_2089 = tpu.vector_load %swap3A_2085[%swap3A_2086, %swap3A_2087, %swap3A_2088] {strides = array<i32>} : memref<9x8x128xf32, #tpu.memory_space<vmem>>, vector<16xf32>,
        tpu.vector_store %swap3A_2085[%swap3A_2086, %swap3A_2087, %swap3A_2088], %add3A_2079 {strides = array<i32>} : memref<9x8x128xf32, #tpu.memory_space<vmem>>, vector<16xf32>,
        scf.yield %add3A_957, %add3A_958, %add3A_959, %add3A_960, %add3A_961, %add3A_962, %add3A_963, %add3A_964, %add3A_965, %pack3A_986, %pack3A_1007, %pack3A_1028, %pack3A_1049, %pack3A_1070, %pack3A_1091, %pack3A_1112, %pack3A_1133, %pack3A_1154, %pack3A_1175 : vector<16xi32>, vector<16xi32>, vector<16xi32>, vector<16xi32>, vector<16xi32>, vector<16xi32>, vector<16xi32>, vector<16xi32>, vector<16xi32>, vector<32xbf16>, vector<32xbf16>, vector<32xbf16>, vector<32xbf16>, vector<32xbf16>, vector<32xbf16>, vector<32xbf16>, vector<32xbf16>, vector<32xbf16>, vector<32xbf16>
      }
      %scan3A_850 = arith.constant 64 : i32
      %add3A_851 = arith.addi %mul3A_32, %add3A_495 : i32
      %dma_start3A_852 = arith.constant 1 : i32
      %dma_start3A_853 = arith.constant 0 : i32
      %dma_start3A_854 = arith.constant 0 : i32
      %dma_start3A_855 = arith.constant 0 : i32
      %dma_start3A_856 = tpu.memref_slice %arg9[%dma_start3A_852, %dma_start3A_853, %dma_start3A_854, %dma_start3A_855] : memref<2x9x8x128xf32, #tpu.memory_space<vmem>> -> memref<1x9x8x128xf32, #tpu.memory_space<vmem>>
      %dma_start3A_857 = tpu.memref_squeeze %dma_start3A_856 : memref<1x9x8x128xf32, #tpu.memory_space<vmem>> -> memref<9x8x128xf32, #tpu.memory_space<vmem>>
      %dma_start3A_858 = arith.constant 0 : i32
      %dma_start3A_859 = arith.constant 0 : i32
      %dma_start3A_860 = arith.constant 0 : i32
      %dma_start3A_861 = tpu.memref_slice %arg5[%select_n3A, %dma_start3A_858, %add3A_851, %dma_start3A_859, %dma_start3A_860] : memref<4x9x256x8x128xf32, #tpu.memory_space<hbm>> -> memref<1x9x1x8x128xf32, #tpu.memory_space<hbm>>
      %dma_start3A_862 = tpu.memref_squeeze %dma_start3A_861 : memref<1x9x1x8x128xf32, #tpu.memory_space<hbm>> -> memref<9x8x128xf32, #tpu.memory_space<hbm>>
      %dma_start3A_863 = arith.constant 0 : i32
      %dma_start3A_864 = arith.constant 0 : i32
      %dma_start3A_865 = arith.constant 0 : i32
      %dma_start3A_866 = tpu.memref_slice %arg5[%select_n3A, %dma_start3A_863, %add3A_851, %dma_start3A_864, %dma_start3A_865] : memref<4x9x256x8x128xf32, #tpu.memory_space<hbm>> -> memref<1x9x1x8x128xf32, #tpu.memory_space<hbm>>
      %dma_start3A_867 = tpu.memref_squeeze %dma_start3A_866 : memref<1x9x1x8x128xf32, #tpu.memory_space<hbm>> -> memref<9x8x128xf32, #tpu.memory_space<hbm>>
      %dma_start3A_868 = arith.constant 0 : i32
      %dma_start3A_869 = arith.constant 0 : i32
      %dma_start3A_870 = arith.constant 0 : i32
      %dma_start3A_871 = tpu.memref_slice %arg9[%dma_start3A_852, %dma_start3A_868, %dma_start3A_869, %dma_start3A_870] : memref<2x9x8x128xf32, #tpu.memory_space<vmem>> -> memref<1x9x8x128xf32, #tpu.memory_space<vmem>>
      %dma_start3A_872 = tpu.memref_squeeze %dma_start3A_871 : memref<1x9x8x128xf32, #tpu.memory_space<vmem>> -> memref<9x8x128xf32, #tpu.memory_space<vmem>>
      tpu.enqueue_dma source(%dma_start3A_872 : memref<9x8x128xf32, #tpu.memory_space<vmem>>) target(%dma_start3A_867 : memref<9x8x128xf32, #tpu.memory_space<hbm>>) target_semaphore(%arg15 : memref<!tpu.dma_semaphore, #tpu.memory_space<semaphore_mem>>)
    }
    %scan3A_76 = arith.constant 16 : i32
    %add3A_77 = arith.constant 30 : i32
    %add3A_78 = arith.addi %mul3A_32, %add3A_77 : i32
    %dma_wait3A = arith.constant 0 : i32
    %dma_wait3A_79 = arith.constant 0 : i32
    %dma_wait3A_80 = arith.constant 0 : i32
    %dma_wait3A_81 = arith.constant 0 : i32
    %dma_wait3A_82 = tpu.memref_slice %arg9[%dma_wait3A, %dma_wait3A_79, %dma_wait3A_80, %dma_wait3A_81] : memref<2x9x8x128xf32, #tpu.memory_space<vmem>> -> memref<1x9x8x128xf32, #tpu.memory_space<vmem>>
    %dma_wait3A_83 = tpu.memref_squeeze %dma_wait3A_82 : memref<1x9x8x128xf32, #tpu.memory_space<vmem>> -> memref<9x8x128xf32, #tpu.memory_space<vmem>>
    %dma_wait3A_84 = arith.constant 0 : i32
    %dma_wait3A_85 = arith.constant 0 : i32
    %dma_wait3A_86 = arith.constant 0 : i32
    %dma_wait3A_87 = tpu.memref_slice %arg5[%select_n3A, %dma_wait3A_84, %add3A_78, %dma_wait3A_85, %dma_wait3A_86] : memref<4x9x256x8x128xf32, #tpu.memory_space<hbm>> -> memref<1x9x1x8x128xf32, #tpu.memory_space<hbm>>
    %dma_wait3A_88 = tpu.memref_squeeze %dma_wait3A_87 : memref<1x9x1x8x128xf32, #tpu.memory_space<hbm>> -> memref<9x8x128xf32, #tpu.memory_space<hbm>>
    %dma_wait3A_89 = arith.constant 0 : i32
    %dma_wait3A_90 = arith.constant 0 : i32
    %dma_wait3A_91 = arith.constant 0 : i32
    %dma_wait3A_92 = tpu.memref_slice %arg5[%select_n3A, %dma_wait3A_89, %add3A_78, %dma_wait3A_90, %dma_wait3A_91] : memref<4x9x256x8x128xf32, #tpu.memory_space<hbm>> -> memref<1x9x1x8x128xf32, #tpu.memory_space<hbm>>
    %dma_wait3A_93 = tpu.memref_squeeze %dma_wait3A_92 : memref<1x9x1x8x128xf32, #tpu.memory_space<hbm>> -> memref<9x8x128xf32, #tpu.memory_space<hbm>>
    %dma_wait3A_94 = arith.constant 0 : i32
    %dma_wait3A_95 = arith.constant 0 : i32
    %dma_wait3A_96 = arith.constant 0 : i32
    %dma_wait3A_97 = tpu.memref_slice %arg9[%dma_wait3A, %dma_wait3A_94, %dma_wait3A_95, %dma_wait3A_96] : memref<2x9x8x128xf32, #tpu.memory_space<vmem>> -> memref<1x9x8x128xf32, #tpu.memory_space<vmem>>
    %dma_wait3A_98 = tpu.memref_squeeze %dma_wait3A_97 : memref<1x9x8x128xf32, #tpu.memory_space<vmem>> -> memref<9x8x128xf32, #tpu.memory_space<vmem>>
    tpu.wait_dma2 semaphore(%arg14 : memref<!tpu.dma_semaphore, #tpu.memory_space<semaphore_mem>>) src(%dma_wait3A_98 : memref<9x8x128xf32, #tpu.memory_space<vmem>>) dst(%dma_wait3A_93 : memref<9x8x128xf32, #tpu.memory_space<hbm>>)
    %add3A_99 = arith.constant 31 : i32
    %add3A_100 = arith.addi %mul3A_32, %add3A_99 : i32
    %dma_wait3A_101 = arith.constant 1 : i32
    %dma_wait3A_102 = arith.constant 0 : i32
    %dma_wait3A_103 = arith.constant 0 : i32
    %dma_wait3A_104 = arith.constant 0 : i32
    %dma_wait3A_105 = tpu.memref_slice %arg9[%dma_wait3A_101, %dma_wait3A_102, %dma_wait3A_103, %dma_wait3A_104] : memref<2x9x8x128xf32, #tpu.memory_space<vmem>> -> memref<1x9x8x128xf32, #tpu.memory_space<vmem>>
    %dma_wait3A_106 = tpu.memref_squeeze %dma_wait3A_105 : memref<1x9x8x128xf32, #tpu.memory_space<vmem>> -> memref<9x8x128xf32, #tpu.memory_space<vmem>>
    %dma_wait3A_107 = arith.constant 0 : i32
    %dma_wait3A_108 = arith.constant 0 : i32
    %dma_wait3A_109 = arith.constant 0 : i32
    %dma_wait3A_110 = tpu.memref_slice %arg5[%select_n3A, %dma_wait3A_107, %add3A_100, %dma_wait3A_108, %dma_wait3A_109] : memref<4x9x256x8x128xf32, #tpu.memory_space<hbm>> -> memref<1x9x1x8x128xf32, #tpu.memory_space<hbm>>
    %dma_wait3A_111 = tpu.memref_squeeze %dma_wait3A_110 : memref<1x9x1x8x128xf32, #tpu.memory_space<hbm>> -> memref<9x8x128xf32, #tpu.memory_space<hbm>>
    %dma_wait3A_112 = arith.constant 0 : i32
    %dma_wait3A_113 = arith.constant 0 : i32
    %dma_wait3A_114 = arith.constant 0 : i32
    %dma_wait3A_115 = tpu.memref_slice %arg5[%select_n3A, %dma_wait3A_112, %add3A_100, %dma_wait3A_113, %dma_wait3A_114] : memref<4x9x256x8x128xf32, #tpu.memory_space<hbm>> -> memref<1x9x1x8x128xf32, #tpu.memory_space<hbm>>
    %dma_wait3A_116 = tpu.memref_squeeze %dma_wait3A_115 : memref<1x9x1x8x128xf32, #tpu.memory_space<hbm>> -> memref<9x8x128xf32, #tpu.memory_space<hbm>>
    %dma_wait3A_117 = arith.constant 0 : i32
    %dma_wait3A_118 = arith.constant 0 : i32
    %dma_wait3A_119 = arith.constant 0 : i32
    %dma_wait3A_120 = tpu.memref_slice %arg9[%dma_wait3A_101, %dma_wait3A_117, %dma_wait3A_118, %dma_wait3A_119] : memref<2x9x8x128xf32, #tpu.memory_space<vmem>> -> memref<1x9x8x128xf32, #tpu.memory_space<vmem>>
    %dma_wait3A_121 = tpu.memref_squeeze %dma_wait3A_120 : memref<1x9x8x128xf32, #tpu.memory_space<vmem>> -> memref<9x8x128xf32, #tpu.memory_space<vmem>>
    tpu.wait_dma2 semaphore(%arg15 : memref<!tpu.dma_semaphore, #tpu.memory_space<semaphore_mem>>) src(%dma_wait3A_121 : memref<9x8x128xf32, #tpu.memory_space<vmem>>) dst(%dma_wait3A_116 : memref<9x8x128xf32, #tpu.memory_space<hbm>>)
    return
  }
}

</mosaic_0001>

<sc_bundles>
// kernel: kernel.3.cloned.1.call-start
scs
__scs_entry_jumppad:
0x0: {  	(pc) =	sbr.rel $0x88, $3  }
0x1: {  	(tag) =	ssettag $0x0;
	lr =	simm.s32 $0x1  }
0x2: {  	[smem:$0x3F9E] =	sst lr;
	_ =	strace $0xD0000000  }
0x3: {  	_ = 	snop  }
0x4: {  	_ = 	snop  }
0x5: {  	_ = 	snop  }
0x6: {  	_ = 	snop  }
0x7: {  	_ = 	snop  }
__scs_overlays_trampoline_lowered:
0x8: {  	[smem:$0x3FAD] =	sst s0  }
0x9: {  	[smem:$0x3FAE] =	sst s1  }
0xa: {  	[smem:$0x3FAF] =	sst s2  }
0xb: {  	[smem:$0x3FB0] =	sst s3  }
0xc: {  	[smem:$0x3FB1] =	sst s4  }
0xd: {  	[smem:$0x3FB2] =	sst s5  }
0xe: {  	[smem:$0x3FB3] =	sst s6  }
0xf: {  	[smem:$0x3FB4] =	sst s7  }
0x10: {  	[smem:$0x3FB5] =	sst s8  }
0x11: {  	[smem:$0x3FB6] =	sst s9;
	s0 =	simm.s32 @!p0 $0x0  }
0x12: {  	s1 =	sld [smem:$0x3F9C];
	s0 =	simm.s32 @p0 $0x1  }
0x13: {  	[smem:$0x3FB7] =	sst s0;
	s0 =	simm.s32 @!p1 $0x0  }
0x14: {  	s2 =	sld [smem:$0x3F9B];
	s0 =	simm.s32 @p1 $0x1  }
0x15: {  	[smem:$0x3FB8] =	sst s0;
	s0 =	simm.s32 @!p2 $0x0  }
0x16: {  	s3 =	sld [smem:$0x3FDB];
	s0 =	simm.s32 @p2 $0x1  }
0x17: {  	s4 =	simm.s32 $0x1BF5;
	[smem:$0x3FBA] =	sst s0  }
0x18: {  	s0 =	sld [smem:$0x3F9D];
	_ =	swait.ge [sflag:s4], $0x0  }
0x19: {  	s7 =	sld [smem:$0x3F9E]  }
0x1a: {  	s8 =	sadd.s32 $0xFFFFE003, lr  }
0x1b: {  	s9 =	sadd.s32 $0xFFFFFEF7, lr;
	s5 =	simm.s32 $0xFFFFFFFF;
	p2 =	slt.u32 s8, $0xFFFFF086  }
0x1c: {  	p1 =	slt.u32 s9, $0xF7A;
	s5 =	simm.s32 @!p2 $0x0  }
0x1d: {  	s5 =	simm.s32 @p1 $0x1;
	p0 =	seq.s32 s7, s2  }
0x1e: {  	s7 =	smul.u32 @!p0 $0xF7A, s2;
	p2 =	seq.s32 @!p0 s5, $0x0  }
0x1f: {  	s9 =	smul.u32 $0xF7A, s1;
	s8 =	simm.s32 @!p0 $0x1BF5;
	p2 =	por !p2, p0  }
0x20: {  	[sflag:s8] =	ssyncset.s32 @!p0 $0xFFFFF086;
	s6 =	sadd.s32 @!p0 s3, s7;
	s7 =	simm.s32 @!p0 $0x108  }
0x21: {  	s3 =	sadd.s32 s3, s9;
	s6 =	sadd.s32 @!p0 $0x88, s6;
	s7 =	simm.s32 @p2 $0x1082  }
0x22: {  	[simem:s7], [sflag:s8] =	dma.local @!p0 [hbm:s6], $0xF7A  }
0x23: {  	s9 =	sor.u32 $0xD0000000, s2;
	s6 =	simm.s32 $0x108;
	_ =	swait.ge @!p0 [sflag:s8], $0x0  }
0x24: {  	s3 =	sadd.s32 $0x88, s3;
	s6 =	simm.s32 @!p1 $0x1082;
	[sflag:s4] =	ssyncset.s32 $0xFFFFF086  }
0x25: {  	[simem:s6], [sflag:s4] =	dma.local [hbm:s3], $0xF7A  }
0x26: {  	[smem:$0x3F9E] =	sst s1;
	(tag) =	ssettag s2;
	_ =	strace s9  }
0x27: {  	s1 =	sld [smem:$0x3FAE]  }
0x28: {  	s2 =	sld [smem:$0x3FAF]  }
0x29: {  	s4 =	sld [smem:$0x3FB1]  }
0x2a: {  	p0 =	seq.s32 s5, $0x0;
	s5 =	sld [smem:$0x3FB2]  }
0x2b: {  	s6 =	sld [smem:$0x3FB3]  }
0x2c: {  	s7 =	sld [smem:$0x3FB4]  }
0x2d: {  	s3 =	simm.s32 $0x108;
	s8 =	sld [smem:$0x3FB5]  }
0x2e: {  	s3 =	simm.s32 @!p0 $0x1082;
	s9 =	sld [smem:$0x3FB6]  }
0x2f: {  	lr =	sadd.s32 s0, s3;
	s0 =	sld [smem:$0x3FAD]  }
0x30: {  	s3 =	sld [smem:$0x3FB0]  }
0x31: {  	[smem:$0x3FB9] =	sst s10  }
0x32: {  	s10 =	sld [smem:$0x3FB7];
	_ =	sdelay $0x3  }
0x33: {  	p0 =	seq.s32 s10, $0x1;
	s10 =	sld [smem:$0x3FB9];
	_ =	sdelay $0x3  }
0x34: {  	[smem:$0x3FB9] =	sst s10  }
0x35: {  	s10 =	sld [smem:$0x3FB8];
	_ =	sdelay $0x3  }
0x36: {  	p1 =	seq.s32 s10, $0x1;
	s10 =	sld [smem:$0x3FB9];
	_ =	sdelay $0x3  }
0x37: {  	[smem:$0x3FB9] =	sst s10  }
0x38: {  	s10 =	sld [smem:$0x3FBA]  }
0x39: {  	_ = 	snop;
	(pc) =	sbr.ind lr, $3  }
0x3a: {  	_ = 	snop  }
0x3b: {  	_ = 	snop  }
0x3c: {  	p2 =	seq.s32 s10, $0x1;
	s10 =	sld [smem:$0x3FB9]  }
0x3d: {  	_ =	shalt  }
0x3e: {  	_ =	shalt  }
0x3f: {  	_ =	shalt  }
0x40: {  	_ =	shalt  }
0x41: {  	_ =	shalt  }
0x42: {  	_ =	shalt  }
0x43: {  	_ =	shalt  }
0x44: {  	_ =	shalt  }
0x45: {  	_ =	shalt  }
0x46: {  	_ =	shalt  }
0x47: {  	_ =	shalt  }
0x48: {  	_ =	shalt  }
0x49: {  	_ =	shalt  }
0x4a: {  	_ =	shalt  }
0x4b: {  	_ =	shalt  }
0x4c: {  	_ =	shalt  }
0x4d: {  	_ =	shalt  }
0x4e: {  	_ =	shalt  }
0x4f: {  	_ =	shalt  }
0x50: {  	_ =	shalt  }
0x51: {  	_ =	shalt  }
0x52: {  	_ =	shalt  }
0x53: {  	_ =	shalt  }
0x54: {  	_ =	shalt  }
0x55: {  	_ =	shalt  }
0x56: {  	_ =	shalt  }
0x57: {  	_ =	shalt  }
0x58: {  	_ =	shalt  }
0x59: {  	_ =	shalt  }
0x5a: {  	_ =	shalt  }
0x5b: {  	_ =	shalt  }
0x5c: {  	_ =	shalt  }
0x5d: {  	_ =	shalt  }
0x5e: {  	_ =	shalt  }
0x5f: {  	_ =	shalt  }
0x60: {  	_ =	shalt  }
0x61: {  	_ =	shalt  }
0x62: {  	_ =	shalt  }
0x63: {  	_ =	shalt  }
0x64: {  	_ =	shalt  }
0x65: {  	_ =	shalt  }
0x66: {  	_ =	shalt  }
0x67: {  	_ =	shalt  }
0x68: {  	_ =	shalt  }
0x69: {  	_ =	shalt  }
0x6a: {  	_ =	shalt  }
0x6b: {  	_ =	shalt  }
0x6c: {  	_ =	shalt  }
0x6d: {  	_ =	shalt  }
0x6e: {  	_ =	shalt  }
0x6f: {  	_ =	shalt  }
0x70: {  	_ =	shalt  }
0x71: {  	_ =	shalt  }
0x72: {  	_ =	shalt  }
0x73: {  	_ =	shalt  }
0x74: {  	_ =	shalt  }
0x75: {  	_ =	shalt  }
0x76: {  	_ =	shalt  }
0x77: {  	_ =	shalt  }
0x78: {  	_ =	shalt  }
0x79: {  	_ =	shalt  }
0x7a: {  	_ =	shalt  }
0x7b: {  	_ =	shalt  }
0x7c: {  	_ =	shalt  }
0x7d: {  	_ =	shalt  }
0x7e: {  	_ =	shalt  }
0x7f: {  	_ =	shalt  }
0x80: {  	_ =	shalt  }
0x81: {  	_ =	shalt  }
0x82: {  	_ =	shalt  }
0x83: {  	_ =	shalt  }
0x84: {  	_ =	shalt  }
0x85: {  	_ =	shalt  }
0x86: {  	_ =	shalt  }
0x87: {  	_ =	shalt  }
.Lfunc_end0:
.L_simem_size_0:
called_computation_lowered:
.L_overlay_start_0:
0x88: {  	s2 =	sld [smem:$0x3FD9]  }
0x89: {  	s3 =	sld [smem:$0x3FFE];
	_ =	sdelay $0x1  }
0x8a: {  	s1 =	srdreg.scid  }
0x8b: {  	s0 =	sand.u32 $0x1, s1  }
0x8c: {  	s17 =	sshll.u32 s0, $0xA;
	s2 =	sadd.s32 s3, s2  }
0x8d: {  	s2 =	sadd.s32 s2, s17  }
0x8e: {  	[smem:$0x3FC5] =	sst s2  }
0x8f: {  	_ = 	snop  }
0x90: {  	s2 =	sld [smem:$0x3FC9]  }
0x91: {  	s18 =	sld [smem:$0x3FC7]  }
0x92: {  	s4 =	sld [smem:$0x3FD0];
	(tm) =	ssettm $0x1  }
0x93: {  	s5 =	sld [smem:$0x3FFB];
	_ =	sdelay $0x3  }
0x94: {  	_ =	strace s5  }
0x95: {  	s5 =	sld [smem:$0x3FFC];
	_ =	sdelay $0x3  }
0x96: {  	_ =	strace s5  }
0x97: {  	s5 =	sld [smem:$0x3FFD];
	_ =	sdelay $0x3  }
0x98: {  	_ =	strace s5  }
0x99: {  	_ =	strace $0x8FFFFFFF  }
0x9a: {  	s19 =	sld [smem:$0x3FDB];
	_ =	sdelay $0x1  }
0x9b: {  	s6 =	simm.s32 $_scs_section_size  }
0x9c: {  	s7 =	simm.s32 $_size__tile_overlayer_lowered;
	s8 =	simm.s32 $_tile_overlayer_lowered  }
0x9d: {  	s22 =	simm.s32 $0x1BFF;
	s21 =	sshll.u32 s8, $0x1;
	s5 =	sadd.s32 s6, s19  }
0x9e: {  	s9 =	simm.s32 $0x0;
	s20 =	sshll.u32 s7, $0x1;
	s7 =	sadd.s32 s21, s5  }
0x9f: {  	[timem:s9], [sflag:s22] =	dma.local [hbm:s7], s20  }
0xa0: {  	_ =	swait.ge [sflag:s22], s20  }
0xa1: {  	s6 =	ssub.s32 $0x0, s20;
	[sflag:s22] =	ssyncset.done $0x0  }
0xa2: {  	[sflag:s22] =	ssyncadd.s32 s6;
	_ =	sdelay $0x1  }
0xa3: {  	s23 =	simm.s32 $0x1B8B  }
0xa4: {  	_ =	swait.ge [sflag:s23], $0x1  }
0xa5: {  	[sflag:s23] =	ssyncset.done $0x0  }
0xa6: {  	s25 =	simm.s32 $0x1B8E;
	s24 =	sld [smem:$0x3FFE];
	[sflag:s23] =	ssyncadd.s32 $0xFFFFFFFF  }
0xa7: {  	s26 =	simm.s32 $execute0_lowered;
	[smem:$0x3FD2] =	sst s25  }
0xa8: {  	s7 =	sshll.u32 s26, $0x1;
	_ =	strace $0x80000046;
	[dreg:$0x1] =	wrdreg $0xFFFFFFFF  }
0xa9: {  	s28 =	simm.s32 $_size_execute0_lowered;
	s5 =	sadd.s32 s5, s7;
	[dreg:$0x0] =	wrdreg $0x0  }
0xaa: {  	s7 =	sshll.u32 s28, $0x1;
	[dreg:$0x2] =	wrdreg s5  }
0xab: {  	[dreg:$0x3] =	wrdreg s7  }
0xac: {  	[dreg:$0x4] =	wrdreg $0xC0  }
0xad: {  	_ =	task [dreg:s9], $0x5FFFF  }
0xae: {  	[dreg:$0x1] =	wrdreg $0xFFFFFFFF  }
0xaf: {  	[dreg:$0x0] =	wrdreg $0x60  }
0xb0: {  	[dreg:$0x2] =	wrdreg s2  }
0xb1: {  	[dreg:$0x3] =	wrdreg s24  }
0xb2: {  	[dreg:$0x4] =	wrdreg s18  }
0xb3: {  	[dreg:$0x5] =	wrdreg s4  }
0xb4: {  	[dreg:$0x6] =	wrdreg $0x9  }
0xb5: {  	_ =	task.clear_ibuf [dreg:s9], $0x7FFFF;
	_ =	strace $0x90000046  }
0xb6: {  	s29 =	simm.s32 $0x9;
	_ =	strace $0x80000048  }
0xb7: {  	_ =	swait.ge [sflag:s29], $0x1  }
0xb8: {  	[sflag:s29] =	ssyncadd.s32 $0xFFFFFFFF  }
0xb9: {  	_ =	strace $0x90000048  }
0xba: {  	_ =	sfence  }
0xbb: {  	s30 =	sld [smem:$0x0];
	_ =	sdelay $0x2  }
0xbc: {  	s31 =	sshll.u32 s1, $0xD;
	s1 =	sshrl.u32 s1, $0x2  }
0xbd: {  	s3 =	sand.u32 $0x4000, s31;
	s1 =	sadd.s32 s1, s30  }
0xbe: {  	s0 =	sor.u32 s3, s0;
	s1 =	sshll.u32 s1, $0x11  }
0xbf: {  	s0 =	sor.u32 s1, s0  }
0xc0: {  	s0 =	sadd.s32 $0x8F2B, s0  }
0xc1: {  	[sflag:s0] =	ssyncadd.remote.s32 $0x1  }
0xc2: {  	_ =	sfence.sel $0xFFFF  }
0xc3: {  	[dreg:$0x0] =	wrdreg $0xFFFFFFFF;
	(pc) =	sbr.abs _section_cstart, $3  }
0xc4: {  	[dreg:$0x1] =	wrdreg $0xFFFFFFFF  }
0xc5: {  	_ =	task.clear_ibuf [dreg:s9], $0x2FFFF;
	_ =	strace $0x9FFFFFFF  }
0xc6: {  	(tm) =	ssettm $0x7FFFFFFF  }
0xc7: {  	_ =	shalt  }
tec
execute0_lowered:
.L_overlay_start_1:
0x0: {  	(tag) =	ssettag $0x1  }
0x1: {  	s2 =	rddreg [dreg:$0x0]  }
0x2: {  	s0 =	rddreg [dreg:$0x1]  }
0x3: {  	s3 =	rddreg [dreg:$0x2]  }
0x4: {  	s4 =	rddreg [dreg:$0x3];
	s8 =	stileid.u32  }
0x5: {  	s5 =	simm.s32 $0x0;
	s7 =	srdreg.scid;
	s17 =	simm.s32 $0x400  }
0x6: {  	s18 =	simm.s32 $0x40000;
	s28 =	simm.s32 $0x1400;
	s29 =	simm.s32 $0x1800  }
0x7: {  	s30 =	simm.s32 $0x1C00;
	s31 =	simm.s32 $0x2000;
	s16 =	simm.s32 $0x2  }
0x8: {  	s19 =	simm.s32 $0x4;
	s1 =	sshrl.u32 s8, $0x2;
	[smem:$0x7FF] =	sst s5  }
0x9: {  	s8 =	sshll.u32 s8, $0x1;
	s20 =	sand.u32 $0x1, s7;
	s6 =	smul.u32 $0x500, s1  }
0xa: {  	_ =	strace $0x80000047;
	s21 =	sand.u32 $0x6, s8;
	s22 =	ssub.s32 $0x2, s20  }
0xb: {  	s7 =	sshll.u32 s1, $0x12;
	s9 =	sor.u32 s20, s21;
	s10 =	sshrl.u32 s22, $0x1  }
0xc: {  	s0 =	sadd.s32 s6, s0;
	s6 =	smul.u32 $0x500000, s1;
	s11 =	sshll.u32 s9, $0xF  }
0xd: {  	s10 =	ssub.s32 s22, s10;
	s8 =	sshll.u32 s9, $0x5;
	s22 =	simm.s32 $0x1  }
0xe: {  	s9 =	simm.s32 $0xF400;
	s12 =	sor.u32 s7, s11;
	s0 =	sadd.s32 $0x400, s0  }
0xf: {  	s13 =	sor.u32 $0x2, s8;
	s26 =	smax.u32 s10, $0x1;
	s11 =	sor.u32 s6, s11  }
0x10: {  	s23 =	sshrl.u32 s12, $0x3;
	[dreg:$0x5] =	wrdreg s0;
	s12 =	smul.u32 $0x240000, s1  }
0x11: {  	[dreg:$0x8] =	wrdreg s26;
	s26 =	simm.s32 $0x1000;
	s0 =	simm.s32 $0x2400  }
0x12: {  	s11 =	sshrl.u32 s11, $0x3;
	s24 =	sadd.s32 s3, s23;
	s23 =	simm.s32 $0x3  }
0x13: {  	[dreg:$0x6] =	wrdreg s24;
	s25 =	sadd.s32 s2, s11;
	s24 =	simm.s32 $0x800  }
0x14: {  	v0 =	vimm.s32 $0x1;
	s11 =	simm.s32 $0x0;
	[dreg:$0x7] =	wrdreg s25;
	s25 =	simm.s32 $0xC00  }
.LBB2_1:
0x15: {  	[dreg:$0x9] =	wrdreg s11  }
0x16: {  	s1 =	rddreg [dreg:$0x5];
	s14 =	simm.s32 $0x7  }
0x17: {  	[tilespmem:s5], [sflag:$0x7] =	stream.linear.gather [hbm4b:s1+s5], $0x2800, $0x38;
	[tilespmem:$0x11800] =	vst v63  }
0x18: {  	_ =	swait.ge [sflag:s14], $0x2800  }
0x19: {  	[sflag:s14] =	ssyncset.done $0x0  }
0x1a: {  	s10 =	simm.s32 $0x2800;
	s15 =	rddreg [dreg:$0x6];
	[sflag:s14] =	ssyncadd.s32 $0xFFFFD800  }
0x1b: {  	[tilespmem:s10], [sflag:$0x1] =	stream.linear.gather [hbm4b:s15+s5], $0x400, $0x38;
	[tilespmem:$0x11800] =	vst v63  }
0x1c: {  	s21 =	simm.s32 $0x3000;
	s20 =	rddreg [dreg:$0x7];
	s15 =	simm.s32 $0x0  }
0x1d: {  	[tilespmem:s21], [sflag:$0x3] =	stream.strided.gather [hbm4b:s20+s17], $0x5000, s18, s17, $0x38;
	[tilespmem:$0x11800] =	vst v63  }
.LBB2_2:
0x1e: {  	s11 =	sshll.u32 s15, $0x1  }
0x1f: {  	s1 =	sor.u32 s11, s8  }
0x20: {  	s1 =	sshll.u32 s1, $0xA  }
0x21: {  	s10 =	sor.u32 $0x400, s1  }
0x22: {  	s1 =	sor.u32 s7, s10  }
0x23: {  	s1 =	sshrl.u32 s1, $0x3  }
0x24: {  	s14 =	simm.s32 $0x2C00;
	s20 =	sor.u32 s6, s10;
	s1 =	sadd.s32 s3, s1  }
0x25: {  	[tilespmem:s14], [sflag:$0x2] =	stream.linear.gather [hbm4b:s1+s5], $0x400, $0x38;
	[tilespmem:$0x11800] =	vst v63  }
0x26: {  	s1 =	sshrl.u32 s20, $0x3  }
0x27: {  	s21 =	simm.s32 $0x8000;
	s1 =	sadd.s32 s2, s1  }
0x28: {  	[tilespmem:s21], [sflag:$0x4] =	stream.strided.gather [hbm4b:s1+s17], $0x5000, s18, s17, $0x38;
	[tilespmem:$0x11800] =	vst v63  }
0x29: {  	_ =	swait.ge [sflag:s22], $0x400  }
0x2a: {  	[sflag:s22] =	ssyncset.done $0x0  }
0x2b: {  	[sflag:s22] =	ssyncadd.s32 $0xFFFFFC00  }
0x2c: {  	_ =	swait.ge [sflag:s23], $0x5000  }
0x2d: {  	p0 =	seq.s32 s15, $0x0;
	[sflag:s23] =	ssyncset.done $0x0  }
0x2e: {  	s1 =	simm.s32 @!p0 $0x5;
	[sflag:s23] =	ssyncadd.s32 $0xFFFFB000  }
0x2f: {  	_ =	swait.ge @!p0 [sflag:s1], $0x2400  }
0x30: {  	[sflag:s1] =	ssyncset.done @!p0 $0x0  }
0x31: {  	[sflag:s1] =	ssyncadd.s32 @!p0 $0xFFFFDC00  }
0x32: {  	v1 =	vld [tilespmem:$0x2800]  }
0x33: {  	v2 =	vld [tilespmem:$0x3000]  }
0x34: {  	v7 =	vld [tilespmem:$0x3400]  }
0x35: {  	v9 =	vld [tilespmem:$0x3800]  }
0x36: {  	v13 =	vld [tilespmem:$0x3C00]  }
0x37: {  	v17 =	vld [tilespmem:$0x4800]  }
0x38: {  	v18 =	vld [tilespmem:$0x4C00]  }
0x39: {  	v21 =	vld [tilespmem:$0x5000]  }
0x3a: {  	v22 =	vld [tilespmem:$0x5400]  }
0x3b: {  	v29 =	vld [tilespmem:$0x7000]  }
0x3c: {  	v30 =	vld [tilespmem:$0x7400]  }
0x3d: {  	v31 =	vld [tilespmem:$0x7800]  }
0x3e: {  	v32 =	vld [tilespmem:$0x7C00]  }
0x3f: {  	v14 =	vld [tilespmem:$0x4000]  }
0x40: {  	v15 =	vld [tilespmem:$0x4400]  }
0x41: {  	v23 =	vld [tilespmem:$0x5800];
	v3 =	vshra.s32 v1, $0x5;
	v4 =	vand.u32 $0x1F, v1;
	v20 =	vpack.i.f32.bf16 v7, v2  }
0x42: {  	v24 =	vld [tilespmem:$0x5C00];
	v18 =	vpack.i.f32.bf16 v18, v17;
	v17 =	vpack.i.f32.bf16 v22, v21;
	v7 =	vpack.i.f32.bf16 v30, v29  }
0x43: {  	v25 =	vld [tilespmem:$0x6000];
	v2 =	vpack.i.f32.bf16 v32, v31;
	vm0 =	vgt.s32 v3, $0x1;
	v6 =	vmax.u32 v4, $0x1  }
0x44: {  	v26 =	vld [tilespmem:$0x6400];
	vm15 =	vlt.s32 v3, $0x1E;
	v16 =	vsub.s32 v6, v0;
	v6 =	vmin.u32 v4, $0x1E  }
0x45: {  	v27 =	vld [tilespmem:$0x6800];
	v5 =	vnsel vm0, $0x1, v3;
	v3 =	vnsel vm15, $0x1E, v3;
	v19 =	vadd.s32 $0x1, v6  }
0x46: {  	v28 =	vld [tilespmem:$0x6C00];
	v5 =	vshll.u32 v5, $0x5;
	v3 =	vshll.u32 v3, $0x5;
	v6 =	vand.u32 $0xFFFFFFE0, v1  }
0x47: {  	v5 =	vadd.s32 $0xFFFFFFE0, v5;
	v3 =	vadd.s32 $0x20, v3;
	v8 =	vor.u32 v6, v16  }
0x48: {  	v6 =	vadd.s32 v6, v19;
	v12 =	vor.u32 v16, v5;
	v11 =	vor.u32 v4, v5  }
0x49: {  	v10 =	vadd.s32 v19, v5;
	v5 =	vor.u32 v16, v3;
	v4 =	vor.u32 v4, v3  }
0x4a: {  	v3 =	vadd.s32 v19, v3;
	v19 =	vpack.i.f32.bf16 v13, v9;
	v16 =	vpack.i.f32.bf16 v15, v14  }
0x4b: {  	s14 =	sadd.s32 s8, s11;
	s20 =	simm.s32 $0x0;
	s21 =	simm.s32 $0x1;
	v15 =	vpack.i.f32.bf16 v24, v23;
	v14 =	vpack.i.f32.bf16 v26, v25;
	v13 =	vpack.i.f32.bf16 v28, v27  }
.LBB2_3:
0x4c: {  	_ = 	snop  }
0x4d: {  	v9 =	vld.idx.msk [tilespmem:v12+s5+$0x0], $0xffff  }
0x4e: {  	v21 =	vld.idx.msk [tilespmem:v11+s5+$0x0], $0xffff  }
0x4f: {  	v22 =	vld.idx.msk [tilespmem:v10+s5+$0x0], $0xffff  }
0x50: {  	v23 =	vld.idx.msk [tilespmem:v8+s5+$0x0], $0xffff  }
0x51: {  	v24 =	vld.idx.msk [tilespmem:v1+s5+$0x0], $0xffff  }
0x52: {  	v25 =	vld.idx.msk [tilespmem:v6+s5+$0x0], $0xffff  }
0x53: {  	v26 =	vld.idx.msk [tilespmem:v5+s5+$0x0], $0xffff  }
0x54: {  	v27 =	vld.idx.msk [tilespmem:v4+s5+$0x0], $0xffff  }
0x55: {  	v28 =	vld.idx.msk [tilespmem:v12+s17+$0x0], $0xffff  }
0x56: {  	v29 =	vld.idx.msk [tilespmem:v11+s17+$0x0], $0xffff  }
0x57: {  	v30 =	vld.idx.msk [tilespmem:v10+s17+$0x0], $0xffff  }
0x58: {  	v31 =	vld.idx.msk [tilespmem:v3+s5+$0x0], $0xffff  }
0x59: {  	v32 =	vld.idx.msk [tilespmem:v8+s17+$0x0], $0xffff  }
0x5a: {  	v33 =	vld.idx.msk [tilespmem:v1+s17+$0x0], $0xffff;
	v9 =	vsub.bf16 v20, v9  }
0x5b: {  	v34 =	vld.idx.msk [tilespmem:v6+s17+$0x0], $0xffff;
	v21 =	vsub.bf16 v20, v21;
	v22 =	vsub.bf16 v20, v22  }
0x5c: {  	v35 =	vld.idx.msk [tilespmem:v5+s17+$0x0], $0xffff;
	v23 =	vsub.bf16 v20, v23;
	v24 =	vsub.bf16 v20, v24  }
0x5d: {  	v36 =	vld.idx.msk [tilespmem:v4+s17+$0x0], $0xffff;
	v25 =	vsub.bf16 v20, v25;
	v28 =	vsub.bf16 v19, v28  }
0x5e: {  	v60 =	vld.idx.msk [tilespmem:v3+s17+$0x0], $0xffff;
	v29 =	vsub.bf16 v19, v29;
	v30 =	vsub.bf16 v19, v30  }
0x5f: {  	v41 =	vld.idx.msk [tilespmem:v11+s24+$0x0], $0xffff;
	v26 =	vsub.bf16 v20, v26;
	v27 =	vsub.bf16 v20, v27  }
0x60: {  	v44 =	vld.idx.msk [tilespmem:v10+s24+$0x0], $0xffff;
	v20 =	vsub.bf16 v20, v31;
	v61 =	vsub.bf16 v19, v32  }
0x61: {  	v45 =	vld.idx.msk [tilespmem:v8+s24+$0x0], $0xffff;
	v63 =	vsub.bf16 v19, v33;
	v40 =	vsub.bf16 v19, v34  }
0x62: {  	v48 =	vld.idx.msk [tilespmem:v1+s24+$0x0], $0xffff;
	v42 =	vsub.bf16 v19, v35;
	v43 =	vsub.bf16 v19, v36;
	v9 =	vmul.bf16 v9, v9  }
0x63: {  	v53 =	vld.idx.msk [tilespmem:v4+s24+$0x0], $0xffff;
	v19 =	vsub.bf16 v19, v60;
	v21 =	vmul.bf16 v21, v21;
	v22 =	vmul.bf16 v22, v22  }
0x64: {  	v62 =	vld.idx.msk [tilespmem:v12+s24+$0x0], $0xffff;
	v51 =	vsub.bf16 v16, v41;
	v23 =	vmul.bf16 v23, v23;
	v24 =	vmul.bf16 v24, v24  }
0x65: {  	v49 =	vld.idx.msk [tilespmem:v6+s24+$0x0], $0xffff;
	v52 =	vsub.bf16 v16, v44;
	v25 =	vmul.bf16 v25, v25;
	v28 =	vmul.bf16 v28, v28  }
0x66: {  	v50 =	vld.idx.msk [tilespmem:v5+s24+$0x0], $0xffff;
	v31 =	vsub.bf16 v16, v45;
	v29 =	vmul.bf16 v29, v29;
	v30 =	vmul.bf16 v30, v30  }
0x67: {  	v56 =	vld.idx.msk [tilespmem:v12+s25+$0x0], $0xffff;
	v54 =	vsub.bf16 v16, v48;
	v26 =	vmul.bf16 v26, v26;
	v27 =	vmul.bf16 v27, v27  }
0x68: {  	v37 =	vld.idx.msk [tilespmem:v11+s25+$0x0], $0xffff;
	v60 =	vsub.bf16 v16, v53;
	v20 =	vmul.bf16 v20, v20;
	v32 =	vmul.bf16 v40, v40  }
0x69: {  	v41 =	vld.idx.msk [tilespmem:v5+s25+$0x0], $0xffff;
	v46 =	vmul.bf16 v42, v42;
	v47 =	vmul.bf16 v43, v43;
	v9 =	vadd.bf16 v28, v9  }
0x6a: {  	v55 =	vld.idx.msk [tilespmem:v3+s24+$0x0], $0xffff;
	v19 =	vmul.bf16 v19, v19;
	v21 =	vadd.bf16 v29, v21;
	v22 =	vadd.bf16 v30, v22  }
0x6b: {  	v58 =	vld.idx.msk [tilespmem:v10+s25+$0x0], $0xffff;
	v34 =	vmul.bf16 v54, v54;
	v25 =	vadd.bf16 v32, v25;
	v26 =	vadd.bf16 v46, v26  }
0x6c: {  	v59 =	vld.idx.msk [tilespmem:v8+s25+$0x0], $0xffff;
	v28 =	vmul.bf16 v61, v61;
	v27 =	vadd.bf16 v47, v27;
	v19 =	vadd.bf16 v19, v20  }
0x6d: {  	v40 =	vld.idx.msk [tilespmem:v6+s25+$0x0], $0xffff;
	v30 =	vmul.bf16 v63, v63;
	v20 =	vsub.bf16 v16, v62;
	v62 =	vsub.bf16 v18, v56  }
0x6e: {  	v54 =	vld.idx.msk [tilespmem:v1+s26+$0x0], $0xffff;
	v29 =	vmul.bf16 v51, v51;
	v63 =	vsub.bf16 v18, v37;
	v51 =	vsub.bf16 v18, v41  }
0x6f: {  	v38 =	vld.idx.msk [tilespmem:v3+s26+$0x0], $0xffff;
	v32 =	vmul.bf16 v52, v52;
	v23 =	vadd.bf16 v28, v23;
	v24 =	vadd.bf16 v30, v24  }
0x70: {  	v44 =	vld.idx.msk [tilespmem:v4+s25+$0x0], $0xffff;
	v31 =	vmul.bf16 v31, v31;
	v30 =	vsub.bf16 v16, v49;
	v21 =	vadd.bf16 v29, v21  }
0x71: {  	v61 =	vld.idx.msk [tilespmem:v1+s25+$0x0], $0xffff;
	v20 =	vmul.bf16 v20, v20;
	v22 =	vadd.bf16 v32, v22;
	v28 =	vsub.bf16 v16, v50  }
0x72: {  	v39 =	vld.idx.msk [tilespmem:v12+s28+$0x0], $0xffff;
	v16 =	vsub.bf16 v16, v55;
	v43 =	vmul.bf16 v63, v63;
	v49 =	vsub.bf16 v18, v40  }
0x73: {  	v53 =	vld.idx.msk [tilespmem:v8+s26+$0x0], $0xffff;
	v37 =	vsub.bf16 v17, v54;
	v20 =	vadd.bf16 v20, v9;
	v57 =	vmul.bf16 v30, v30  }
0x74: {  	v47 =	vld.idx.msk [tilespmem:v12+s26+$0x0], $0xffff;
	v23 =	vadd.bf16 v31, v23;
	v24 =	vadd.bf16 v34, v24;
	v28 =	vmul.bf16 v28, v28  }
0x75: {  	v50 =	vld.idx.msk [tilespmem:v11+s26+$0x0], $0xffff;
	v31 =	vmul.bf16 v60, v60;
	v30 =	vsub.bf16 v18, v58;
	v21 =	vadd.bf16 v43, v21  }
0x76: {  	v63 =	vld.idx.msk [tilespmem:v8+s28+$0x0], $0xffff;
	v16 =	vmul.bf16 v16, v16;
	v34 =	vsub.bf16 v18, v44;
	v48 =	vsub.bf16 v18, v61  }
0x77: {  	v46 =	vld.idx.msk [tilespmem:v3+s25+$0x0], $0xffff;
	v42 =	vmul.bf16 v62, v62;
	v25 =	vadd.bf16 v57, v25;
	v26 =	vadd.bf16 v28, v26  }
0x78: {  	v52 =	vld.idx.msk [tilespmem:v10+s26+$0x0], $0xffff;
	v27 =	vadd.bf16 v31, v27;
	v45 =	vadd.bf16 v16, v19  }
0x79: {  	s1 =	smin.u32 s21, $0x3F;
	v56 =	vld.idx.msk [tilespmem:v6+s26+$0x0], $0xffff;
	v19 =	vmul.bf16 v30, v30;
	v20 =	vadd.bf16 v42, v20;
	v28 =	vsub.bf16 v17, v47  }
0x7a: {  	s1 =	sshll.u32 s1, $0x4;
	v35 =	vmul.bf16 v51, v51;
	v40 =	vld.idx.msk [tilespmem:v11+s28+$0x0], $0xffff;
	v30 =	vsub.bf16 v17, v53;
	v33 =	vsub.bf16 v17, v50  }
0x7b: {  	v9 =	vld [tilespmem:s1+$0x2800];
	v32 =	vmul.bf16 v49, v49;
	v31 =	vsub.bf16 v15, v63;
	v22 =	vadd.bf16 v19, v22  }
0x7c: {  	v58 =	vld.idx.msk [tilespmem:v5+s26+$0x0], $0xffff;
	v34 =	vmul.bf16 v34, v34;
	v19 =	vsub.bf16 v18, v59;
	v18 =	vsub.bf16 v18, v46  }
0x7d: {  	v60 =	vld.idx.msk [tilespmem:v4+s26+$0x0], $0xffff;
	v37 =	vmul.bf16 v37, v37;
	v25 =	vadd.bf16 v32, v25;
	v26 =	vadd.bf16 v35, v26  }
0x7e: {  	v54 =	vld.idx.msk [tilespmem:v12+s29+$0x0], $0xffff;
	v29 =	vmul.bf16 v48, v48;
	v27 =	vadd.bf16 v34, v27;
	v59 =	vsub.bf16 v17, v52  }
0x7f: {  	v43 =	vld.idx.msk [tilespmem:v12+s30+$0x0], $0xffff;
	v28 =	vmul.bf16 v28, v28;
	v32 =	vsub.bf16 v17, v56;
	v46 =	vsub.bf16 v15, v39  }
0x80: {  	v49 =	vld.idx.msk [tilespmem:v5+s28+$0x0], $0xffff;
	v30 =	vmul.bf16 v30, v30;
	v47 =	vsub.bf16 v15, v40;
	v24 =	vadd.bf16 v29, v24  }
0x81: {  	v61 =	vld.idx.msk [tilespmem:v10+s28+$0x0], $0xffff;
	v57 =	vshra.s32 v9, $0x5;
	v33 =	vmul.bf16 v33, v33;
	v62 =	vsub.bf16 v17, v58  }
0x82: {  	v16 =	vld [tilespmem:s1+$0x3000];
	v44 =	vsub.bf16 v17, v60;
	v17 =	vsub.bf16 v17, v38;
	v31 =	vmul.bf16 v31, v31  }
0x83: {  	v53 =	vld.idx.msk [tilespmem:v3+s28+$0x0], $0xffff;
	v19 =	vmul.bf16 v19, v19;
	v55 =	vmul.bf16 v18, v18;
	vm0 =	vgt.s32 v57, $0x1  }
0x84: {  	v42 =	vld.idx.msk [tilespmem:v10+s29+$0x0], $0xffff;
	v35 =	vmul.bf16 v59, v59;
	v28 =	vadd.bf16 v28, v20;
	v32 =	vmul.bf16 v32, v32  }
0x85: {  	v48 =	vld.idx.msk [tilespmem:v6+s28+$0x0], $0xffff;
	vm15 =	vlt.s32 v57, $0x1E;
	v50 =	vmul.bf16 v46, v46;
	v40 =	vsub.bf16 v15, v49  }
0x86: {  	v63 =	vld.idx.msk [tilespmem:v5+s29+$0x0], $0xffff;
	v51 =	vmul.bf16 v47, v47;
	v21 =	vadd.bf16 v33, v21;
	v24 =	vadd.bf16 v37, v24  }
0x87: {  	v52 =	vld.idx.msk [tilespmem:v4+s28+$0x0], $0xffff;
	v34 =	vmul.bf16 v44, v44;
	v17 =	vmul.bf16 v17, v17;
	v33 =	vsub.bf16 v15, v61  }
0x88: {  	v56 =	vld.idx.msk [tilespmem:v11+s29+$0x0], $0xffff;
	v23 =	vadd.bf16 v19, v23;
	v19 =	vand.u32 $0x1F, v9;
	v29 =	vadd.bf16 v55, v45  }
0x89: {  	v20 =	vld [tilespmem:s1+$0x3800];
	v22 =	vadd.bf16 v35, v22;
	v35 =	vnsel vm0, $0x1, v57;
	v25 =	vadd.bf16 v32, v25  }
0x8a: {  	v59 =	vld.idx.msk [tilespmem:v1+s29+$0x0], $0xffff;
	v32 =	vnsel vm15, $0x1E, v57;
	v28 =	vadd.bf16 v50, v28;
	v39 =	vsub.bf16 v15, v48  }
0x8b: {  	v49 =	vld.idx.msk [tilespmem:v4+s29+$0x0], $0xffff;
	v58 =	vmul.bf16 v40, v40;
	v48 =	vsub.bf16 v14, v42;
	v27 =	vadd.bf16 v34, v27  }
0x8c: {  	v61 =	vld.idx.msk [tilespmem:v6+s29+$0x0], $0xffff;
	v33 =	vmul.bf16 v33, v33;
	v41 =	vmax.u32 v19, $0x1;
	v21 =	vadd.bf16 v51, v21  }
0x8d: {  	v45 =	vld.idx.msk [tilespmem:v1+s28+$0x0], $0xffff;
	v55 =	vmin.u32 v19, $0x1E;
	v38 =	vsub.bf16 v15, v52;
	v47 =	vsub.bf16 v14, v56  }
0x8e: {  	v57 =	vld.idx.msk [tilespmem:v8+s29+$0x0], $0xffff;
	v56 =	vsub.bf16 v13, v43;
	v23 =	vadd.bf16 v30, v23;
	v30 =	vmul.bf16 v62, v62  }
0x8f: {  	v50 =	vld.idx.msk [tilespmem:v3+s29+$0x0], $0xffff;
	v29 =	vadd.bf16 v17, v29;
	v39 =	vmul.bf16 v39, v39;
	v37 =	vadd.s32 $0x1, v55  }
0x90: {  	v17 =	vld [tilespmem:s1+$0x3C00];
	v62 =	vshll.u32 v35, $0x5;
	v22 =	vadd.bf16 v33, v22;
	v33 =	vsub.bf16 v14, v54  }
0x91: {  	v55 =	vld.idx.msk [tilespmem:v1+s30+$0x0], $0xffff;
	v38 =	vmul.bf16 v38, v38;
	v40 =	vsub.bf16 v14, v59;
	v26 =	vadd.bf16 v30, v26  }
0x92: {  	v54 =	vld.idx.msk [tilespmem:v8+s30+$0x0], $0xffff;
	v30 =	vsub.s32 v41, v0;
	v23 =	vadd.bf16 v31, v23;
	v25 =	vadd.bf16 v39, v25  }
0x93: {  	v59 =	vld.idx.msk [tilespmem:v3+s30+$0x0], $0xffff;
	v31 =	vadd.s32 $0xFFFFFFE0, v62;
	v39 =	vsub.bf16 v14, v61;
	v36 =	vsub.bf16 v15, v45  }
0x94: {  	v41 =	vmul.bf16 v56, v56;
	v15 =	vsub.bf16 v15, v53;
	v27 =	vadd.bf16 v38, v27;
	v53 =	vld.idx.msk [tilespmem:v11+s30+$0x0], $0xffff  }
0x95: {  	v33 =	vmul.bf16 v33, v33;
	v34 =	vsub.bf16 v14, v57;
	v38 =	vmul.bf16 v48, v48;
	v57 =	vld.idx.msk [tilespmem:v6+s30+$0x0], $0xffff  }
0x96: {  	v45 =	vld.idx.msk [tilespmem:v4+s30+$0x0], $0xffff;
	v26 =	vadd.bf16 v58, v26;
	v36 =	vmul.bf16 v36, v36;
	v60 =	vmul.bf16 v15, v15  }
0x97: {  	v58 =	vld.idx.msk [tilespmem:v5+s30+$0x0], $0xffff;
	v28 =	vadd.bf16 v33, v28;
	v51 =	vmul.bf16 v34, v34;
	v38 =	vadd.bf16 v38, v22  }
0x98: {  	v52 =	vmul.bf16 v40, v40;
	v22 =	vld.idx.msk [tilespmem:v10+s30+$0x0], $0xffff;
	v61 =	vsub.bf16 v13, v55;
	v24 =	vadd.bf16 v36, v24  }
0x99: {  	v29 =	vadd.bf16 v60, v29;
	v36 =	vmul.bf16 v47, v47;
	v33 =	vadd.bf16 v51, v23;
	v60 =	vld.idx.msk [tilespmem:v12+s31+$0x0], $0xffff  }
0x9a: {  	v23 =	vshll.u32 v32, $0x5;
	v28 =	vadd.bf16 v41, v28;
	v32 =	vsub.bf16 v13, v54;
	v54 =	vld.idx.msk [tilespmem:v8+s31+$0x0], $0xffff  }
0x9b: {  	v47 =	vld.idx.msk [tilespmem:v6+s31+$0x0], $0xffff;
	v34 =	vadd.s32 $0x20, v23;
	v23 =	vsub.bf16 v14, v49;
	v40 =	vsub.bf16 v13, v53  }
0x9c: {  	v20 =	vpack.i.f32.bf16 v17, v20;
	v12 =	vld.idx.msk [tilespmem:v12+s0+$0x0], $0xffff;
	v62 =	vsub.bf16 v13, v57;
	v36 =	vadd.bf16 v36, v21  }
0x9d: {  	v8 =	vld.idx.msk [tilespmem:v8+s0+$0x0], $0xffff;
	v21 =	vmul.bf16 v39, v39;
	v39 =	vand.u32 $0xFFFFFFE0, v9;
	v24 =	vadd.bf16 v52, v24  }
0x9e: {  	v6 =	vld.idx.msk [tilespmem:v6+s0+$0x0], $0xffff;
	v32 =	vmul.bf16 v32, v32;
	v51 =	vsub.bf16 v13, v58;
	v52 =	vsub.bf16 v13, v45  }
0x9f: {  	v53 =	vld.idx.msk [tilespmem:v10+s31+$0x0], $0xffff;
	v23 =	vmul.bf16 v23, v23;
	v22 =	vsub.bf16 v13, v22;
	v13 =	vsub.bf16 v13, v59  }
0xa0: {  	v57 =	vld.idx.msk [tilespmem:v1+s31+$0x0], $0xffff;
	v40 =	vmul.bf16 v40, v40;
	v25 =	vadd.bf16 v21, v25;
	v21 =	vsub.bf16 v14, v63  }
0xa1: {  	v10 =	vld.idx.msk [tilespmem:v10+s0+$0x0], $0xffff;
	v35 =	vmul.bf16 v62, v62;
	v14 =	vsub.bf16 v14, v50;
	v32 =	vadd.bf16 v32, v33  }
0xa2: {  	v1 =	vld.idx.msk [tilespmem:v1+s0+$0x0], $0xffff;
	v55 =	vmul.bf16 v51, v51;
	v56 =	vmul.bf16 v52, v52;
	v27 =	vadd.bf16 v23, v27  }
0xa3: {  	v18 =	vld [tilespmem:s1+$0x3400];
	v23 =	vmul.bf16 v22, v22;
	v36 =	vadd.bf16 v40, v36;
	v22 =	vor.u32 v19, v31  }
0xa4: {  	v58 =	vld.idx.msk [tilespmem:v5+s31+$0x0], $0xffff;
	v13 =	vmul.bf16 v13, v13;
	v49 =	vsub.bf16 v7, v47;
	v12 =	vsub.bf16 v2, v12  }
0xa5: {  	v5 =	vld.idx.msk [tilespmem:v5+s0+$0x0], $0xffff;
	v8 =	vsub.bf16 v2, v8;
	v6 =	vsub.bf16 v2, v6;
	v21 =	vmul.bf16 v21, v21  }
0xa6: {  	v14 =	vmul.bf16 v14, v14;
	v35 =	vadd.bf16 v35, v25;
	v62 =	vsub.bf16 v7, v57  }
0xa7: {  	v25 =	vadd.s32 v39, v37;
	v10 =	vsub.bf16 v2, v10;
	v1 =	vsub.bf16 v2, v1  }
0xa8: {  	v63 =	vld.idx.msk [tilespmem:v11+s31+$0x0], $0xffff;
	v38 =	vadd.bf16 v23, v38;
	v23 =	vadd.s32 v37, v31;
	v27 =	vadd.bf16 v56, v27  }
0xa9: {  	v11 =	vld.idx.msk [tilespmem:v11+s0+$0x0], $0xffff;
	v57 =	vsub.bf16 v7, v58;
	v58 =	vpack.i.f32.bf16 v18, v16;
	v12 =	vmul.bf16 v12, v12  }
0xaa: {  	v8 =	vmul.bf16 v8, v8;
	v5 =	vsub.bf16 v2, v5;
	v6 =	vmul.bf16 v6, v6  }
0xab: {  	v26 =	vadd.bf16 v21, v26;
	v14 =	vadd.bf16 v14, v29;
	v21 =	vor.u32 v30, v31  }
0xac: {  	v46 =	vld [tilespmem:s1+$0x4800];
	v31 =	vmul.bf16 v61, v61;
	v29 =	vsub.bf16 v7, v54;
	v51 =	vmul.bf16 v62, v62  }
0xad: {  	v44 =	vld [tilespmem:s1+$0x4400];
	v54 =	vor.u32 v19, v34;
	v10 =	vmul.bf16 v10, v10;
	v59 =	vsub.bf16 v7, v63  }
0xae: {  	v61 =	vld.idx.msk [tilespmem:v4+s31+$0x0], $0xffff;
	v18 =	vmul.bf16 v57, v57;
	v11 =	vsub.bf16 v2, v11;
	v31 =	vadd.bf16 v31, v24  }
0xaf: {  	v4 =	vld.idx.msk [tilespmem:v4+s0+$0x0], $0xffff;
	v24 =	vor.u32 v39, v30;
	v33 =	vadd.bf16 v55, v26;
	v13 =	vadd.bf16 v13, v14  }
0xb0: {  	v15 =	vld [tilespmem:s1+$0x4000];
	v14 =	vsub.bf16 v7, v60;
	v60 =	vsub.bf16 v7, v53;
	v53 =	vmul.bf16 v49, v49  }
0xb1: {  	v63 =	vld.idx.msk [tilespmem:v3+s31+$0x0], $0xffff;
	v26 =	vor.u32 v30, v34;
	v50 =	vmul.bf16 v29, v29;
	v30 =	vmul.bf16 v59, v59  }
0xb2: {  	v3 =	vld.idx.msk [tilespmem:v3+s0+$0x0], $0xffff;
	v14 =	vmul.bf16 v14, v14;
	v29 =	vadd.bf16 v51, v31;
	v56 =	vadd.bf16 v53, v35  }
0xb3: {  	v48 =	vld [tilespmem:s1+$0x4C00];
	v40 =	vmul.bf16 v60, v60;
	v18 =	vadd.bf16 v18, v33;
	v30 =	vadd.bf16 v30, v36  }
0xb4: {  	v17 =	vld [tilespmem:s1+$0x6000];
	v1 =	vmul.bf16 v1, v1;
	v16 =	vsub.bf16 v7, v61;
	v4 =	vsub.bf16 v2, v4  }
0xb5: {  	v19 =	vld [tilespmem:s1+$0x5000];
	v5 =	vmul.bf16 v5, v5;
	v14 =	vadd.bf16 v14, v28;
	v52 =	vadd.bf16 v40, v38  }
0xb6: {  	v62 =	vld [tilespmem:s1+$0x6C00];
	v11 =	vmul.bf16 v11, v11;
	v28 =	vadd.bf16 v50, v32;
	v7 =	vsub.bf16 v7, v63  }
0xb7: {  	v59 =	vpack.i.f32.bf16 v44, v15;
	v15 =	vld [tilespmem:s1+$0x5C00];
	v2 =	vsub.bf16 v2, v3;
	v1 =	vadd.bf16 v1, v29  }
0xb8: {  	v61 =	vld [tilespmem:s1+$0x6400];
	v6 =	vadd.bf16 v6, v56;
	v5 =	vadd.bf16 v5, v18;
	v7 =	vmul.bf16 v7, v7  }
0xb9: {  	v3 =	vld [tilespmem:s1+$0x6800];
	v16 =	vmul.bf16 v16, v16;
	v11 =	vadd.bf16 v11, v30;
	v12 =	vadd.bf16 v12, v14  }
0xba: {  	v10 =	vadd.bf16 v10, v52;
	v2 =	vmul.bf16 v2, v2;
	v7 =	vadd.bf16 v7, v13;
	v13 =	vld [tilespmem:s1+$0x5400]  }
0xbb: {  	v18 =	vld [tilespmem:s1+$0x7800];
	v4 =	vmul.bf16 v4, v4;
	v8 =	vadd.bf16 v8, v28;
	v16 =	vadd.bf16 v16, v27  }
0xbc: {  	v63 =	vld [tilespmem:s1+$0x7C00];
	v2 =	vadd.bf16 v2, v7;
	v7 =	vunpack.i.u.bf16.f32 v12;
	v12 =	vunpack.i.l.bf16.f32 v12  }
0xbd: {  	v14 =	vld [tilespmem:s1+$0x5800];
	v7 =	vadd.f32 v12, v7;
	v12 =	vunpack.i.u.bf16.f32 v11;
	v11 =	vunpack.i.l.bf16.f32 v11  }
0xbe: {  	v55 =	vadd.s32 v37, v34;
	v4 =	vadd.bf16 v4, v16;
	v16 =	vld [tilespmem:s1+$0x7400];
	v11 =	vadd.f32 v11, v12  }
0xbf: {  	v12 =	vunpack.i.u.bf16.f32 v10;
	v10 =	vunpack.i.l.bf16.f32 v10;
	v19 =	vpack.i.f32.bf16 v13, v19;
	v13 =	vld [tilespmem:s1+$0x7000];
	s1 =	sand.u32 $0x3F0, s20  }
0xc0: {  	[tilespmem:s1+$0xD000] =	vst v7;
	v7 =	vadd.f32 v10, v12;
	v10 =	vunpack.i.u.bf16.f32 v8;
	v8 =	vunpack.i.l.bf16.f32 v8  }
0xc1: {  	v8 =	vadd.f32 v8, v10;
	v10 =	vunpack.i.u.bf16.f32 v1;
	v1 =	vunpack.i.l.bf16.f32 v1  }
0xc2: {  	[tilespmem:s1+$0xD800] =	vst v7;
	v1 =	vadd.f32 v1, v10;
	v7 =	vunpack.i.u.bf16.f32 v6;
	v6 =	vunpack.i.l.bf16.f32 v6  }
0xc3: {  	v6 =	vadd.f32 v6, v7;
	v7 =	vunpack.i.u.bf16.f32 v5;
	v5 =	vunpack.i.l.bf16.f32 v5  }
0xc4: {  	[tilespmem:s1+$0xE000] =	vst v1;
	v1 =	vadd.f32 v5, v7;
	v5 =	vunpack.i.u.bf16.f32 v4;
	v4 =	vunpack.i.l.bf16.f32 v4  }
0xc5: {  	p1 =	sne.s32 s20, $0x3F0;
	[tilespmem:s1+$0xD400] =	vst v11;
	v4 =	vadd.f32 v4, v5;
	v5 =	vunpack.i.u.bf16.f32 v2;
	v2 =	vunpack.i.l.bf16.f32 v2  }
.Ltmp0:
0xc6: {  	v60 =	vpack.i.f32.bf16 v48, v46;
	v3 =	vpack.i.f32.bf16 v62, v3;
	[tilespmem:s1+$0xE800] =	vst v1;
	v1 =	vadd.f32 v2, v5;
	(pc) =	sbr.rel @p1 .LBB2_3-.Ltmp0, $4  }
0xc7: {  	v15 =	vpack.i.f32.bf16 v15, v14;
	v14 =	vpack.i.f32.bf16 v61, v17;
	v17 =	vmovc v19;
	v12 =	vmov v21;
	[tilespmem:s1+$0xDC00] =	vst v8  }
0xc8: {  	v19 =	vmovc v20;
	v20 =	vmovc v58;
	v11 =	vmov v22;
	v7 =	vpack.i.f32.bf16 v16, v13;
	v13 =	vmov v3;
	[tilespmem:s1+$0xE400] =	vst v6  }
0xc9: {  	v16 =	vmovc v59;
	v3 =	vmovc v55;
	v10 =	vmov v23;
	v8 =	vmov v24;
	v2 =	vpack.i.f32.bf16 v63, v18;
	[tilespmem:s1+$0xEC00] =	vst v4  }
0xca: {  	s21 =	sadd.s32 $0x1, s21;
	s20 =	sadd.s32 $0x10, s20;
	v18 =	vmovc v60;
	v6 =	vmovc v25;
	[tilespmem:s1+$0xF000] =	vst v1;
	v5 =	vmov v26;
	v4 =	vmov v54;
	v1 =	vmov v9  }
0xcb: {  	s1 =	sshll.u32 s14, $0xA  }
0xcc: {  	s1 =	sadd.s32 s12, s1  }
0xcd: {  	s1 =	sshrl.u32 s1, $0x3  }
0xce: {  	s21 =	simm.s32 $0xD000;
	p1 =	seq.s32 s15, $0xF;
	s1 =	sadd.s32 s4, s1  }
0xcf: {  	[hbm4b:s1+s17] =	stream.strided.scatter [tilespmem:s21], [sflag:$0x5], $0x2400, s18, s17, $0x38;
	[tilespmem:$0x11800] =	vst v63  }
0xd0: {  	s1 =	sadd.s32 @!p1 s11, s13  }
0xd1: {  	s1 =	sshll.u32 @!p1 s1, $0xA  }
0xd2: {  	s11 =	sadd.s32 @!p1 s7, s1;
	s1 =	sor.u32 @!p1 s6, s1  }
0xd3: {  	s14 =	simm.s32 @!p1 $0x0;
	s11 =	sshrl.u32 @!p1 s11, $0x3;
	s1 =	sshrl.u32 @!p1 s1, $0x3  }
0xd4: {  	s20 =	simm.s32 @!p1 $0x2800;
	s11 =	sadd.s32 @!p1 s3, s11;
	s1 =	sadd.s32 @!p1 s2, s1  }
0xd5: {  	[tilespmem:s20], [sflag:$0x1] =	stream.linear.gather @!p1 [hbm4b:s11+s14], $0x400, $0x38;
	[tilespmem:$0x11800] =	vst v63  }
0xd6: {  	s11 =	simm.s32 @!p1 $0x400;
	s14 =	simm.s32 @!p1 $0x40000;
	s20 =	simm.s32 @!p1 $0x3000  }
0xd7: {  	[tilespmem:s20], [sflag:$0x3] =	stream.strided.gather @!p1 [hbm4b:s1+s11], $0x5000, s14, s11, $0x38;
	[tilespmem:$0x11800] =	vst v63  }
0xd8: {  	_ =	swait.ge [sflag:s16], $0x400  }
0xd9: {  	[sflag:s16] =	ssyncset.done $0x0  }
0xda: {  	[sflag:s16] =	ssyncadd.s32 $0xFFFFFC00  }
0xdb: {  	_ =	swait.ge [sflag:s19], $0x5000  }
0xdc: {  	[sflag:s19] =	ssyncset.done $0x0  }
0xdd: {  	s1 =	simm.s32 @!p0 $0x6;
	[sflag:s19] =	ssyncadd.s32 $0xFFFFB000  }
0xde: {  	_ =	swait.ge @!p0 [sflag:s1], $0x2400  }
0xdf: {  	[sflag:s1] =	ssyncset.done @!p0 $0x0  }
0xe0: {  	[sflag:s1] =	ssyncadd.s32 @!p0 $0xFFFFDC00  }
0xe1: {  	v1 =	vld [tilespmem:$0x2C00]  }
0xe2: {  	v2 =	vld [tilespmem:$0x8000]  }
0xe3: {  	v7 =	vld [tilespmem:$0x8400]  }
0xe4: {  	v8 =	vld [tilespmem:$0x8800]  }
0xe5: {  	v13 =	vld [tilespmem:$0x8C00]  }
0xe6: {  	v17 =	vld [tilespmem:$0x9800]  }
0xe7: {  	v18 =	vld [tilespmem:$0x9C00]  }
0xe8: {  	v21 =	vld [tilespmem:$0xA000]  }
0xe9: {  	v22 =	vld [tilespmem:$0xA400]  }
0xea: {  	v29 =	vld [tilespmem:$0xC000]  }
0xeb: {  	v30 =	vld [tilespmem:$0xC400]  }
0xec: {  	v31 =	vld [tilespmem:$0xC800]  }
0xed: {  	v32 =	vld [tilespmem:$0xCC00]  }
0xee: {  	v14 =	vld [tilespmem:$0x9000]  }
0xef: {  	v15 =	vld [tilespmem:$0x9400]  }
0xf0: {  	v23 =	vld [tilespmem:$0xA800];
	v3 =	vshra.s32 v1, $0x5;
	v4 =	vand.u32 $0x1F, v1;
	v20 =	vpack.i.f32.bf16 v7, v2  }
0xf1: {  	v24 =	vld [tilespmem:$0xAC00];
	v18 =	vpack.i.f32.bf16 v18, v17;
	v17 =	vpack.i.f32.bf16 v22, v21;
	v7 =	vpack.i.f32.bf16 v30, v29  }
0xf2: {  	v25 =	vld [tilespmem:$0xB000];
	v2 =	vpack.i.f32.bf16 v32, v31;
	vm0 =	vgt.s32 v3, $0x1;
	v6 =	vmax.u32 v4, $0x1  }
0xf3: {  	v26 =	vld [tilespmem:$0xB400];
	vm15 =	vlt.s32 v3, $0x1E;
	v16 =	vsub.s32 v6, v0;
	v6 =	vmin.u32 v4, $0x1E  }
0xf4: {  	v27 =	vld [tilespmem:$0xB800];
	v5 =	vnsel vm0, $0x1, v3;
	v3 =	vnsel vm15, $0x1E, v3;
	v19 =	vadd.s32 $0x1, v6  }
0xf5: {  	v28 =	vld [tilespmem:$0xBC00];
	v5 =	vshll.u32 v5, $0x5;
	v3 =	vshll.u32 v3, $0x5;
	v6 =	vand.u32 $0xFFFFFFE0, v1  }
0xf6: {  	v5 =	vadd.s32 $0xFFFFFFE0, v5;
	v3 =	vadd.s32 $0x20, v3;
	v9 =	vor.u32 v6, v16  }
0xf7: {  	v6 =	vadd.s32 v6, v19;
	v12 =	vor.u32 v16, v5;
	v11 =	vor.u32 v4, v5  }
0xf8: {  	v10 =	vadd.s32 v19, v5;
	v5 =	vor.u32 v16, v3;
	v4 =	vor.u32 v4, v3  }
0xf9: {  	v3 =	vadd.s32 v19, v3;
	v19 =	vpack.i.f32.bf16 v13, v8;
	v16 =	vpack.i.f32.bf16 v15, v14  }
0xfa: {  	s11 =	simm.s32 $0x0;
	s14 =	simm.s32 $0x1;
	v15 =	vpack.i.f32.bf16 v24, v23;
	v14 =	vpack.i.f32.bf16 v26, v25;
	v13 =	vpack.i.f32.bf16 v28, v27  }
.LBB2_5:
0xfb: {  	_ = 	snop  }
0xfc: {  	v8 =	vld.idx.msk [tilespmem:v12+s5+$0x0], $0xffff  }
0xfd: {  	v21 =	vld.idx.msk [tilespmem:v11+s5+$0x0], $0xffff  }
0xfe: {  	v22 =	vld.idx.msk [tilespmem:v10+s5+$0x0], $0xffff  }
0xff: {  	v23 =	vld.idx.msk [tilespmem:v9+s5+$0x0], $0xffff  }
0x100: {  	v24 =	vld.idx.msk [tilespmem:v1+s5+$0x0], $0xffff  }
0x101: {  	v25 =	vld.idx.msk [tilespmem:v6+s5+$0x0], $0xffff  }
0x102: {  	v26 =	vld.idx.msk [tilespmem:v5+s5+$0x0], $0xffff  }
0x103: {  	v27 =	vld.idx.msk [tilespmem:v4+s5+$0x0], $0xffff  }
0x104: {  	v28 =	vld.idx.msk [tilespmem:v12+s17+$0x0], $0xffff  }
0x105: {  	v29 =	vld.idx.msk [tilespmem:v11+s17+$0x0], $0xffff  }
0x106: {  	v30 =	vld.idx.msk [tilespmem:v10+s17+$0x0], $0xffff  }
0x107: {  	v31 =	vld.idx.msk [tilespmem:v3+s5+$0x0], $0xffff  }
0x108: {  	v32 =	vld.idx.msk [tilespmem:v9+s17+$0x0], $0xffff  }
0x109: {  	v33 =	vld.idx.msk [tilespmem:v1+s17+$0x0], $0xffff;
	v8 =	vsub.bf16 v20, v8  }
0x10a: {  	v34 =	vld.idx.msk [tilespmem:v6+s17+$0x0], $0xffff;
	v21 =	vsub.bf16 v20, v21;
	v22 =	vsub.bf16 v20, v22  }
0x10b: {  	v35 =	vld.idx.msk [tilespmem:v5+s17+$0x0], $0xffff;
	v23 =	vsub.bf16 v20, v23;
	v24 =	vsub.bf16 v20, v24  }
0x10c: {  	v36 =	vld.idx.msk [tilespmem:v4+s17+$0x0], $0xffff;
	v25 =	vsub.bf16 v20, v25;
	v28 =	vsub.bf16 v19, v28  }
0x10d: {  	v60 =	vld.idx.msk [tilespmem:v3+s17+$0x0], $0xffff;
	v29 =	vsub.bf16 v19, v29;
	v30 =	vsub.bf16 v19, v30  }
0x10e: {  	v41 =	vld.idx.msk [tilespmem:v11+s24+$0x0], $0xffff;
	v26 =	vsub.bf16 v20, v26;
	v27 =	vsub.bf16 v20, v27  }
0x10f: {  	v44 =	vld.idx.msk [tilespmem:v10+s24+$0x0], $0xffff;
	v20 =	vsub.bf16 v20, v31;
	v61 =	vsub.bf16 v19, v32  }
0x110: {  	v45 =	vld.idx.msk [tilespmem:v9+s24+$0x0], $0xffff;
	v63 =	vsub.bf16 v19, v33;
	v40 =	vsub.bf16 v19, v34  }
0x111: {  	v48 =	vld.idx.msk [tilespmem:v1+s24+$0x0], $0xffff;
	v42 =	vsub.bf16 v19, v35;
	v43 =	vsub.bf16 v19, v36;
	v8 =	vmul.bf16 v8, v8  }
0x112: {  	v53 =	vld.idx.msk [tilespmem:v4+s24+$0x0], $0xffff;
	v19 =	vsub.bf16 v19, v60;
	v21 =	vmul.bf16 v21, v21;
	v22 =	vmul.bf16 v22, v22  }
0x113: {  	v62 =	vld.idx.msk [tilespmem:v12+s24+$0x0], $0xffff;
	v51 =	vsub.bf16 v16, v41;
	v23 =	vmul.bf16 v23, v23;
	v24 =	vmul.bf16 v24, v24  }
0x114: {  	v49 =	vld.idx.msk [tilespmem:v6+s24+$0x0], $0xffff;
	v52 =	vsub.bf16 v16, v44;
	v25 =	vmul.bf16 v25, v25;
	v28 =	vmul.bf16 v28, v28  }
0x115: {  	v50 =	vld.idx.msk [tilespmem:v5+s24+$0x0], $0xffff;
	v31 =	vsub.bf16 v16, v45;
	v29 =	vmul.bf16 v29, v29;
	v30 =	vmul.bf16 v30, v30  }
0x116: {  	v56 =	vld.idx.msk [tilespmem:v12+s25+$0x0], $0xffff;
	v54 =	vsub.bf16 v16, v48;
	v26 =	vmul.bf16 v26, v26;
	v27 =	vmul.bf16 v27, v27  }
0x117: {  	v37 =	vld.idx.msk [tilespmem:v11+s25+$0x0], $0xffff;
	v60 =	vsub.bf16 v16, v53;
	v20 =	vmul.bf16 v20, v20;
	v32 =	vmul.bf16 v40, v40  }
0x118: {  	v41 =	vld.idx.msk [tilespmem:v5+s25+$0x0], $0xffff;
	v46 =	vmul.bf16 v42, v42;
	v47 =	vmul.bf16 v43, v43;
	v8 =	vadd.bf16 v28, v8  }
0x119: {  	v55 =	vld.idx.msk [tilespmem:v3+s24+$0x0], $0xffff;
	v19 =	vmul.bf16 v19, v19;
	v21 =	vadd.bf16 v29, v21;
	v22 =	vadd.bf16 v30, v22  }
0x11a: {  	v58 =	vld.idx.msk [tilespmem:v10+s25+$0x0], $0xffff;
	v34 =	vmul.bf16 v54, v54;
	v25 =	vadd.bf16 v32, v25;
	v26 =	vadd.bf16 v46, v26  }
0x11b: {  	v59 =	vld.idx.msk [tilespmem:v9+s25+$0x0], $0xffff;
	v28 =	vmul.bf16 v61, v61;
	v27 =	vadd.bf16 v47, v27;
	v19 =	vadd.bf16 v19, v20  }
0x11c: {  	v40 =	vld.idx.msk [tilespmem:v6+s25+$0x0], $0xffff;
	v30 =	vmul.bf16 v63, v63;
	v20 =	vsub.bf16 v16, v62;
	v62 =	vsub.bf16 v18, v56  }
0x11d: {  	v54 =	vld.idx.msk [tilespmem:v1+s26+$0x0], $0xffff;
	v29 =	vmul.bf16 v51, v51;
	v63 =	vsub.bf16 v18, v37;
	v51 =	vsub.bf16 v18, v41  }
0x11e: {  	v38 =	vld.idx.msk [tilespmem:v3+s26+$0x0], $0xffff;
	v32 =	vmul.bf16 v52, v52;
	v23 =	vadd.bf16 v28, v23;
	v24 =	vadd.bf16 v30, v24  }
0x11f: {  	v44 =	vld.idx.msk [tilespmem:v4+s25+$0x0], $0xffff;
	v31 =	vmul.bf16 v31, v31;
	v30 =	vsub.bf16 v16, v49;
	v21 =	vadd.bf16 v29, v21  }
0x120: {  	v61 =	vld.idx.msk [tilespmem:v1+s25+$0x0], $0xffff;
	v20 =	vmul.bf16 v20, v20;
	v22 =	vadd.bf16 v32, v22;
	v28 =	vsub.bf16 v16, v50  }
0x121: {  	v39 =	vld.idx.msk [tilespmem:v12+s28+$0x0], $0xffff;
	v16 =	vsub.bf16 v16, v55;
	v43 =	vmul.bf16 v63, v63;
	v49 =	vsub.bf16 v18, v40  }
0x122: {  	v53 =	vld.idx.msk [tilespmem:v9+s26+$0x0], $0xffff;
	v37 =	vsub.bf16 v17, v54;
	v20 =	vadd.bf16 v20, v8;
	v57 =	vmul.bf16 v30, v30  }
0x123: {  	v47 =	vld.idx.msk [tilespmem:v12+s26+$0x0], $0xffff;
	v23 =	vadd.bf16 v31, v23;
	v24 =	vadd.bf16 v34, v24;
	v28 =	vmul.bf16 v28, v28  }
0x124: {  	v50 =	vld.idx.msk [tilespmem:v11+s26+$0x0], $0xffff;
	v31 =	vmul.bf16 v60, v60;
	v30 =	vsub.bf16 v18, v58;
	v21 =	vadd.bf16 v43, v21  }
0x125: {  	v63 =	vld.idx.msk [tilespmem:v9+s28+$0x0], $0xffff;
	v16 =	vmul.bf16 v16, v16;
	v34 =	vsub.bf16 v18, v44;
	v48 =	vsub.bf16 v18, v61  }
0x126: {  	v46 =	vld.idx.msk [tilespmem:v3+s25+$0x0], $0xffff;
	v42 =	vmul.bf16 v62, v62;
	v25 =	vadd.bf16 v57, v25;
	v26 =	vadd.bf16 v28, v26  }
0x127: {  	v52 =	vld.idx.msk [tilespmem:v10+s26+$0x0], $0xffff;
	v27 =	vadd.bf16 v31, v27;
	v45 =	vadd.bf16 v16, v19  }
0x128: {  	s1 =	smin.u32 s14, $0x3F;
	v56 =	vld.idx.msk [tilespmem:v6+s26+$0x0], $0xffff;
	v19 =	vmul.bf16 v30, v30;
	v20 =	vadd.bf16 v42, v20;
	v28 =	vsub.bf16 v17, v47  }
0x129: {  	s1 =	sshll.u32 s1, $0x4;
	v35 =	vmul.bf16 v51, v51;
	v40 =	vld.idx.msk [tilespmem:v11+s28+$0x0], $0xffff;
	v30 =	vsub.bf16 v17, v53;
	v33 =	vsub.bf16 v17, v50  }
0x12a: {  	v8 =	vld [tilespmem:s1+$0x2C00];
	v32 =	vmul.bf16 v49, v49;
	v31 =	vsub.bf16 v15, v63;
	v22 =	vadd.bf16 v19, v22  }
0x12b: {  	v58 =	vld.idx.msk [tilespmem:v5+s26+$0x0], $0xffff;
	v34 =	vmul.bf16 v34, v34;
	v19 =	vsub.bf16 v18, v59;
	v18 =	vsub.bf16 v18, v46  }
0x12c: {  	v60 =	vld.idx.msk [tilespmem:v4+s26+$0x0], $0xffff;
	v37 =	vmul.bf16 v37, v37;
	v25 =	vadd.bf16 v32, v25;
	v26 =	vadd.bf16 v35, v26  }
0x12d: {  	v54 =	vld.idx.msk [tilespmem:v12+s29+$0x0], $0xffff;
	v29 =	vmul.bf16 v48, v48;
	v27 =	vadd.bf16 v34, v27;
	v59 =	vsub.bf16 v17, v52  }
0x12e: {  	v43 =	vld.idx.msk [tilespmem:v12+s30+$0x0], $0xffff;
	v28 =	vmul.bf16 v28, v28;
	v32 =	vsub.bf16 v17, v56;
	v46 =	vsub.bf16 v15, v39  }
0x12f: {  	v49 =	vld.idx.msk [tilespmem:v5+s28+$0x0], $0xffff;
	v30 =	vmul.bf16 v30, v30;
	v47 =	vsub.bf16 v15, v40;
	v24 =	vadd.bf16 v29, v24  }
0x130: {  	v61 =	vld.idx.msk [tilespmem:v10+s28+$0x0], $0xffff;
	v57 =	vshra.s32 v8, $0x5;
	v33 =	vmul.bf16 v33, v33;
	v62 =	vsub.bf16 v17, v58  }
0x131: {  	v16 =	vld [tilespmem:s1+$0x8000];
	v44 =	vsub.bf16 v17, v60;
	v17 =	vsub.bf16 v17, v38;
	v31 =	vmul.bf16 v31, v31  }
0x132: {  	v53 =	vld.idx.msk [tilespmem:v3+s28+$0x0], $0xffff;
	v19 =	vmul.bf16 v19, v19;
	v55 =	vmul.bf16 v18, v18;
	vm0 =	vgt.s32 v57, $0x1  }
0x133: {  	v42 =	vld.idx.msk [tilespmem:v10+s29+$0x0], $0xffff;
	v35 =	vmul.bf16 v59, v59;
	v28 =	vadd.bf16 v28, v20;
	v32 =	vmul.bf16 v32, v32  }
0x134: {  	v48 =	vld.idx.msk [tilespmem:v6+s28+$0x0], $0xffff;
	vm15 =	vlt.s32 v57, $0x1E;
	v50 =	vmul.bf16 v46, v46;
	v40 =	vsub.bf16 v15, v49  }
0x135: {  	v63 =	vld.idx.msk [tilespmem:v5+s29+$0x0], $0xffff;
	v51 =	vmul.bf16 v47, v47;
	v21 =	vadd.bf16 v33, v21;
	v24 =	vadd.bf16 v37, v24  }
0x136: {  	v52 =	vld.idx.msk [tilespmem:v4+s28+$0x0], $0xffff;
	v34 =	vmul.bf16 v44, v44;
	v17 =	vmul.bf16 v17, v17;
	v33 =	vsub.bf16 v15, v61  }
0x137: {  	v56 =	vld.idx.msk [tilespmem:v11+s29+$0x0], $0xffff;
	v23 =	vadd.bf16 v19, v23;
	v19 =	vand.u32 $0x1F, v8;
	v29 =	vadd.bf16 v55, v45  }
0x138: {  	v20 =	vld [tilespmem:s1+$0x8800];
	v22 =	vadd.bf16 v35, v22;
	v35 =	vnsel vm0, $0x1, v57;
	v25 =	vadd.bf16 v32, v25  }
0x139: {  	v59 =	vld.idx.msk [tilespmem:v1+s29+$0x0], $0xffff;
	v32 =	vnsel vm15, $0x1E, v57;
	v28 =	vadd.bf16 v50, v28;
	v39 =	vsub.bf16 v15, v48  }
0x13a: {  	v49 =	vld.idx.msk [tilespmem:v4+s29+$0x0], $0xffff;
	v58 =	vmul.bf16 v40, v40;
	v48 =	vsub.bf16 v14, v42;
	v27 =	vadd.bf16 v34, v27  }
0x13b: {  	v61 =	vld.idx.msk [tilespmem:v6+s29+$0x0], $0xffff;
	v33 =	vmul.bf16 v33, v33;
	v41 =	vmax.u32 v19, $0x1;
	v21 =	vadd.bf16 v51, v21  }
0x13c: {  	v45 =	vld.idx.msk [tilespmem:v1+s28+$0x0], $0xffff;
	v55 =	vmin.u32 v19, $0x1E;
	v38 =	vsub.bf16 v15, v52;
	v47 =	vsub.bf16 v14, v56  }
0x13d: {  	v57 =	vld.idx.msk [tilespmem:v9+s29+$0x0], $0xffff;
	v56 =	vsub.bf16 v13, v43;
	v23 =	vadd.bf16 v30, v23;
	v30 =	vmul.bf16 v62, v62  }
0x13e: {  	v50 =	vld.idx.msk [tilespmem:v3+s29+$0x0], $0xffff;
	v29 =	vadd.bf16 v17, v29;
	v39 =	vmul.bf16 v39, v39;
	v37 =	vadd.s32 $0x1, v55  }
0x13f: {  	v17 =	vld [tilespmem:s1+$0x8C00];
	v62 =	vshll.u32 v35, $0x5;
	v22 =	vadd.bf16 v33, v22;
	v33 =	vsub.bf16 v14, v54  }
0x140: {  	v55 =	vld.idx.msk [tilespmem:v1+s30+$0x0], $0xffff;
	v38 =	vmul.bf16 v38, v38;
	v40 =	vsub.bf16 v14, v59;
	v26 =	vadd.bf16 v30, v26  }
0x141: {  	v54 =	vld.idx.msk [tilespmem:v9+s30+$0x0], $0xffff;
	v30 =	vsub.s32 v41, v0;
	v23 =	vadd.bf16 v31, v23;
	v25 =	vadd.bf16 v39, v25  }
0x142: {  	v59 =	vld.idx.msk [tilespmem:v3+s30+$0x0], $0xffff;
	v31 =	vadd.s32 $0xFFFFFFE0, v62;
	v39 =	vsub.bf16 v14, v61;
	v36 =	vsub.bf16 v15, v45  }
0x143: {  	v41 =	vmul.bf16 v56, v56;
	v15 =	vsub.bf16 v15, v53;
	v27 =	vadd.bf16 v38, v27;
	v53 =	vld.idx.msk [tilespmem:v11+s30+$0x0], $0xffff  }
0x144: {  	v33 =	vmul.bf16 v33, v33;
	v34 =	vsub.bf16 v14, v57;
	v38 =	vmul.bf16 v48, v48;
	v57 =	vld.idx.msk [tilespmem:v6+s30+$0x0], $0xffff  }
0x145: {  	v45 =	vld.idx.msk [tilespmem:v4+s30+$0x0], $0xffff;
	v26 =	vadd.bf16 v58, v26;
	v36 =	vmul.bf16 v36, v36;
	v60 =	vmul.bf16 v15, v15  }
0x146: {  	v58 =	vld.idx.msk [tilespmem:v5+s30+$0x0], $0xffff;
	v28 =	vadd.bf16 v33, v28;
	v51 =	vmul.bf16 v34, v34;
	v38 =	vadd.bf16 v38, v22  }
0x147: {  	v52 =	vmul.bf16 v40, v40;
	v22 =	vld.idx.msk [tilespmem:v10+s30+$0x0], $0xffff;
	v61 =	vsub.bf16 v13, v55;
	v24 =	vadd.bf16 v36, v24  }
0x148: {  	v29 =	vadd.bf16 v60, v29;
	v36 =	vmul.bf16 v47, v47;
	v33 =	vadd.bf16 v51, v23;
	v60 =	vld.idx.msk [tilespmem:v12+s31+$0x0], $0xffff  }
0x149: {  	v23 =	vshll.u32 v32, $0x5;
	v28 =	vadd.bf16 v41, v28;
	v32 =	vsub.bf16 v13, v54;
	v54 =	vld.idx.msk [tilespmem:v9+s31+$0x0], $0xffff  }
0x14a: {  	v47 =	vld.idx.msk [tilespmem:v6+s31+$0x0], $0xffff;
	v34 =	vadd.s32 $0x20, v23;
	v23 =	vsub.bf16 v14, v49;
	v40 =	vsub.bf16 v13, v53  }
0x14b: {  	v20 =	vpack.i.f32.bf16 v17, v20;
	v12 =	vld.idx.msk [tilespmem:v12+s0+$0x0], $0xffff;
	v62 =	vsub.bf16 v13, v57;
	v36 =	vadd.bf16 v36, v21  }
0x14c: {  	v9 =	vld.idx.msk [tilespmem:v9+s0+$0x0], $0xffff;
	v21 =	vmul.bf16 v39, v39;
	v39 =	vand.u32 $0xFFFFFFE0, v8;
	v24 =	vadd.bf16 v52, v24  }
0x14d: {  	v6 =	vld.idx.msk [tilespmem:v6+s0+$0x0], $0xffff;
	v32 =	vmul.bf16 v32, v32;
	v51 =	vsub.bf16 v13, v58;
	v52 =	vsub.bf16 v13, v45  }
0x14e: {  	v53 =	vld.idx.msk [tilespmem:v10+s31+$0x0], $0xffff;
	v23 =	vmul.bf16 v23, v23;
	v22 =	vsub.bf16 v13, v22;
	v13 =	vsub.bf16 v13, v59  }
0x14f: {  	v57 =	vld.idx.msk [tilespmem:v1+s31+$0x0], $0xffff;
	v40 =	vmul.bf16 v40, v40;
	v25 =	vadd.bf16 v21, v25;
	v21 =	vsub.bf16 v14, v63  }
0x150: {  	v10 =	vld.idx.msk [tilespmem:v10+s0+$0x0], $0xffff;
	v35 =	vmul.bf16 v62, v62;
	v14 =	vsub.bf16 v14, v50;
	v32 =	vadd.bf16 v32, v33  }
0x151: {  	v1 =	vld.idx.msk [tilespmem:v1+s0+$0x0], $0xffff;
	v55 =	vmul.bf16 v51, v51;
	v56 =	vmul.bf16 v52, v52;
	v27 =	vadd.bf16 v23, v27  }
0x152: {  	v18 =	vld [tilespmem:s1+$0x8400];
	v23 =	vmul.bf16 v22, v22;
	v36 =	vadd.bf16 v40, v36;
	v22 =	vor.u32 v19, v31  }
0x153: {  	v58 =	vld.idx.msk [tilespmem:v5+s31+$0x0], $0xffff;
	v13 =	vmul.bf16 v13, v13;
	v49 =	vsub.bf16 v7, v47;
	v12 =	vsub.bf16 v2, v12  }
0x154: {  	v5 =	vld.idx.msk [tilespmem:v5+s0+$0x0], $0xffff;
	v9 =	vsub.bf16 v2, v9;
	v6 =	vsub.bf16 v2, v6;
	v21 =	vmul.bf16 v21, v21  }
0x155: {  	v14 =	vmul.bf16 v14, v14;
	v35 =	vadd.bf16 v35, v25;
	v62 =	vsub.bf16 v7, v57  }
0x156: {  	v25 =	vadd.s32 v39, v37;
	v10 =	vsub.bf16 v2, v10;
	v1 =	vsub.bf16 v2, v1  }
0x157: {  	v63 =	vld.idx.msk [tilespmem:v11+s31+$0x0], $0xffff;
	v38 =	vadd.bf16 v23, v38;
	v23 =	vadd.s32 v37, v31;
	v27 =	vadd.bf16 v56, v27  }
0x158: {  	v11 =	vld.idx.msk [tilespmem:v11+s0+$0x0], $0xffff;
	v57 =	vsub.bf16 v7, v58;
	v58 =	vpack.i.f32.bf16 v18, v16;
	v12 =	vmul.bf16 v12, v12  }
0x159: {  	v9 =	vmul.bf16 v9, v9;
	v5 =	vsub.bf16 v2, v5;
	v6 =	vmul.bf16 v6, v6  }
0x15a: {  	v26 =	vadd.bf16 v21, v26;
	v14 =	vadd.bf16 v14, v29;
	v21 =	vor.u32 v30, v31  }
0x15b: {  	v31 =	vmul.bf16 v61, v61;
	v29 =	vsub.bf16 v7, v54;
	v51 =	vmul.bf16 v62, v62  }
0x15c: {  	v44 =	vld [tilespmem:s1+$0x9400];
	v54 =	vor.u32 v19, v34;
	v10 =	vmul.bf16 v10, v10;
	v59 =	vsub.bf16 v7, v63  }
0x15d: {  	v61 =	vld.idx.msk [tilespmem:v4+s31+$0x0], $0xffff;
	v18 =	vmul.bf16 v57, v57;
	v11 =	vsub.bf16 v2, v11;
	v31 =	vadd.bf16 v31, v24  }
0x15e: {  	v4 =	vld.idx.msk [tilespmem:v4+s0+$0x0], $0xffff;
	v24 =	vor.u32 v39, v30;
	v33 =	vadd.bf16 v55, v26;
	v13 =	vadd.bf16 v13, v14  }
0x15f: {  	v15 =	vld [tilespmem:s1+$0x9000];
	v14 =	vsub.bf16 v7, v60;
	v60 =	vsub.bf16 v7, v53;
	v53 =	vmul.bf16 v49, v49  }
0x160: {  	v63 =	vld.idx.msk [tilespmem:v3+s31+$0x0], $0xffff;
	v26 =	vor.u32 v30, v34;
	v50 =	vmul.bf16 v29, v29;
	v30 =	vmul.bf16 v59, v59  }
0x161: {  	v3 =	vld.idx.msk [tilespmem:v3+s0+$0x0], $0xffff;
	v14 =	vmul.bf16 v14, v14;
	v29 =	vadd.bf16 v51, v31;
	v56 =	vadd.bf16 v53, v35  }
0x162: {  	v46 =	vld [tilespmem:s1+$0x9800];
	v40 =	vmul.bf16 v60, v60;
	v18 =	vadd.bf16 v18, v33;
	v30 =	vadd.bf16 v30, v36  }
0x163: {  	v48 =	vld [tilespmem:s1+$0x9C00];
	v1 =	vmul.bf16 v1, v1;
	v16 =	vsub.bf16 v7, v61;
	v4 =	vsub.bf16 v2, v4  }
0x164: {  	v17 =	vld [tilespmem:s1+$0xB000];
	v5 =	vmul.bf16 v5, v5;
	v14 =	vadd.bf16 v14, v28;
	v52 =	vadd.bf16 v40, v38  }
0x165: {  	v19 =	vld [tilespmem:s1+$0xA000];
	v11 =	vmul.bf16 v11, v11;
	v28 =	vadd.bf16 v50, v32;
	v7 =	vsub.bf16 v7, v63  }
0x166: {  	v62 =	vld [tilespmem:s1+$0xBC00];
	v59 =	vpack.i.f32.bf16 v44, v15;
	v2 =	vsub.bf16 v2, v3;
	v1 =	vadd.bf16 v1, v29  }
0x167: {  	v15 =	vld [tilespmem:s1+$0xAC00];
	v6 =	vadd.bf16 v6, v56;
	v5 =	vadd.bf16 v5, v18;
	v7 =	vmul.bf16 v7, v7  }
0x168: {  	v61 =	vld [tilespmem:s1+$0xB400];
	v16 =	vmul.bf16 v16, v16;
	v11 =	vadd.bf16 v11, v30;
	v12 =	vadd.bf16 v12, v14  }
0x169: {  	v10 =	vadd.bf16 v10, v52;
	v2 =	vmul.bf16 v2, v2;
	v7 =	vadd.bf16 v7, v13;
	v13 =	vld [tilespmem:s1+$0xA400]  }
0x16a: {  	v3 =	vld [tilespmem:s1+$0xB800];
	v4 =	vmul.bf16 v4, v4;
	v9 =	vadd.bf16 v9, v28;
	v16 =	vadd.bf16 v16, v27  }
0x16b: {  	v18 =	vld [tilespmem:s1+$0xC800];
	v2 =	vadd.bf16 v2, v7;
	v7 =	vunpack.i.u.bf16.f32 v12;
	v12 =	vunpack.i.l.bf16.f32 v12  }
0x16c: {  	v63 =	vld [tilespmem:s1+$0xCC00];
	v7 =	vadd.f32 v12, v7;
	v12 =	vunpack.i.u.bf16.f32 v11;
	v11 =	vunpack.i.l.bf16.f32 v11  }
0x16d: {  	v55 =	vadd.s32 v37, v34;
	v14 =	vld [tilespmem:s1+$0xA800];
	v4 =	vadd.bf16 v4, v16;
	v11 =	vadd.f32 v11, v12  }
0x16e: {  	s21 =	sand.u32 $0x3F0, s11;
	v16 =	vld [tilespmem:s1+$0xC400];
	v12 =	vunpack.i.u.bf16.f32 v10;
	v10 =	vunpack.i.l.bf16.f32 v10;
	v19 =	vpack.i.f32.bf16 v13, v19  }
0x16f: {  	v13 =	vld [tilespmem:s1+$0xC000];
	[tilespmem:s21+$0xF400] =	vst v7;
	v7 =	vadd.f32 v10, v12;
	v10 =	vunpack.i.u.bf16.f32 v9;
	v9 =	vunpack.i.l.bf16.f32 v9  }
0x170: {  	v9 =	vadd.f32 v9, v10;
	v10 =	vunpack.i.u.bf16.f32 v1;
	v1 =	vunpack.i.l.bf16.f32 v1  }
0x171: {  	[tilespmem:s21+$0xFC00] =	vst v7;
	v1 =	vadd.f32 v1, v10;
	v7 =	vunpack.i.u.bf16.f32 v6;
	v6 =	vunpack.i.l.bf16.f32 v6  }
0x172: {  	v6 =	vadd.f32 v6, v7;
	v7 =	vunpack.i.u.bf16.f32 v5;
	v5 =	vunpack.i.l.bf16.f32 v5  }
0x173: {  	[tilespmem:s21+$0x10400] =	vst v1;
	v1 =	vadd.f32 v5, v7;
	v5 =	vunpack.i.u.bf16.f32 v4;
	v4 =	vunpack.i.l.bf16.f32 v4  }
0x174: {  	p0 =	sne.s32 s11, $0x3F0;
	[tilespmem:s21+$0xF800] =	vst v11;
	v4 =	vadd.f32 v4, v5;
	v5 =	vunpack.i.u.bf16.f32 v2;
	v2 =	vunpack.i.l.bf16.f32 v2  }
.Ltmp1:
0x175: {  	v60 =	vpack.i.f32.bf16 v48, v46;
	v3 =	vpack.i.f32.bf16 v62, v3;
	[tilespmem:s21+$0x10C00] =	vst v1;
	v1 =	vadd.f32 v2, v5;
	(pc) =	sbr.rel @p0 .LBB2_5-.Ltmp1, $4  }
0x176: {  	v15 =	vpack.i.f32.bf16 v15, v14;
	v14 =	vpack.i.f32.bf16 v61, v17;
	v17 =	vmovc v19;
	v12 =	vmov v21;
	[tilespmem:s21+$0x10000] =	vst v9  }
0x177: {  	v19 =	vmovc v20;
	v20 =	vmovc v58;
	v11 =	vmov v22;
	v10 =	vmov v23;
	[tilespmem:s21+$0x10800] =	vst v6;
	v7 =	vpack.i.f32.bf16 v16, v13  }
0x178: {  	v13 =	vmovc v3;
	v16 =	vmovc v59;
	v3 =	vmov v55;
	v9 =	vmov v24;
	v2 =	vpack.i.f32.bf16 v63, v18;
	[tilespmem:s21+$0x11000] =	vst v4  }
0x179: {  	s14 =	sadd.s32 $0x1, s14;
	s11 =	sadd.s32 $0x10, s11;
	v18 =	vmovc v60;
	v6 =	vmovc v25;
	[tilespmem:s21+$0x11400] =	vst v1;
	v5 =	vmov v26;
	v4 =	vmov v54;
	v1 =	vmov v8  }
0x17a: {  	s15 =	sadd.s32 $0x1, s15  }
0x17b: {  	p0 =	sne.s32 s15, $0x10  }
.Ltmp2:
0x17c: {  	_ = 	snop;
	(pc) =	sbr.rel @p0 .LBB2_2-.Ltmp2, $4  }
0x17d: {  	s1 =	sor.u32 s12, s10  }
0x17e: {  	s1 =	sshrl.u32 s1, $0x3  }
0x17f: {  	s1 =	sadd.s32 s4, s1  }
0x180: {  	[hbm4b:s1+s17] =	stream.strided.scatter [tilespmem:s9], [sflag:$0x6], $0x2400, s18, s17, $0x38;
	[tilespmem:$0x11800] =	vst v63  }
0x181: {  	s1 =	simm.s32 $0x5  }
0x182: {  	_ =	swait.ge [sflag:s1], $0x2400  }
0x183: {  	[sflag:s1] =	ssyncset.done $0x0  }
0x184: {  	s10 =	simm.s32 $0x6;
	[sflag:s1] =	ssyncadd.s32 $0xFFFFDC00  }
0x185: {  	_ =	swait.ge [sflag:s10], $0x2400  }
0x186: {  	s11 =	rddreg [dreg:$0x9]  }
0x187: {  	s21 =	rddreg [dreg:$0x8];
	s11 =	sadd.s32 $0x1, s11  }
0x188: {  	p0 =	sne.s32 s11, s21  }
.Ltmp3:
0x189: {  	_ = 	snop;
	(pc) =	sbr.rel @p0 .LBB2_1-.Ltmp3, $3  }
0x18a: {  	_ =	sdelay $0x1  }
0x18b: {  	[sflag:s10] =	ssyncset.done $0x0  }
0x18c: {  	[sflag:s10] =	ssyncadd.s32 $0xFFFFDC00  }
0x18d: {  	_ =	sfence.sel $0x180000  }
0x18e: {  	[bflag:$0x0] =	sbarrier.arrive $0xFFFF  }
0x18f: {  	_ =	strace $0x90000047  }
0x190: {  	s0 =	stileid.u32;
	[bflag:$0x2] =	sbarrier.arrive $0xFFFF  }
0x191: {  	p0 =	sne.s32 s0, $0x0;
	s0 =	rddreg [dreg:$0x4]  }
0x192: {  	s0 =	sadd.s32 @!p0 $0x100000, s0  }
0x193: {  	[sflag:s0] =	ssyncadd.tile.s32 @!p0 $0x1;
	_ =	shalt  }
.Lfunc_end2:
_tile_overlayer_lowered:
.L_overlay_start_2:
0x194: {  	(tag) =	ssettag $0x2  }
0x195: {  	s0 =	rddreg [dreg:$0x0];
	s2 =	stileid.u32  }
0x196: {  	s1 =	rddreg [dreg:$0x1];
	p0 =	sne.s32 s2, $0x0  }
0x197: {  	s3 =	rddreg [dreg:$0x2];
	[bflag:$0x3] =	sbarrier.arrive $0xFFFF;
	s2 =	simm.s32 @!p0 $0x1C07  }
0x198: {  	[timem:s3], [sflag:s2] =	dma.local @!p0 [hbm:s0], s1  }
0x199: {  	s0 =	simm.s32 @!p0 $0x7  }
0x19a: {  	_ =	swait.ge @!p0 [sflag:s0], s1  }
0x19b: {  	s1 =	ssub.s32 @!p0 $0x0, s1;
	[sflag:s0] =	ssyncset.done @!p0 $0x0  }
0x19c: {  	[sflag:s0] =	ssyncadd.s32 @!p0 s1  }
0x19d: {  	[bflag:$0x3] =	sbarrier.arrive $0xFFFF  }
0x19e: {  	_ =	shalt  }

</sc_bundles>
